<compile_context>
chip_gen: v7x
topology: tpu7x:2x2x1
jax: 0.10.2.dev20260603
libtpu: 0.0.44.dev20260713+nightly
codegen_flags: <defaults>
</compile_context>

<pallas_src>
import functools
import math

import jax
import jax.numpy as jnp
from jax import lax
from jax.experimental import pallas as pl
from jax.experimental.pallas import tpu as pltpu
from jax.experimental.pallas import tpu_sc as plsc

D = 64
SCALE = math.sqrt(D)
LANES = 16

NC = 2
NS = 16
NW = NC * NS

T_DIM = 50
B_DIM = 16384
BLK = 128
BPW = 4
N_BLOCKS = T_DIM * BPW
NBUF = 4


def _make_lookup():
    mesh = plsc.VectorSubcoreMesh(core_axis_name="c", subcore_axis_name="s")

    @functools.partial(
        pl.kernel,
        out_type=jax.ShapeDtypeStruct((T_DIM, 8, B_DIM // BLK, 8, BLK),
                                      jnp.float32),
        mesh=mesh,
        scratch_types=[
            pltpu.VMEM((NBUF, BLK), jnp.int32),
            pltpu.VMEM((NBUF, BLK), jnp.int32),
            pltpu.VMEM((NBUF * BLK, BLK), jnp.float32),
            pltpu.VMEM((2, 8, 8, BLK), jnp.float32),
            pltpu.SemaphoreType.DMA((NBUF,)),
            pltpu.SemaphoreType.DMA((NBUF,)),
            pltpu.SemaphoreType.DMA((2,)),
        ],
        compiler_params=pltpu.CompilerParams(needs_layout_passes=False),
    )
    def lookup(xt_hbm, w2_hbm, out_hbm, idx_v, q_v, rows_v, trans_v,
               isem, gsem, ssem):
        wid = lax.axis_index("s") * NC + lax.axis_index("c")
        bi0 = wid * BPW
        iota = lax.iota(jnp.int32, LANES)

        def fire_idx(t, bj, slot):
            pltpu.async_copy(
                xt_hbm.at[t, pl.ds((bi0 + bj) * BLK, BLK)],
                idx_v.at[slot], isem.at[slot])

        def wait_idx(slot):
            pltpu.make_async_copy(
                xt_hbm.at[0, pl.ds(0, BLK)], idx_v.at[slot],
                isem.at[slot]).wait()

        def fire_gather(buf, slot):
            for j in range(BLK // LANES):
                sl = pl.ds(j * LANES, LANES)
                q_v[buf, sl] = idx_v[slot, sl] >> 1
            pltpu.async_copy(
                w2_hbm.at[q_v.at[buf]],
                rows_v.at[pl.ds(buf * BLK, BLK)], gsem.at[buf])

        def wait_gather(buf):
            pltpu.make_async_copy(
                w2_hbm.at[pl.ds(0, BLK)],
                rows_v.at[pl.ds(buf * BLK, BLK)], gsem.at[buf]).wait()

        def transpose_scale(buf, half, slot):
            def br_body(br0, _):
                b0 = br0 * LANES
                row_vec = iota + (buf * BLK + b0)
                idxv = idx_v[slot, pl.ds(b0, LANES)]
                off_vec = (idxv & 1) * D

                @plsc.parallel_loop(0, D, step=1, unroll=16)
                def _(c):
                    v = plsc.load_gather(rows_v, [row_vec, off_vec + c])
                    trans_v[half, c >> 3, c & 7, pl.ds(b0, LANES)] = v * SCALE

                return ()

            lax.fori_loop(0, BLK // LANES, br_body, ())

        def fire_store(t, bj, half):
            pltpu.async_copy(trans_v.at[half],
                             out_hbm.at[t, pl.ds(0, 8), bi0 + bj],
                             ssem.at[half])

        def wait_store(half):
            pltpu.make_async_copy(trans_v.at[half],
                                  out_hbm.at[0, pl.ds(0, 8), 0],
                                  ssem.at[half]).wait()

        def step(t, j, first=False, prefetch=True):
            half = j % 2
            j3 = j + 3
            if prefetch:
                fire_idx(t + j3 // BPW, j3 % BPW, j3 % NBUF)
            wait_gather(j)
            if not first:
                wait_store(half)
            transpose_scale(j, half, j)
            fire_store(t, j, half)
            if prefetch:
                wait_idx(j3 % NBUF)
                fire_gather(j3 % NBUF, j3 % NBUF)

        for k in range(NBUF - 1):
            fire_idx(0, k, k)
        for k in range(NBUF - 1):
            wait_idx(k)
            fire_gather(k, k)

        for j in range(BPW):
            step(0, j, first=(j < 2))

        def group(t, _):
            for j in range(BPW):
                step(t, j)
            return ()

        lax.fori_loop(1, T_DIM - 1, group, ())

        for j in range(BPW):
            step(T_DIM - 1, j, prefetch=(j < 1))

        wait_store(0)
        wait_store(1)

    return lookup


def kernel(x, W):
    xt = x.T.astype(jnp.int32)
    w2 = W.reshape(500000, 128)
    out5 = _make_lookup()(xt, w2)
    return out5.transpose(2, 4, 0, 1, 3).reshape(B_DIM, T_DIM, D)

# --- scband reference (transcript-rebuilt; emitter-appended) ---
"""Pipeline reference for scband-embedding-88630945120503 (READ-ONLY COPY).

The authoritative reference and input builder live on the scoring server;
editing this copy changes nothing except your own understanding.
"""

import math
import jax, jax.numpy as jnp
import numpy as np

D_MODEL = 64
VOCAB = 1000000

def setup_inputs(seed: int = 0) -> dict:
    key = jax.random.key(seed)
    k1, k2 = jax.random.split(key)
    x = jax.random.randint(k1, (16384, 50), 0, VOCAB, dtype=jnp.int64 if jax.config.jax_enable_x64 else jnp.int32)
    W = jax.random.normal(k2, (VOCAB, D_MODEL), dtype=jnp.float32)
    return {"x": x, "W": W}

def reference(x, W):
    scale = math.sqrt(D_MODEL)
    emb = jnp.take(W, x, axis=0)
    return emb * scale

if __name__ == "__main__":
    import jax
    _d = setup_inputs()
    print(jax.jit(kernel)(*tuple(_d.values())))

</pallas_src>

<mosaic_0001>
#map = affine_map<(d0, d1) -> (0, 0)>
#map1 = affine_map<(d0, d1) -> (0, 0, 0, 0, 0)>
module attributes {stable_mosaic.version = 14 : i64} {
  func.func @lookup(%arg0: i32, %arg1: i32, %arg2: memref<50x16384xi32, #tpu.memory_space<hbm>>, %arg3: memref<500000x128xf32, #tpu.memory_space<hbm>>, %arg4: memref<50x8x128x8x128xf32, #tpu.memory_space<hbm>>, %arg5: memref<4x128xi32, #tpu.memory_space<vmem>>, %arg6: memref<4x128xi32, #tpu.memory_space<vmem>>, %arg7: memref<512x128xf32, #tpu.memory_space<vmem>>, %arg8: memref<2x8x8x128xf32, #tpu.memory_space<vmem>>, %arg9: memref<4x!tpu.dma_semaphore, #tpu.memory_space<semaphore_mem>>, %arg10: memref<4x!tpu.dma_semaphore, #tpu.memory_space<semaphore_mem>>, %arg11: memref<2x!tpu.dma_semaphore, #tpu.memory_space<semaphore_mem>>) attributes {dimension_semantics = [#tpu.dimension_semantics<core_parallel>, #tpu.dimension_semantics<subcore_parallel>], iteration_bounds = array<i64: 2, 16>, scalar_prefetch = 0 : i64, scratch_operands = 7 : i64, tpu.core_type = #tpu.core_type<sc_vector_subcore>, window_params = [{transform_indices = #map}, {transform_indices = #map}, {transform_indices = #map1}]} {
    %mul3A = arith.constant 2 : i32
    %mul3A_0 = arith.muli %arg1, %mul3A : i32
    %add3A = arith.addi %mul3A_0, %arg0 : i32
    %mul3A_1 = arith.constant 4 : i32
    %mul3A_2 = arith.muli %add3A, %mul3A_1 : i32
    %iota3A = tpu.iota {dimensions = array<i32: 0>} : vector<16xi32>
    %add3A_3 = arith.constant 0 : i32
    %add3A_4 = arith.addi %mul3A_2, %add3A_3 : i32
    %mul3A_5 = arith.constant 128 : i32
    %mul3A_6 = arith.muli %add3A_4, %mul3A_5 : i32
    %dma_start3A = arith.constant 0 : i32
    %dma_start3A_7 = arith.constant 0 : i32
    %dma_start3A_8 = arith.constant 0 : i32
    %dma_start3A_9 = arith.constant 0 : i32
    %dma_start3A_10 = tpu.memref_slice %arg5[%dma_start3A_7, %dma_start3A_9] : memref<4x128xi32, #tpu.memory_space<vmem>> -> memref<1x128xi32, #tpu.memory_space<vmem>>
    %dma_start3A_11 = tpu.memref_squeeze %dma_start3A_10 : memref<1x128xi32, #tpu.memory_space<vmem>> -> memref<128xi32, #tpu.memory_space<vmem>>
    %dma_start3A_12 = tpu.memref_slice %arg2[%dma_start3A, %mul3A_6] : memref<50x16384xi32, #tpu.memory_space<hbm>> -> memref<1x128xi32, #tpu.memory_space<hbm>>
    %dma_start3A_13 = tpu.memref_squeeze %dma_start3A_12 : memref<1x128xi32, #tpu.memory_space<hbm>> -> memref<128xi32, #tpu.memory_space<hbm>>
    %dma_start3A_14 = tpu.memref_slice %arg9[%dma_start3A_8] : memref<4x!tpu.dma_semaphore, #tpu.memory_space<semaphore_mem>> -> memref<1x!tpu.dma_semaphore, #tpu.memory_space<semaphore_mem>>
    %dma_start3A_15 = tpu.memref_squeeze %dma_start3A_14 : memref<1x!tpu.dma_semaphore, #tpu.memory_space<semaphore_mem>> -> memref<!tpu.dma_semaphore, #tpu.memory_space<semaphore_mem>>
    %dma_start3A_16 = arith.constant 0 : i32
    %dma_start3A_17 = tpu.memref_slice %arg5[%dma_start3A_7, %dma_start3A_16] : memref<4x128xi32, #tpu.memory_space<vmem>> -> memref<1x128xi32, #tpu.memory_space<vmem>>
    %dma_start3A_18 = tpu.memref_squeeze %dma_start3A_17 : memref<1x128xi32, #tpu.memory_space<vmem>> -> memref<128xi32, #tpu.memory_space<vmem>>
    %dma_start3A_19 = tpu.memref_slice %arg2[%dma_start3A, %mul3A_6] : memref<50x16384xi32, #tpu.memory_space<hbm>> -> memref<1x128xi32, #tpu.memory_space<hbm>>
    %dma_start3A_20 = tpu.memref_squeeze %dma_start3A_19 : memref<1x128xi32, #tpu.memory_space<hbm>> -> memref<128xi32, #tpu.memory_space<hbm>>
    tpu.enqueue_dma source(%dma_start3A_20 : memref<128xi32, #tpu.memory_space<hbm>>) target(%dma_start3A_18 : memref<128xi32, #tpu.memory_space<vmem>>) target_semaphore(%dma_start3A_15 : memref<!tpu.dma_semaphore, #tpu.memory_space<semaphore_mem>>)
    %add3A_21 = arith.constant 1 : i32
    %add3A_22 = arith.addi %mul3A_2, %add3A_21 : i32
    %mul3A_23 = arith.constant 128 : i32
    %mul3A_24 = arith.muli %add3A_22, %mul3A_23 : i32
    %dma_start3A_25 = arith.constant 0 : i32
    %dma_start3A_26 = arith.constant 1 : i32
    %dma_start3A_27 = arith.constant 1 : i32
    %dma_start3A_28 = arith.constant 0 : i32
    %dma_start3A_29 = tpu.memref_slice %arg5[%dma_start3A_26, %dma_start3A_28] : memref<4x128xi32, #tpu.memory_space<vmem>> -> memref<1x128xi32, #tpu.memory_space<vmem>>
    %dma_start3A_30 = tpu.memref_squeeze %dma_start3A_29 : memref<1x128xi32, #tpu.memory_space<vmem>> -> memref<128xi32, #tpu.memory_space<vmem>>
    %dma_start3A_31 = tpu.memref_slice %arg2[%dma_start3A_25, %mul3A_24] : memref<50x16384xi32, #tpu.memory_space<hbm>> -> memref<1x128xi32, #tpu.memory_space<hbm>>
    %dma_start3A_32 = tpu.memref_squeeze %dma_start3A_31 : memref<1x128xi32, #tpu.memory_space<hbm>> -> memref<128xi32, #tpu.memory_space<hbm>>
    %dma_start3A_33 = tpu.memref_slice %arg9[%dma_start3A_27] : memref<4x!tpu.dma_semaphore, #tpu.memory_space<semaphore_mem>> -> memref<1x!tpu.dma_semaphore, #tpu.memory_space<semaphore_mem>>
    %dma_start3A_34 = tpu.memref_squeeze %dma_start3A_33 : memref<1x!tpu.dma_semaphore, #tpu.memory_space<semaphore_mem>> -> memref<!tpu.dma_semaphore, #tpu.memory_space<semaphore_mem>>
    %dma_start3A_35 = arith.constant 0 : i32
    %dma_start3A_36 = tpu.memref_slice %arg5[%dma_start3A_26, %dma_start3A_35] : memref<4x128xi32, #tpu.memory_space<vmem>> -> memref<1x128xi32, #tpu.memory_space<vmem>>
    %dma_start3A_37 = tpu.memref_squeeze %dma_start3A_36 : memref<1x128xi32, #tpu.memory_space<vmem>> -> memref<128xi32, #tpu.memory_space<vmem>>
    %dma_start3A_38 = tpu.memref_slice %arg2[%dma_start3A_25, %mul3A_24] : memref<50x16384xi32, #tpu.memory_space<hbm>> -> memref<1x128xi32, #tpu.memory_space<hbm>>
    %dma_start3A_39 = tpu.memref_squeeze %dma_start3A_38 : memref<1x128xi32, #tpu.memory_space<hbm>> -> memref<128xi32, #tpu.memory_space<hbm>>
    tpu.enqueue_dma source(%dma_start3A_39 : memref<128xi32, #tpu.memory_space<hbm>>) target(%dma_start3A_37 : memref<128xi32, #tpu.memory_space<vmem>>) target_semaphore(%dma_start3A_34 : memref<!tpu.dma_semaphore, #tpu.memory_space<semaphore_mem>>)
    %add3A_40 = arith.constant 2 : i32
    %add3A_41 = arith.addi %mul3A_2, %add3A_40 : i32
    %mul3A_42 = arith.constant 128 : i32
    %mul3A_43 = arith.muli %add3A_41, %mul3A_42 : i32
    %dma_start3A_44 = arith.constant 0 : i32
    %dma_start3A_45 = arith.constant 2 : i32
    %dma_start3A_46 = arith.constant 2 : i32
    %dma_start3A_47 = arith.constant 0 : i32
    %dma_start3A_48 = tpu.memref_slice %arg5[%dma_start3A_45, %dma_start3A_47] : memref<4x128xi32, #tpu.memory_space<vmem>> -> memref<1x128xi32, #tpu.memory_space<vmem>>
    %dma_start3A_49 = tpu.memref_squeeze %dma_start3A_48 : memref<1x128xi32, #tpu.memory_space<vmem>> -> memref<128xi32, #tpu.memory_space<vmem>>
    %dma_start3A_50 = tpu.memref_slice %arg2[%dma_start3A_44, %mul3A_43] : memref<50x16384xi32, #tpu.memory_space<hbm>> -> memref<1x128xi32, #tpu.memory_space<hbm>>
    %dma_start3A_51 = tpu.memref_squeeze %dma_start3A_50 : memref<1x128xi32, #tpu.memory_space<hbm>> -> memref<128xi32, #tpu.memory_space<hbm>>
    %dma_start3A_52 = tpu.memref_slice %arg9[%dma_start3A_46] : memref<4x!tpu.dma_semaphore, #tpu.memory_space<semaphore_mem>> -> memref<1x!tpu.dma_semaphore, #tpu.memory_space<semaphore_mem>>
    %dma_start3A_53 = tpu.memref_squeeze %dma_start3A_52 : memref<1x!tpu.dma_semaphore, #tpu.memory_space<semaphore_mem>> -> memref<!tpu.dma_semaphore, #tpu.memory_space<semaphore_mem>>
    %dma_start3A_54 = arith.constant 0 : i32
    %dma_start3A_55 = tpu.memref_slice %arg5[%dma_start3A_45, %dma_start3A_54] : memref<4x128xi32, #tpu.memory_space<vmem>> -> memref<1x128xi32, #tpu.memory_space<vmem>>
    %dma_start3A_56 = tpu.memref_squeeze %dma_start3A_55 : memref<1x128xi32, #tpu.memory_space<vmem>> -> memref<128xi32, #tpu.memory_space<vmem>>
    %dma_start3A_57 = tpu.memref_slice %arg2[%dma_start3A_44, %mul3A_43] : memref<50x16384xi32, #tpu.memory_space<hbm>> -> memref<1x128xi32, #tpu.memory_space<hbm>>
    %dma_start3A_58 = tpu.memref_squeeze %dma_start3A_57 : memref<1x128xi32, #tpu.memory_space<hbm>> -> memref<128xi32, #tpu.memory_space<hbm>>
    tpu.enqueue_dma source(%dma_start3A_58 : memref<128xi32, #tpu.memory_space<hbm>>) target(%dma_start3A_56 : memref<128xi32, #tpu.memory_space<vmem>>) target_semaphore(%dma_start3A_53 : memref<!tpu.dma_semaphore, #tpu.memory_space<semaphore_mem>>)
    %dma_wait3A = arith.constant 0 : i32
    %dma_wait3A_59 = arith.constant 0 : i32
    %dma_wait3A_60 = arith.constant 0 : i32
    %dma_wait3A_61 = arith.constant 0 : i32
    %dma_wait3A_62 = tpu.memref_slice %arg5[%dma_wait3A_59, %dma_wait3A_61] : memref<4x128xi32, #tpu.memory_space<vmem>> -> memref<1x128xi32, #tpu.memory_space<vmem>>
    %dma_wait3A_63 = tpu.memref_squeeze %dma_wait3A_62 : memref<1x128xi32, #tpu.memory_space<vmem>> -> memref<128xi32, #tpu.memory_space<vmem>>
    %dma_wait3A_64 = arith.constant 0 : i32
    %dma_wait3A_65 = tpu.memref_slice %arg2[%dma_wait3A, %dma_wait3A_64] : memref<50x16384xi32, #tpu.memory_space<hbm>> -> memref<1x128xi32, #tpu.memory_space<hbm>>
    %dma_wait3A_66 = tpu.memref_squeeze %dma_wait3A_65 : memref<1x128xi32, #tpu.memory_space<hbm>> -> memref<128xi32, #tpu.memory_space<hbm>>
    %dma_wait3A_67 = tpu.memref_slice %arg9[%dma_wait3A_60] : memref<4x!tpu.dma_semaphore, #tpu.memory_space<semaphore_mem>> -> memref<1x!tpu.dma_semaphore, #tpu.memory_space<semaphore_mem>>
    %dma_wait3A_68 = tpu.memref_squeeze %dma_wait3A_67 : memref<1x!tpu.dma_semaphore, #tpu.memory_space<semaphore_mem>> -> memref<!tpu.dma_semaphore, #tpu.memory_space<semaphore_mem>>
    %dma_wait3A_69 = arith.constant 0 : i32
    %dma_wait3A_70 = tpu.memref_slice %arg5[%dma_wait3A_59, %dma_wait3A_69] : memref<4x128xi32, #tpu.memory_space<vmem>> -> memref<1x128xi32, #tpu.memory_space<vmem>>
    %dma_wait3A_71 = tpu.memref_squeeze %dma_wait3A_70 : memref<1x128xi32, #tpu.memory_space<vmem>> -> memref<128xi32, #tpu.memory_space<vmem>>
    %dma_wait3A_72 = arith.constant 0 : i32
    %dma_wait3A_73 = tpu.memref_slice %arg2[%dma_wait3A, %dma_wait3A_72] : memref<50x16384xi32, #tpu.memory_space<hbm>> -> memref<1x128xi32, #tpu.memory_space<hbm>>
    %dma_wait3A_74 = tpu.memref_squeeze %dma_wait3A_73 : memref<1x128xi32, #tpu.memory_space<hbm>> -> memref<128xi32, #tpu.memory_space<hbm>>
    tpu.wait_dma2 semaphore(%dma_wait3A_68 : memref<!tpu.dma_semaphore, #tpu.memory_space<semaphore_mem>>) src(%dma_wait3A_74 : memref<128xi32, #tpu.memory_space<hbm>>) dst(%dma_wait3A_71 : memref<128xi32, #tpu.memory_space<vmem>>)
    %get3A = arith.constant 0 : i32
    %get3A_75 = arith.index_cast %get3A : i32 to index
    %get3A_76 = arith.constant 0 : index
    %get3A_77 = tpu.vector_load %arg5[%get3A_75, %get3A_76] {strides = array<i32>} : memref<4x128xi32, #tpu.memory_space<vmem>>, vector<16xi32>,
    %shift_right_arithmetic3A = arith.constant 1 : i32
    %shift_right_arithmetic3A_78 = vector.broadcast %shift_right_arithmetic3A : i32 to vector<16xi32>
    %shift_right_arithmetic3A_79 = arith.shrsi %get3A_77, %shift_right_arithmetic3A_78 : vector<16xi32>
    %swap3A = arith.constant 0 : i32
    %swap3A_80 = arith.index_cast %swap3A : i32 to index
    %swap3A_81 = arith.constant 0 : index
    %swap3A_82 = tpu.vector_load %arg6[%swap3A_80, %swap3A_81] {strides = array<i32>} : memref<4x128xi32, #tpu.memory_space<vmem>>, vector<16xi32>,
    tpu.vector_store %arg6[%swap3A_80, %swap3A_81], %shift_right_arithmetic3A_79 {strides = array<i32>} : memref<4x128xi32, #tpu.memory_space<vmem>>, vector<16xi32>,
    %get3A_83 = arith.constant 0 : i32
    %get3A_84 = arith.index_cast %get3A_83 : i32 to index
    %get3A_85 = arith.constant 16 : index
    %get3A_86 = tpu.vector_load %arg5[%get3A_84, %get3A_85] {strides = array<i32>} : memref<4x128xi32, #tpu.memory_space<vmem>>, vector<16xi32>,
    %shift_right_arithmetic3A_87 = arith.constant 1 : i32
    %shift_right_arithmetic3A_88 = vector.broadcast %shift_right_arithmetic3A_87 : i32 to vector<16xi32>
    %shift_right_arithmetic3A_89 = arith.shrsi %get3A_86, %shift_right_arithmetic3A_88 : vector<16xi32>
    %swap3A_90 = arith.constant 0 : i32
    %swap3A_91 = arith.index_cast %swap3A_90 : i32 to index
    %swap3A_92 = arith.constant 16 : index
    %swap3A_93 = tpu.vector_load %arg6[%swap3A_91, %swap3A_92] {strides = array<i32>} : memref<4x128xi32, #tpu.memory_space<vmem>>, vector<16xi32>,
    tpu.vector_store %arg6[%swap3A_91, %swap3A_92], %shift_right_arithmetic3A_89 {strides = array<i32>} : memref<4x128xi32, #tpu.memory_space<vmem>>, vector<16xi32>,
    %get3A_94 = arith.constant 0 : i32
    %get3A_95 = arith.index_cast %get3A_94 : i32 to index
    %get3A_96 = arith.constant 32 : index
    %get3A_97 = tpu.vector_load %arg5[%get3A_95, %get3A_96] {strides = array<i32>} : memref<4x128xi32, #tpu.memory_space<vmem>>, vector<16xi32>,
    %shift_right_arithmetic3A_98 = arith.constant 1 : i32
    %shift_right_arithmetic3A_99 = vector.broadcast %shift_right_arithmetic3A_98 : i32 to vector<16xi32>
    %shift_right_arithmetic3A_100 = arith.shrsi %get3A_97, %shift_right_arithmetic3A_99 : vector<16xi32>
    %swap3A_101 = arith.constant 0 : i32
    %swap3A_102 = arith.index_cast %swap3A_101 : i32 to index
    %swap3A_103 = arith.constant 32 : index
    %swap3A_104 = tpu.vector_load %arg6[%swap3A_102, %swap3A_103] {strides = array<i32>} : memref<4x128xi32, #tpu.memory_space<vmem>>, vector<16xi32>,
    tpu.vector_store %arg6[%swap3A_102, %swap3A_103], %shift_right_arithmetic3A_100 {strides = array<i32>} : memref<4x128xi32, #tpu.memory_space<vmem>>, vector<16xi32>,
    %get3A_105 = arith.constant 0 : i32
    %get3A_106 = arith.index_cast %get3A_105 : i32 to index
    %get3A_107 = arith.constant 48 : index
    %get3A_108 = tpu.vector_load %arg5[%get3A_106, %get3A_107] {strides = array<i32>} : memref<4x128xi32, #tpu.memory_space<vmem>>, vector<16xi32>,
    %shift_right_arithmetic3A_109 = arith.constant 1 : i32
    %shift_right_arithmetic3A_110 = vector.broadcast %shift_right_arithmetic3A_109 : i32 to vector<16xi32>
    %shift_right_arithmetic3A_111 = arith.shrsi %get3A_108, %shift_right_arithmetic3A_110 : vector<16xi32>
    %swap3A_112 = arith.constant 0 : i32
    %swap3A_113 = arith.index_cast %swap3A_112 : i32 to index
    %swap3A_114 = arith.constant 48 : index
    %swap3A_115 = tpu.vector_load %arg6[%swap3A_113, %swap3A_114] {strides = array<i32>} : memref<4x128xi32, #tpu.memory_space<vmem>>, vector<16xi32>,
    tpu.vector_store %arg6[%swap3A_113, %swap3A_114], %shift_right_arithmetic3A_111 {strides = array<i32>} : memref<4x128xi32, #tpu.memory_space<vmem>>, vector<16xi32>,
    %get3A_116 = arith.constant 0 : i32
    %get3A_117 = arith.index_cast %get3A_116 : i32 to index
    %get3A_118 = arith.constant 64 : index
    %get3A_119 = tpu.vector_load %arg5[%get3A_117, %get3A_118] {strides = array<i32>} : memref<4x128xi32, #tpu.memory_space<vmem>>, vector<16xi32>,
    %shift_right_arithmetic3A_120 = arith.constant 1 : i32
    %shift_right_arithmetic3A_121 = vector.broadcast %shift_right_arithmetic3A_120 : i32 to vector<16xi32>
    %shift_right_arithmetic3A_122 = arith.shrsi %get3A_119, %shift_right_arithmetic3A_121 : vector<16xi32>
    %swap3A_123 = arith.constant 0 : i32
    %swap3A_124 = arith.index_cast %swap3A_123 : i32 to index
    %swap3A_125 = arith.constant 64 : index
    %swap3A_126 = tpu.vector_load %arg6[%swap3A_124, %swap3A_125] {strides = array<i32>} : memref<4x128xi32, #tpu.memory_space<vmem>>, vector<16xi32>,
    tpu.vector_store %arg6[%swap3A_124, %swap3A_125], %shift_right_arithmetic3A_122 {strides = array<i32>} : memref<4x128xi32, #tpu.memory_space<vmem>>, vector<16xi32>,
    %get3A_127 = arith.constant 0 : i32
    %get3A_128 = arith.index_cast %get3A_127 : i32 to index
    %get3A_129 = arith.constant 80 : index
    %get3A_130 = tpu.vector_load %arg5[%get3A_128, %get3A_129] {strides = array<i32>} : memref<4x128xi32, #tpu.memory_space<vmem>>, vector<16xi32>,
    %shift_right_arithmetic3A_131 = arith.constant 1 : i32
    %shift_right_arithmetic3A_132 = vector.broadcast %shift_right_arithmetic3A_131 : i32 to vector<16xi32>
    %shift_right_arithmetic3A_133 = arith.shrsi %get3A_130, %shift_right_arithmetic3A_132 : vector<16xi32>
    %swap3A_134 = arith.constant 0 : i32
    %swap3A_135 = arith.index_cast %swap3A_134 : i32 to index
    %swap3A_136 = arith.constant 80 : index
    %swap3A_137 = tpu.vector_load %arg6[%swap3A_135, %swap3A_136] {strides = array<i32>} : memref<4x128xi32, #tpu.memory_space<vmem>>, vector<16xi32>,
    tpu.vector_store %arg6[%swap3A_135, %swap3A_136], %shift_right_arithmetic3A_133 {strides = array<i32>} : memref<4x128xi32, #tpu.memory_space<vmem>>, vector<16xi32>,
    %get3A_138 = arith.constant 0 : i32
    %get3A_139 = arith.index_cast %get3A_138 : i32 to index
    %get3A_140 = arith.constant 96 : index
    %get3A_141 = tpu.vector_load %arg5[%get3A_139, %get3A_140] {strides = array<i32>} : memref<4x128xi32, #tpu.memory_space<vmem>>, vector<16xi32>,
    %shift_right_arithmetic3A_142 = arith.constant 1 : i32
    %shift_right_arithmetic3A_143 = vector.broadcast %shift_right_arithmetic3A_142 : i32 to vector<16xi32>
    %shift_right_arithmetic3A_144 = arith.shrsi %get3A_141, %shift_right_arithmetic3A_143 : vector<16xi32>
    %swap3A_145 = arith.constant 0 : i32
    %swap3A_146 = arith.index_cast %swap3A_145 : i32 to index
    %swap3A_147 = arith.constant 96 : index
    %swap3A_148 = tpu.vector_load %arg6[%swap3A_146, %swap3A_147] {strides = array<i32>} : memref<4x128xi32, #tpu.memory_space<vmem>>, vector<16xi32>,
    tpu.vector_store %arg6[%swap3A_146, %swap3A_147], %shift_right_arithmetic3A_144 {strides = array<i32>} : memref<4x128xi32, #tpu.memory_space<vmem>>, vector<16xi32>,
    %get3A_149 = arith.constant 0 : i32
    %get3A_150 = arith.index_cast %get3A_149 : i32 to index
    %get3A_151 = arith.constant 112 : index
    %get3A_152 = tpu.vector_load %arg5[%get3A_150, %get3A_151] {strides = array<i32>} : memref<4x128xi32, #tpu.memory_space<vmem>>, vector<16xi32>,
    %shift_right_arithmetic3A_153 = arith.constant 1 : i32
    %shift_right_arithmetic3A_154 = vector.broadcast %shift_right_arithmetic3A_153 : i32 to vector<16xi32>
    %shift_right_arithmetic3A_155 = arith.shrsi %get3A_152, %shift_right_arithmetic3A_154 : vector<16xi32>
    %swap3A_156 = arith.constant 0 : i32
    %swap3A_157 = arith.index_cast %swap3A_156 : i32 to index
    %swap3A_158 = arith.constant 112 : index
    %swap3A_159 = tpu.vector_load %arg6[%swap3A_157, %swap3A_158] {strides = array<i32>} : memref<4x128xi32, #tpu.memory_space<vmem>>, vector<16xi32>,
    tpu.vector_store %arg6[%swap3A_157, %swap3A_158], %shift_right_arithmetic3A_155 {strides = array<i32>} : memref<4x128xi32, #tpu.memory_space<vmem>>, vector<16xi32>,
    %dma_start3A_160 = arith.constant 0 : i32
    %dma_start3A_161 = arith.constant 0 : i32
    %dma_start3A_162 = arith.constant 0 : i32
    %dma_start3A_163 = arith.constant 0 : i32
    %dma_start3A_164 = tpu.memref_slice %arg7[%dma_start3A_162, %dma_start3A_163] : memref<512x128xf32, #tpu.memory_space<vmem>> -> memref<128x128xf32, #tpu.memory_space<vmem>>
    %dma_start3A_165 = arith.constant 0 : i32
    %dma_start3A_166 = tpu.memref_slice %arg6[%dma_start3A_160, %dma_start3A_165] : memref<4x128xi32, #tpu.memory_space<vmem>> -> memref<1x128xi32, #tpu.memory_space<vmem>>
    %dma_start3A_167 = tpu.memref_squeeze %dma_start3A_166 : memref<1x128xi32, #tpu.memory_space<vmem>> -> memref<128xi32, #tpu.memory_space<vmem>>
    %dma_start3A_168 = arith.constant 0 : i32
    %dma_start3A_169 = arith.constant 0 : i32
    %dma_start3A_170 = tpu.memref_slice %arg3[%dma_start3A_168, %dma_start3A_169] : memref<500000x128xf32, #tpu.memory_space<hbm>> -> memref<500000x128xf32, #tpu.memory_space<hbm>>
    %dma_start3A_171 = tpu.memref_slice %arg10[%dma_start3A_161] : memref<4x!tpu.dma_semaphore, #tpu.memory_space<semaphore_mem>> -> memref<1x!tpu.dma_semaphore, #tpu.memory_space<semaphore_mem>>
    %dma_start3A_172 = tpu.memref_squeeze %dma_start3A_171 : memref<1x!tpu.dma_semaphore, #tpu.memory_space<semaphore_mem>> -> memref<!tpu.dma_semaphore, #tpu.memory_space<semaphore_mem>>
    tpu.enqueue_indirect_dma source(%dma_start3A_170 : memref<500000x128xf32, #tpu.memory_space<hbm>>) target(%dma_start3A_164 : memref<128x128xf32, #tpu.memory_space<vmem>>) offsets(%dma_start3A_167 : memref<128xi32, #tpu.memory_space<vmem>>) semaphore(%dma_start3A_172 : memref<!tpu.dma_semaphore, #tpu.memory_space<semaphore_mem>>)
    %dma_wait3A_173 = arith.constant 0 : i32
    %dma_wait3A_174 = arith.constant 1 : i32
    %dma_wait3A_175 = arith.constant 1 : i32
    %dma_wait3A_176 = arith.constant 0 : i32
    %dma_wait3A_177 = tpu.memref_slice %arg5[%dma_wait3A_174, %dma_wait3A_176] : memref<4x128xi32, #tpu.memory_space<vmem>> -> memref<1x128xi32, #tpu.memory_space<vmem>>
    %dma_wait3A_178 = tpu.memref_squeeze %dma_wait3A_177 : memref<1x128xi32, #tpu.memory_space<vmem>> -> memref<128xi32, #tpu.memory_space<vmem>>
    %dma_wait3A_179 = arith.constant 0 : i32
    %dma_wait3A_180 = tpu.memref_slice %arg2[%dma_wait3A_173, %dma_wait3A_179] : memref<50x16384xi32, #tpu.memory_space<hbm>> -> memref<1x128xi32, #tpu.memory_space<hbm>>
    %dma_wait3A_181 = tpu.memref_squeeze %dma_wait3A_180 : memref<1x128xi32, #tpu.memory_space<hbm>> -> memref<128xi32, #tpu.memory_space<hbm>>
    %dma_wait3A_182 = tpu.memref_slice %arg9[%dma_wait3A_175] : memref<4x!tpu.dma_semaphore, #tpu.memory_space<semaphore_mem>> -> memref<1x!tpu.dma_semaphore, #tpu.memory_space<semaphore_mem>>
    %dma_wait3A_183 = tpu.memref_squeeze %dma_wait3A_182 : memref<1x!tpu.dma_semaphore, #tpu.memory_space<semaphore_mem>> -> memref<!tpu.dma_semaphore, #tpu.memory_space<semaphore_mem>>
    %dma_wait3A_184 = arith.constant 0 : i32
    %dma_wait3A_185 = tpu.memref_slice %arg5[%dma_wait3A_174, %dma_wait3A_184] : memref<4x128xi32, #tpu.memory_space<vmem>> -> memref<1x128xi32, #tpu.memory_space<vmem>>
    %dma_wait3A_186 = tpu.memref_squeeze %dma_wait3A_185 : memref<1x128xi32, #tpu.memory_space<vmem>> -> memref<128xi32, #tpu.memory_space<vmem>>
    %dma_wait3A_187 = arith.constant 0 : i32
    %dma_wait3A_188 = tpu.memref_slice %arg2[%dma_wait3A_173, %dma_wait3A_187] : memref<50x16384xi32, #tpu.memory_space<hbm>> -> memref<1x128xi32, #tpu.memory_space<hbm>>
    %dma_wait3A_189 = tpu.memref_squeeze %dma_wait3A_188 : memref<1x128xi32, #tpu.memory_space<hbm>> -> memref<128xi32, #tpu.memory_space<hbm>>
    tpu.wait_dma2 semaphore(%dma_wait3A_183 : memref<!tpu.dma_semaphore, #tpu.memory_space<semaphore_mem>>) src(%dma_wait3A_189 : memref<128xi32, #tpu.memory_space<hbm>>) dst(%dma_wait3A_186 : memref<128xi32, #tpu.memory_space<vmem>>)
    %get3A_190 = arith.constant 1 : i32
    %get3A_191 = arith.index_cast %get3A_190 : i32 to index
    %get3A_192 = arith.constant 0 : index
    %get3A_193 = tpu.vector_load %arg5[%get3A_191, %get3A_192] {strides = array<i32>} : memref<4x128xi32, #tpu.memory_space<vmem>>, vector<16xi32>,
    %shift_right_arithmetic3A_194 = arith.constant 1 : i32
    %shift_right_arithmetic3A_195 = vector.broadcast %shift_right_arithmetic3A_194 : i32 to vector<16xi32>
    %shift_right_arithmetic3A_196 = arith.shrsi %get3A_193, %shift_right_arithmetic3A_195 : vector<16xi32>
    %swap3A_197 = arith.constant 1 : i32
    %swap3A_198 = arith.index_cast %swap3A_197 : i32 to index
    %swap3A_199 = arith.constant 0 : index
    %swap3A_200 = tpu.vector_load %arg6[%swap3A_198, %swap3A_199] {strides = array<i32>} : memref<4x128xi32, #tpu.memory_space<vmem>>, vector<16xi32>,
    tpu.vector_store %arg6[%swap3A_198, %swap3A_199], %shift_right_arithmetic3A_196 {strides = array<i32>} : memref<4x128xi32, #tpu.memory_space<vmem>>, vector<16xi32>,
    %get3A_201 = arith.constant 1 : i32
    %get3A_202 = arith.index_cast %get3A_201 : i32 to index
    %get3A_203 = arith.constant 16 : index
    %get3A_204 = tpu.vector_load %arg5[%get3A_202, %get3A_203] {strides = array<i32>} : memref<4x128xi32, #tpu.memory_space<vmem>>, vector<16xi32>,
    %shift_right_arithmetic3A_205 = arith.constant 1 : i32
    %shift_right_arithmetic3A_206 = vector.broadcast %shift_right_arithmetic3A_205 : i32 to vector<16xi32>
    %shift_right_arithmetic3A_207 = arith.shrsi %get3A_204, %shift_right_arithmetic3A_206 : vector<16xi32>
    %swap3A_208 = arith.constant 1 : i32
    %swap3A_209 = arith.index_cast %swap3A_208 : i32 to index
    %swap3A_210 = arith.constant 16 : index
    %swap3A_211 = tpu.vector_load %arg6[%swap3A_209, %swap3A_210] {strides = array<i32>} : memref<4x128xi32, #tpu.memory_space<vmem>>, vector<16xi32>,
    tpu.vector_store %arg6[%swap3A_209, %swap3A_210], %shift_right_arithmetic3A_207 {strides = array<i32>} : memref<4x128xi32, #tpu.memory_space<vmem>>, vector<16xi32>,
    %get3A_212 = arith.constant 1 : i32
    %get3A_213 = arith.index_cast %get3A_212 : i32 to index
    %get3A_214 = arith.constant 32 : index
    %get3A_215 = tpu.vector_load %arg5[%get3A_213, %get3A_214] {strides = array<i32>} : memref<4x128xi32, #tpu.memory_space<vmem>>, vector<16xi32>,
    %shift_right_arithmetic3A_216 = arith.constant 1 : i32
    %shift_right_arithmetic3A_217 = vector.broadcast %shift_right_arithmetic3A_216 : i32 to vector<16xi32>
    %shift_right_arithmetic3A_218 = arith.shrsi %get3A_215, %shift_right_arithmetic3A_217 : vector<16xi32>
    %swap3A_219 = arith.constant 1 : i32
    %swap3A_220 = arith.index_cast %swap3A_219 : i32 to index
    %swap3A_221 = arith.constant 32 : index
    %swap3A_222 = tpu.vector_load %arg6[%swap3A_220, %swap3A_221] {strides = array<i32>} : memref<4x128xi32, #tpu.memory_space<vmem>>, vector<16xi32>,
    tpu.vector_store %arg6[%swap3A_220, %swap3A_221], %shift_right_arithmetic3A_218 {strides = array<i32>} : memref<4x128xi32, #tpu.memory_space<vmem>>, vector<16xi32>,
    %get3A_223 = arith.constant 1 : i32
    %get3A_224 = arith.index_cast %get3A_223 : i32 to index
    %get3A_225 = arith.constant 48 : index
    %get3A_226 = tpu.vector_load %arg5[%get3A_224, %get3A_225] {strides = array<i32>} : memref<4x128xi32, #tpu.memory_space<vmem>>, vector<16xi32>,
    %shift_right_arithmetic3A_227 = arith.constant 1 : i32
    %shift_right_arithmetic3A_228 = vector.broadcast %shift_right_arithmetic3A_227 : i32 to vector<16xi32>
    %shift_right_arithmetic3A_229 = arith.shrsi %get3A_226, %shift_right_arithmetic3A_228 : vector<16xi32>
    %swap3A_230 = arith.constant 1 : i32
    %swap3A_231 = arith.index_cast %swap3A_230 : i32 to index
    %swap3A_232 = arith.constant 48 : index
    %swap3A_233 = tpu.vector_load %arg6[%swap3A_231, %swap3A_232] {strides = array<i32>} : memref<4x128xi32, #tpu.memory_space<vmem>>, vector<16xi32>,
    tpu.vector_store %arg6[%swap3A_231, %swap3A_232], %shift_right_arithmetic3A_229 {strides = array<i32>} : memref<4x128xi32, #tpu.memory_space<vmem>>, vector<16xi32>,
    %get3A_234 = arith.constant 1 : i32
    %get3A_235 = arith.index_cast %get3A_234 : i32 to index
    %get3A_236 = arith.constant 64 : index
    %get3A_237 = tpu.vector_load %arg5[%get3A_235, %get3A_236] {strides = array<i32>} : memref<4x128xi32, #tpu.memory_space<vmem>>, vector<16xi32>,
    %shift_right_arithmetic3A_238 = arith.constant 1 : i32
    %shift_right_arithmetic3A_239 = vector.broadcast %shift_right_arithmetic3A_238 : i32 to vector<16xi32>
    %shift_right_arithmetic3A_240 = arith.shrsi %get3A_237, %shift_right_arithmetic3A_239 : vector<16xi32>
    %swap3A_241 = arith.constant 1 : i32
    %swap3A_242 = arith.index_cast %swap3A_241 : i32 to index
    %swap3A_243 = arith.constant 64 : index
    %swap3A_244 = tpu.vector_load %arg6[%swap3A_242, %swap3A_243] {strides = array<i32>} : memref<4x128xi32, #tpu.memory_space<vmem>>, vector<16xi32>,
    tpu.vector_store %arg6[%swap3A_242, %swap3A_243], %shift_right_arithmetic3A_240 {strides = array<i32>} : memref<4x128xi32, #tpu.memory_space<vmem>>, vector<16xi32>,
    %get3A_245 = arith.constant 1 : i32
    %get3A_246 = arith.index_cast %get3A_245 : i32 to index
    %get3A_247 = arith.constant 80 : index
    %get3A_248 = tpu.vector_load %arg5[%get3A_246, %get3A_247] {strides = array<i32>} : memref<4x128xi32, #tpu.memory_space<vmem>>, vector<16xi32>,
    %shift_right_arithmetic3A_249 = arith.constant 1 : i32
    %shift_right_arithmetic3A_250 = vector.broadcast %shift_right_arithmetic3A_249 : i32 to vector<16xi32>
    %shift_right_arithmetic3A_251 = arith.shrsi %get3A_248, %shift_right_arithmetic3A_250 : vector<16xi32>
    %swap3A_252 = arith.constant 1 : i32
    %swap3A_253 = arith.index_cast %swap3A_252 : i32 to index
    %swap3A_254 = arith.constant 80 : index
    %swap3A_255 = tpu.vector_load %arg6[%swap3A_253, %swap3A_254] {strides = array<i32>} : memref<4x128xi32, #tpu.memory_space<vmem>>, vector<16xi32>,
    tpu.vector_store %arg6[%swap3A_253, %swap3A_254], %shift_right_arithmetic3A_251 {strides = array<i32>} : memref<4x128xi32, #tpu.memory_space<vmem>>, vector<16xi32>,
    %get3A_256 = arith.constant 1 : i32
    %get3A_257 = arith.index_cast %get3A_256 : i32 to index
    %get3A_258 = arith.constant 96 : index
    %get3A_259 = tpu.vector_load %arg5[%get3A_257, %get3A_258] {strides = array<i32>} : memref<4x128xi32, #tpu.memory_space<vmem>>, vector<16xi32>,
    %shift_right_arithmetic3A_260 = arith.constant 1 : i32
    %shift_right_arithmetic3A_261 = vector.broadcast %shift_right_arithmetic3A_260 : i32 to vector<16xi32>
    %shift_right_arithmetic3A_262 = arith.shrsi %get3A_259, %shift_right_arithmetic3A_261 : vector<16xi32>
    %swap3A_263 = arith.constant 1 : i32
    %swap3A_264 = arith.index_cast %swap3A_263 : i32 to index
    %swap3A_265 = arith.constant 96 : index
    %swap3A_266 = tpu.vector_load %arg6[%swap3A_264, %swap3A_265] {strides = array<i32>} : memref<4x128xi32, #tpu.memory_space<vmem>>, vector<16xi32>,
    tpu.vector_store %arg6[%swap3A_264, %swap3A_265], %shift_right_arithmetic3A_262 {strides = array<i32>} : memref<4x128xi32, #tpu.memory_space<vmem>>, vector<16xi32>,
    %get3A_267 = arith.constant 1 : i32
    %get3A_268 = arith.index_cast %get3A_267 : i32 to index
    %get3A_269 = arith.constant 112 : index
    %get3A_270 = tpu.vector_load %arg5[%get3A_268, %get3A_269] {strides = array<i32>} : memref<4x128xi32, #tpu.memory_space<vmem>>, vector<16xi32>,
    %shift_right_arithmetic3A_271 = arith.constant 1 : i32
    %shift_right_arithmetic3A_272 = vector.broadcast %shift_right_arithmetic3A_271 : i32 to vector<16xi32>
    %shift_right_arithmetic3A_273 = arith.shrsi %get3A_270, %shift_right_arithmetic3A_272 : vector<16xi32>
    %swap3A_274 = arith.constant 1 : i32
    %swap3A_275 = arith.index_cast %swap3A_274 : i32 to index
    %swap3A_276 = arith.constant 112 : index
    %swap3A_277 = tpu.vector_load %arg6[%swap3A_275, %swap3A_276] {strides = array<i32>} : memref<4x128xi32, #tpu.memory_space<vmem>>, vector<16xi32>,
    tpu.vector_store %arg6[%swap3A_275, %swap3A_276], %shift_right_arithmetic3A_273 {strides = array<i32>} : memref<4x128xi32, #tpu.memory_space<vmem>>, vector<16xi32>,
    %dma_start3A_278 = arith.constant 1 : i32
    %dma_start3A_279 = arith.constant 1 : i32
    %dma_start3A_280 = arith.constant 128 : i32
    %dma_start3A_281 = arith.constant 0 : i32
    %dma_start3A_282 = tpu.memref_slice %arg7[%dma_start3A_280, %dma_start3A_281] : memref<512x128xf32, #tpu.memory_space<vmem>> -> memref<128x128xf32, #tpu.memory_space<vmem>>
    %dma_start3A_283 = arith.constant 0 : i32
    %dma_start3A_284 = tpu.memref_slice %arg6[%dma_start3A_278, %dma_start3A_283] : memref<4x128xi32, #tpu.memory_space<vmem>> -> memref<1x128xi32, #tpu.memory_space<vmem>>
    %dma_start3A_285 = tpu.memref_squeeze %dma_start3A_284 : memref<1x128xi32, #tpu.memory_space<vmem>> -> memref<128xi32, #tpu.memory_space<vmem>>
    %dma_start3A_286 = arith.constant 0 : i32
    %dma_start3A_287 = arith.constant 0 : i32
    %dma_start3A_288 = tpu.memref_slice %arg3[%dma_start3A_286, %dma_start3A_287] : memref<500000x128xf32, #tpu.memory_space<hbm>> -> memref<500000x128xf32, #tpu.memory_space<hbm>>
    %dma_start3A_289 = tpu.memref_slice %arg10[%dma_start3A_279] : memref<4x!tpu.dma_semaphore, #tpu.memory_space<semaphore_mem>> -> memref<1x!tpu.dma_semaphore, #tpu.memory_space<semaphore_mem>>
    %dma_start3A_290 = tpu.memref_squeeze %dma_start3A_289 : memref<1x!tpu.dma_semaphore, #tpu.memory_space<semaphore_mem>> -> memref<!tpu.dma_semaphore, #tpu.memory_space<semaphore_mem>>
    tpu.enqueue_indirect_dma source(%dma_start3A_288 : memref<500000x128xf32, #tpu.memory_space<hbm>>) target(%dma_start3A_282 : memref<128x128xf32, #tpu.memory_space<vmem>>) offsets(%dma_start3A_285 : memref<128xi32, #tpu.memory_space<vmem>>) semaphore(%dma_start3A_290 : memref<!tpu.dma_semaphore, #tpu.memory_space<semaphore_mem>>)
    %dma_wait3A_291 = arith.constant 0 : i32
    %dma_wait3A_292 = arith.constant 2 : i32
    %dma_wait3A_293 = arith.constant 2 : i32
    %dma_wait3A_294 = arith.constant 0 : i32
    %dma_wait3A_295 = tpu.memref_slice %arg5[%dma_wait3A_292, %dma_wait3A_294] : memref<4x128xi32, #tpu.memory_space<vmem>> -> memref<1x128xi32, #tpu.memory_space<vmem>>
    %dma_wait3A_296 = tpu.memref_squeeze %dma_wait3A_295 : memref<1x128xi32, #tpu.memory_space<vmem>> -> memref<128xi32, #tpu.memory_space<vmem>>
    %dma_wait3A_297 = arith.constant 0 : i32
    %dma_wait3A_298 = tpu.memref_slice %arg2[%dma_wait3A_291, %dma_wait3A_297] : memref<50x16384xi32, #tpu.memory_space<hbm>> -> memref<1x128xi32, #tpu.memory_space<hbm>>
    %dma_wait3A_299 = tpu.memref_squeeze %dma_wait3A_298 : memref<1x128xi32, #tpu.memory_space<hbm>> -> memref<128xi32, #tpu.memory_space<hbm>>
    %dma_wait3A_300 = tpu.memref_slice %arg9[%dma_wait3A_293] : memref<4x!tpu.dma_semaphore, #tpu.memory_space<semaphore_mem>> -> memref<1x!tpu.dma_semaphore, #tpu.memory_space<semaphore_mem>>
    %dma_wait3A_301 = tpu.memref_squeeze %dma_wait3A_300 : memref<1x!tpu.dma_semaphore, #tpu.memory_space<semaphore_mem>> -> memref<!tpu.dma_semaphore, #tpu.memory_space<semaphore_mem>>
    %dma_wait3A_302 = arith.constant 0 : i32
    %dma_wait3A_303 = tpu.memref_slice %arg5[%dma_wait3A_292, %dma_wait3A_302] : memref<4x128xi32, #tpu.memory_space<vmem>> -> memref<1x128xi32, #tpu.memory_space<vmem>>
    %dma_wait3A_304 = tpu.memref_squeeze %dma_wait3A_303 : memref<1x128xi32, #tpu.memory_space<vmem>> -> memref<128xi32, #tpu.memory_space<vmem>>
    %dma_wait3A_305 = arith.constant 0 : i32
    %dma_wait3A_306 = tpu.memref_slice %arg2[%dma_wait3A_291, %dma_wait3A_305] : memref<50x16384xi32, #tpu.memory_space<hbm>> -> memref<1x128xi32, #tpu.memory_space<hbm>>
    %dma_wait3A_307 = tpu.memref_squeeze %dma_wait3A_306 : memref<1x128xi32, #tpu.memory_space<hbm>> -> memref<128xi32, #tpu.memory_space<hbm>>
    tpu.wait_dma2 semaphore(%dma_wait3A_301 : memref<!tpu.dma_semaphore, #tpu.memory_space<semaphore_mem>>) src(%dma_wait3A_307 : memref<128xi32, #tpu.memory_space<hbm>>) dst(%dma_wait3A_304 : memref<128xi32, #tpu.memory_space<vmem>>)
    %get3A_308 = arith.constant 2 : i32
    %get3A_309 = arith.index_cast %get3A_308 : i32 to index
    %get3A_310 = arith.constant 0 : index
    %get3A_311 = tpu.vector_load %arg5[%get3A_309, %get3A_310] {strides = array<i32>} : memref<4x128xi32, #tpu.memory_space<vmem>>, vector<16xi32>,
    %shift_right_arithmetic3A_312 = arith.constant 1 : i32
    %shift_right_arithmetic3A_313 = vector.broadcast %shift_right_arithmetic3A_312 : i32 to vector<16xi32>
    %shift_right_arithmetic3A_314 = arith.shrsi %get3A_311, %shift_right_arithmetic3A_313 : vector<16xi32>
    %swap3A_315 = arith.constant 2 : i32
    %swap3A_316 = arith.index_cast %swap3A_315 : i32 to index
    %swap3A_317 = arith.constant 0 : index
    %swap3A_318 = tpu.vector_load %arg6[%swap3A_316, %swap3A_317] {strides = array<i32>} : memref<4x128xi32, #tpu.memory_space<vmem>>, vector<16xi32>,
    tpu.vector_store %arg6[%swap3A_316, %swap3A_317], %shift_right_arithmetic3A_314 {strides = array<i32>} : memref<4x128xi32, #tpu.memory_space<vmem>>, vector<16xi32>,
    %get3A_319 = arith.constant 2 : i32
    %get3A_320 = arith.index_cast %get3A_319 : i32 to index
    %get3A_321 = arith.constant 16 : index
    %get3A_322 = tpu.vector_load %arg5[%get3A_320, %get3A_321] {strides = array<i32>} : memref<4x128xi32, #tpu.memory_space<vmem>>, vector<16xi32>,
    %shift_right_arithmetic3A_323 = arith.constant 1 : i32
    %shift_right_arithmetic3A_324 = vector.broadcast %shift_right_arithmetic3A_323 : i32 to vector<16xi32>
    %shift_right_arithmetic3A_325 = arith.shrsi %get3A_322, %shift_right_arithmetic3A_324 : vector<16xi32>
    %swap3A_326 = arith.constant 2 : i32
    %swap3A_327 = arith.index_cast %swap3A_326 : i32 to index
    %swap3A_328 = arith.constant 16 : index
    %swap3A_329 = tpu.vector_load %arg6[%swap3A_327, %swap3A_328] {strides = array<i32>} : memref<4x128xi32, #tpu.memory_space<vmem>>, vector<16xi32>,
    tpu.vector_store %arg6[%swap3A_327, %swap3A_328], %shift_right_arithmetic3A_325 {strides = array<i32>} : memref<4x128xi32, #tpu.memory_space<vmem>>, vector<16xi32>,
    %get3A_330 = arith.constant 2 : i32
    %get3A_331 = arith.index_cast %get3A_330 : i32 to index
    %get3A_332 = arith.constant 32 : index
    %get3A_333 = tpu.vector_load %arg5[%get3A_331, %get3A_332] {strides = array<i32>} : memref<4x128xi32, #tpu.memory_space<vmem>>, vector<16xi32>,
    %shift_right_arithmetic3A_334 = arith.constant 1 : i32
    %shift_right_arithmetic3A_335 = vector.broadcast %shift_right_arithmetic3A_334 : i32 to vector<16xi32>
    %shift_right_arithmetic3A_336 = arith.shrsi %get3A_333, %shift_right_arithmetic3A_335 : vector<16xi32>
    %swap3A_337 = arith.constant 2 : i32
    %swap3A_338 = arith.index_cast %swap3A_337 : i32 to index
    %swap3A_339 = arith.constant 32 : index
    %swap3A_340 = tpu.vector_load %arg6[%swap3A_338, %swap3A_339] {strides = array<i32>} : memref<4x128xi32, #tpu.memory_space<vmem>>, vector<16xi32>,
    tpu.vector_store %arg6[%swap3A_338, %swap3A_339], %shift_right_arithmetic3A_336 {strides = array<i32>} : memref<4x128xi32, #tpu.memory_space<vmem>>, vector<16xi32>,
    %get3A_341 = arith.constant 2 : i32
    %get3A_342 = arith.index_cast %get3A_341 : i32 to index
    %get3A_343 = arith.constant 48 : index
    %get3A_344 = tpu.vector_load %arg5[%get3A_342, %get3A_343] {strides = array<i32>} : memref<4x128xi32, #tpu.memory_space<vmem>>, vector<16xi32>,
    %shift_right_arithmetic3A_345 = arith.constant 1 : i32
    %shift_right_arithmetic3A_346 = vector.broadcast %shift_right_arithmetic3A_345 : i32 to vector<16xi32>
    %shift_right_arithmetic3A_347 = arith.shrsi %get3A_344, %shift_right_arithmetic3A_346 : vector<16xi32>
    %swap3A_348 = arith.constant 2 : i32
    %swap3A_349 = arith.index_cast %swap3A_348 : i32 to index
    %swap3A_350 = arith.constant 48 : index
    %swap3A_351 = tpu.vector_load %arg6[%swap3A_349, %swap3A_350] {strides = array<i32>} : memref<4x128xi32, #tpu.memory_space<vmem>>, vector<16xi32>,
    tpu.vector_store %arg6[%swap3A_349, %swap3A_350], %shift_right_arithmetic3A_347 {strides = array<i32>} : memref<4x128xi32, #tpu.memory_space<vmem>>, vector<16xi32>,
    %get3A_352 = arith.constant 2 : i32
    %get3A_353 = arith.index_cast %get3A_352 : i32 to index
    %get3A_354 = arith.constant 64 : index
    %get3A_355 = tpu.vector_load %arg5[%get3A_353, %get3A_354] {strides = array<i32>} : memref<4x128xi32, #tpu.memory_space<vmem>>, vector<16xi32>,
    %shift_right_arithmetic3A_356 = arith.constant 1 : i32
    %shift_right_arithmetic3A_357 = vector.broadcast %shift_right_arithmetic3A_356 : i32 to vector<16xi32>
    %shift_right_arithmetic3A_358 = arith.shrsi %get3A_355, %shift_right_arithmetic3A_357 : vector<16xi32>
    %swap3A_359 = arith.constant 2 : i32
    %swap3A_360 = arith.index_cast %swap3A_359 : i32 to index
    %swap3A_361 = arith.constant 64 : index
    %swap3A_362 = tpu.vector_load %arg6[%swap3A_360, %swap3A_361] {strides = array<i32>} : memref<4x128xi32, #tpu.memory_space<vmem>>, vector<16xi32>,
    tpu.vector_store %arg6[%swap3A_360, %swap3A_361], %shift_right_arithmetic3A_358 {strides = array<i32>} : memref<4x128xi32, #tpu.memory_space<vmem>>, vector<16xi32>,
    %get3A_363 = arith.constant 2 : i32
    %get3A_364 = arith.index_cast %get3A_363 : i32 to index
    %get3A_365 = arith.constant 80 : index
    %get3A_366 = tpu.vector_load %arg5[%get3A_364, %get3A_365] {strides = array<i32>} : memref<4x128xi32, #tpu.memory_space<vmem>>, vector<16xi32>,
    %shift_right_arithmetic3A_367 = arith.constant 1 : i32
    %shift_right_arithmetic3A_368 = vector.broadcast %shift_right_arithmetic3A_367 : i32 to vector<16xi32>
    %shift_right_arithmetic3A_369 = arith.shrsi %get3A_366, %shift_right_arithmetic3A_368 : vector<16xi32>
    %swap3A_370 = arith.constant 2 : i32
    %swap3A_371 = arith.index_cast %swap3A_370 : i32 to index
    %swap3A_372 = arith.constant 80 : index
    %swap3A_373 = tpu.vector_load %arg6[%swap3A_371, %swap3A_372] {strides = array<i32>} : memref<4x128xi32, #tpu.memory_space<vmem>>, vector<16xi32>,
    tpu.vector_store %arg6[%swap3A_371, %swap3A_372], %shift_right_arithmetic3A_369 {strides = array<i32>} : memref<4x128xi32, #tpu.memory_space<vmem>>, vector<16xi32>,
    %get3A_374 = arith.constant 2 : i32
    %get3A_375 = arith.index_cast %get3A_374 : i32 to index
    %get3A_376 = arith.constant 96 : index
    %get3A_377 = tpu.vector_load %arg5[%get3A_375, %get3A_376] {strides = array<i32>} : memref<4x128xi32, #tpu.memory_space<vmem>>, vector<16xi32>,
    %shift_right_arithmetic3A_378 = arith.constant 1 : i32
    %shift_right_arithmetic3A_379 = vector.broadcast %shift_right_arithmetic3A_378 : i32 to vector<16xi32>
    %shift_right_arithmetic3A_380 = arith.shrsi %get3A_377, %shift_right_arithmetic3A_379 : vector<16xi32>
    %swap3A_381 = arith.constant 2 : i32
    %swap3A_382 = arith.index_cast %swap3A_381 : i32 to index
    %swap3A_383 = arith.constant 96 : index
    %swap3A_384 = tpu.vector_load %arg6[%swap3A_382, %swap3A_383] {strides = array<i32>} : memref<4x128xi32, #tpu.memory_space<vmem>>, vector<16xi32>,
    tpu.vector_store %arg6[%swap3A_382, %swap3A_383], %shift_right_arithmetic3A_380 {strides = array<i32>} : memref<4x128xi32, #tpu.memory_space<vmem>>, vector<16xi32>,
    %get3A_385 = arith.constant 2 : i32
    %get3A_386 = arith.index_cast %get3A_385 : i32 to index
    %get3A_387 = arith.constant 112 : index
    %get3A_388 = tpu.vector_load %arg5[%get3A_386, %get3A_387] {strides = array<i32>} : memref<4x128xi32, #tpu.memory_space<vmem>>, vector<16xi32>,
    %shift_right_arithmetic3A_389 = arith.constant 1 : i32
    %shift_right_arithmetic3A_390 = vector.broadcast %shift_right_arithmetic3A_389 : i32 to vector<16xi32>
    %shift_right_arithmetic3A_391 = arith.shrsi %get3A_388, %shift_right_arithmetic3A_390 : vector<16xi32>
    %swap3A_392 = arith.constant 2 : i32
    %swap3A_393 = arith.index_cast %swap3A_392 : i32 to index
    %swap3A_394 = arith.constant 112 : index
    %swap3A_395 = tpu.vector_load %arg6[%swap3A_393, %swap3A_394] {strides = array<i32>} : memref<4x128xi32, #tpu.memory_space<vmem>>, vector<16xi32>,
    tpu.vector_store %arg6[%swap3A_393, %swap3A_394], %shift_right_arithmetic3A_391 {strides = array<i32>} : memref<4x128xi32, #tpu.memory_space<vmem>>, vector<16xi32>,
    %dma_start3A_396 = arith.constant 2 : i32
    %dma_start3A_397 = arith.constant 2 : i32
    %dma_start3A_398 = arith.constant 256 : i32
    %dma_start3A_399 = arith.constant 0 : i32
    %dma_start3A_400 = tpu.memref_slice %arg7[%dma_start3A_398, %dma_start3A_399] : memref<512x128xf32, #tpu.memory_space<vmem>> -> memref<128x128xf32, #tpu.memory_space<vmem>>
    %dma_start3A_401 = arith.constant 0 : i32
    %dma_start3A_402 = tpu.memref_slice %arg6[%dma_start3A_396, %dma_start3A_401] : memref<4x128xi32, #tpu.memory_space<vmem>> -> memref<1x128xi32, #tpu.memory_space<vmem>>
    %dma_start3A_403 = tpu.memref_squeeze %dma_start3A_402 : memref<1x128xi32, #tpu.memory_space<vmem>> -> memref<128xi32, #tpu.memory_space<vmem>>
    %dma_start3A_404 = arith.constant 0 : i32
    %dma_start3A_405 = arith.constant 0 : i32
    %dma_start3A_406 = tpu.memref_slice %arg3[%dma_start3A_404, %dma_start3A_405] : memref<500000x128xf32, #tpu.memory_space<hbm>> -> memref<500000x128xf32, #tpu.memory_space<hbm>>
    %dma_start3A_407 = tpu.memref_slice %arg10[%dma_start3A_397] : memref<4x!tpu.dma_semaphore, #tpu.memory_space<semaphore_mem>> -> memref<1x!tpu.dma_semaphore, #tpu.memory_space<semaphore_mem>>
    %dma_start3A_408 = tpu.memref_squeeze %dma_start3A_407 : memref<1x!tpu.dma_semaphore, #tpu.memory_space<semaphore_mem>> -> memref<!tpu.dma_semaphore, #tpu.memory_space<semaphore_mem>>
    tpu.enqueue_indirect_dma source(%dma_start3A_406 : memref<500000x128xf32, #tpu.memory_space<hbm>>) target(%dma_start3A_400 : memref<128x128xf32, #tpu.memory_space<vmem>>) offsets(%dma_start3A_403 : memref<128xi32, #tpu.memory_space<vmem>>) semaphore(%dma_start3A_408 : memref<!tpu.dma_semaphore, #tpu.memory_space<semaphore_mem>>)
    %add3A_409 = arith.constant 3 : i32
    %add3A_410 = arith.addi %mul3A_2, %add3A_409 : i32
    %mul3A_411 = arith.constant 128 : i32
    %mul3A_412 = arith.muli %add3A_410, %mul3A_411 : i32
    %dma_start3A_413 = arith.constant 0 : i32
    %dma_start3A_414 = arith.constant 3 : i32
    %dma_start3A_415 = arith.constant 3 : i32
    %dma_start3A_416 = arith.constant 0 : i32
    %dma_start3A_417 = tpu.memref_slice %arg5[%dma_start3A_414, %dma_start3A_416] : memref<4x128xi32, #tpu.memory_space<vmem>> -> memref<1x128xi32, #tpu.memory_space<vmem>>
    %dma_start3A_418 = tpu.memref_squeeze %dma_start3A_417 : memref<1x128xi32, #tpu.memory_space<vmem>> -> memref<128xi32, #tpu.memory_space<vmem>>
    %dma_start3A_419 = tpu.memref_slice %arg2[%dma_start3A_413, %mul3A_412] : memref<50x16384xi32, #tpu.memory_space<hbm>> -> memref<1x128xi32, #tpu.memory_space<hbm>>
    %dma_start3A_420 = tpu.memref_squeeze %dma_start3A_419 : memref<1x128xi32, #tpu.memory_space<hbm>> -> memref<128xi32, #tpu.memory_space<hbm>>
    %dma_start3A_421 = tpu.memref_slice %arg9[%dma_start3A_415] : memref<4x!tpu.dma_semaphore, #tpu.memory_space<semaphore_mem>> -> memref<1x!tpu.dma_semaphore, #tpu.memory_space<semaphore_mem>>
    %dma_start3A_422 = tpu.memref_squeeze %dma_start3A_421 : memref<1x!tpu.dma_semaphore, #tpu.memory_space<semaphore_mem>> -> memref<!tpu.dma_semaphore, #tpu.memory_space<semaphore_mem>>
    %dma_start3A_423 = arith.constant 0 : i32
    %dma_start3A_424 = tpu.memref_slice %arg5[%dma_start3A_414, %dma_start3A_423] : memref<4x128xi32, #tpu.memory_space<vmem>> -> memref<1x128xi32, #tpu.memory_space<vmem>>
    %dma_start3A_425 = tpu.memref_squeeze %dma_start3A_424 : memref<1x128xi32, #tpu.memory_space<vmem>> -> memref<128xi32, #tpu.memory_space<vmem>>
    %dma_start3A_426 = tpu.memref_slice %arg2[%dma_start3A_413, %mul3A_412] : memref<50x16384xi32, #tpu.memory_space<hbm>> -> memref<1x128xi32, #tpu.memory_space<hbm>>
    %dma_start3A_427 = tpu.memref_squeeze %dma_start3A_426 : memref<1x128xi32, #tpu.memory_space<hbm>> -> memref<128xi32, #tpu.memory_space<hbm>>
    tpu.enqueue_dma source(%dma_start3A_427 : memref<128xi32, #tpu.memory_space<hbm>>) target(%dma_start3A_425 : memref<128xi32, #tpu.memory_space<vmem>>) target_semaphore(%dma_start3A_422 : memref<!tpu.dma_semaphore, #tpu.memory_space<semaphore_mem>>)
    %dma_wait3A_428 = arith.constant 0 : i32
    %dma_wait3A_429 = arith.constant 0 : i32
    %dma_wait3A_430 = arith.constant 0 : i32
    %dma_wait3A_431 = tpu.memref_slice %arg7[%dma_wait3A_429, %dma_wait3A_430] : memref<512x128xf32, #tpu.memory_space<vmem>> -> memref<128x128xf32, #tpu.memory_space<vmem>>
    %dma_wait3A_432 = arith.constant 0 : i32
    %dma_wait3A_433 = arith.constant 0 : i32
    %dma_wait3A_434 = tpu.memref_slice %arg3[%dma_wait3A_432, %dma_wait3A_433] : memref<500000x128xf32, #tpu.memory_space<hbm>> -> memref<128x128xf32, #tpu.memory_space<hbm>>
    %dma_wait3A_435 = tpu.memref_slice %arg10[%dma_wait3A_428] : memref<4x!tpu.dma_semaphore, #tpu.memory_space<semaphore_mem>> -> memref<1x!tpu.dma_semaphore, #tpu.memory_space<semaphore_mem>>
    %dma_wait3A_436 = tpu.memref_squeeze %dma_wait3A_435 : memref<1x!tpu.dma_semaphore, #tpu.memory_space<semaphore_mem>> -> memref<!tpu.dma_semaphore, #tpu.memory_space<semaphore_mem>>
    %dma_wait3A_437 = arith.constant 0 : i32
    %dma_wait3A_438 = arith.constant 0 : i32
    %dma_wait3A_439 = tpu.memref_slice %arg7[%dma_wait3A_437, %dma_wait3A_438] : memref<512x128xf32, #tpu.memory_space<vmem>> -> memref<128x128xf32, #tpu.memory_space<vmem>>
    %dma_wait3A_440 = arith.constant 0 : i32
    %dma_wait3A_441 = arith.constant 0 : i32
    %dma_wait3A_442 = tpu.memref_slice %arg3[%dma_wait3A_440, %dma_wait3A_441] : memref<500000x128xf32, #tpu.memory_space<hbm>> -> memref<128x128xf32, #tpu.memory_space<hbm>>
    tpu.wait_dma2 semaphore(%dma_wait3A_436 : memref<!tpu.dma_semaphore, #tpu.memory_space<semaphore_mem>>) src(%dma_wait3A_442 : memref<128x128xf32, #tpu.memory_space<hbm>>) dst(%dma_wait3A_439 : memref<128x128xf32, #tpu.memory_space<vmem>>)
    %scan3A = arith.constant 0 : i32
    %scan3A_443 = arith.constant 8 : i32
    %scan3A_444 = arith.addi %scan3A, %scan3A_443 : i32
    %scan3A_445 = arith.constant 1 : i32
    scf.for %scan3A_1682 = %scan3A to %scan3A_444 step %scan3A_445  : i32 {
      %mul3A_1683 = arith.constant 16 : i32
      %mul3A_1684 = arith.muli %scan3A_1682, %mul3A_1683 : i32
      %add3A_1685 = arith.constant 0 : i32
      %add3A_1686 = arith.addi %add3A_1685, %mul3A_1684 : i32
      %add3A_1687 = vector.broadcast %add3A_1686 : i32 to vector<16xi32>
      %add3A_1688 = arith.addi %iota3A, %add3A_1687 : vector<16xi32>
      %get3A_1689 = arith.constant 0 : i32
      %get3A_1690 = arith.index_cast %get3A_1689 : i32 to index
      %get3A_1691 = arith.index_cast %mul3A_1684 : i32 to index
      %get3A_1692 = tpu.vector_load %arg5[%get3A_1690, %get3A_1691] {strides = array<i32>} : memref<4x128xi32, #tpu.memory_space<vmem>>, vector<16xi32>,
      %and3A = arith.constant 1 : i32
      %and3A_1693 = vector.broadcast %and3A : i32 to vector<16xi32>
      %and3A_1694 = arith.andi %get3A_1692, %and3A_1693 : vector<16xi32>
      %mul3A_1695 = arith.constant 64 : i32
      %mul3A_1696 = vector.broadcast %mul3A_1695 : i32 to vector<16xi32>
      %mul3A_1697 = arith.muli %and3A_1694, %mul3A_1696 : vector<16xi32>
      %parallel_loop3A = arith.constant 0 : i32
      %parallel_loop3A_1698 = arith.constant 64 : i32
      %parallel_loop3A_1699 = arith.constant 1 : i32
      scf.for %parallel_loop3A_1700 = %parallel_loop3A to %parallel_loop3A_1698 step %parallel_loop3A_1699  : i32 {
        %parallel_loop3A_1701 = vector.broadcast %parallel_loop3A_1700 : i32 to vector<16xi32>
        %parallel_loop3A_1702 = arith.addi %mul3A_1697, %parallel_loop3A_1701 : vector<16xi32>
        %parallel_loop3A_1703 = tpu.vector_load_idx %arg7[%add3A_1688, %parallel_loop3A_1702] : memref<512x128xf32, #tpu.memory_space<vmem>>[vector<16xi32>, vector<16xi32>], vector<16xf32>,
        %parallel_loop3A_1704 = arith.constant 8.000000e+00 : f32
        %parallel_loop3A_1705 = vector.broadcast %parallel_loop3A_1704 : f32 to vector<16xf32>
        %parallel_loop3A_1706 = arith.mulf %parallel_loop3A_1703, %parallel_loop3A_1705 : vector<16xf32>
        %parallel_loop3A_1707 = arith.constant 3 : i32
        %parallel_loop3A_1708 = arith.shrsi %parallel_loop3A_1700, %parallel_loop3A_1707 : i32
        %parallel_loop3A_1709 = arith.constant 7 : i32
        %parallel_loop3A_1710 = arith.andi %parallel_loop3A_1700, %parallel_loop3A_1709 : i32
        %parallel_loop3A_1711 = arith.constant 0 : i32
        %parallel_loop3A_1712 = arith.index_cast %parallel_loop3A_1711 : i32 to index
        %parallel_loop3A_1713 = arith.index_cast %parallel_loop3A_1708 : i32 to index
        %parallel_loop3A_1714 = arith.index_cast %parallel_loop3A_1710 : i32 to index
        %parallel_loop3A_1715 = arith.index_cast %mul3A_1684 : i32 to index
        %parallel_loop3A_1716 = tpu.vector_load %arg8[%parallel_loop3A_1712, %parallel_loop3A_1713, %parallel_loop3A_1714, %parallel_loop3A_1715] {strides = array<i32>} : memref<2x8x8x128xf32, #tpu.memory_space<vmem>>, vector<16xf32>,
        tpu.vector_store %arg8[%parallel_loop3A_1712, %parallel_loop3A_1713, %parallel_loop3A_1714, %parallel_loop3A_1715], %parallel_loop3A_1706 {strides = array<i32>} : memref<2x8x8x128xf32, #tpu.memory_space<vmem>>, vector<16xf32>,
      } {sc.loop_unroll_factor = 16 : i64, sc.parallel_access}
    }
    %scan3A_446 = arith.constant 8 : i32
    %add3A_447 = arith.constant 0 : i32
    %add3A_448 = arith.addi %mul3A_2, %add3A_447 : i32
    %dma_start3A_449 = arith.constant 0 : i32
    %dma_start3A_450 = arith.constant 0 : i32
    %dma_start3A_451 = arith.constant 0 : i32
    %dma_start3A_452 = arith.constant 0 : i32
    %dma_start3A_453 = arith.constant 0 : i32
    %dma_start3A_454 = arith.constant 0 : i32
    %dma_start3A_455 = tpu.memref_slice %arg8[%dma_start3A_449, %dma_start3A_452, %dma_start3A_453, %dma_start3A_454] : memref<2x8x8x128xf32, #tpu.memory_space<vmem>> -> memref<1x8x8x128xf32, #tpu.memory_space<vmem>>
    %dma_start3A_456 = tpu.memref_squeeze %dma_start3A_455 : memref<1x8x8x128xf32, #tpu.memory_space<vmem>> -> memref<8x8x128xf32, #tpu.memory_space<vmem>>
    %dma_start3A_457 = arith.constant 0 : i32
    %dma_start3A_458 = arith.constant 0 : i32
    %dma_start3A_459 = arith.constant 0 : i32
    %dma_start3A_460 = tpu.memref_slice %arg4[%dma_start3A_450, %dma_start3A_457, %add3A_448, %dma_start3A_458, %dma_start3A_459] : memref<50x8x128x8x128xf32, #tpu.memory_space<hbm>> -> memref<1x8x1x8x128xf32, #tpu.memory_space<hbm>>
    %dma_start3A_461 = tpu.memref_squeeze %dma_start3A_460 : memref<1x8x1x8x128xf32, #tpu.memory_space<hbm>> -> memref<8x8x128xf32, #tpu.memory_space<hbm>>
    %dma_start3A_462 = tpu.memref_slice %arg11[%dma_start3A_451] : memref<2x!tpu.dma_semaphore, #tpu.memory_space<semaphore_mem>> -> memref<1x!tpu.dma_semaphore, #tpu.memory_space<semaphore_mem>>
    %dma_start3A_463 = tpu.memref_squeeze %dma_start3A_462 : memref<1x!tpu.dma_semaphore, #tpu.memory_space<semaphore_mem>> -> memref<!tpu.dma_semaphore, #tpu.memory_space<semaphore_mem>>
    %dma_start3A_464 = arith.constant 0 : i32
    %dma_start3A_465 = arith.constant 0 : i32
    %dma_start3A_466 = arith.constant 0 : i32
    %dma_start3A_467 = tpu.memref_slice %arg4[%dma_start3A_450, %dma_start3A_464, %add3A_448, %dma_start3A_465, %dma_start3A_466] : memref<50x8x128x8x128xf32, #tpu.memory_space<hbm>> -> memref<1x8x1x8x128xf32, #tpu.memory_space<hbm>>
    %dma_start3A_468 = tpu.memref_squeeze %dma_start3A_467 : memref<1x8x1x8x128xf32, #tpu.memory_space<hbm>> -> memref<8x8x128xf32, #tpu.memory_space<hbm>>
    %dma_start3A_469 = arith.constant 0 : i32
    %dma_start3A_470 = arith.constant 0 : i32
    %dma_start3A_471 = arith.constant 0 : i32
    %dma_start3A_472 = tpu.memref_slice %arg8[%dma_start3A_449, %dma_start3A_469, %dma_start3A_470, %dma_start3A_471] : memref<2x8x8x128xf32, #tpu.memory_space<vmem>> -> memref<1x8x8x128xf32, #tpu.memory_space<vmem>>
    %dma_start3A_473 = tpu.memref_squeeze %dma_start3A_472 : memref<1x8x8x128xf32, #tpu.memory_space<vmem>> -> memref<8x8x128xf32, #tpu.memory_space<vmem>>
    tpu.enqueue_dma source(%dma_start3A_473 : memref<8x8x128xf32, #tpu.memory_space<vmem>>) target(%dma_start3A_468 : memref<8x8x128xf32, #tpu.memory_space<hbm>>) target_semaphore(%dma_start3A_463 : memref<!tpu.dma_semaphore, #tpu.memory_space<semaphore_mem>>)
    %dma_wait3A_474 = arith.constant 0 : i32
    %dma_wait3A_475 = arith.constant 3 : i32
    %dma_wait3A_476 = arith.constant 3 : i32
    %dma_wait3A_477 = arith.constant 0 : i32
    %dma_wait3A_478 = tpu.memref_slice %arg5[%dma_wait3A_475, %dma_wait3A_477] : memref<4x128xi32, #tpu.memory_space<vmem>> -> memref<1x128xi32, #tpu.memory_space<vmem>>
    %dma_wait3A_479 = tpu.memref_squeeze %dma_wait3A_478 : memref<1x128xi32, #tpu.memory_space<vmem>> -> memref<128xi32, #tpu.memory_space<vmem>>
    %dma_wait3A_480 = arith.constant 0 : i32
    %dma_wait3A_481 = tpu.memref_slice %arg2[%dma_wait3A_474, %dma_wait3A_480] : memref<50x16384xi32, #tpu.memory_space<hbm>> -> memref<1x128xi32, #tpu.memory_space<hbm>>
    %dma_wait3A_482 = tpu.memref_squeeze %dma_wait3A_481 : memref<1x128xi32, #tpu.memory_space<hbm>> -> memref<128xi32, #tpu.memory_space<hbm>>
    %dma_wait3A_483 = tpu.memref_slice %arg9[%dma_wait3A_476] : memref<4x!tpu.dma_semaphore, #tpu.memory_space<semaphore_mem>> -> memref<1x!tpu.dma_semaphore, #tpu.memory_space<semaphore_mem>>
    %dma_wait3A_484 = tpu.memref_squeeze %dma_wait3A_483 : memref<1x!tpu.dma_semaphore, #tpu.memory_space<semaphore_mem>> -> memref<!tpu.dma_semaphore, #tpu.memory_space<semaphore_mem>>
    %dma_wait3A_485 = arith.constant 0 : i32
    %dma_wait3A_486 = tpu.memref_slice %arg5[%dma_wait3A_475, %dma_wait3A_485] : memref<4x128xi32, #tpu.memory_space<vmem>> -> memref<1x128xi32, #tpu.memory_space<vmem>>
    %dma_wait3A_487 = tpu.memref_squeeze %dma_wait3A_486 : memref<1x128xi32, #tpu.memory_space<vmem>> -> memref<128xi32, #tpu.memory_space<vmem>>
    %dma_wait3A_488 = arith.constant 0 : i32
    %dma_wait3A_489 = tpu.memref_slice %arg2[%dma_wait3A_474, %dma_wait3A_488] : memref<50x16384xi32, #tpu.memory_space<hbm>> -> memref<1x128xi32, #tpu.memory_space<hbm>>
    %dma_wait3A_490 = tpu.memref_squeeze %dma_wait3A_489 : memref<1x128xi32, #tpu.memory_space<hbm>> -> memref<128xi32, #tpu.memory_space<hbm>>
    tpu.wait_dma2 semaphore(%dma_wait3A_484 : memref<!tpu.dma_semaphore, #tpu.memory_space<semaphore_mem>>) src(%dma_wait3A_490 : memref<128xi32, #tpu.memory_space<hbm>>) dst(%dma_wait3A_487 : memref<128xi32, #tpu.memory_space<vmem>>)
    %get3A_491 = arith.constant 3 : i32
    %get3A_492 = arith.index_cast %get3A_491 : i32 to index
    %get3A_493 = arith.constant 0 : index
    %get3A_494 = tpu.vector_load %arg5[%get3A_492, %get3A_493] {strides = array<i32>} : memref<4x128xi32, #tpu.memory_space<vmem>>, vector<16xi32>,
    %shift_right_arithmetic3A_495 = arith.constant 1 : i32
    %shift_right_arithmetic3A_496 = vector.broadcast %shift_right_arithmetic3A_495 : i32 to vector<16xi32>
    %shift_right_arithmetic3A_497 = arith.shrsi %get3A_494, %shift_right_arithmetic3A_496 : vector<16xi32>
    %swap3A_498 = arith.constant 3 : i32
    %swap3A_499 = arith.index_cast %swap3A_498 : i32 to index
    %swap3A_500 = arith.constant 0 : index
    %swap3A_501 = tpu.vector_load %arg6[%swap3A_499, %swap3A_500] {strides = array<i32>} : memref<4x128xi32, #tpu.memory_space<vmem>>, vector<16xi32>,
    tpu.vector_store %arg6[%swap3A_499, %swap3A_500], %shift_right_arithmetic3A_497 {strides = array<i32>} : memref<4x128xi32, #tpu.memory_space<vmem>>, vector<16xi32>,
    %get3A_502 = arith.constant 3 : i32
    %get3A_503 = arith.index_cast %get3A_502 : i32 to index
    %get3A_504 = arith.constant 16 : index
    %get3A_505 = tpu.vector_load %arg5[%get3A_503, %get3A_504] {strides = array<i32>} : memref<4x128xi32, #tpu.memory_space<vmem>>, vector<16xi32>,
    %shift_right_arithmetic3A_506 = arith.constant 1 : i32
    %shift_right_arithmetic3A_507 = vector.broadcast %shift_right_arithmetic3A_506 : i32 to vector<16xi32>
    %shift_right_arithmetic3A_508 = arith.shrsi %get3A_505, %shift_right_arithmetic3A_507 : vector<16xi32>
    %swap3A_509 = arith.constant 3 : i32
    %swap3A_510 = arith.index_cast %swap3A_509 : i32 to index
    %swap3A_511 = arith.constant 16 : index
    %swap3A_512 = tpu.vector_load %arg6[%swap3A_510, %swap3A_511] {strides = array<i32>} : memref<4x128xi32, #tpu.memory_space<vmem>>, vector<16xi32>,
    tpu.vector_store %arg6[%swap3A_510, %swap3A_511], %shift_right_arithmetic3A_508 {strides = array<i32>} : memref<4x128xi32, #tpu.memory_space<vmem>>, vector<16xi32>,
    %get3A_513 = arith.constant 3 : i32
    %get3A_514 = arith.index_cast %get3A_513 : i32 to index
    %get3A_515 = arith.constant 32 : index
    %get3A_516 = tpu.vector_load %arg5[%get3A_514, %get3A_515] {strides = array<i32>} : memref<4x128xi32, #tpu.memory_space<vmem>>, vector<16xi32>,
    %shift_right_arithmetic3A_517 = arith.constant 1 : i32
    %shift_right_arithmetic3A_518 = vector.broadcast %shift_right_arithmetic3A_517 : i32 to vector<16xi32>
    %shift_right_arithmetic3A_519 = arith.shrsi %get3A_516, %shift_right_arithmetic3A_518 : vector<16xi32>
    %swap3A_520 = arith.constant 3 : i32
    %swap3A_521 = arith.index_cast %swap3A_520 : i32 to index
    %swap3A_522 = arith.constant 32 : index
    %swap3A_523 = tpu.vector_load %arg6[%swap3A_521, %swap3A_522] {strides = array<i32>} : memref<4x128xi32, #tpu.memory_space<vmem>>, vector<16xi32>,
    tpu.vector_store %arg6[%swap3A_521, %swap3A_522], %shift_right_arithmetic3A_519 {strides = array<i32>} : memref<4x128xi32, #tpu.memory_space<vmem>>, vector<16xi32>,
    %get3A_524 = arith.constant 3 : i32
    %get3A_525 = arith.index_cast %get3A_524 : i32 to index
    %get3A_526 = arith.constant 48 : index
    %get3A_527 = tpu.vector_load %arg5[%get3A_525, %get3A_526] {strides = array<i32>} : memref<4x128xi32, #tpu.memory_space<vmem>>, vector<16xi32>,
    %shift_right_arithmetic3A_528 = arith.constant 1 : i32
    %shift_right_arithmetic3A_529 = vector.broadcast %shift_right_arithmetic3A_528 : i32 to vector<16xi32>
    %shift_right_arithmetic3A_530 = arith.shrsi %get3A_527, %shift_right_arithmetic3A_529 : vector<16xi32>
    %swap3A_531 = arith.constant 3 : i32
    %swap3A_532 = arith.index_cast %swap3A_531 : i32 to index
    %swap3A_533 = arith.constant 48 : index
    %swap3A_534 = tpu.vector_load %arg6[%swap3A_532, %swap3A_533] {strides = array<i32>} : memref<4x128xi32, #tpu.memory_space<vmem>>, vector<16xi32>,
    tpu.vector_store %arg6[%swap3A_532, %swap3A_533], %shift_right_arithmetic3A_530 {strides = array<i32>} : memref<4x128xi32, #tpu.memory_space<vmem>>, vector<16xi32>,
    %get3A_535 = arith.constant 3 : i32
    %get3A_536 = arith.index_cast %get3A_535 : i32 to index
    %get3A_537 = arith.constant 64 : index
    %get3A_538 = tpu.vector_load %arg5[%get3A_536, %get3A_537] {strides = array<i32>} : memref<4x128xi32, #tpu.memory_space<vmem>>, vector<16xi32>,
    %shift_right_arithmetic3A_539 = arith.constant 1 : i32
    %shift_right_arithmetic3A_540 = vector.broadcast %shift_right_arithmetic3A_539 : i32 to vector<16xi32>
    %shift_right_arithmetic3A_541 = arith.shrsi %get3A_538, %shift_right_arithmetic3A_540 : vector<16xi32>
    %swap3A_542 = arith.constant 3 : i32
    %swap3A_543 = arith.index_cast %swap3A_542 : i32 to index
    %swap3A_544 = arith.constant 64 : index
    %swap3A_545 = tpu.vector_load %arg6[%swap3A_543, %swap3A_544] {strides = array<i32>} : memref<4x128xi32, #tpu.memory_space<vmem>>, vector<16xi32>,
    tpu.vector_store %arg6[%swap3A_543, %swap3A_544], %shift_right_arithmetic3A_541 {strides = array<i32>} : memref<4x128xi32, #tpu.memory_space<vmem>>, vector<16xi32>,
    %get3A_546 = arith.constant 3 : i32
    %get3A_547 = arith.index_cast %get3A_546 : i32 to index
    %get3A_548 = arith.constant 80 : index
    %get3A_549 = tpu.vector_load %arg5[%get3A_547, %get3A_548] {strides = array<i32>} : memref<4x128xi32, #tpu.memory_space<vmem>>, vector<16xi32>,
    %shift_right_arithmetic3A_550 = arith.constant 1 : i32
    %shift_right_arithmetic3A_551 = vector.broadcast %shift_right_arithmetic3A_550 : i32 to vector<16xi32>
    %shift_right_arithmetic3A_552 = arith.shrsi %get3A_549, %shift_right_arithmetic3A_551 : vector<16xi32>
    %swap3A_553 = arith.constant 3 : i32
    %swap3A_554 = arith.index_cast %swap3A_553 : i32 to index
    %swap3A_555 = arith.constant 80 : index
    %swap3A_556 = tpu.vector_load %arg6[%swap3A_554, %swap3A_555] {strides = array<i32>} : memref<4x128xi32, #tpu.memory_space<vmem>>, vector<16xi32>,
    tpu.vector_store %arg6[%swap3A_554, %swap3A_555], %shift_right_arithmetic3A_552 {strides = array<i32>} : memref<4x128xi32, #tpu.memory_space<vmem>>, vector<16xi32>,
    %get3A_557 = arith.constant 3 : i32
    %get3A_558 = arith.index_cast %get3A_557 : i32 to index
    %get3A_559 = arith.constant 96 : index
    %get3A_560 = tpu.vector_load %arg5[%get3A_558, %get3A_559] {strides = array<i32>} : memref<4x128xi32, #tpu.memory_space<vmem>>, vector<16xi32>,
    %shift_right_arithmetic3A_561 = arith.constant 1 : i32
    %shift_right_arithmetic3A_562 = vector.broadcast %shift_right_arithmetic3A_561 : i32 to vector<16xi32>
    %shift_right_arithmetic3A_563 = arith.shrsi %get3A_560, %shift_right_arithmetic3A_562 : vector<16xi32>
    %swap3A_564 = arith.constant 3 : i32
    %swap3A_565 = arith.index_cast %swap3A_564 : i32 to index
    %swap3A_566 = arith.constant 96 : index
    %swap3A_567 = tpu.vector_load %arg6[%swap3A_565, %swap3A_566] {strides = array<i32>} : memref<4x128xi32, #tpu.memory_space<vmem>>, vector<16xi32>,
    tpu.vector_store %arg6[%swap3A_565, %swap3A_566], %shift_right_arithmetic3A_563 {strides = array<i32>} : memref<4x128xi32, #tpu.memory_space<vmem>>, vector<16xi32>,
    %get3A_568 = arith.constant 3 : i32
    %get3A_569 = arith.index_cast %get3A_568 : i32 to index
    %get3A_570 = arith.constant 112 : index
    %get3A_571 = tpu.vector_load %arg5[%get3A_569, %get3A_570] {strides = array<i32>} : memref<4x128xi32, #tpu.memory_space<vmem>>, vector<16xi32>,
    %shift_right_arithmetic3A_572 = arith.constant 1 : i32
    %shift_right_arithmetic3A_573 = vector.broadcast %shift_right_arithmetic3A_572 : i32 to vector<16xi32>
    %shift_right_arithmetic3A_574 = arith.shrsi %get3A_571, %shift_right_arithmetic3A_573 : vector<16xi32>
    %swap3A_575 = arith.constant 3 : i32
    %swap3A_576 = arith.index_cast %swap3A_575 : i32 to index
    %swap3A_577 = arith.constant 112 : index
    %swap3A_578 = tpu.vector_load %arg6[%swap3A_576, %swap3A_577] {strides = array<i32>} : memref<4x128xi32, #tpu.memory_space<vmem>>, vector<16xi32>,
    tpu.vector_store %arg6[%swap3A_576, %swap3A_577], %shift_right_arithmetic3A_574 {strides = array<i32>} : memref<4x128xi32, #tpu.memory_space<vmem>>, vector<16xi32>,
    %dma_start3A_579 = arith.constant 3 : i32
    %dma_start3A_580 = arith.constant 3 : i32
    %dma_start3A_581 = arith.constant 384 : i32
    %dma_start3A_582 = arith.constant 0 : i32
    %dma_start3A_583 = tpu.memref_slice %arg7[%dma_start3A_581, %dma_start3A_582] : memref<512x128xf32, #tpu.memory_space<vmem>> -> memref<128x128xf32, #tpu.memory_space<vmem>>
    %dma_start3A_584 = arith.constant 0 : i32
    %dma_start3A_585 = tpu.memref_slice %arg6[%dma_start3A_579, %dma_start3A_584] : memref<4x128xi32, #tpu.memory_space<vmem>> -> memref<1x128xi32, #tpu.memory_space<vmem>>
    %dma_start3A_586 = tpu.memref_squeeze %dma_start3A_585 : memref<1x128xi32, #tpu.memory_space<vmem>> -> memref<128xi32, #tpu.memory_space<vmem>>
    %dma_start3A_587 = arith.constant 0 : i32
    %dma_start3A_588 = arith.constant 0 : i32
    %dma_start3A_589 = tpu.memref_slice %arg3[%dma_start3A_587, %dma_start3A_588] : memref<500000x128xf32, #tpu.memory_space<hbm>> -> memref<500000x128xf32, #tpu.memory_space<hbm>>
    %dma_start3A_590 = tpu.memref_slice %arg10[%dma_start3A_580] : memref<4x!tpu.dma_semaphore, #tpu.memory_space<semaphore_mem>> -> memref<1x!tpu.dma_semaphore, #tpu.memory_space<semaphore_mem>>
    %dma_start3A_591 = tpu.memref_squeeze %dma_start3A_590 : memref<1x!tpu.dma_semaphore, #tpu.memory_space<semaphore_mem>> -> memref<!tpu.dma_semaphore, #tpu.memory_space<semaphore_mem>>
    tpu.enqueue_indirect_dma source(%dma_start3A_589 : memref<500000x128xf32, #tpu.memory_space<hbm>>) target(%dma_start3A_583 : memref<128x128xf32, #tpu.memory_space<vmem>>) offsets(%dma_start3A_586 : memref<128xi32, #tpu.memory_space<vmem>>) semaphore(%dma_start3A_591 : memref<!tpu.dma_semaphore, #tpu.memory_space<semaphore_mem>>)
    %add3A_592 = arith.constant 0 : i32
    %add3A_593 = arith.addi %mul3A_2, %add3A_592 : i32
    %mul3A_594 = arith.constant 128 : i32
    %mul3A_595 = arith.muli %add3A_593, %mul3A_594 : i32
    %dma_start3A_596 = arith.constant 1 : i32
    %dma_start3A_597 = arith.constant 0 : i32
    %dma_start3A_598 = arith.constant 0 : i32
    %dma_start3A_599 = arith.constant 0 : i32
    %dma_start3A_600 = tpu.memref_slice %arg5[%dma_start3A_597, %dma_start3A_599] : memref<4x128xi32, #tpu.memory_space<vmem>> -> memref<1x128xi32, #tpu.memory_space<vmem>>
    %dma_start3A_601 = tpu.memref_squeeze %dma_start3A_600 : memref<1x128xi32, #tpu.memory_space<vmem>> -> memref<128xi32, #tpu.memory_space<vmem>>
    %dma_start3A_602 = tpu.memref_slice %arg2[%dma_start3A_596, %mul3A_595] : memref<50x16384xi32, #tpu.memory_space<hbm>> -> memref<1x128xi32, #tpu.memory_space<hbm>>
    %dma_start3A_603 = tpu.memref_squeeze %dma_start3A_602 : memref<1x128xi32, #tpu.memory_space<hbm>> -> memref<128xi32, #tpu.memory_space<hbm>>
    %dma_start3A_604 = tpu.memref_slice %arg9[%dma_start3A_598] : memref<4x!tpu.dma_semaphore, #tpu.memory_space<semaphore_mem>> -> memref<1x!tpu.dma_semaphore, #tpu.memory_space<semaphore_mem>>
    %dma_start3A_605 = tpu.memref_squeeze %dma_start3A_604 : memref<1x!tpu.dma_semaphore, #tpu.memory_space<semaphore_mem>> -> memref<!tpu.dma_semaphore, #tpu.memory_space<semaphore_mem>>
    %dma_start3A_606 = arith.constant 0 : i32
    %dma_start3A_607 = tpu.memref_slice %arg5[%dma_start3A_597, %dma_start3A_606] : memref<4x128xi32, #tpu.memory_space<vmem>> -> memref<1x128xi32, #tpu.memory_space<vmem>>
    %dma_start3A_608 = tpu.memref_squeeze %dma_start3A_607 : memref<1x128xi32, #tpu.memory_space<vmem>> -> memref<128xi32, #tpu.memory_space<vmem>>
    %dma_start3A_609 = tpu.memref_slice %arg2[%dma_start3A_596, %mul3A_595] : memref<50x16384xi32, #tpu.memory_space<hbm>> -> memref<1x128xi32, #tpu.memory_space<hbm>>
    %dma_start3A_610 = tpu.memref_squeeze %dma_start3A_609 : memref<1x128xi32, #tpu.memory_space<hbm>> -> memref<128xi32, #tpu.memory_space<hbm>>
    tpu.enqueue_dma source(%dma_start3A_610 : memref<128xi32, #tpu.memory_space<hbm>>) target(%dma_start3A_608 : memref<128xi32, #tpu.memory_space<vmem>>) target_semaphore(%dma_start3A_605 : memref<!tpu.dma_semaphore, #tpu.memory_space<semaphore_mem>>)
    %dma_wait3A_611 = arith.constant 1 : i32
    %dma_wait3A_612 = arith.constant 128 : i32
    %dma_wait3A_613 = arith.constant 0 : i32
    %dma_wait3A_614 = tpu.memref_slice %arg7[%dma_wait3A_612, %dma_wait3A_613] : memref<512x128xf32, #tpu.memory_space<vmem>> -> memref<128x128xf32, #tpu.memory_space<vmem>>
    %dma_wait3A_615 = arith.constant 0 : i32
    %dma_wait3A_616 = arith.constant 0 : i32
    %dma_wait3A_617 = tpu.memref_slice %arg3[%dma_wait3A_615, %dma_wait3A_616] : memref<500000x128xf32, #tpu.memory_space<hbm>> -> memref<128x128xf32, #tpu.memory_space<hbm>>
    %dma_wait3A_618 = tpu.memref_slice %arg10[%dma_wait3A_611] : memref<4x!tpu.dma_semaphore, #tpu.memory_space<semaphore_mem>> -> memref<1x!tpu.dma_semaphore, #tpu.memory_space<semaphore_mem>>
    %dma_wait3A_619 = tpu.memref_squeeze %dma_wait3A_618 : memref<1x!tpu.dma_semaphore, #tpu.memory_space<semaphore_mem>> -> memref<!tpu.dma_semaphore, #tpu.memory_space<semaphore_mem>>
    %dma_wait3A_620 = arith.constant 128 : i32
    %dma_wait3A_621 = arith.constant 0 : i32
    %dma_wait3A_622 = tpu.memref_slice %arg7[%dma_wait3A_620, %dma_wait3A_621] : memref<512x128xf32, #tpu.memory_space<vmem>> -> memref<128x128xf32, #tpu.memory_space<vmem>>
    %dma_wait3A_623 = arith.constant 0 : i32
    %dma_wait3A_624 = arith.constant 0 : i32
    %dma_wait3A_625 = tpu.memref_slice %arg3[%dma_wait3A_623, %dma_wait3A_624] : memref<500000x128xf32, #tpu.memory_space<hbm>> -> memref<128x128xf32, #tpu.memory_space<hbm>>
    tpu.wait_dma2 semaphore(%dma_wait3A_619 : memref<!tpu.dma_semaphore, #tpu.memory_space<semaphore_mem>>) src(%dma_wait3A_625 : memref<128x128xf32, #tpu.memory_space<hbm>>) dst(%dma_wait3A_622 : memref<128x128xf32, #tpu.memory_space<vmem>>)
    %scan3A_626 = arith.constant 0 : i32
    %scan3A_627 = arith.constant 8 : i32
    %scan3A_628 = arith.addi %scan3A_626, %scan3A_627 : i32
    %scan3A_629 = arith.constant 1 : i32
    scf.for %scan3A_1682 = %scan3A_626 to %scan3A_628 step %scan3A_629  : i32 {
      %mul3A_1683 = arith.constant 16 : i32
      %mul3A_1684 = arith.muli %scan3A_1682, %mul3A_1683 : i32
      %add3A_1685 = arith.constant 128 : i32
      %add3A_1686 = arith.addi %add3A_1685, %mul3A_1684 : i32
      %add3A_1687 = vector.broadcast %add3A_1686 : i32 to vector<16xi32>
      %add3A_1688 = arith.addi %iota3A, %add3A_1687 : vector<16xi32>
      %get3A_1689 = arith.constant 1 : i32
      %get3A_1690 = arith.index_cast %get3A_1689 : i32 to index
      %get3A_1691 = arith.index_cast %mul3A_1684 : i32 to index
      %get3A_1692 = tpu.vector_load %arg5[%get3A_1690, %get3A_1691] {strides = array<i32>} : memref<4x128xi32, #tpu.memory_space<vmem>>, vector<16xi32>,
      %and3A = arith.constant 1 : i32
      %and3A_1693 = vector.broadcast %and3A : i32 to vector<16xi32>
      %and3A_1694 = arith.andi %get3A_1692, %and3A_1693 : vector<16xi32>
      %mul3A_1695 = arith.constant 64 : i32
      %mul3A_1696 = vector.broadcast %mul3A_1695 : i32 to vector<16xi32>
      %mul3A_1697 = arith.muli %and3A_1694, %mul3A_1696 : vector<16xi32>
      %parallel_loop3A = arith.constant 0 : i32
      %parallel_loop3A_1698 = arith.constant 64 : i32
      %parallel_loop3A_1699 = arith.constant 1 : i32
      scf.for %parallel_loop3A_1700 = %parallel_loop3A to %parallel_loop3A_1698 step %parallel_loop3A_1699  : i32 {
        %parallel_loop3A_1701 = vector.broadcast %parallel_loop3A_1700 : i32 to vector<16xi32>
        %parallel_loop3A_1702 = arith.addi %mul3A_1697, %parallel_loop3A_1701 : vector<16xi32>
        %parallel_loop3A_1703 = tpu.vector_load_idx %arg7[%add3A_1688, %parallel_loop3A_1702] : memref<512x128xf32, #tpu.memory_space<vmem>>[vector<16xi32>, vector<16xi32>], vector<16xf32>,
        %parallel_loop3A_1704 = arith.constant 8.000000e+00 : f32
        %parallel_loop3A_1705 = vector.broadcast %parallel_loop3A_1704 : f32 to vector<16xf32>
        %parallel_loop3A_1706 = arith.mulf %parallel_loop3A_1703, %parallel_loop3A_1705 : vector<16xf32>
        %parallel_loop3A_1707 = arith.constant 3 : i32
        %parallel_loop3A_1708 = arith.shrsi %parallel_loop3A_1700, %parallel_loop3A_1707 : i32
        %parallel_loop3A_1709 = arith.constant 7 : i32
        %parallel_loop3A_1710 = arith.andi %parallel_loop3A_1700, %parallel_loop3A_1709 : i32
        %parallel_loop3A_1711 = arith.constant 1 : i32
        %parallel_loop3A_1712 = arith.index_cast %parallel_loop3A_1711 : i32 to index
        %parallel_loop3A_1713 = arith.index_cast %parallel_loop3A_1708 : i32 to index
        %parallel_loop3A_1714 = arith.index_cast %parallel_loop3A_1710 : i32 to index
        %parallel_loop3A_1715 = arith.index_cast %mul3A_1684 : i32 to index
        %parallel_loop3A_1716 = tpu.vector_load %arg8[%parallel_loop3A_1712, %parallel_loop3A_1713, %parallel_loop3A_1714, %parallel_loop3A_1715] {strides = array<i32>} : memref<2x8x8x128xf32, #tpu.memory_space<vmem>>, vector<16xf32>,
        tpu.vector_store %arg8[%parallel_loop3A_1712, %parallel_loop3A_1713, %parallel_loop3A_1714, %parallel_loop3A_1715], %parallel_loop3A_1706 {strides = array<i32>} : memref<2x8x8x128xf32, #tpu.memory_space<vmem>>, vector<16xf32>,
      } {sc.loop_unroll_factor = 16 : i64, sc.parallel_access}
    }
    %scan3A_630 = arith.constant 8 : i32
    %add3A_631 = arith.constant 1 : i32
    %add3A_632 = arith.addi %mul3A_2, %add3A_631 : i32
    %dma_start3A_633 = arith.constant 1 : i32
    %dma_start3A_634 = arith.constant 0 : i32
    %dma_start3A_635 = arith.constant 1 : i32
    %dma_start3A_636 = arith.constant 0 : i32
    %dma_start3A_637 = arith.constant 0 : i32
    %dma_start3A_638 = arith.constant 0 : i32
    %dma_start3A_639 = tpu.memref_slice %arg8[%dma_start3A_633, %dma_start3A_636, %dma_start3A_637, %dma_start3A_638] : memref<2x8x8x128xf32, #tpu.memory_space<vmem>> -> memref<1x8x8x128xf32, #tpu.memory_space<vmem>>
    %dma_start3A_640 = tpu.memref_squeeze %dma_start3A_639 : memref<1x8x8x128xf32, #tpu.memory_space<vmem>> -> memref<8x8x128xf32, #tpu.memory_space<vmem>>
    %dma_start3A_641 = arith.constant 0 : i32
    %dma_start3A_642 = arith.constant 0 : i32
    %dma_start3A_643 = arith.constant 0 : i32
    %dma_start3A_644 = tpu.memref_slice %arg4[%dma_start3A_634, %dma_start3A_641, %add3A_632, %dma_start3A_642, %dma_start3A_643] : memref<50x8x128x8x128xf32, #tpu.memory_space<hbm>> -> memref<1x8x1x8x128xf32, #tpu.memory_space<hbm>>
    %dma_start3A_645 = tpu.memref_squeeze %dma_start3A_644 : memref<1x8x1x8x128xf32, #tpu.memory_space<hbm>> -> memref<8x8x128xf32, #tpu.memory_space<hbm>>
    %dma_start3A_646 = tpu.memref_slice %arg11[%dma_start3A_635] : memref<2x!tpu.dma_semaphore, #tpu.memory_space<semaphore_mem>> -> memref<1x!tpu.dma_semaphore, #tpu.memory_space<semaphore_mem>>
    %dma_start3A_647 = tpu.memref_squeeze %dma_start3A_646 : memref<1x!tpu.dma_semaphore, #tpu.memory_space<semaphore_mem>> -> memref<!tpu.dma_semaphore, #tpu.memory_space<semaphore_mem>>
    %dma_start3A_648 = arith.constant 0 : i32
    %dma_start3A_649 = arith.constant 0 : i32
    %dma_start3A_650 = arith.constant 0 : i32
    %dma_start3A_651 = tpu.memref_slice %arg4[%dma_start3A_634, %dma_start3A_648, %add3A_632, %dma_start3A_649, %dma_start3A_650] : memref<50x8x128x8x128xf32, #tpu.memory_space<hbm>> -> memref<1x8x1x8x128xf32, #tpu.memory_space<hbm>>
    %dma_start3A_652 = tpu.memref_squeeze %dma_start3A_651 : memref<1x8x1x8x128xf32, #tpu.memory_space<hbm>> -> memref<8x8x128xf32, #tpu.memory_space<hbm>>
    %dma_start3A_653 = arith.constant 0 : i32
    %dma_start3A_654 = arith.constant 0 : i32
    %dma_start3A_655 = arith.constant 0 : i32
    %dma_start3A_656 = tpu.memref_slice %arg8[%dma_start3A_633, %dma_start3A_653, %dma_start3A_654, %dma_start3A_655] : memref<2x8x8x128xf32, #tpu.memory_space<vmem>> -> memref<1x8x8x128xf32, #tpu.memory_space<vmem>>
    %dma_start3A_657 = tpu.memref_squeeze %dma_start3A_656 : memref<1x8x8x128xf32, #tpu.memory_space<vmem>> -> memref<8x8x128xf32, #tpu.memory_space<vmem>>
    tpu.enqueue_dma source(%dma_start3A_657 : memref<8x8x128xf32, #tpu.memory_space<vmem>>) target(%dma_start3A_652 : memref<8x8x128xf32, #tpu.memory_space<hbm>>) target_semaphore(%dma_start3A_647 : memref<!tpu.dma_semaphore, #tpu.memory_space<semaphore_mem>>)
    %dma_wait3A_658 = arith.constant 0 : i32
    %dma_wait3A_659 = arith.constant 0 : i32
    %dma_wait3A_660 = arith.constant 0 : i32
    %dma_wait3A_661 = arith.constant 0 : i32
    %dma_wait3A_662 = tpu.memref_slice %arg5[%dma_wait3A_659, %dma_wait3A_661] : memref<4x128xi32, #tpu.memory_space<vmem>> -> memref<1x128xi32, #tpu.memory_space<vmem>>
    %dma_wait3A_663 = tpu.memref_squeeze %dma_wait3A_662 : memref<1x128xi32, #tpu.memory_space<vmem>> -> memref<128xi32, #tpu.memory_space<vmem>>
    %dma_wait3A_664 = arith.constant 0 : i32
    %dma_wait3A_665 = tpu.memref_slice %arg2[%dma_wait3A_658, %dma_wait3A_664] : memref<50x16384xi32, #tpu.memory_space<hbm>> -> memref<1x128xi32, #tpu.memory_space<hbm>>
    %dma_wait3A_666 = tpu.memref_squeeze %dma_wait3A_665 : memref<1x128xi32, #tpu.memory_space<hbm>> -> memref<128xi32, #tpu.memory_space<hbm>>
    %dma_wait3A_667 = tpu.memref_slice %arg9[%dma_wait3A_660] : memref<4x!tpu.dma_semaphore, #tpu.memory_space<semaphore_mem>> -> memref<1x!tpu.dma_semaphore, #tpu.memory_space<semaphore_mem>>
    %dma_wait3A_668 = tpu.memref_squeeze %dma_wait3A_667 : memref<1x!tpu.dma_semaphore, #tpu.memory_space<semaphore_mem>> -> memref<!tpu.dma_semaphore, #tpu.memory_space<semaphore_mem>>
    %dma_wait3A_669 = arith.constant 0 : i32
    %dma_wait3A_670 = tpu.memref_slice %arg5[%dma_wait3A_659, %dma_wait3A_669] : memref<4x128xi32, #tpu.memory_space<vmem>> -> memref<1x128xi32, #tpu.memory_space<vmem>>
    %dma_wait3A_671 = tpu.memref_squeeze %dma_wait3A_670 : memref<1x128xi32, #tpu.memory_space<vmem>> -> memref<128xi32, #tpu.memory_space<vmem>>
    %dma_wait3A_672 = arith.constant 0 : i32
    %dma_wait3A_673 = tpu.memref_slice %arg2[%dma_wait3A_658, %dma_wait3A_672] : memref<50x16384xi32, #tpu.memory_space<hbm>> -> memref<1x128xi32, #tpu.memory_space<hbm>>
    %dma_wait3A_674 = tpu.memref_squeeze %dma_wait3A_673 : memref<1x128xi32, #tpu.memory_space<hbm>> -> memref<128xi32, #tpu.memory_space<hbm>>
    tpu.wait_dma2 semaphore(%dma_wait3A_668 : memref<!tpu.dma_semaphore, #tpu.memory_space<semaphore_mem>>) src(%dma_wait3A_674 : memref<128xi32, #tpu.memory_space<hbm>>) dst(%dma_wait3A_671 : memref<128xi32, #tpu.memory_space<vmem>>)
    %get3A_675 = arith.constant 0 : i32
    %get3A_676 = arith.index_cast %get3A_675 : i32 to index
    %get3A_677 = arith.constant 0 : index
    %get3A_678 = tpu.vector_load %arg5[%get3A_676, %get3A_677] {strides = array<i32>} : memref<4x128xi32, #tpu.memory_space<vmem>>, vector<16xi32>,
    %shift_right_arithmetic3A_679 = arith.constant 1 : i32
    %shift_right_arithmetic3A_680 = vector.broadcast %shift_right_arithmetic3A_679 : i32 to vector<16xi32>
    %shift_right_arithmetic3A_681 = arith.shrsi %get3A_678, %shift_right_arithmetic3A_680 : vector<16xi32>
    %swap3A_682 = arith.constant 0 : i32
    %swap3A_683 = arith.index_cast %swap3A_682 : i32 to index
    %swap3A_684 = arith.constant 0 : index
    %swap3A_685 = tpu.vector_load %arg6[%swap3A_683, %swap3A_684] {strides = array<i32>} : memref<4x128xi32, #tpu.memory_space<vmem>>, vector<16xi32>,
    tpu.vector_store %arg6[%swap3A_683, %swap3A_684], %shift_right_arithmetic3A_681 {strides = array<i32>} : memref<4x128xi32, #tpu.memory_space<vmem>>, vector<16xi32>,
    %get3A_686 = arith.constant 0 : i32
    %get3A_687 = arith.index_cast %get3A_686 : i32 to index
    %get3A_688 = arith.constant 16 : index
    %get3A_689 = tpu.vector_load %arg5[%get3A_687, %get3A_688] {strides = array<i32>} : memref<4x128xi32, #tpu.memory_space<vmem>>, vector<16xi32>,
    %shift_right_arithmetic3A_690 = arith.constant 1 : i32
    %shift_right_arithmetic3A_691 = vector.broadcast %shift_right_arithmetic3A_690 : i32 to vector<16xi32>
    %shift_right_arithmetic3A_692 = arith.shrsi %get3A_689, %shift_right_arithmetic3A_691 : vector<16xi32>
    %swap3A_693 = arith.constant 0 : i32
    %swap3A_694 = arith.index_cast %swap3A_693 : i32 to index
    %swap3A_695 = arith.constant 16 : index
    %swap3A_696 = tpu.vector_load %arg6[%swap3A_694, %swap3A_695] {strides = array<i32>} : memref<4x128xi32, #tpu.memory_space<vmem>>, vector<16xi32>,
    tpu.vector_store %arg6[%swap3A_694, %swap3A_695], %shift_right_arithmetic3A_692 {strides = array<i32>} : memref<4x128xi32, #tpu.memory_space<vmem>>, vector<16xi32>,
    %get3A_697 = arith.constant 0 : i32
    %get3A_698 = arith.index_cast %get3A_697 : i32 to index
    %get3A_699 = arith.constant 32 : index
    %get3A_700 = tpu.vector_load %arg5[%get3A_698, %get3A_699] {strides = array<i32>} : memref<4x128xi32, #tpu.memory_space<vmem>>, vector<16xi32>,
    %shift_right_arithmetic3A_701 = arith.constant 1 : i32
    %shift_right_arithmetic3A_702 = vector.broadcast %shift_right_arithmetic3A_701 : i32 to vector<16xi32>
    %shift_right_arithmetic3A_703 = arith.shrsi %get3A_700, %shift_right_arithmetic3A_702 : vector<16xi32>
    %swap3A_704 = arith.constant 0 : i32
    %swap3A_705 = arith.index_cast %swap3A_704 : i32 to index
    %swap3A_706 = arith.constant 32 : index
    %swap3A_707 = tpu.vector_load %arg6[%swap3A_705, %swap3A_706] {strides = array<i32>} : memref<4x128xi32, #tpu.memory_space<vmem>>, vector<16xi32>,
    tpu.vector_store %arg6[%swap3A_705, %swap3A_706], %shift_right_arithmetic3A_703 {strides = array<i32>} : memref<4x128xi32, #tpu.memory_space<vmem>>, vector<16xi32>,
    %get3A_708 = arith.constant 0 : i32
    %get3A_709 = arith.index_cast %get3A_708 : i32 to index
    %get3A_710 = arith.constant 48 : index
    %get3A_711 = tpu.vector_load %arg5[%get3A_709, %get3A_710] {strides = array<i32>} : memref<4x128xi32, #tpu.memory_space<vmem>>, vector<16xi32>,
    %shift_right_arithmetic3A_712 = arith.constant 1 : i32
    %shift_right_arithmetic3A_713 = vector.broadcast %shift_right_arithmetic3A_712 : i32 to vector<16xi32>
    %shift_right_arithmetic3A_714 = arith.shrsi %get3A_711, %shift_right_arithmetic3A_713 : vector<16xi32>
    %swap3A_715 = arith.constant 0 : i32
    %swap3A_716 = arith.index_cast %swap3A_715 : i32 to index
    %swap3A_717 = arith.constant 48 : index
    %swap3A_718 = tpu.vector_load %arg6[%swap3A_716, %swap3A_717] {strides = array<i32>} : memref<4x128xi32, #tpu.memory_space<vmem>>, vector<16xi32>,
    tpu.vector_store %arg6[%swap3A_716, %swap3A_717], %shift_right_arithmetic3A_714 {strides = array<i32>} : memref<4x128xi32, #tpu.memory_space<vmem>>, vector<16xi32>,
    %get3A_719 = arith.constant 0 : i32
    %get3A_720 = arith.index_cast %get3A_719 : i32 to index
    %get3A_721 = arith.constant 64 : index
    %get3A_722 = tpu.vector_load %arg5[%get3A_720, %get3A_721] {strides = array<i32>} : memref<4x128xi32, #tpu.memory_space<vmem>>, vector<16xi32>,
    %shift_right_arithmetic3A_723 = arith.constant 1 : i32
    %shift_right_arithmetic3A_724 = vector.broadcast %shift_right_arithmetic3A_723 : i32 to vector<16xi32>
    %shift_right_arithmetic3A_725 = arith.shrsi %get3A_722, %shift_right_arithmetic3A_724 : vector<16xi32>
    %swap3A_726 = arith.constant 0 : i32
    %swap3A_727 = arith.index_cast %swap3A_726 : i32 to index
    %swap3A_728 = arith.constant 64 : index
    %swap3A_729 = tpu.vector_load %arg6[%swap3A_727, %swap3A_728] {strides = array<i32>} : memref<4x128xi32, #tpu.memory_space<vmem>>, vector<16xi32>,
    tpu.vector_store %arg6[%swap3A_727, %swap3A_728], %shift_right_arithmetic3A_725 {strides = array<i32>} : memref<4x128xi32, #tpu.memory_space<vmem>>, vector<16xi32>,
    %get3A_730 = arith.constant 0 : i32
    %get3A_731 = arith.index_cast %get3A_730 : i32 to index
    %get3A_732 = arith.constant 80 : index
    %get3A_733 = tpu.vector_load %arg5[%get3A_731, %get3A_732] {strides = array<i32>} : memref<4x128xi32, #tpu.memory_space<vmem>>, vector<16xi32>,
    %shift_right_arithmetic3A_734 = arith.constant 1 : i32
    %shift_right_arithmetic3A_735 = vector.broadcast %shift_right_arithmetic3A_734 : i32 to vector<16xi32>
    %shift_right_arithmetic3A_736 = arith.shrsi %get3A_733, %shift_right_arithmetic3A_735 : vector<16xi32>
    %swap3A_737 = arith.constant 0 : i32
    %swap3A_738 = arith.index_cast %swap3A_737 : i32 to index
    %swap3A_739 = arith.constant 80 : index
    %swap3A_740 = tpu.vector_load %arg6[%swap3A_738, %swap3A_739] {strides = array<i32>} : memref<4x128xi32, #tpu.memory_space<vmem>>, vector<16xi32>,
    tpu.vector_store %arg6[%swap3A_738, %swap3A_739], %shift_right_arithmetic3A_736 {strides = array<i32>} : memref<4x128xi32, #tpu.memory_space<vmem>>, vector<16xi32>,
    %get3A_741 = arith.constant 0 : i32
    %get3A_742 = arith.index_cast %get3A_741 : i32 to index
    %get3A_743 = arith.constant 96 : index
    %get3A_744 = tpu.vector_load %arg5[%get3A_742, %get3A_743] {strides = array<i32>} : memref<4x128xi32, #tpu.memory_space<vmem>>, vector<16xi32>,
    %shift_right_arithmetic3A_745 = arith.constant 1 : i32
    %shift_right_arithmetic3A_746 = vector.broadcast %shift_right_arithmetic3A_745 : i32 to vector<16xi32>
    %shift_right_arithmetic3A_747 = arith.shrsi %get3A_744, %shift_right_arithmetic3A_746 : vector<16xi32>
    %swap3A_748 = arith.constant 0 : i32
    %swap3A_749 = arith.index_cast %swap3A_748 : i32 to index
    %swap3A_750 = arith.constant 96 : index
    %swap3A_751 = tpu.vector_load %arg6[%swap3A_749, %swap3A_750] {strides = array<i32>} : memref<4x128xi32, #tpu.memory_space<vmem>>, vector<16xi32>,
    tpu.vector_store %arg6[%swap3A_749, %swap3A_750], %shift_right_arithmetic3A_747 {strides = array<i32>} : memref<4x128xi32, #tpu.memory_space<vmem>>, vector<16xi32>,
    %get3A_752 = arith.constant 0 : i32
    %get3A_753 = arith.index_cast %get3A_752 : i32 to index
    %get3A_754 = arith.constant 112 : index
    %get3A_755 = tpu.vector_load %arg5[%get3A_753, %get3A_754] {strides = array<i32>} : memref<4x128xi32, #tpu.memory_space<vmem>>, vector<16xi32>,
    %shift_right_arithmetic3A_756 = arith.constant 1 : i32
    %shift_right_arithmetic3A_757 = vector.broadcast %shift_right_arithmetic3A_756 : i32 to vector<16xi32>
    %shift_right_arithmetic3A_758 = arith.shrsi %get3A_755, %shift_right_arithmetic3A_757 : vector<16xi32>
    %swap3A_759 = arith.constant 0 : i32
    %swap3A_760 = arith.index_cast %swap3A_759 : i32 to index
    %swap3A_761 = arith.constant 112 : index
    %swap3A_762 = tpu.vector_load %arg6[%swap3A_760, %swap3A_761] {strides = array<i32>} : memref<4x128xi32, #tpu.memory_space<vmem>>, vector<16xi32>,
    tpu.vector_store %arg6[%swap3A_760, %swap3A_761], %shift_right_arithmetic3A_758 {strides = array<i32>} : memref<4x128xi32, #tpu.memory_space<vmem>>, vector<16xi32>,
    %dma_start3A_763 = arith.constant 0 : i32
    %dma_start3A_764 = arith.constant 0 : i32
    %dma_start3A_765 = arith.constant 0 : i32
    %dma_start3A_766 = arith.constant 0 : i32
    %dma_start3A_767 = tpu.memref_slice %arg7[%dma_start3A_765, %dma_start3A_766] : memref<512x128xf32, #tpu.memory_space<vmem>> -> memref<128x128xf32, #tpu.memory_space<vmem>>
    %dma_start3A_768 = arith.constant 0 : i32
    %dma_start3A_769 = tpu.memref_slice %arg6[%dma_start3A_763, %dma_start3A_768] : memref<4x128xi32, #tpu.memory_space<vmem>> -> memref<1x128xi32, #tpu.memory_space<vmem>>
    %dma_start3A_770 = tpu.memref_squeeze %dma_start3A_769 : memref<1x128xi32, #tpu.memory_space<vmem>> -> memref<128xi32, #tpu.memory_space<vmem>>
    %dma_start3A_771 = arith.constant 0 : i32
    %dma_start3A_772 = arith.constant 0 : i32
    %dma_start3A_773 = tpu.memref_slice %arg3[%dma_start3A_771, %dma_start3A_772] : memref<500000x128xf32, #tpu.memory_space<hbm>> -> memref<500000x128xf32, #tpu.memory_space<hbm>>
    %dma_start3A_774 = tpu.memref_slice %arg10[%dma_start3A_764] : memref<4x!tpu.dma_semaphore, #tpu.memory_space<semaphore_mem>> -> memref<1x!tpu.dma_semaphore, #tpu.memory_space<semaphore_mem>>
    %dma_start3A_775 = tpu.memref_squeeze %dma_start3A_774 : memref<1x!tpu.dma_semaphore, #tpu.memory_space<semaphore_mem>> -> memref<!tpu.dma_semaphore, #tpu.memory_space<semaphore_mem>>
    tpu.enqueue_indirect_dma source(%dma_start3A_773 : memref<500000x128xf32, #tpu.memory_space<hbm>>) target(%dma_start3A_767 : memref<128x128xf32, #tpu.memory_space<vmem>>) offsets(%dma_start3A_770 : memref<128xi32, #tpu.memory_space<vmem>>) semaphore(%dma_start3A_775 : memref<!tpu.dma_semaphore, #tpu.memory_space<semaphore_mem>>)
    %add3A_776 = arith.constant 1 : i32
    %add3A_777 = arith.addi %mul3A_2, %add3A_776 : i32
    %mul3A_778 = arith.constant 128 : i32
    %mul3A_779 = arith.muli %add3A_777, %mul3A_778 : i32
    %dma_start3A_780 = arith.constant 1 : i32
    %dma_start3A_781 = arith.constant 1 : i32
    %dma_start3A_782 = arith.constant 1 : i32
    %dma_start3A_783 = arith.constant 0 : i32
    %dma_start3A_784 = tpu.memref_slice %arg5[%dma_start3A_781, %dma_start3A_783] : memref<4x128xi32, #tpu.memory_space<vmem>> -> memref<1x128xi32, #tpu.memory_space<vmem>>
    %dma_start3A_785 = tpu.memref_squeeze %dma_start3A_784 : memref<1x128xi32, #tpu.memory_space<vmem>> -> memref<128xi32, #tpu.memory_space<vmem>>
    %dma_start3A_786 = tpu.memref_slice %arg2[%dma_start3A_780, %mul3A_779] : memref<50x16384xi32, #tpu.memory_space<hbm>> -> memref<1x128xi32, #tpu.memory_space<hbm>>
    %dma_start3A_787 = tpu.memref_squeeze %dma_start3A_786 : memref<1x128xi32, #tpu.memory_space<hbm>> -> memref<128xi32, #tpu.memory_space<hbm>>
    %dma_start3A_788 = tpu.memref_slice %arg9[%dma_start3A_782] : memref<4x!tpu.dma_semaphore, #tpu.memory_space<semaphore_mem>> -> memref<1x!tpu.dma_semaphore, #tpu.memory_space<semaphore_mem>>
    %dma_start3A_789 = tpu.memref_squeeze %dma_start3A_788 : memref<1x!tpu.dma_semaphore, #tpu.memory_space<semaphore_mem>> -> memref<!tpu.dma_semaphore, #tpu.memory_space<semaphore_mem>>
    %dma_start3A_790 = arith.constant 0 : i32
    %dma_start3A_791 = tpu.memref_slice %arg5[%dma_start3A_781, %dma_start3A_790] : memref<4x128xi32, #tpu.memory_space<vmem>> -> memref<1x128xi32, #tpu.memory_space<vmem>>
    %dma_start3A_792 = tpu.memref_squeeze %dma_start3A_791 : memref<1x128xi32, #tpu.memory_space<vmem>> -> memref<128xi32, #tpu.memory_space<vmem>>
    %dma_start3A_793 = tpu.memref_slice %arg2[%dma_start3A_780, %mul3A_779] : memref<50x16384xi32, #tpu.memory_space<hbm>> -> memref<1x128xi32, #tpu.memory_space<hbm>>
    %dma_start3A_794 = tpu.memref_squeeze %dma_start3A_793 : memref<1x128xi32, #tpu.memory_space<hbm>> -> memref<128xi32, #tpu.memory_space<hbm>>
    tpu.enqueue_dma source(%dma_start3A_794 : memref<128xi32, #tpu.memory_space<hbm>>) target(%dma_start3A_792 : memref<128xi32, #tpu.memory_space<vmem>>) target_semaphore(%dma_start3A_789 : memref<!tpu.dma_semaphore, #tpu.memory_space<semaphore_mem>>)
    %dma_wait3A_795 = arith.constant 2 : i32
    %dma_wait3A_796 = arith.constant 256 : i32
    %dma_wait3A_797 = arith.constant 0 : i32
    %dma_wait3A_798 = tpu.memref_slice %arg7[%dma_wait3A_796, %dma_wait3A_797] : memref<512x128xf32, #tpu.memory_space<vmem>> -> memref<128x128xf32, #tpu.memory_space<vmem>>
    %dma_wait3A_799 = arith.constant 0 : i32
    %dma_wait3A_800 = arith.constant 0 : i32
    %dma_wait3A_801 = tpu.memref_slice %arg3[%dma_wait3A_799, %dma_wait3A_800] : memref<500000x128xf32, #tpu.memory_space<hbm>> -> memref<128x128xf32, #tpu.memory_space<hbm>>
    %dma_wait3A_802 = tpu.memref_slice %arg10[%dma_wait3A_795] : memref<4x!tpu.dma_semaphore, #tpu.memory_space<semaphore_mem>> -> memref<1x!tpu.dma_semaphore, #tpu.memory_space<semaphore_mem>>
    %dma_wait3A_803 = tpu.memref_squeeze %dma_wait3A_802 : memref<1x!tpu.dma_semaphore, #tpu.memory_space<semaphore_mem>> -> memref<!tpu.dma_semaphore, #tpu.memory_space<semaphore_mem>>
    %dma_wait3A_804 = arith.constant 256 : i32
    %dma_wait3A_805 = arith.constant 0 : i32
    %dma_wait3A_806 = tpu.memref_slice %arg7[%dma_wait3A_804, %dma_wait3A_805] : memref<512x128xf32, #tpu.memory_space<vmem>> -> memref<128x128xf32, #tpu.memory_space<vmem>>
    %dma_wait3A_807 = arith.constant 0 : i32
    %dma_wait3A_808 = arith.constant 0 : i32
    %dma_wait3A_809 = tpu.memref_slice %arg3[%dma_wait3A_807, %dma_wait3A_808] : memref<500000x128xf32, #tpu.memory_space<hbm>> -> memref<128x128xf32, #tpu.memory_space<hbm>>
    tpu.wait_dma2 semaphore(%dma_wait3A_803 : memref<!tpu.dma_semaphore, #tpu.memory_space<semaphore_mem>>) src(%dma_wait3A_809 : memref<128x128xf32, #tpu.memory_space<hbm>>) dst(%dma_wait3A_806 : memref<128x128xf32, #tpu.memory_space<vmem>>)
    %dma_wait3A_810 = arith.constant 0 : i32
    %dma_wait3A_811 = arith.constant 0 : i32
    %dma_wait3A_812 = arith.constant 0 : i32
    %dma_wait3A_813 = arith.constant 0 : i32
    %dma_wait3A_814 = arith.constant 0 : i32
    %dma_wait3A_815 = arith.constant 0 : i32
    %dma_wait3A_816 = arith.constant 0 : i32
    %dma_wait3A_817 = tpu.memref_slice %arg8[%dma_wait3A_810, %dma_wait3A_814, %dma_wait3A_815, %dma_wait3A_816] : memref<2x8x8x128xf32, #tpu.memory_space<vmem>> -> memref<1x8x8x128xf32, #tpu.memory_space<vmem>>
    %dma_wait3A_818 = tpu.memref_squeeze %dma_wait3A_817 : memref<1x8x8x128xf32, #tpu.memory_space<vmem>> -> memref<8x8x128xf32, #tpu.memory_space<vmem>>
    %dma_wait3A_819 = arith.constant 0 : i32
    %dma_wait3A_820 = arith.constant 0 : i32
    %dma_wait3A_821 = arith.constant 0 : i32
    %dma_wait3A_822 = tpu.memref_slice %arg4[%dma_wait3A_811, %dma_wait3A_819, %dma_wait3A_812, %dma_wait3A_820, %dma_wait3A_821] : memref<50x8x128x8x128xf32, #tpu.memory_space<hbm>> -> memref<1x8x1x8x128xf32, #tpu.memory_space<hbm>>
    %dma_wait3A_823 = tpu.memref_squeeze %dma_wait3A_822 : memref<1x8x1x8x128xf32, #tpu.memory_space<hbm>> -> memref<8x8x128xf32, #tpu.memory_space<hbm>>
    %dma_wait3A_824 = tpu.memref_slice %arg11[%dma_wait3A_813] : memref<2x!tpu.dma_semaphore, #tpu.memory_space<semaphore_mem>> -> memref<1x!tpu.dma_semaphore, #tpu.memory_space<semaphore_mem>>
    %dma_wait3A_825 = tpu.memref_squeeze %dma_wait3A_824 : memref<1x!tpu.dma_semaphore, #tpu.memory_space<semaphore_mem>> -> memref<!tpu.dma_semaphore, #tpu.memory_space<semaphore_mem>>
    %dma_wait3A_826 = arith.constant 0 : i32
    %dma_wait3A_827 = arith.constant 0 : i32
    %dma_wait3A_828 = arith.constant 0 : i32
    %dma_wait3A_829 = tpu.memref_slice %arg4[%dma_wait3A_811, %dma_wait3A_826, %dma_wait3A_812, %dma_wait3A_827, %dma_wait3A_828] : memref<50x8x128x8x128xf32, #tpu.memory_space<hbm>> -> memref<1x8x1x8x128xf32, #tpu.memory_space<hbm>>
    %dma_wait3A_830 = tpu.memref_squeeze %dma_wait3A_829 : memref<1x8x1x8x128xf32, #tpu.memory_space<hbm>> -> memref<8x8x128xf32, #tpu.memory_space<hbm>>
    %dma_wait3A_831 = arith.constant 0 : i32
    %dma_wait3A_832 = arith.constant 0 : i32
    %dma_wait3A_833 = arith.constant 0 : i32
    %dma_wait3A_834 = tpu.memref_slice %arg8[%dma_wait3A_810, %dma_wait3A_831, %dma_wait3A_832, %dma_wait3A_833] : memref<2x8x8x128xf32, #tpu.memory_space<vmem>> -> memref<1x8x8x128xf32, #tpu.memory_space<vmem>>
    %dma_wait3A_835 = tpu.memref_squeeze %dma_wait3A_834 : memref<1x8x8x128xf32, #tpu.memory_space<vmem>> -> memref<8x8x128xf32, #tpu.memory_space<vmem>>
    tpu.wait_dma2 semaphore(%dma_wait3A_825 : memref<!tpu.dma_semaphore, #tpu.memory_space<semaphore_mem>>) src(%dma_wait3A_835 : memref<8x8x128xf32, #tpu.memory_space<vmem>>) dst(%dma_wait3A_830 : memref<8x8x128xf32, #tpu.memory_space<hbm>>)
    %scan3A_836 = arith.constant 0 : i32
    %scan3A_837 = arith.constant 8 : i32
    %scan3A_838 = arith.addi %scan3A_836, %scan3A_837 : i32
    %scan3A_839 = arith.constant 1 : i32
    scf.for %scan3A_1682 = %scan3A_836 to %scan3A_838 step %scan3A_839  : i32 {
      %mul3A_1683 = arith.constant 16 : i32
      %mul3A_1684 = arith.muli %scan3A_1682, %mul3A_1683 : i32
      %add3A_1685 = arith.constant 256 : i32
      %add3A_1686 = arith.addi %add3A_1685, %mul3A_1684 : i32
      %add3A_1687 = vector.broadcast %add3A_1686 : i32 to vector<16xi32>
      %add3A_1688 = arith.addi %iota3A, %add3A_1687 : vector<16xi32>
      %get3A_1689 = arith.constant 2 : i32
      %get3A_1690 = arith.index_cast %get3A_1689 : i32 to index
      %get3A_1691 = arith.index_cast %mul3A_1684 : i32 to index
      %get3A_1692 = tpu.vector_load %arg5[%get3A_1690, %get3A_1691] {strides = array<i32>} : memref<4x128xi32, #tpu.memory_space<vmem>>, vector<16xi32>,
      %and3A = arith.constant 1 : i32
      %and3A_1693 = vector.broadcast %and3A : i32 to vector<16xi32>
      %and3A_1694 = arith.andi %get3A_1692, %and3A_1693 : vector<16xi32>
      %mul3A_1695 = arith.constant 64 : i32
      %mul3A_1696 = vector.broadcast %mul3A_1695 : i32 to vector<16xi32>
      %mul3A_1697 = arith.muli %and3A_1694, %mul3A_1696 : vector<16xi32>
      %parallel_loop3A = arith.constant 0 : i32
      %parallel_loop3A_1698 = arith.constant 64 : i32
      %parallel_loop3A_1699 = arith.constant 1 : i32
      scf.for %parallel_loop3A_1700 = %parallel_loop3A to %parallel_loop3A_1698 step %parallel_loop3A_1699  : i32 {
        %parallel_loop3A_1701 = vector.broadcast %parallel_loop3A_1700 : i32 to vector<16xi32>
        %parallel_loop3A_1702 = arith.addi %mul3A_1697, %parallel_loop3A_1701 : vector<16xi32>
        %parallel_loop3A_1703 = tpu.vector_load_idx %arg7[%add3A_1688, %parallel_loop3A_1702] : memref<512x128xf32, #tpu.memory_space<vmem>>[vector<16xi32>, vector<16xi32>], vector<16xf32>,
        %parallel_loop3A_1704 = arith.constant 8.000000e+00 : f32
        %parallel_loop3A_1705 = vector.broadcast %parallel_loop3A_1704 : f32 to vector<16xf32>
        %parallel_loop3A_1706 = arith.mulf %parallel_loop3A_1703, %parallel_loop3A_1705 : vector<16xf32>
        %parallel_loop3A_1707 = arith.constant 3 : i32
        %parallel_loop3A_1708 = arith.shrsi %parallel_loop3A_1700, %parallel_loop3A_1707 : i32
        %parallel_loop3A_1709 = arith.constant 7 : i32
        %parallel_loop3A_1710 = arith.andi %parallel_loop3A_1700, %parallel_loop3A_1709 : i32
        %parallel_loop3A_1711 = arith.constant 0 : i32
        %parallel_loop3A_1712 = arith.index_cast %parallel_loop3A_1711 : i32 to index
        %parallel_loop3A_1713 = arith.index_cast %parallel_loop3A_1708 : i32 to index
        %parallel_loop3A_1714 = arith.index_cast %parallel_loop3A_1710 : i32 to index
        %parallel_loop3A_1715 = arith.index_cast %mul3A_1684 : i32 to index
        %parallel_loop3A_1716 = tpu.vector_load %arg8[%parallel_loop3A_1712, %parallel_loop3A_1713, %parallel_loop3A_1714, %parallel_loop3A_1715] {strides = array<i32>} : memref<2x8x8x128xf32, #tpu.memory_space<vmem>>, vector<16xf32>,
        tpu.vector_store %arg8[%parallel_loop3A_1712, %parallel_loop3A_1713, %parallel_loop3A_1714, %parallel_loop3A_1715], %parallel_loop3A_1706 {strides = array<i32>} : memref<2x8x8x128xf32, #tpu.memory_space<vmem>>, vector<16xf32>,
      } {sc.loop_unroll_factor = 16 : i64, sc.parallel_access}
    }
    %scan3A_840 = arith.constant 8 : i32
    %add3A_841 = arith.constant 2 : i32
    %add3A_842 = arith.addi %mul3A_2, %add3A_841 : i32
    %dma_start3A_843 = arith.constant 0 : i32
    %dma_start3A_844 = arith.constant 0 : i32
    %dma_start3A_845 = arith.constant 0 : i32
    %dma_start3A_846 = arith.constant 0 : i32
    %dma_start3A_847 = arith.constant 0 : i32
    %dma_start3A_848 = arith.constant 0 : i32
    %dma_start3A_849 = tpu.memref_slice %arg8[%dma_start3A_843, %dma_start3A_846, %dma_start3A_847, %dma_start3A_848] : memref<2x8x8x128xf32, #tpu.memory_space<vmem>> -> memref<1x8x8x128xf32, #tpu.memory_space<vmem>>
    %dma_start3A_850 = tpu.memref_squeeze %dma_start3A_849 : memref<1x8x8x128xf32, #tpu.memory_space<vmem>> -> memref<8x8x128xf32, #tpu.memory_space<vmem>>
    %dma_start3A_851 = arith.constant 0 : i32
    %dma_start3A_852 = arith.constant 0 : i32
    %dma_start3A_853 = arith.constant 0 : i32
    %dma_start3A_854 = tpu.memref_slice %arg4[%dma_start3A_844, %dma_start3A_851, %add3A_842, %dma_start3A_852, %dma_start3A_853] : memref<50x8x128x8x128xf32, #tpu.memory_space<hbm>> -> memref<1x8x1x8x128xf32, #tpu.memory_space<hbm>>
    %dma_start3A_855 = tpu.memref_squeeze %dma_start3A_854 : memref<1x8x1x8x128xf32, #tpu.memory_space<hbm>> -> memref<8x8x128xf32, #tpu.memory_space<hbm>>
    %dma_start3A_856 = tpu.memref_slice %arg11[%dma_start3A_845] : memref<2x!tpu.dma_semaphore, #tpu.memory_space<semaphore_mem>> -> memref<1x!tpu.dma_semaphore, #tpu.memory_space<semaphore_mem>>
    %dma_start3A_857 = tpu.memref_squeeze %dma_start3A_856 : memref<1x!tpu.dma_semaphore, #tpu.memory_space<semaphore_mem>> -> memref<!tpu.dma_semaphore, #tpu.memory_space<semaphore_mem>>
    %dma_start3A_858 = arith.constant 0 : i32
    %dma_start3A_859 = arith.constant 0 : i32
    %dma_start3A_860 = arith.constant 0 : i32
    %dma_start3A_861 = tpu.memref_slice %arg4[%dma_start3A_844, %dma_start3A_858, %add3A_842, %dma_start3A_859, %dma_start3A_860] : memref<50x8x128x8x128xf32, #tpu.memory_space<hbm>> -> memref<1x8x1x8x128xf32, #tpu.memory_space<hbm>>
    %dma_start3A_862 = tpu.memref_squeeze %dma_start3A_861 : memref<1x8x1x8x128xf32, #tpu.memory_space<hbm>> -> memref<8x8x128xf32, #tpu.memory_space<hbm>>
    %dma_start3A_863 = arith.constant 0 : i32
    %dma_start3A_864 = arith.constant 0 : i32
    %dma_start3A_865 = arith.constant 0 : i32
    %dma_start3A_866 = tpu.memref_slice %arg8[%dma_start3A_843, %dma_start3A_863, %dma_start3A_864, %dma_start3A_865] : memref<2x8x8x128xf32, #tpu.memory_space<vmem>> -> memref<1x8x8x128xf32, #tpu.memory_space<vmem>>
    %dma_start3A_867 = tpu.memref_squeeze %dma_start3A_866 : memref<1x8x8x128xf32, #tpu.memory_space<vmem>> -> memref<8x8x128xf32, #tpu.memory_space<vmem>>
    tpu.enqueue_dma source(%dma_start3A_867 : memref<8x8x128xf32, #tpu.memory_space<vmem>>) target(%dma_start3A_862 : memref<8x8x128xf32, #tpu.memory_space<hbm>>) target_semaphore(%dma_start3A_857 : memref<!tpu.dma_semaphore, #tpu.memory_space<semaphore_mem>>)
    %dma_wait3A_868 = arith.constant 0 : i32
    %dma_wait3A_869 = arith.constant 1 : i32
    %dma_wait3A_870 = arith.constant 1 : i32
    %dma_wait3A_871 = arith.constant 0 : i32
    %dma_wait3A_872 = tpu.memref_slice %arg5[%dma_wait3A_869, %dma_wait3A_871] : memref<4x128xi32, #tpu.memory_space<vmem>> -> memref<1x128xi32, #tpu.memory_space<vmem>>
    %dma_wait3A_873 = tpu.memref_squeeze %dma_wait3A_872 : memref<1x128xi32, #tpu.memory_space<vmem>> -> memref<128xi32, #tpu.memory_space<vmem>>
    %dma_wait3A_874 = arith.constant 0 : i32
    %dma_wait3A_875 = tpu.memref_slice %arg2[%dma_wait3A_868, %dma_wait3A_874] : memref<50x16384xi32, #tpu.memory_space<hbm>> -> memref<1x128xi32, #tpu.memory_space<hbm>>
    %dma_wait3A_876 = tpu.memref_squeeze %dma_wait3A_875 : memref<1x128xi32, #tpu.memory_space<hbm>> -> memref<128xi32, #tpu.memory_space<hbm>>
    %dma_wait3A_877 = tpu.memref_slice %arg9[%dma_wait3A_870] : memref<4x!tpu.dma_semaphore, #tpu.memory_space<semaphore_mem>> -> memref<1x!tpu.dma_semaphore, #tpu.memory_space<semaphore_mem>>
    %dma_wait3A_878 = tpu.memref_squeeze %dma_wait3A_877 : memref<1x!tpu.dma_semaphore, #tpu.memory_space<semaphore_mem>> -> memref<!tpu.dma_semaphore, #tpu.memory_space<semaphore_mem>>
    %dma_wait3A_879 = arith.constant 0 : i32
    %dma_wait3A_880 = tpu.memref_slice %arg5[%dma_wait3A_869, %dma_wait3A_879] : memref<4x128xi32, #tpu.memory_space<vmem>> -> memref<1x128xi32, #tpu.memory_space<vmem>>
    %dma_wait3A_881 = tpu.memref_squeeze %dma_wait3A_880 : memref<1x128xi32, #tpu.memory_space<vmem>> -> memref<128xi32, #tpu.memory_space<vmem>>
    %dma_wait3A_882 = arith.constant 0 : i32
    %dma_wait3A_883 = tpu.memref_slice %arg2[%dma_wait3A_868, %dma_wait3A_882] : memref<50x16384xi32, #tpu.memory_space<hbm>> -> memref<1x128xi32, #tpu.memory_space<hbm>>
    %dma_wait3A_884 = tpu.memref_squeeze %dma_wait3A_883 : memref<1x128xi32, #tpu.memory_space<hbm>> -> memref<128xi32, #tpu.memory_space<hbm>>
    tpu.wait_dma2 semaphore(%dma_wait3A_878 : memref<!tpu.dma_semaphore, #tpu.memory_space<semaphore_mem>>) src(%dma_wait3A_884 : memref<128xi32, #tpu.memory_space<hbm>>) dst(%dma_wait3A_881 : memref<128xi32, #tpu.memory_space<vmem>>)
    %get3A_885 = arith.constant 1 : i32
    %get3A_886 = arith.index_cast %get3A_885 : i32 to index
    %get3A_887 = arith.constant 0 : index
    %get3A_888 = tpu.vector_load %arg5[%get3A_886, %get3A_887] {strides = array<i32>} : memref<4x128xi32, #tpu.memory_space<vmem>>, vector<16xi32>,
    %shift_right_arithmetic3A_889 = arith.constant 1 : i32
    %shift_right_arithmetic3A_890 = vector.broadcast %shift_right_arithmetic3A_889 : i32 to vector<16xi32>
    %shift_right_arithmetic3A_891 = arith.shrsi %get3A_888, %shift_right_arithmetic3A_890 : vector<16xi32>
    %swap3A_892 = arith.constant 1 : i32
    %swap3A_893 = arith.index_cast %swap3A_892 : i32 to index
    %swap3A_894 = arith.constant 0 : index
    %swap3A_895 = tpu.vector_load %arg6[%swap3A_893, %swap3A_894] {strides = array<i32>} : memref<4x128xi32, #tpu.memory_space<vmem>>, vector<16xi32>,
    tpu.vector_store %arg6[%swap3A_893, %swap3A_894], %shift_right_arithmetic3A_891 {strides = array<i32>} : memref<4x128xi32, #tpu.memory_space<vmem>>, vector<16xi32>,
    %get3A_896 = arith.constant 1 : i32
    %get3A_897 = arith.index_cast %get3A_896 : i32 to index
    %get3A_898 = arith.constant 16 : index
    %get3A_899 = tpu.vector_load %arg5[%get3A_897, %get3A_898] {strides = array<i32>} : memref<4x128xi32, #tpu.memory_space<vmem>>, vector<16xi32>,
    %shift_right_arithmetic3A_900 = arith.constant 1 : i32
    %shift_right_arithmetic3A_901 = vector.broadcast %shift_right_arithmetic3A_900 : i32 to vector<16xi32>
    %shift_right_arithmetic3A_902 = arith.shrsi %get3A_899, %shift_right_arithmetic3A_901 : vector<16xi32>
    %swap3A_903 = arith.constant 1 : i32
    %swap3A_904 = arith.index_cast %swap3A_903 : i32 to index
    %swap3A_905 = arith.constant 16 : index
    %swap3A_906 = tpu.vector_load %arg6[%swap3A_904, %swap3A_905] {strides = array<i32>} : memref<4x128xi32, #tpu.memory_space<vmem>>, vector<16xi32>,
    tpu.vector_store %arg6[%swap3A_904, %swap3A_905], %shift_right_arithmetic3A_902 {strides = array<i32>} : memref<4x128xi32, #tpu.memory_space<vmem>>, vector<16xi32>,
    %get3A_907 = arith.constant 1 : i32
    %get3A_908 = arith.index_cast %get3A_907 : i32 to index
    %get3A_909 = arith.constant 32 : index
    %get3A_910 = tpu.vector_load %arg5[%get3A_908, %get3A_909] {strides = array<i32>} : memref<4x128xi32, #tpu.memory_space<vmem>>, vector<16xi32>,
    %shift_right_arithmetic3A_911 = arith.constant 1 : i32
    %shift_right_arithmetic3A_912 = vector.broadcast %shift_right_arithmetic3A_911 : i32 to vector<16xi32>
    %shift_right_arithmetic3A_913 = arith.shrsi %get3A_910, %shift_right_arithmetic3A_912 : vector<16xi32>
    %swap3A_914 = arith.constant 1 : i32
    %swap3A_915 = arith.index_cast %swap3A_914 : i32 to index
    %swap3A_916 = arith.constant 32 : index
    %swap3A_917 = tpu.vector_load %arg6[%swap3A_915, %swap3A_916] {strides = array<i32>} : memref<4x128xi32, #tpu.memory_space<vmem>>, vector<16xi32>,
    tpu.vector_store %arg6[%swap3A_915, %swap3A_916], %shift_right_arithmetic3A_913 {strides = array<i32>} : memref<4x128xi32, #tpu.memory_space<vmem>>, vector<16xi32>,
    %get3A_918 = arith.constant 1 : i32
    %get3A_919 = arith.index_cast %get3A_918 : i32 to index
    %get3A_920 = arith.constant 48 : index
    %get3A_921 = tpu.vector_load %arg5[%get3A_919, %get3A_920] {strides = array<i32>} : memref<4x128xi32, #tpu.memory_space<vmem>>, vector<16xi32>,
    %shift_right_arithmetic3A_922 = arith.constant 1 : i32
    %shift_right_arithmetic3A_923 = vector.broadcast %shift_right_arithmetic3A_922 : i32 to vector<16xi32>
    %shift_right_arithmetic3A_924 = arith.shrsi %get3A_921, %shift_right_arithmetic3A_923 : vector<16xi32>
    %swap3A_925 = arith.constant 1 : i32
    %swap3A_926 = arith.index_cast %swap3A_925 : i32 to index
    %swap3A_927 = arith.constant 48 : index
    %swap3A_928 = tpu.vector_load %arg6[%swap3A_926, %swap3A_927] {strides = array<i32>} : memref<4x128xi32, #tpu.memory_space<vmem>>, vector<16xi32>,
    tpu.vector_store %arg6[%swap3A_926, %swap3A_927], %shift_right_arithmetic3A_924 {strides = array<i32>} : memref<4x128xi32, #tpu.memory_space<vmem>>, vector<16xi32>,
    %get3A_929 = arith.constant 1 : i32
    %get3A_930 = arith.index_cast %get3A_929 : i32 to index
    %get3A_931 = arith.constant 64 : index
    %get3A_932 = tpu.vector_load %arg5[%get3A_930, %get3A_931] {strides = array<i32>} : memref<4x128xi32, #tpu.memory_space<vmem>>, vector<16xi32>,
    %shift_right_arithmetic3A_933 = arith.constant 1 : i32
    %shift_right_arithmetic3A_934 = vector.broadcast %shift_right_arithmetic3A_933 : i32 to vector<16xi32>
    %shift_right_arithmetic3A_935 = arith.shrsi %get3A_932, %shift_right_arithmetic3A_934 : vector<16xi32>
    %swap3A_936 = arith.constant 1 : i32
    %swap3A_937 = arith.index_cast %swap3A_936 : i32 to index
    %swap3A_938 = arith.constant 64 : index
    %swap3A_939 = tpu.vector_load %arg6[%swap3A_937, %swap3A_938] {strides = array<i32>} : memref<4x128xi32, #tpu.memory_space<vmem>>, vector<16xi32>,
    tpu.vector_store %arg6[%swap3A_937, %swap3A_938], %shift_right_arithmetic3A_935 {strides = array<i32>} : memref<4x128xi32, #tpu.memory_space<vmem>>, vector<16xi32>,
    %get3A_940 = arith.constant 1 : i32
    %get3A_941 = arith.index_cast %get3A_940 : i32 to index
    %get3A_942 = arith.constant 80 : index
    %get3A_943 = tpu.vector_load %arg5[%get3A_941, %get3A_942] {strides = array<i32>} : memref<4x128xi32, #tpu.memory_space<vmem>>, vector<16xi32>,
    %shift_right_arithmetic3A_944 = arith.constant 1 : i32
    %shift_right_arithmetic3A_945 = vector.broadcast %shift_right_arithmetic3A_944 : i32 to vector<16xi32>
    %shift_right_arithmetic3A_946 = arith.shrsi %get3A_943, %shift_right_arithmetic3A_945 : vector<16xi32>
    %swap3A_947 = arith.constant 1 : i32
    %swap3A_948 = arith.index_cast %swap3A_947 : i32 to index
    %swap3A_949 = arith.constant 80 : index
    %swap3A_950 = tpu.vector_load %arg6[%swap3A_948, %swap3A_949] {strides = array<i32>} : memref<4x128xi32, #tpu.memory_space<vmem>>, vector<16xi32>,
    tpu.vector_store %arg6[%swap3A_948, %swap3A_949], %shift_right_arithmetic3A_946 {strides = array<i32>} : memref<4x128xi32, #tpu.memory_space<vmem>>, vector<16xi32>,
    %get3A_951 = arith.constant 1 : i32
    %get3A_952 = arith.index_cast %get3A_951 : i32 to index
    %get3A_953 = arith.constant 96 : index
    %get3A_954 = tpu.vector_load %arg5[%get3A_952, %get3A_953] {strides = array<i32>} : memref<4x128xi32, #tpu.memory_space<vmem>>, vector<16xi32>,
    %shift_right_arithmetic3A_955 = arith.constant 1 : i32
    %shift_right_arithmetic3A_956 = vector.broadcast %shift_right_arithmetic3A_955 : i32 to vector<16xi32>
    %shift_right_arithmetic3A_957 = arith.shrsi %get3A_954, %shift_right_arithmetic3A_956 : vector<16xi32>
    %swap3A_958 = arith.constant 1 : i32
    %swap3A_959 = arith.index_cast %swap3A_958 : i32 to index
    %swap3A_960 = arith.constant 96 : index
    %swap3A_961 = tpu.vector_load %arg6[%swap3A_959, %swap3A_960] {strides = array<i32>} : memref<4x128xi32, #tpu.memory_space<vmem>>, vector<16xi32>,
    tpu.vector_store %arg6[%swap3A_959, %swap3A_960], %shift_right_arithmetic3A_957 {strides = array<i32>} : memref<4x128xi32, #tpu.memory_space<vmem>>, vector<16xi32>,
    %get3A_962 = arith.constant 1 : i32
    %get3A_963 = arith.index_cast %get3A_962 : i32 to index
    %get3A_964 = arith.constant 112 : index
    %get3A_965 = tpu.vector_load %arg5[%get3A_963, %get3A_964] {strides = array<i32>} : memref<4x128xi32, #tpu.memory_space<vmem>>, vector<16xi32>,
    %shift_right_arithmetic3A_966 = arith.constant 1 : i32
    %shift_right_arithmetic3A_967 = vector.broadcast %shift_right_arithmetic3A_966 : i32 to vector<16xi32>
    %shift_right_arithmetic3A_968 = arith.shrsi %get3A_965, %shift_right_arithmetic3A_967 : vector<16xi32>
    %swap3A_969 = arith.constant 1 : i32
    %swap3A_970 = arith.index_cast %swap3A_969 : i32 to index
    %swap3A_971 = arith.constant 112 : index
    %swap3A_972 = tpu.vector_load %arg6[%swap3A_970, %swap3A_971] {strides = array<i32>} : memref<4x128xi32, #tpu.memory_space<vmem>>, vector<16xi32>,
    tpu.vector_store %arg6[%swap3A_970, %swap3A_971], %shift_right_arithmetic3A_968 {strides = array<i32>} : memref<4x128xi32, #tpu.memory_space<vmem>>, vector<16xi32>,
    %dma_start3A_973 = arith.constant 1 : i32
    %dma_start3A_974 = arith.constant 1 : i32
    %dma_start3A_975 = arith.constant 128 : i32
    %dma_start3A_976 = arith.constant 0 : i32
    %dma_start3A_977 = tpu.memref_slice %arg7[%dma_start3A_975, %dma_start3A_976] : memref<512x128xf32, #tpu.memory_space<vmem>> -> memref<128x128xf32, #tpu.memory_space<vmem>>
    %dma_start3A_978 = arith.constant 0 : i32
    %dma_start3A_979 = tpu.memref_slice %arg6[%dma_start3A_973, %dma_start3A_978] : memref<4x128xi32, #tpu.memory_space<vmem>> -> memref<1x128xi32, #tpu.memory_space<vmem>>
    %dma_start3A_980 = tpu.memref_squeeze %dma_start3A_979 : memref<1x128xi32, #tpu.memory_space<vmem>> -> memref<128xi32, #tpu.memory_space<vmem>>
    %dma_start3A_981 = arith.constant 0 : i32
    %dma_start3A_982 = arith.constant 0 : i32
    %dma_start3A_983 = tpu.memref_slice %arg3[%dma_start3A_981, %dma_start3A_982] : memref<500000x128xf32, #tpu.memory_space<hbm>> -> memref<500000x128xf32, #tpu.memory_space<hbm>>
    %dma_start3A_984 = tpu.memref_slice %arg10[%dma_start3A_974] : memref<4x!tpu.dma_semaphore, #tpu.memory_space<semaphore_mem>> -> memref<1x!tpu.dma_semaphore, #tpu.memory_space<semaphore_mem>>
    %dma_start3A_985 = tpu.memref_squeeze %dma_start3A_984 : memref<1x!tpu.dma_semaphore, #tpu.memory_space<semaphore_mem>> -> memref<!tpu.dma_semaphore, #tpu.memory_space<semaphore_mem>>
    tpu.enqueue_indirect_dma source(%dma_start3A_983 : memref<500000x128xf32, #tpu.memory_space<hbm>>) target(%dma_start3A_977 : memref<128x128xf32, #tpu.memory_space<vmem>>) offsets(%dma_start3A_980 : memref<128xi32, #tpu.memory_space<vmem>>) semaphore(%dma_start3A_985 : memref<!tpu.dma_semaphore, #tpu.memory_space<semaphore_mem>>)
    %add3A_986 = arith.constant 2 : i32
    %add3A_987 = arith.addi %mul3A_2, %add3A_986 : i32
    %mul3A_988 = arith.constant 128 : i32
    %mul3A_989 = arith.muli %add3A_987, %mul3A_988 : i32
    %dma_start3A_990 = arith.constant 1 : i32
    %dma_start3A_991 = arith.constant 2 : i32
    %dma_start3A_992 = arith.constant 2 : i32
    %dma_start3A_993 = arith.constant 0 : i32
    %dma_start3A_994 = tpu.memref_slice %arg5[%dma_start3A_991, %dma_start3A_993] : memref<4x128xi32, #tpu.memory_space<vmem>> -> memref<1x128xi32, #tpu.memory_space<vmem>>
    %dma_start3A_995 = tpu.memref_squeeze %dma_start3A_994 : memref<1x128xi32, #tpu.memory_space<vmem>> -> memref<128xi32, #tpu.memory_space<vmem>>
    %dma_start3A_996 = tpu.memref_slice %arg2[%dma_start3A_990, %mul3A_989] : memref<50x16384xi32, #tpu.memory_space<hbm>> -> memref<1x128xi32, #tpu.memory_space<hbm>>
    %dma_start3A_997 = tpu.memref_squeeze %dma_start3A_996 : memref<1x128xi32, #tpu.memory_space<hbm>> -> memref<128xi32, #tpu.memory_space<hbm>>
    %dma_start3A_998 = tpu.memref_slice %arg9[%dma_start3A_992] : memref<4x!tpu.dma_semaphore, #tpu.memory_space<semaphore_mem>> -> memref<1x!tpu.dma_semaphore, #tpu.memory_space<semaphore_mem>>
    %dma_start3A_999 = tpu.memref_squeeze %dma_start3A_998 : memref<1x!tpu.dma_semaphore, #tpu.memory_space<semaphore_mem>> -> memref<!tpu.dma_semaphore, #tpu.memory_space<semaphore_mem>>
    %dma_start3A_1000 = arith.constant 0 : i32
    %dma_start3A_1001 = tpu.memref_slice %arg5[%dma_start3A_991, %dma_start3A_1000] : memref<4x128xi32, #tpu.memory_space<vmem>> -> memref<1x128xi32, #tpu.memory_space<vmem>>
    %dma_start3A_1002 = tpu.memref_squeeze %dma_start3A_1001 : memref<1x128xi32, #tpu.memory_space<vmem>> -> memref<128xi32, #tpu.memory_space<vmem>>
    %dma_start3A_1003 = tpu.memref_slice %arg2[%dma_start3A_990, %mul3A_989] : memref<50x16384xi32, #tpu.memory_space<hbm>> -> memref<1x128xi32, #tpu.memory_space<hbm>>
    %dma_start3A_1004 = tpu.memref_squeeze %dma_start3A_1003 : memref<1x128xi32, #tpu.memory_space<hbm>> -> memref<128xi32, #tpu.memory_space<hbm>>
    tpu.enqueue_dma source(%dma_start3A_1004 : memref<128xi32, #tpu.memory_space<hbm>>) target(%dma_start3A_1002 : memref<128xi32, #tpu.memory_space<vmem>>) target_semaphore(%dma_start3A_999 : memref<!tpu.dma_semaphore, #tpu.memory_space<semaphore_mem>>)
    %dma_wait3A_1005 = arith.constant 3 : i32
    %dma_wait3A_1006 = arith.constant 384 : i32
    %dma_wait3A_1007 = arith.constant 0 : i32
    %dma_wait3A_1008 = tpu.memref_slice %arg7[%dma_wait3A_1006, %dma_wait3A_1007] : memref<512x128xf32, #tpu.memory_space<vmem>> -> memref<128x128xf32, #tpu.memory_space<vmem>>
    %dma_wait3A_1009 = arith.constant 0 : i32
    %dma_wait3A_1010 = arith.constant 0 : i32
    %dma_wait3A_1011 = tpu.memref_slice %arg3[%dma_wait3A_1009, %dma_wait3A_1010] : memref<500000x128xf32, #tpu.memory_space<hbm>> -> memref<128x128xf32, #tpu.memory_space<hbm>>
    %dma_wait3A_1012 = tpu.memref_slice %arg10[%dma_wait3A_1005] : memref<4x!tpu.dma_semaphore, #tpu.memory_space<semaphore_mem>> -> memref<1x!tpu.dma_semaphore, #tpu.memory_space<semaphore_mem>>
    %dma_wait3A_1013 = tpu.memref_squeeze %dma_wait3A_1012 : memref<1x!tpu.dma_semaphore, #tpu.memory_space<semaphore_mem>> -> memref<!tpu.dma_semaphore, #tpu.memory_space<semaphore_mem>>
    %dma_wait3A_1014 = arith.constant 384 : i32
    %dma_wait3A_1015 = arith.constant 0 : i32
    %dma_wait3A_1016 = tpu.memref_slice %arg7[%dma_wait3A_1014, %dma_wait3A_1015] : memref<512x128xf32, #tpu.memory_space<vmem>> -> memref<128x128xf32, #tpu.memory_space<vmem>>
    %dma_wait3A_1017 = arith.constant 0 : i32
    %dma_wait3A_1018 = arith.constant 0 : i32
    %dma_wait3A_1019 = tpu.memref_slice %arg3[%dma_wait3A_1017, %dma_wait3A_1018] : memref<500000x128xf32, #tpu.memory_space<hbm>> -> memref<128x128xf32, #tpu.memory_space<hbm>>
    tpu.wait_dma2 semaphore(%dma_wait3A_1013 : memref<!tpu.dma_semaphore, #tpu.memory_space<semaphore_mem>>) src(%dma_wait3A_1019 : memref<128x128xf32, #tpu.memory_space<hbm>>) dst(%dma_wait3A_1016 : memref<128x128xf32, #tpu.memory_space<vmem>>)
    %dma_wait3A_1020 = arith.constant 1 : i32
    %dma_wait3A_1021 = arith.constant 0 : i32
    %dma_wait3A_1022 = arith.constant 0 : i32
    %dma_wait3A_1023 = arith.constant 1 : i32
    %dma_wait3A_1024 = arith.constant 0 : i32
    %dma_wait3A_1025 = arith.constant 0 : i32
    %dma_wait3A_1026 = arith.constant 0 : i32
    %dma_wait3A_1027 = tpu.memref_slice %arg8[%dma_wait3A_1020, %dma_wait3A_1024, %dma_wait3A_1025, %dma_wait3A_1026] : memref<2x8x8x128xf32, #tpu.memory_space<vmem>> -> memref<1x8x8x128xf32, #tpu.memory_space<vmem>>
    %dma_wait3A_1028 = tpu.memref_squeeze %dma_wait3A_1027 : memref<1x8x8x128xf32, #tpu.memory_space<vmem>> -> memref<8x8x128xf32, #tpu.memory_space<vmem>>
    %dma_wait3A_1029 = arith.constant 0 : i32
    %dma_wait3A_1030 = arith.constant 0 : i32
    %dma_wait3A_1031 = arith.constant 0 : i32
    %dma_wait3A_1032 = tpu.memref_slice %arg4[%dma_wait3A_1021, %dma_wait3A_1029, %dma_wait3A_1022, %dma_wait3A_1030, %dma_wait3A_1031] : memref<50x8x128x8x128xf32, #tpu.memory_space<hbm>> -> memref<1x8x1x8x128xf32, #tpu.memory_space<hbm>>
    %dma_wait3A_1033 = tpu.memref_squeeze %dma_wait3A_1032 : memref<1x8x1x8x128xf32, #tpu.memory_space<hbm>> -> memref<8x8x128xf32, #tpu.memory_space<hbm>>
    %dma_wait3A_1034 = tpu.memref_slice %arg11[%dma_wait3A_1023] : memref<2x!tpu.dma_semaphore, #tpu.memory_space<semaphore_mem>> -> memref<1x!tpu.dma_semaphore, #tpu.memory_space<semaphore_mem>>
    %dma_wait3A_1035 = tpu.memref_squeeze %dma_wait3A_1034 : memref<1x!tpu.dma_semaphore, #tpu.memory_space<semaphore_mem>> -> memref<!tpu.dma_semaphore, #tpu.memory_space<semaphore_mem>>
    %dma_wait3A_1036 = arith.constant 0 : i32
    %dma_wait3A_1037 = arith.constant 0 : i32
    %dma_wait3A_1038 = arith.constant 0 : i32
    %dma_wait3A_1039 = tpu.memref_slice %arg4[%dma_wait3A_1021, %dma_wait3A_1036, %dma_wait3A_1022, %dma_wait3A_1037, %dma_wait3A_1038] : memref<50x8x128x8x128xf32, #tpu.memory_space<hbm>> -> memref<1x8x1x8x128xf32, #tpu.memory_space<hbm>>
    %dma_wait3A_1040 = tpu.memref_squeeze %dma_wait3A_1039 : memref<1x8x1x8x128xf32, #tpu.memory_space<hbm>> -> memref<8x8x128xf32, #tpu.memory_space<hbm>>
    %dma_wait3A_1041 = arith.constant 0 : i32
    %dma_wait3A_1042 = arith.constant 0 : i32
    %dma_wait3A_1043 = arith.constant 0 : i32
    %dma_wait3A_1044 = tpu.memref_slice %arg8[%dma_wait3A_1020, %dma_wait3A_1041, %dma_wait3A_1042, %dma_wait3A_1043] : memref<2x8x8x128xf32, #tpu.memory_space<vmem>> -> memref<1x8x8x128xf32, #tpu.memory_space<vmem>>
    %dma_wait3A_1045 = tpu.memref_squeeze %dma_wait3A_1044 : memref<1x8x8x128xf32, #tpu.memory_space<vmem>> -> memref<8x8x128xf32, #tpu.memory_space<vmem>>
    tpu.wait_dma2 semaphore(%dma_wait3A_1035 : memref<!tpu.dma_semaphore, #tpu.memory_space<semaphore_mem>>) src(%dma_wait3A_1045 : memref<8x8x128xf32, #tpu.memory_space<vmem>>) dst(%dma_wait3A_1040 : memref<8x8x128xf32, #tpu.memory_space<hbm>>)
    %scan3A_1046 = arith.constant 0 : i32
    %scan3A_1047 = arith.constant 8 : i32
    %scan3A_1048 = arith.addi %scan3A_1046, %scan3A_1047 : i32
    %scan3A_1049 = arith.constant 1 : i32
    scf.for %scan3A_1682 = %scan3A_1046 to %scan3A_1048 step %scan3A_1049  : i32 {
      %mul3A_1683 = arith.constant 16 : i32
      %mul3A_1684 = arith.muli %scan3A_1682, %mul3A_1683 : i32
      %add3A_1685 = arith.constant 384 : i32
      %add3A_1686 = arith.addi %add3A_1685, %mul3A_1684 : i32
      %add3A_1687 = vector.broadcast %add3A_1686 : i32 to vector<16xi32>
      %add3A_1688 = arith.addi %iota3A, %add3A_1687 : vector<16xi32>
      %get3A_1689 = arith.constant 3 : i32
      %get3A_1690 = arith.index_cast %get3A_1689 : i32 to index
      %get3A_1691 = arith.index_cast %mul3A_1684 : i32 to index
      %get3A_1692 = tpu.vector_load %arg5[%get3A_1690, %get3A_1691] {strides = array<i32>} : memref<4x128xi32, #tpu.memory_space<vmem>>, vector<16xi32>,
      %and3A = arith.constant 1 : i32
      %and3A_1693 = vector.broadcast %and3A : i32 to vector<16xi32>
      %and3A_1694 = arith.andi %get3A_1692, %and3A_1693 : vector<16xi32>
      %mul3A_1695 = arith.constant 64 : i32
      %mul3A_1696 = vector.broadcast %mul3A_1695 : i32 to vector<16xi32>
      %mul3A_1697 = arith.muli %and3A_1694, %mul3A_1696 : vector<16xi32>
      %parallel_loop3A = arith.constant 0 : i32
      %parallel_loop3A_1698 = arith.constant 64 : i32
      %parallel_loop3A_1699 = arith.constant 1 : i32
      scf.for %parallel_loop3A_1700 = %parallel_loop3A to %parallel_loop3A_1698 step %parallel_loop3A_1699  : i32 {
        %parallel_loop3A_1701 = vector.broadcast %parallel_loop3A_1700 : i32 to vector<16xi32>
        %parallel_loop3A_1702 = arith.addi %mul3A_1697, %parallel_loop3A_1701 : vector<16xi32>
        %parallel_loop3A_1703 = tpu.vector_load_idx %arg7[%add3A_1688, %parallel_loop3A_1702] : memref<512x128xf32, #tpu.memory_space<vmem>>[vector<16xi32>, vector<16xi32>], vector<16xf32>,
        %parallel_loop3A_1704 = arith.constant 8.000000e+00 : f32
        %parallel_loop3A_1705 = vector.broadcast %parallel_loop3A_1704 : f32 to vector<16xf32>
        %parallel_loop3A_1706 = arith.mulf %parallel_loop3A_1703, %parallel_loop3A_1705 : vector<16xf32>
        %parallel_loop3A_1707 = arith.constant 3 : i32
        %parallel_loop3A_1708 = arith.shrsi %parallel_loop3A_1700, %parallel_loop3A_1707 : i32
        %parallel_loop3A_1709 = arith.constant 7 : i32
        %parallel_loop3A_1710 = arith.andi %parallel_loop3A_1700, %parallel_loop3A_1709 : i32
        %parallel_loop3A_1711 = arith.constant 1 : i32
        %parallel_loop3A_1712 = arith.index_cast %parallel_loop3A_1711 : i32 to index
        %parallel_loop3A_1713 = arith.index_cast %parallel_loop3A_1708 : i32 to index
        %parallel_loop3A_1714 = arith.index_cast %parallel_loop3A_1710 : i32 to index
        %parallel_loop3A_1715 = arith.index_cast %mul3A_1684 : i32 to index
        %parallel_loop3A_1716 = tpu.vector_load %arg8[%parallel_loop3A_1712, %parallel_loop3A_1713, %parallel_loop3A_1714, %parallel_loop3A_1715] {strides = array<i32>} : memref<2x8x8x128xf32, #tpu.memory_space<vmem>>, vector<16xf32>,
        tpu.vector_store %arg8[%parallel_loop3A_1712, %parallel_loop3A_1713, %parallel_loop3A_1714, %parallel_loop3A_1715], %parallel_loop3A_1706 {strides = array<i32>} : memref<2x8x8x128xf32, #tpu.memory_space<vmem>>, vector<16xf32>,
      } {sc.loop_unroll_factor = 16 : i64, sc.parallel_access}
    }
    %scan3A_1050 = arith.constant 8 : i32
    %add3A_1051 = arith.constant 3 : i32
    %add3A_1052 = arith.addi %mul3A_2, %add3A_1051 : i32
    %dma_start3A_1053 = arith.constant 1 : i32
    %dma_start3A_1054 = arith.constant 0 : i32
    %dma_start3A_1055 = arith.constant 1 : i32
    %dma_start3A_1056 = arith.constant 0 : i32
    %dma_start3A_1057 = arith.constant 0 : i32
    %dma_start3A_1058 = arith.constant 0 : i32
    %dma_start3A_1059 = tpu.memref_slice %arg8[%dma_start3A_1053, %dma_start3A_1056, %dma_start3A_1057, %dma_start3A_1058] : memref<2x8x8x128xf32, #tpu.memory_space<vmem>> -> memref<1x8x8x128xf32, #tpu.memory_space<vmem>>
    %dma_start3A_1060 = tpu.memref_squeeze %dma_start3A_1059 : memref<1x8x8x128xf32, #tpu.memory_space<vmem>> -> memref<8x8x128xf32, #tpu.memory_space<vmem>>
    %dma_start3A_1061 = arith.constant 0 : i32
    %dma_start3A_1062 = arith.constant 0 : i32
    %dma_start3A_1063 = arith.constant 0 : i32
    %dma_start3A_1064 = tpu.memref_slice %arg4[%dma_start3A_1054, %dma_start3A_1061, %add3A_1052, %dma_start3A_1062, %dma_start3A_1063] : memref<50x8x128x8x128xf32, #tpu.memory_space<hbm>> -> memref<1x8x1x8x128xf32, #tpu.memory_space<hbm>>
    %dma_start3A_1065 = tpu.memref_squeeze %dma_start3A_1064 : memref<1x8x1x8x128xf32, #tpu.memory_space<hbm>> -> memref<8x8x128xf32, #tpu.memory_space<hbm>>
    %dma_start3A_1066 = tpu.memref_slice %arg11[%dma_start3A_1055] : memref<2x!tpu.dma_semaphore, #tpu.memory_space<semaphore_mem>> -> memref<1x!tpu.dma_semaphore, #tpu.memory_space<semaphore_mem>>
    %dma_start3A_1067 = tpu.memref_squeeze %dma_start3A_1066 : memref<1x!tpu.dma_semaphore, #tpu.memory_space<semaphore_mem>> -> memref<!tpu.dma_semaphore, #tpu.memory_space<semaphore_mem>>
    %dma_start3A_1068 = arith.constant 0 : i32
    %dma_start3A_1069 = arith.constant 0 : i32
    %dma_start3A_1070 = arith.constant 0 : i32
    %dma_start3A_1071 = tpu.memref_slice %arg4[%dma_start3A_1054, %dma_start3A_1068, %add3A_1052, %dma_start3A_1069, %dma_start3A_1070] : memref<50x8x128x8x128xf32, #tpu.memory_space<hbm>> -> memref<1x8x1x8x128xf32, #tpu.memory_space<hbm>>
    %dma_start3A_1072 = tpu.memref_squeeze %dma_start3A_1071 : memref<1x8x1x8x128xf32, #tpu.memory_space<hbm>> -> memref<8x8x128xf32, #tpu.memory_space<hbm>>
    %dma_start3A_1073 = arith.constant 0 : i32
    %dma_start3A_1074 = arith.constant 0 : i32
    %dma_start3A_1075 = arith.constant 0 : i32
    %dma_start3A_1076 = tpu.memref_slice %arg8[%dma_start3A_1053, %dma_start3A_1073, %dma_start3A_1074, %dma_start3A_1075] : memref<2x8x8x128xf32, #tpu.memory_space<vmem>> -> memref<1x8x8x128xf32, #tpu.memory_space<vmem>>
    %dma_start3A_1077 = tpu.memref_squeeze %dma_start3A_1076 : memref<1x8x8x128xf32, #tpu.memory_space<vmem>> -> memref<8x8x128xf32, #tpu.memory_space<vmem>>
    tpu.enqueue_dma source(%dma_start3A_1077 : memref<8x8x128xf32, #tpu.memory_space<vmem>>) target(%dma_start3A_1072 : memref<8x8x128xf32, #tpu.memory_space<hbm>>) target_semaphore(%dma_start3A_1067 : memref<!tpu.dma_semaphore, #tpu.memory_space<semaphore_mem>>)
    %dma_wait3A_1078 = arith.constant 0 : i32
    %dma_wait3A_1079 = arith.constant 2 : i32
    %dma_wait3A_1080 = arith.constant 2 : i32
    %dma_wait3A_1081 = arith.constant 0 : i32
    %dma_wait3A_1082 = tpu.memref_slice %arg5[%dma_wait3A_1079, %dma_wait3A_1081] : memref<4x128xi32, #tpu.memory_space<vmem>> -> memref<1x128xi32, #tpu.memory_space<vmem>>
    %dma_wait3A_1083 = tpu.memref_squeeze %dma_wait3A_1082 : memref<1x128xi32, #tpu.memory_space<vmem>> -> memref<128xi32, #tpu.memory_space<vmem>>
    %dma_wait3A_1084 = arith.constant 0 : i32
    %dma_wait3A_1085 = tpu.memref_slice %arg2[%dma_wait3A_1078, %dma_wait3A_1084] : memref<50x16384xi32, #tpu.memory_space<hbm>> -> memref<1x128xi32, #tpu.memory_space<hbm>>
    %dma_wait3A_1086 = tpu.memref_squeeze %dma_wait3A_1085 : memref<1x128xi32, #tpu.memory_space<hbm>> -> memref<128xi32, #tpu.memory_space<hbm>>
    %dma_wait3A_1087 = tpu.memref_slice %arg9[%dma_wait3A_1080] : memref<4x!tpu.dma_semaphore, #tpu.memory_space<semaphore_mem>> -> memref<1x!tpu.dma_semaphore, #tpu.memory_space<semaphore_mem>>
    %dma_wait3A_1088 = tpu.memref_squeeze %dma_wait3A_1087 : memref<1x!tpu.dma_semaphore, #tpu.memory_space<semaphore_mem>> -> memref<!tpu.dma_semaphore, #tpu.memory_space<semaphore_mem>>
    %dma_wait3A_1089 = arith.constant 0 : i32
    %dma_wait3A_1090 = tpu.memref_slice %arg5[%dma_wait3A_1079, %dma_wait3A_1089] : memref<4x128xi32, #tpu.memory_space<vmem>> -> memref<1x128xi32, #tpu.memory_space<vmem>>
    %dma_wait3A_1091 = tpu.memref_squeeze %dma_wait3A_1090 : memref<1x128xi32, #tpu.memory_space<vmem>> -> memref<128xi32, #tpu.memory_space<vmem>>
    %dma_wait3A_1092 = arith.constant 0 : i32
    %dma_wait3A_1093 = tpu.memref_slice %arg2[%dma_wait3A_1078, %dma_wait3A_1092] : memref<50x16384xi32, #tpu.memory_space<hbm>> -> memref<1x128xi32, #tpu.memory_space<hbm>>
    %dma_wait3A_1094 = tpu.memref_squeeze %dma_wait3A_1093 : memref<1x128xi32, #tpu.memory_space<hbm>> -> memref<128xi32, #tpu.memory_space<hbm>>
    tpu.wait_dma2 semaphore(%dma_wait3A_1088 : memref<!tpu.dma_semaphore, #tpu.memory_space<semaphore_mem>>) src(%dma_wait3A_1094 : memref<128xi32, #tpu.memory_space<hbm>>) dst(%dma_wait3A_1091 : memref<128xi32, #tpu.memory_space<vmem>>)
    %get3A_1095 = arith.constant 2 : i32
    %get3A_1096 = arith.index_cast %get3A_1095 : i32 to index
    %get3A_1097 = arith.constant 0 : index
    %get3A_1098 = tpu.vector_load %arg5[%get3A_1096, %get3A_1097] {strides = array<i32>} : memref<4x128xi32, #tpu.memory_space<vmem>>, vector<16xi32>,
    %shift_right_arithmetic3A_1099 = arith.constant 1 : i32
    %shift_right_arithmetic3A_1100 = vector.broadcast %shift_right_arithmetic3A_1099 : i32 to vector<16xi32>
    %shift_right_arithmetic3A_1101 = arith.shrsi %get3A_1098, %shift_right_arithmetic3A_1100 : vector<16xi32>
    %swap3A_1102 = arith.constant 2 : i32
    %swap3A_1103 = arith.index_cast %swap3A_1102 : i32 to index
    %swap3A_1104 = arith.constant 0 : index
    %swap3A_1105 = tpu.vector_load %arg6[%swap3A_1103, %swap3A_1104] {strides = array<i32>} : memref<4x128xi32, #tpu.memory_space<vmem>>, vector<16xi32>,
    tpu.vector_store %arg6[%swap3A_1103, %swap3A_1104], %shift_right_arithmetic3A_1101 {strides = array<i32>} : memref<4x128xi32, #tpu.memory_space<vmem>>, vector<16xi32>,
    %get3A_1106 = arith.constant 2 : i32
    %get3A_1107 = arith.index_cast %get3A_1106 : i32 to index
    %get3A_1108 = arith.constant 16 : index
    %get3A_1109 = tpu.vector_load %arg5[%get3A_1107, %get3A_1108] {strides = array<i32>} : memref<4x128xi32, #tpu.memory_space<vmem>>, vector<16xi32>,
    %shift_right_arithmetic3A_1110 = arith.constant 1 : i32
    %shift_right_arithmetic3A_1111 = vector.broadcast %shift_right_arithmetic3A_1110 : i32 to vector<16xi32>
    %shift_right_arithmetic3A_1112 = arith.shrsi %get3A_1109, %shift_right_arithmetic3A_1111 : vector<16xi32>
    %swap3A_1113 = arith.constant 2 : i32
    %swap3A_1114 = arith.index_cast %swap3A_1113 : i32 to index
    %swap3A_1115 = arith.constant 16 : index
    %swap3A_1116 = tpu.vector_load %arg6[%swap3A_1114, %swap3A_1115] {strides = array<i32>} : memref<4x128xi32, #tpu.memory_space<vmem>>, vector<16xi32>,
    tpu.vector_store %arg6[%swap3A_1114, %swap3A_1115], %shift_right_arithmetic3A_1112 {strides = array<i32>} : memref<4x128xi32, #tpu.memory_space<vmem>>, vector<16xi32>,
    %get3A_1117 = arith.constant 2 : i32
    %get3A_1118 = arith.index_cast %get3A_1117 : i32 to index
    %get3A_1119 = arith.constant 32 : index
    %get3A_1120 = tpu.vector_load %arg5[%get3A_1118, %get3A_1119] {strides = array<i32>} : memref<4x128xi32, #tpu.memory_space<vmem>>, vector<16xi32>,
    %shift_right_arithmetic3A_1121 = arith.constant 1 : i32
    %shift_right_arithmetic3A_1122 = vector.broadcast %shift_right_arithmetic3A_1121 : i32 to vector<16xi32>
    %shift_right_arithmetic3A_1123 = arith.shrsi %get3A_1120, %shift_right_arithmetic3A_1122 : vector<16xi32>
    %swap3A_1124 = arith.constant 2 : i32
    %swap3A_1125 = arith.index_cast %swap3A_1124 : i32 to index
    %swap3A_1126 = arith.constant 32 : index
    %swap3A_1127 = tpu.vector_load %arg6[%swap3A_1125, %swap3A_1126] {strides = array<i32>} : memref<4x128xi32, #tpu.memory_space<vmem>>, vector<16xi32>,
    tpu.vector_store %arg6[%swap3A_1125, %swap3A_1126], %shift_right_arithmetic3A_1123 {strides = array<i32>} : memref<4x128xi32, #tpu.memory_space<vmem>>, vector<16xi32>,
    %get3A_1128 = arith.constant 2 : i32
    %get3A_1129 = arith.index_cast %get3A_1128 : i32 to index
    %get3A_1130 = arith.constant 48 : index
    %get3A_1131 = tpu.vector_load %arg5[%get3A_1129, %get3A_1130] {strides = array<i32>} : memref<4x128xi32, #tpu.memory_space<vmem>>, vector<16xi32>,
    %shift_right_arithmetic3A_1132 = arith.constant 1 : i32
    %shift_right_arithmetic3A_1133 = vector.broadcast %shift_right_arithmetic3A_1132 : i32 to vector<16xi32>
    %shift_right_arithmetic3A_1134 = arith.shrsi %get3A_1131, %shift_right_arithmetic3A_1133 : vector<16xi32>
    %swap3A_1135 = arith.constant 2 : i32
    %swap3A_1136 = arith.index_cast %swap3A_1135 : i32 to index
    %swap3A_1137 = arith.constant 48 : index
    %swap3A_1138 = tpu.vector_load %arg6[%swap3A_1136, %swap3A_1137] {strides = array<i32>} : memref<4x128xi32, #tpu.memory_space<vmem>>, vector<16xi32>,
    tpu.vector_store %arg6[%swap3A_1136, %swap3A_1137], %shift_right_arithmetic3A_1134 {strides = array<i32>} : memref<4x128xi32, #tpu.memory_space<vmem>>, vector<16xi32>,
    %get3A_1139 = arith.constant 2 : i32
    %get3A_1140 = arith.index_cast %get3A_1139 : i32 to index
    %get3A_1141 = arith.constant 64 : index
    %get3A_1142 = tpu.vector_load %arg5[%get3A_1140, %get3A_1141] {strides = array<i32>} : memref<4x128xi32, #tpu.memory_space<vmem>>, vector<16xi32>,
    %shift_right_arithmetic3A_1143 = arith.constant 1 : i32
    %shift_right_arithmetic3A_1144 = vector.broadcast %shift_right_arithmetic3A_1143 : i32 to vector<16xi32>
    %shift_right_arithmetic3A_1145 = arith.shrsi %get3A_1142, %shift_right_arithmetic3A_1144 : vector<16xi32>
    %swap3A_1146 = arith.constant 2 : i32
    %swap3A_1147 = arith.index_cast %swap3A_1146 : i32 to index
    %swap3A_1148 = arith.constant 64 : index
    %swap3A_1149 = tpu.vector_load %arg6[%swap3A_1147, %swap3A_1148] {strides = array<i32>} : memref<4x128xi32, #tpu.memory_space<vmem>>, vector<16xi32>,
    tpu.vector_store %arg6[%swap3A_1147, %swap3A_1148], %shift_right_arithmetic3A_1145 {strides = array<i32>} : memref<4x128xi32, #tpu.memory_space<vmem>>, vector<16xi32>,
    %get3A_1150 = arith.constant 2 : i32
    %get3A_1151 = arith.index_cast %get3A_1150 : i32 to index
    %get3A_1152 = arith.constant 80 : index
    %get3A_1153 = tpu.vector_load %arg5[%get3A_1151, %get3A_1152] {strides = array<i32>} : memref<4x128xi32, #tpu.memory_space<vmem>>, vector<16xi32>,
    %shift_right_arithmetic3A_1154 = arith.constant 1 : i32
    %shift_right_arithmetic3A_1155 = vector.broadcast %shift_right_arithmetic3A_1154 : i32 to vector<16xi32>
    %shift_right_arithmetic3A_1156 = arith.shrsi %get3A_1153, %shift_right_arithmetic3A_1155 : vector<16xi32>
    %swap3A_1157 = arith.constant 2 : i32
    %swap3A_1158 = arith.index_cast %swap3A_1157 : i32 to index
    %swap3A_1159 = arith.constant 80 : index
    %swap3A_1160 = tpu.vector_load %arg6[%swap3A_1158, %swap3A_1159] {strides = array<i32>} : memref<4x128xi32, #tpu.memory_space<vmem>>, vector<16xi32>,
    tpu.vector_store %arg6[%swap3A_1158, %swap3A_1159], %shift_right_arithmetic3A_1156 {strides = array<i32>} : memref<4x128xi32, #tpu.memory_space<vmem>>, vector<16xi32>,
    %get3A_1161 = arith.constant 2 : i32
    %get3A_1162 = arith.index_cast %get3A_1161 : i32 to index
    %get3A_1163 = arith.constant 96 : index
    %get3A_1164 = tpu.vector_load %arg5[%get3A_1162, %get3A_1163] {strides = array<i32>} : memref<4x128xi32, #tpu.memory_space<vmem>>, vector<16xi32>,
    %shift_right_arithmetic3A_1165 = arith.constant 1 : i32
    %shift_right_arithmetic3A_1166 = vector.broadcast %shift_right_arithmetic3A_1165 : i32 to vector<16xi32>
    %shift_right_arithmetic3A_1167 = arith.shrsi %get3A_1164, %shift_right_arithmetic3A_1166 : vector<16xi32>
    %swap3A_1168 = arith.constant 2 : i32
    %swap3A_1169 = arith.index_cast %swap3A_1168 : i32 to index
    %swap3A_1170 = arith.constant 96 : index
    %swap3A_1171 = tpu.vector_load %arg6[%swap3A_1169, %swap3A_1170] {strides = array<i32>} : memref<4x128xi32, #tpu.memory_space<vmem>>, vector<16xi32>,
    tpu.vector_store %arg6[%swap3A_1169, %swap3A_1170], %shift_right_arithmetic3A_1167 {strides = array<i32>} : memref<4x128xi32, #tpu.memory_space<vmem>>, vector<16xi32>,
    %get3A_1172 = arith.constant 2 : i32
    %get3A_1173 = arith.index_cast %get3A_1172 : i32 to index
    %get3A_1174 = arith.constant 112 : index
    %get3A_1175 = tpu.vector_load %arg5[%get3A_1173, %get3A_1174] {strides = array<i32>} : memref<4x128xi32, #tpu.memory_space<vmem>>, vector<16xi32>,
    %shift_right_arithmetic3A_1176 = arith.constant 1 : i32
    %shift_right_arithmetic3A_1177 = vector.broadcast %shift_right_arithmetic3A_1176 : i32 to vector<16xi32>
    %shift_right_arithmetic3A_1178 = arith.shrsi %get3A_1175, %shift_right_arithmetic3A_1177 : vector<16xi32>
    %swap3A_1179 = arith.constant 2 : i32
    %swap3A_1180 = arith.index_cast %swap3A_1179 : i32 to index
    %swap3A_1181 = arith.constant 112 : index
    %swap3A_1182 = tpu.vector_load %arg6[%swap3A_1180, %swap3A_1181] {strides = array<i32>} : memref<4x128xi32, #tpu.memory_space<vmem>>, vector<16xi32>,
    tpu.vector_store %arg6[%swap3A_1180, %swap3A_1181], %shift_right_arithmetic3A_1178 {strides = array<i32>} : memref<4x128xi32, #tpu.memory_space<vmem>>, vector<16xi32>,
    %dma_start3A_1183 = arith.constant 2 : i32
    %dma_start3A_1184 = arith.constant 2 : i32
    %dma_start3A_1185 = arith.constant 256 : i32
    %dma_start3A_1186 = arith.constant 0 : i32
    %dma_start3A_1187 = tpu.memref_slice %arg7[%dma_start3A_1185, %dma_start3A_1186] : memref<512x128xf32, #tpu.memory_space<vmem>> -> memref<128x128xf32, #tpu.memory_space<vmem>>
    %dma_start3A_1188 = arith.constant 0 : i32
    %dma_start3A_1189 = tpu.memref_slice %arg6[%dma_start3A_1183, %dma_start3A_1188] : memref<4x128xi32, #tpu.memory_space<vmem>> -> memref<1x128xi32, #tpu.memory_space<vmem>>
    %dma_start3A_1190 = tpu.memref_squeeze %dma_start3A_1189 : memref<1x128xi32, #tpu.memory_space<vmem>> -> memref<128xi32, #tpu.memory_space<vmem>>
    %dma_start3A_1191 = arith.constant 0 : i32
    %dma_start3A_1192 = arith.constant 0 : i32
    %dma_start3A_1193 = tpu.memref_slice %arg3[%dma_start3A_1191, %dma_start3A_1192] : memref<500000x128xf32, #tpu.memory_space<hbm>> -> memref<500000x128xf32, #tpu.memory_space<hbm>>
    %dma_start3A_1194 = tpu.memref_slice %arg10[%dma_start3A_1184] : memref<4x!tpu.dma_semaphore, #tpu.memory_space<semaphore_mem>> -> memref<1x!tpu.dma_semaphore, #tpu.memory_space<semaphore_mem>>
    %dma_start3A_1195 = tpu.memref_squeeze %dma_start3A_1194 : memref<1x!tpu.dma_semaphore, #tpu.memory_space<semaphore_mem>> -> memref<!tpu.dma_semaphore, #tpu.memory_space<semaphore_mem>>
    tpu.enqueue_indirect_dma source(%dma_start3A_1193 : memref<500000x128xf32, #tpu.memory_space<hbm>>) target(%dma_start3A_1187 : memref<128x128xf32, #tpu.memory_space<vmem>>) offsets(%dma_start3A_1190 : memref<128xi32, #tpu.memory_space<vmem>>) semaphore(%dma_start3A_1195 : memref<!tpu.dma_semaphore, #tpu.memory_space<semaphore_mem>>)
    %scan3A_1196 = arith.constant 1 : i32
    %scan3A_1197 = arith.constant 48 : i32
    %scan3A_1198 = arith.addi %scan3A_1196, %scan3A_1197 : i32
    %scan3A_1199 = arith.constant 1 : i32
    scf.for %scan3A_1682 = %scan3A_1196 to %scan3A_1198 step %scan3A_1199  : i32 {
      %add3A_1683 = arith.constant 0 : i32
      %add3A_1684 = arith.addi %scan3A_1682, %add3A_1683 : i32
      %add3A_1685 = arith.constant 3 : i32
      %add3A_1686 = arith.addi %mul3A_2, %add3A_1685 : i32
      %mul3A_1687 = arith.constant 128 : i32
      %mul3A_1688 = arith.muli %add3A_1686, %mul3A_1687 : i32
      %dma_start3A_1689 = arith.constant 3 : i32
      %dma_start3A_1690 = arith.constant 3 : i32
      %dma_start3A_1691 = arith.constant 0 : i32
      %dma_start3A_1692 = tpu.memref_slice %arg5[%dma_start3A_1689, %dma_start3A_1691] : memref<4x128xi32, #tpu.memory_space<vmem>> -> memref<1x128xi32, #tpu.memory_space<vmem>>
      %dma_start3A_1693 = tpu.memref_squeeze %dma_start3A_1692 : memref<1x128xi32, #tpu.memory_space<vmem>> -> memref<128xi32, #tpu.memory_space<vmem>>
      %dma_start3A_1694 = tpu.memref_slice %arg2[%add3A_1684, %mul3A_1688] : memref<50x16384xi32, #tpu.memory_space<hbm>> -> memref<1x128xi32, #tpu.memory_space<hbm>>
      %dma_start3A_1695 = tpu.memref_squeeze %dma_start3A_1694 : memref<1x128xi32, #tpu.memory_space<hbm>> -> memref<128xi32, #tpu.memory_space<hbm>>
      %dma_start3A_1696 = tpu.memref_slice %arg9[%dma_start3A_1690] : memref<4x!tpu.dma_semaphore, #tpu.memory_space<semaphore_mem>> -> memref<1x!tpu.dma_semaphore, #tpu.memory_space<semaphore_mem>>
      %dma_start3A_1697 = tpu.memref_squeeze %dma_start3A_1696 : memref<1x!tpu.dma_semaphore, #tpu.memory_space<semaphore_mem>> -> memref<!tpu.dma_semaphore, #tpu.memory_space<semaphore_mem>>
      %dma_start3A_1698 = arith.constant 0 : i32
      %dma_start3A_1699 = tpu.memref_slice %arg5[%dma_start3A_1689, %dma_start3A_1698] : memref<4x128xi32, #tpu.memory_space<vmem>> -> memref<1x128xi32, #tpu.memory_space<vmem>>
      %dma_start3A_1700 = tpu.memref_squeeze %dma_start3A_1699 : memref<1x128xi32, #tpu.memory_space<vmem>> -> memref<128xi32, #tpu.memory_space<vmem>>
      %dma_start3A_1701 = tpu.memref_slice %arg2[%add3A_1684, %mul3A_1688] : memref<50x16384xi32, #tpu.memory_space<hbm>> -> memref<1x128xi32, #tpu.memory_space<hbm>>
      %dma_start3A_1702 = tpu.memref_squeeze %dma_start3A_1701 : memref<1x128xi32, #tpu.memory_space<hbm>> -> memref<128xi32, #tpu.memory_space<hbm>>
      tpu.enqueue_dma source(%dma_start3A_1702 : memref<128xi32, #tpu.memory_space<hbm>>) target(%dma_start3A_1700 : memref<128xi32, #tpu.memory_space<vmem>>) target_semaphore(%dma_start3A_1697 : memref<!tpu.dma_semaphore, #tpu.memory_space<semaphore_mem>>)
      %dma_wait3A_1703 = arith.constant 0 : i32
      %dma_wait3A_1704 = arith.constant 0 : i32
      %dma_wait3A_1705 = arith.constant 0 : i32
      %dma_wait3A_1706 = tpu.memref_slice %arg7[%dma_wait3A_1704, %dma_wait3A_1705] : memref<512x128xf32, #tpu.memory_space<vmem>> -> memref<128x128xf32, #tpu.memory_space<vmem>>
      %dma_wait3A_1707 = arith.constant 0 : i32
      %dma_wait3A_1708 = arith.constant 0 : i32
      %dma_wait3A_1709 = tpu.memref_slice %arg3[%dma_wait3A_1707, %dma_wait3A_1708] : memref<500000x128xf32, #tpu.memory_space<hbm>> -> memref<128x128xf32, #tpu.memory_space<hbm>>
      %dma_wait3A_1710 = tpu.memref_slice %arg10[%dma_wait3A_1703] : memref<4x!tpu.dma_semaphore, #tpu.memory_space<semaphore_mem>> -> memref<1x!tpu.dma_semaphore, #tpu.memory_space<semaphore_mem>>
      %dma_wait3A_1711 = tpu.memref_squeeze %dma_wait3A_1710 : memref<1x!tpu.dma_semaphore, #tpu.memory_space<semaphore_mem>> -> memref<!tpu.dma_semaphore, #tpu.memory_space<semaphore_mem>>
      %dma_wait3A_1712 = arith.constant 0 : i32
      %dma_wait3A_1713 = arith.constant 0 : i32
      %dma_wait3A_1714 = tpu.memref_slice %arg7[%dma_wait3A_1712, %dma_wait3A_1713] : memref<512x128xf32, #tpu.memory_space<vmem>> -> memref<128x128xf32, #tpu.memory_space<vmem>>
      %dma_wait3A_1715 = arith.constant 0 : i32
      %dma_wait3A_1716 = arith.constant 0 : i32
      %dma_wait3A_1717 = tpu.memref_slice %arg3[%dma_wait3A_1715, %dma_wait3A_1716] : memref<500000x128xf32, #tpu.memory_space<hbm>> -> memref<128x128xf32, #tpu.memory_space<hbm>>
      tpu.wait_dma2 semaphore(%dma_wait3A_1711 : memref<!tpu.dma_semaphore, #tpu.memory_space<semaphore_mem>>) src(%dma_wait3A_1717 : memref<128x128xf32, #tpu.memory_space<hbm>>) dst(%dma_wait3A_1714 : memref<128x128xf32, #tpu.memory_space<vmem>>)
      %dma_wait3A_1718 = arith.constant 0 : i32
      %dma_wait3A_1719 = arith.constant 0 : i32
      %dma_wait3A_1720 = arith.constant 0 : i32
      %dma_wait3A_1721 = arith.constant 0 : i32
      %dma_wait3A_1722 = arith.constant 0 : i32
      %dma_wait3A_1723 = arith.constant 0 : i32
      %dma_wait3A_1724 = arith.constant 0 : i32
      %dma_wait3A_1725 = tpu.memref_slice %arg8[%dma_wait3A_1718, %dma_wait3A_1722, %dma_wait3A_1723, %dma_wait3A_1724] : memref<2x8x8x128xf32, #tpu.memory_space<vmem>> -> memref<1x8x8x128xf32, #tpu.memory_space<vmem>>
      %dma_wait3A_1726 = tpu.memref_squeeze %dma_wait3A_1725 : memref<1x8x8x128xf32, #tpu.memory_space<vmem>> -> memref<8x8x128xf32, #tpu.memory_space<vmem>>
      %dma_wait3A_1727 = arith.constant 0 : i32
      %dma_wait3A_1728 = arith.constant 0 : i32
      %dma_wait3A_1729 = arith.constant 0 : i32
      %dma_wait3A_1730 = tpu.memref_slice %arg4[%dma_wait3A_1719, %dma_wait3A_1727, %dma_wait3A_1720, %dma_wait3A_1728, %dma_wait3A_1729] : memref<50x8x128x8x128xf32, #tpu.memory_space<hbm>> -> memref<1x8x1x8x128xf32, #tpu.memory_space<hbm>>
      %dma_wait3A_1731 = tpu.memref_squeeze %dma_wait3A_1730 : memref<1x8x1x8x128xf32, #tpu.memory_space<hbm>> -> memref<8x8x128xf32, #tpu.memory_space<hbm>>
      %dma_wait3A_1732 = tpu.memref_slice %arg11[%dma_wait3A_1721] : memref<2x!tpu.dma_semaphore, #tpu.memory_space<semaphore_mem>> -> memref<1x!tpu.dma_semaphore, #tpu.memory_space<semaphore_mem>>
      %dma_wait3A_1733 = tpu.memref_squeeze %dma_wait3A_1732 : memref<1x!tpu.dma_semaphore, #tpu.memory_space<semaphore_mem>> -> memref<!tpu.dma_semaphore, #tpu.memory_space<semaphore_mem>>
      %dma_wait3A_1734 = arith.constant 0 : i32
      %dma_wait3A_1735 = arith.constant 0 : i32
      %dma_wait3A_1736 = arith.constant 0 : i32
      %dma_wait3A_1737 = tpu.memref_slice %arg4[%dma_wait3A_1719, %dma_wait3A_1734, %dma_wait3A_1720, %dma_wait3A_1735, %dma_wait3A_1736] : memref<50x8x128x8x128xf32, #tpu.memory_space<hbm>> -> memref<1x8x1x8x128xf32, #tpu.memory_space<hbm>>
      %dma_wait3A_1738 = tpu.memref_squeeze %dma_wait3A_1737 : memref<1x8x1x8x128xf32, #tpu.memory_space<hbm>> -> memref<8x8x128xf32, #tpu.memory_space<hbm>>
      %dma_wait3A_1739 = arith.constant 0 : i32
      %dma_wait3A_1740 = arith.constant 0 : i32
      %dma_wait3A_1741 = arith.constant 0 : i32
      %dma_wait3A_1742 = tpu.memref_slice %arg8[%dma_wait3A_1718, %dma_wait3A_1739, %dma_wait3A_1740, %dma_wait3A_1741] : memref<2x8x8x128xf32, #tpu.memory_space<vmem>> -> memref<1x8x8x128xf32, #tpu.memory_space<vmem>>
      %dma_wait3A_1743 = tpu.memref_squeeze %dma_wait3A_1742 : memref<1x8x8x128xf32, #tpu.memory_space<vmem>> -> memref<8x8x128xf32, #tpu.memory_space<vmem>>
      tpu.wait_dma2 semaphore(%dma_wait3A_1733 : memref<!tpu.dma_semaphore, #tpu.memory_space<semaphore_mem>>) src(%dma_wait3A_1743 : memref<8x8x128xf32, #tpu.memory_space<vmem>>) dst(%dma_wait3A_1738 : memref<8x8x128xf32, #tpu.memory_space<hbm>>)
      %scan3A_1744 = arith.constant 0 : i32
      %scan3A_1745 = arith.constant 8 : i32
      %scan3A_1746 = arith.addi %scan3A_1744, %scan3A_1745 : i32
      %scan3A_1747 = arith.constant 1 : i32
      scf.for %scan3A_2523 = %scan3A_1744 to %scan3A_1746 step %scan3A_1747  : i32 {
        %mul3A_2524 = arith.constant 16 : i32
        %mul3A_2525 = arith.muli %scan3A_2523, %mul3A_2524 : i32
        %add3A_2526 = arith.constant 0 : i32
        %add3A_2527 = arith.addi %add3A_2526, %mul3A_2525 : i32
        %add3A_2528 = vector.broadcast %add3A_2527 : i32 to vector<16xi32>
        %add3A_2529 = arith.addi %iota3A, %add3A_2528 : vector<16xi32>
        %get3A_2530 = arith.constant 0 : i32
        %get3A_2531 = arith.index_cast %get3A_2530 : i32 to index
        %get3A_2532 = arith.index_cast %mul3A_2525 : i32 to index
        %get3A_2533 = tpu.vector_load %arg5[%get3A_2531, %get3A_2532] {strides = array<i32>} : memref<4x128xi32, #tpu.memory_space<vmem>>, vector<16xi32>,
        %and3A = arith.constant 1 : i32
        %and3A_2534 = vector.broadcast %and3A : i32 to vector<16xi32>
        %and3A_2535 = arith.andi %get3A_2533, %and3A_2534 : vector<16xi32>
        %mul3A_2536 = arith.constant 64 : i32
        %mul3A_2537 = vector.broadcast %mul3A_2536 : i32 to vector<16xi32>
        %mul3A_2538 = arith.muli %and3A_2535, %mul3A_2537 : vector<16xi32>
        %parallel_loop3A = arith.constant 0 : i32
        %parallel_loop3A_2539 = arith.constant 64 : i32
        %parallel_loop3A_2540 = arith.constant 1 : i32
        scf.for %parallel_loop3A_2541 = %parallel_loop3A to %parallel_loop3A_2539 step %parallel_loop3A_2540  : i32 {
          %parallel_loop3A_2542 = vector.broadcast %parallel_loop3A_2541 : i32 to vector<16xi32>
          %parallel_loop3A_2543 = arith.addi %mul3A_2538, %parallel_loop3A_2542 : vector<16xi32>
          %parallel_loop3A_2544 = tpu.vector_load_idx %arg7[%add3A_2529, %parallel_loop3A_2543] : memref<512x128xf32, #tpu.memory_space<vmem>>[vector<16xi32>, vector<16xi32>], vector<16xf32>,
          %parallel_loop3A_2545 = arith.constant 8.000000e+00 : f32
          %parallel_loop3A_2546 = vector.broadcast %parallel_loop3A_2545 : f32 to vector<16xf32>
          %parallel_loop3A_2547 = arith.mulf %parallel_loop3A_2544, %parallel_loop3A_2546 : vector<16xf32>
          %parallel_loop3A_2548 = arith.constant 3 : i32
          %parallel_loop3A_2549 = arith.shrsi %parallel_loop3A_2541, %parallel_loop3A_2548 : i32
          %parallel_loop3A_2550 = arith.constant 7 : i32
          %parallel_loop3A_2551 = arith.andi %parallel_loop3A_2541, %parallel_loop3A_2550 : i32
          %parallel_loop3A_2552 = arith.constant 0 : i32
          %parallel_loop3A_2553 = arith.index_cast %parallel_loop3A_2552 : i32 to index
          %parallel_loop3A_2554 = arith.index_cast %parallel_loop3A_2549 : i32 to index
          %parallel_loop3A_2555 = arith.index_cast %parallel_loop3A_2551 : i32 to index
          %parallel_loop3A_2556 = arith.index_cast %mul3A_2525 : i32 to index
          %parallel_loop3A_2557 = tpu.vector_load %arg8[%parallel_loop3A_2553, %parallel_loop3A_2554, %parallel_loop3A_2555, %parallel_loop3A_2556] {strides = array<i32>} : memref<2x8x8x128xf32, #tpu.memory_space<vmem>>, vector<16xf32>,
          tpu.vector_store %arg8[%parallel_loop3A_2553, %parallel_loop3A_2554, %parallel_loop3A_2555, %parallel_loop3A_2556], %parallel_loop3A_2547 {strides = array<i32>} : memref<2x8x8x128xf32, #tpu.memory_space<vmem>>, vector<16xf32>,
        } {sc.loop_unroll_factor = 16 : i64, sc.parallel_access}
      }
      %scan3A_1748 = arith.constant 8 : i32
      %add3A_1749 = arith.constant 0 : i32
      %add3A_1750 = arith.addi %mul3A_2, %add3A_1749 : i32
      %dma_start3A_1751 = arith.constant 0 : i32
      %dma_start3A_1752 = arith.constant 0 : i32
      %dma_start3A_1753 = arith.constant 0 : i32
      %dma_start3A_1754 = arith.constant 0 : i32
      %dma_start3A_1755 = arith.constant 0 : i32
      %dma_start3A_1756 = tpu.memref_slice %arg8[%dma_start3A_1751, %dma_start3A_1753, %dma_start3A_1754, %dma_start3A_1755] : memref<2x8x8x128xf32, #tpu.memory_space<vmem>> -> memref<1x8x8x128xf32, #tpu.memory_space<vmem>>
      %dma_start3A_1757 = tpu.memref_squeeze %dma_start3A_1756 : memref<1x8x8x128xf32, #tpu.memory_space<vmem>> -> memref<8x8x128xf32, #tpu.memory_space<vmem>>
      %dma_start3A_1758 = arith.constant 0 : i32
      %dma_start3A_1759 = arith.constant 0 : i32
      %dma_start3A_1760 = arith.constant 0 : i32
      %dma_start3A_1761 = tpu.memref_slice %arg4[%scan3A_1682, %dma_start3A_1758, %add3A_1750, %dma_start3A_1759, %dma_start3A_1760] : memref<50x8x128x8x128xf32, #tpu.memory_space<hbm>> -> memref<1x8x1x8x128xf32, #tpu.memory_space<hbm>>
      %dma_start3A_1762 = tpu.memref_squeeze %dma_start3A_1761 : memref<1x8x1x8x128xf32, #tpu.memory_space<hbm>> -> memref<8x8x128xf32, #tpu.memory_space<hbm>>
      %dma_start3A_1763 = tpu.memref_slice %arg11[%dma_start3A_1752] : memref<2x!tpu.dma_semaphore, #tpu.memory_space<semaphore_mem>> -> memref<1x!tpu.dma_semaphore, #tpu.memory_space<semaphore_mem>>
      %dma_start3A_1764 = tpu.memref_squeeze %dma_start3A_1763 : memref<1x!tpu.dma_semaphore, #tpu.memory_space<semaphore_mem>> -> memref<!tpu.dma_semaphore, #tpu.memory_space<semaphore_mem>>
      %dma_start3A_1765 = arith.constant 0 : i32
      %dma_start3A_1766 = arith.constant 0 : i32
      %dma_start3A_1767 = arith.constant 0 : i32
      %dma_start3A_1768 = tpu.memref_slice %arg4[%scan3A_1682, %dma_start3A_1765, %add3A_1750, %dma_start3A_1766, %dma_start3A_1767] : memref<50x8x128x8x128xf32, #tpu.memory_space<hbm>> -> memref<1x8x1x8x128xf32, #tpu.memory_space<hbm>>
      %dma_start3A_1769 = tpu.memref_squeeze %dma_start3A_1768 : memref<1x8x1x8x128xf32, #tpu.memory_space<hbm>> -> memref<8x8x128xf32, #tpu.memory_space<hbm>>
      %dma_start3A_1770 = arith.constant 0 : i32
      %dma_start3A_1771 = arith.constant 0 : i32
      %dma_start3A_1772 = arith.constant 0 : i32
      %dma_start3A_1773 = tpu.memref_slice %arg8[%dma_start3A_1751, %dma_start3A_1770, %dma_start3A_1771, %dma_start3A_1772] : memref<2x8x8x128xf32, #tpu.memory_space<vmem>> -> memref<1x8x8x128xf32, #tpu.memory_space<vmem>>
      %dma_start3A_1774 = tpu.memref_squeeze %dma_start3A_1773 : memref<1x8x8x128xf32, #tpu.memory_space<vmem>> -> memref<8x8x128xf32, #tpu.memory_space<vmem>>
      tpu.enqueue_dma source(%dma_start3A_1774 : memref<8x8x128xf32, #tpu.memory_space<vmem>>) target(%dma_start3A_1769 : memref<8x8x128xf32, #tpu.memory_space<hbm>>) target_semaphore(%dma_start3A_1764 : memref<!tpu.dma_semaphore, #tpu.memory_space<semaphore_mem>>)
      %dma_wait3A_1775 = arith.constant 0 : i32
      %dma_wait3A_1776 = arith.constant 3 : i32
      %dma_wait3A_1777 = arith.constant 3 : i32
      %dma_wait3A_1778 = arith.constant 0 : i32
      %dma_wait3A_1779 = tpu.memref_slice %arg5[%dma_wait3A_1776, %dma_wait3A_1778] : memref<4x128xi32, #tpu.memory_space<vmem>> -> memref<1x128xi32, #tpu.memory_space<vmem>>
      %dma_wait3A_1780 = tpu.memref_squeeze %dma_wait3A_1779 : memref<1x128xi32, #tpu.memory_space<vmem>> -> memref<128xi32, #tpu.memory_space<vmem>>
      %dma_wait3A_1781 = arith.constant 0 : i32
      %dma_wait3A_1782 = tpu.memref_slice %arg2[%dma_wait3A_1775, %dma_wait3A_1781] : memref<50x16384xi32, #tpu.memory_space<hbm>> -> memref<1x128xi32, #tpu.memory_space<hbm>>
      %dma_wait3A_1783 = tpu.memref_squeeze %dma_wait3A_1782 : memref<1x128xi32, #tpu.memory_space<hbm>> -> memref<128xi32, #tpu.memory_space<hbm>>
      %dma_wait3A_1784 = tpu.memref_slice %arg9[%dma_wait3A_1777] : memref<4x!tpu.dma_semaphore, #tpu.memory_space<semaphore_mem>> -> memref<1x!tpu.dma_semaphore, #tpu.memory_space<semaphore_mem>>
      %dma_wait3A_1785 = tpu.memref_squeeze %dma_wait3A_1784 : memref<1x!tpu.dma_semaphore, #tpu.memory_space<semaphore_mem>> -> memref<!tpu.dma_semaphore, #tpu.memory_space<semaphore_mem>>
      %dma_wait3A_1786 = arith.constant 0 : i32
      %dma_wait3A_1787 = tpu.memref_slice %arg5[%dma_wait3A_1776, %dma_wait3A_1786] : memref<4x128xi32, #tpu.memory_space<vmem>> -> memref<1x128xi32, #tpu.memory_space<vmem>>
      %dma_wait3A_1788 = tpu.memref_squeeze %dma_wait3A_1787 : memref<1x128xi32, #tpu.memory_space<vmem>> -> memref<128xi32, #tpu.memory_space<vmem>>
      %dma_wait3A_1789 = arith.constant 0 : i32
      %dma_wait3A_1790 = tpu.memref_slice %arg2[%dma_wait3A_1775, %dma_wait3A_1789] : memref<50x16384xi32, #tpu.memory_space<hbm>> -> memref<1x128xi32, #tpu.memory_space<hbm>>
      %dma_wait3A_1791 = tpu.memref_squeeze %dma_wait3A_1790 : memref<1x128xi32, #tpu.memory_space<hbm>> -> memref<128xi32, #tpu.memory_space<hbm>>
      tpu.wait_dma2 semaphore(%dma_wait3A_1785 : memref<!tpu.dma_semaphore, #tpu.memory_space<semaphore_mem>>) src(%dma_wait3A_1791 : memref<128xi32, #tpu.memory_space<hbm>>) dst(%dma_wait3A_1788 : memref<128xi32, #tpu.memory_space<vmem>>)
      %get3A_1792 = arith.constant 3 : i32
      %get3A_1793 = arith.index_cast %get3A_1792 : i32 to index
      %get3A_1794 = arith.constant 0 : index
      %get3A_1795 = tpu.vector_load %arg5[%get3A_1793, %get3A_1794] {strides = array<i32>} : memref<4x128xi32, #tpu.memory_space<vmem>>, vector<16xi32>,
      %shift_right_arithmetic3A_1796 = arith.constant 1 : i32
      %shift_right_arithmetic3A_1797 = vector.broadcast %shift_right_arithmetic3A_1796 : i32 to vector<16xi32>
      %shift_right_arithmetic3A_1798 = arith.shrsi %get3A_1795, %shift_right_arithmetic3A_1797 : vector<16xi32>
      %swap3A_1799 = arith.constant 3 : i32
      %swap3A_1800 = arith.index_cast %swap3A_1799 : i32 to index
      %swap3A_1801 = arith.constant 0 : index
      %swap3A_1802 = tpu.vector_load %arg6[%swap3A_1800, %swap3A_1801] {strides = array<i32>} : memref<4x128xi32, #tpu.memory_space<vmem>>, vector<16xi32>,
      tpu.vector_store %arg6[%swap3A_1800, %swap3A_1801], %shift_right_arithmetic3A_1798 {strides = array<i32>} : memref<4x128xi32, #tpu.memory_space<vmem>>, vector<16xi32>,
      %get3A_1803 = arith.constant 3 : i32
      %get3A_1804 = arith.index_cast %get3A_1803 : i32 to index
      %get3A_1805 = arith.constant 16 : index
      %get3A_1806 = tpu.vector_load %arg5[%get3A_1804, %get3A_1805] {strides = array<i32>} : memref<4x128xi32, #tpu.memory_space<vmem>>, vector<16xi32>,
      %shift_right_arithmetic3A_1807 = arith.constant 1 : i32
      %shift_right_arithmetic3A_1808 = vector.broadcast %shift_right_arithmetic3A_1807 : i32 to vector<16xi32>
      %shift_right_arithmetic3A_1809 = arith.shrsi %get3A_1806, %shift_right_arithmetic3A_1808 : vector<16xi32>
      %swap3A_1810 = arith.constant 3 : i32
      %swap3A_1811 = arith.index_cast %swap3A_1810 : i32 to index
      %swap3A_1812 = arith.constant 16 : index
      %swap3A_1813 = tpu.vector_load %arg6[%swap3A_1811, %swap3A_1812] {strides = array<i32>} : memref<4x128xi32, #tpu.memory_space<vmem>>, vector<16xi32>,
      tpu.vector_store %arg6[%swap3A_1811, %swap3A_1812], %shift_right_arithmetic3A_1809 {strides = array<i32>} : memref<4x128xi32, #tpu.memory_space<vmem>>, vector<16xi32>,
      %get3A_1814 = arith.constant 3 : i32
      %get3A_1815 = arith.index_cast %get3A_1814 : i32 to index
      %get3A_1816 = arith.constant 32 : index
      %get3A_1817 = tpu.vector_load %arg5[%get3A_1815, %get3A_1816] {strides = array<i32>} : memref<4x128xi32, #tpu.memory_space<vmem>>, vector<16xi32>,
      %shift_right_arithmetic3A_1818 = arith.constant 1 : i32
      %shift_right_arithmetic3A_1819 = vector.broadcast %shift_right_arithmetic3A_1818 : i32 to vector<16xi32>
      %shift_right_arithmetic3A_1820 = arith.shrsi %get3A_1817, %shift_right_arithmetic3A_1819 : vector<16xi32>
      %swap3A_1821 = arith.constant 3 : i32
      %swap3A_1822 = arith.index_cast %swap3A_1821 : i32 to index
      %swap3A_1823 = arith.constant 32 : index
      %swap3A_1824 = tpu.vector_load %arg6[%swap3A_1822, %swap3A_1823] {strides = array<i32>} : memref<4x128xi32, #tpu.memory_space<vmem>>, vector<16xi32>,
      tpu.vector_store %arg6[%swap3A_1822, %swap3A_1823], %shift_right_arithmetic3A_1820 {strides = array<i32>} : memref<4x128xi32, #tpu.memory_space<vmem>>, vector<16xi32>,
      %get3A_1825 = arith.constant 3 : i32
      %get3A_1826 = arith.index_cast %get3A_1825 : i32 to index
      %get3A_1827 = arith.constant 48 : index
      %get3A_1828 = tpu.vector_load %arg5[%get3A_1826, %get3A_1827] {strides = array<i32>} : memref<4x128xi32, #tpu.memory_space<vmem>>, vector<16xi32>,
      %shift_right_arithmetic3A_1829 = arith.constant 1 : i32
      %shift_right_arithmetic3A_1830 = vector.broadcast %shift_right_arithmetic3A_1829 : i32 to vector<16xi32>
      %shift_right_arithmetic3A_1831 = arith.shrsi %get3A_1828, %shift_right_arithmetic3A_1830 : vector<16xi32>
      %swap3A_1832 = arith.constant 3 : i32
      %swap3A_1833 = arith.index_cast %swap3A_1832 : i32 to index
      %swap3A_1834 = arith.constant 48 : index
      %swap3A_1835 = tpu.vector_load %arg6[%swap3A_1833, %swap3A_1834] {strides = array<i32>} : memref<4x128xi32, #tpu.memory_space<vmem>>, vector<16xi32>,
      tpu.vector_store %arg6[%swap3A_1833, %swap3A_1834], %shift_right_arithmetic3A_1831 {strides = array<i32>} : memref<4x128xi32, #tpu.memory_space<vmem>>, vector<16xi32>,
      %get3A_1836 = arith.constant 3 : i32
      %get3A_1837 = arith.index_cast %get3A_1836 : i32 to index
      %get3A_1838 = arith.constant 64 : index
      %get3A_1839 = tpu.vector_load %arg5[%get3A_1837, %get3A_1838] {strides = array<i32>} : memref<4x128xi32, #tpu.memory_space<vmem>>, vector<16xi32>,
      %shift_right_arithmetic3A_1840 = arith.constant 1 : i32
      %shift_right_arithmetic3A_1841 = vector.broadcast %shift_right_arithmetic3A_1840 : i32 to vector<16xi32>
      %shift_right_arithmetic3A_1842 = arith.shrsi %get3A_1839, %shift_right_arithmetic3A_1841 : vector<16xi32>
      %swap3A_1843 = arith.constant 3 : i32
      %swap3A_1844 = arith.index_cast %swap3A_1843 : i32 to index
      %swap3A_1845 = arith.constant 64 : index
      %swap3A_1846 = tpu.vector_load %arg6[%swap3A_1844, %swap3A_1845] {strides = array<i32>} : memref<4x128xi32, #tpu.memory_space<vmem>>, vector<16xi32>,
      tpu.vector_store %arg6[%swap3A_1844, %swap3A_1845], %shift_right_arithmetic3A_1842 {strides = array<i32>} : memref<4x128xi32, #tpu.memory_space<vmem>>, vector<16xi32>,
      %get3A_1847 = arith.constant 3 : i32
      %get3A_1848 = arith.index_cast %get3A_1847 : i32 to index
      %get3A_1849 = arith.constant 80 : index
      %get3A_1850 = tpu.vector_load %arg5[%get3A_1848, %get3A_1849] {strides = array<i32>} : memref<4x128xi32, #tpu.memory_space<vmem>>, vector<16xi32>,
      %shift_right_arithmetic3A_1851 = arith.constant 1 : i32
      %shift_right_arithmetic3A_1852 = vector.broadcast %shift_right_arithmetic3A_1851 : i32 to vector<16xi32>
      %shift_right_arithmetic3A_1853 = arith.shrsi %get3A_1850, %shift_right_arithmetic3A_1852 : vector<16xi32>
      %swap3A_1854 = arith.constant 3 : i32
      %swap3A_1855 = arith.index_cast %swap3A_1854 : i32 to index
      %swap3A_1856 = arith.constant 80 : index
      %swap3A_1857 = tpu.vector_load %arg6[%swap3A_1855, %swap3A_1856] {strides = array<i32>} : memref<4x128xi32, #tpu.memory_space<vmem>>, vector<16xi32>,
      tpu.vector_store %arg6[%swap3A_1855, %swap3A_1856], %shift_right_arithmetic3A_1853 {strides = array<i32>} : memref<4x128xi32, #tpu.memory_space<vmem>>, vector<16xi32>,
      %get3A_1858 = arith.constant 3 : i32
      %get3A_1859 = arith.index_cast %get3A_1858 : i32 to index
      %get3A_1860 = arith.constant 96 : index
      %get3A_1861 = tpu.vector_load %arg5[%get3A_1859, %get3A_1860] {strides = array<i32>} : memref<4x128xi32, #tpu.memory_space<vmem>>, vector<16xi32>,
      %shift_right_arithmetic3A_1862 = arith.constant 1 : i32
      %shift_right_arithmetic3A_1863 = vector.broadcast %shift_right_arithmetic3A_1862 : i32 to vector<16xi32>
      %shift_right_arithmetic3A_1864 = arith.shrsi %get3A_1861, %shift_right_arithmetic3A_1863 : vector<16xi32>
      %swap3A_1865 = arith.constant 3 : i32
      %swap3A_1866 = arith.index_cast %swap3A_1865 : i32 to index
      %swap3A_1867 = arith.constant 96 : index
      %swap3A_1868 = tpu.vector_load %arg6[%swap3A_1866, %swap3A_1867] {strides = array<i32>} : memref<4x128xi32, #tpu.memory_space<vmem>>, vector<16xi32>,
      tpu.vector_store %arg6[%swap3A_1866, %swap3A_1867], %shift_right_arithmetic3A_1864 {strides = array<i32>} : memref<4x128xi32, #tpu.memory_space<vmem>>, vector<16xi32>,
      %get3A_1869 = arith.constant 3 : i32
      %get3A_1870 = arith.index_cast %get3A_1869 : i32 to index
      %get3A_1871 = arith.constant 112 : index
      %get3A_1872 = tpu.vector_load %arg5[%get3A_1870, %get3A_1871] {strides = array<i32>} : memref<4x128xi32, #tpu.memory_space<vmem>>, vector<16xi32>,
      %shift_right_arithmetic3A_1873 = arith.constant 1 : i32
      %shift_right_arithmetic3A_1874 = vector.broadcast %shift_right_arithmetic3A_1873 : i32 to vector<16xi32>
      %shift_right_arithmetic3A_1875 = arith.shrsi %get3A_1872, %shift_right_arithmetic3A_1874 : vector<16xi32>
      %swap3A_1876 = arith.constant 3 : i32
      %swap3A_1877 = arith.index_cast %swap3A_1876 : i32 to index
      %swap3A_1878 = arith.constant 112 : index
      %swap3A_1879 = tpu.vector_load %arg6[%swap3A_1877, %swap3A_1878] {strides = array<i32>} : memref<4x128xi32, #tpu.memory_space<vmem>>, vector<16xi32>,
      tpu.vector_store %arg6[%swap3A_1877, %swap3A_1878], %shift_right_arithmetic3A_1875 {strides = array<i32>} : memref<4x128xi32, #tpu.memory_space<vmem>>, vector<16xi32>,
      %dma_start3A_1880 = arith.constant 3 : i32
      %dma_start3A_1881 = arith.constant 3 : i32
      %dma_start3A_1882 = arith.constant 384 : i32
      %dma_start3A_1883 = arith.constant 0 : i32
      %dma_start3A_1884 = tpu.memref_slice %arg7[%dma_start3A_1882, %dma_start3A_1883] : memref<512x128xf32, #tpu.memory_space<vmem>> -> memref<128x128xf32, #tpu.memory_space<vmem>>
      %dma_start3A_1885 = arith.constant 0 : i32
      %dma_start3A_1886 = tpu.memref_slice %arg6[%dma_start3A_1880, %dma_start3A_1885] : memref<4x128xi32, #tpu.memory_space<vmem>> -> memref<1x128xi32, #tpu.memory_space<vmem>>
      %dma_start3A_1887 = tpu.memref_squeeze %dma_start3A_1886 : memref<1x128xi32, #tpu.memory_space<vmem>> -> memref<128xi32, #tpu.memory_space<vmem>>
      %dma_start3A_1888 = arith.constant 0 : i32
      %dma_start3A_1889 = arith.constant 0 : i32
      %dma_start3A_1890 = tpu.memref_slice %arg3[%dma_start3A_1888, %dma_start3A_1889] : memref<500000x128xf32, #tpu.memory_space<hbm>> -> memref<500000x128xf32, #tpu.memory_space<hbm>>
      %dma_start3A_1891 = tpu.memref_slice %arg10[%dma_start3A_1881] : memref<4x!tpu.dma_semaphore, #tpu.memory_space<semaphore_mem>> -> memref<1x!tpu.dma_semaphore, #tpu.memory_space<semaphore_mem>>
      %dma_start3A_1892 = tpu.memref_squeeze %dma_start3A_1891 : memref<1x!tpu.dma_semaphore, #tpu.memory_space<semaphore_mem>> -> memref<!tpu.dma_semaphore, #tpu.memory_space<semaphore_mem>>
      tpu.enqueue_indirect_dma source(%dma_start3A_1890 : memref<500000x128xf32, #tpu.memory_space<hbm>>) target(%dma_start3A_1884 : memref<128x128xf32, #tpu.memory_space<vmem>>) offsets(%dma_start3A_1887 : memref<128xi32, #tpu.memory_space<vmem>>) semaphore(%dma_start3A_1892 : memref<!tpu.dma_semaphore, #tpu.memory_space<semaphore_mem>>)
      %add3A_1893 = arith.constant 1 : i32
      %add3A_1894 = arith.addi %scan3A_1682, %add3A_1893 : i32
      %add3A_1895 = arith.constant 0 : i32
      %add3A_1896 = arith.addi %mul3A_2, %add3A_1895 : i32
      %mul3A_1897 = arith.constant 128 : i32
      %mul3A_1898 = arith.muli %add3A_1896, %mul3A_1897 : i32
      %dma_start3A_1899 = arith.constant 0 : i32
      %dma_start3A_1900 = arith.constant 0 : i32
      %dma_start3A_1901 = arith.constant 0 : i32
      %dma_start3A_1902 = tpu.memref_slice %arg5[%dma_start3A_1899, %dma_start3A_1901] : memref<4x128xi32, #tpu.memory_space<vmem>> -> memref<1x128xi32, #tpu.memory_space<vmem>>
      %dma_start3A_1903 = tpu.memref_squeeze %dma_start3A_1902 : memref<1x128xi32, #tpu.memory_space<vmem>> -> memref<128xi32, #tpu.memory_space<vmem>>
      %dma_start3A_1904 = tpu.memref_slice %arg2[%add3A_1894, %mul3A_1898] : memref<50x16384xi32, #tpu.memory_space<hbm>> -> memref<1x128xi32, #tpu.memory_space<hbm>>
      %dma_start3A_1905 = tpu.memref_squeeze %dma_start3A_1904 : memref<1x128xi32, #tpu.memory_space<hbm>> -> memref<128xi32, #tpu.memory_space<hbm>>
      %dma_start3A_1906 = tpu.memref_slice %arg9[%dma_start3A_1900] : memref<4x!tpu.dma_semaphore, #tpu.memory_space<semaphore_mem>> -> memref<1x!tpu.dma_semaphore, #tpu.memory_space<semaphore_mem>>
      %dma_start3A_1907 = tpu.memref_squeeze %dma_start3A_1906 : memref<1x!tpu.dma_semaphore, #tpu.memory_space<semaphore_mem>> -> memref<!tpu.dma_semaphore, #tpu.memory_space<semaphore_mem>>
      %dma_start3A_1908 = arith.constant 0 : i32
      %dma_start3A_1909 = tpu.memref_slice %arg5[%dma_start3A_1899, %dma_start3A_1908] : memref<4x128xi32, #tpu.memory_space<vmem>> -> memref<1x128xi32, #tpu.memory_space<vmem>>
      %dma_start3A_1910 = tpu.memref_squeeze %dma_start3A_1909 : memref<1x128xi32, #tpu.memory_space<vmem>> -> memref<128xi32, #tpu.memory_space<vmem>>
      %dma_start3A_1911 = tpu.memref_slice %arg2[%add3A_1894, %mul3A_1898] : memref<50x16384xi32, #tpu.memory_space<hbm>> -> memref<1x128xi32, #tpu.memory_space<hbm>>
      %dma_start3A_1912 = tpu.memref_squeeze %dma_start3A_1911 : memref<1x128xi32, #tpu.memory_space<hbm>> -> memref<128xi32, #tpu.memory_space<hbm>>
      tpu.enqueue_dma source(%dma_start3A_1912 : memref<128xi32, #tpu.memory_space<hbm>>) target(%dma_start3A_1910 : memref<128xi32, #tpu.memory_space<vmem>>) target_semaphore(%dma_start3A_1907 : memref<!tpu.dma_semaphore, #tpu.memory_space<semaphore_mem>>)
      %dma_wait3A_1913 = arith.constant 1 : i32
      %dma_wait3A_1914 = arith.constant 128 : i32
      %dma_wait3A_1915 = arith.constant 0 : i32
      %dma_wait3A_1916 = tpu.memref_slice %arg7[%dma_wait3A_1914, %dma_wait3A_1915] : memref<512x128xf32, #tpu.memory_space<vmem>> -> memref<128x128xf32, #tpu.memory_space<vmem>>
      %dma_wait3A_1917 = arith.constant 0 : i32
      %dma_wait3A_1918 = arith.constant 0 : i32
      %dma_wait3A_1919 = tpu.memref_slice %arg3[%dma_wait3A_1917, %dma_wait3A_1918] : memref<500000x128xf32, #tpu.memory_space<hbm>> -> memref<128x128xf32, #tpu.memory_space<hbm>>
      %dma_wait3A_1920 = tpu.memref_slice %arg10[%dma_wait3A_1913] : memref<4x!tpu.dma_semaphore, #tpu.memory_space<semaphore_mem>> -> memref<1x!tpu.dma_semaphore, #tpu.memory_space<semaphore_mem>>
      %dma_wait3A_1921 = tpu.memref_squeeze %dma_wait3A_1920 : memref<1x!tpu.dma_semaphore, #tpu.memory_space<semaphore_mem>> -> memref<!tpu.dma_semaphore, #tpu.memory_space<semaphore_mem>>
      %dma_wait3A_1922 = arith.constant 128 : i32
      %dma_wait3A_1923 = arith.constant 0 : i32
      %dma_wait3A_1924 = tpu.memref_slice %arg7[%dma_wait3A_1922, %dma_wait3A_1923] : memref<512x128xf32, #tpu.memory_space<vmem>> -> memref<128x128xf32, #tpu.memory_space<vmem>>
      %dma_wait3A_1925 = arith.constant 0 : i32
      %dma_wait3A_1926 = arith.constant 0 : i32
      %dma_wait3A_1927 = tpu.memref_slice %arg3[%dma_wait3A_1925, %dma_wait3A_1926] : memref<500000x128xf32, #tpu.memory_space<hbm>> -> memref<128x128xf32, #tpu.memory_space<hbm>>
      tpu.wait_dma2 semaphore(%dma_wait3A_1921 : memref<!tpu.dma_semaphore, #tpu.memory_space<semaphore_mem>>) src(%dma_wait3A_1927 : memref<128x128xf32, #tpu.memory_space<hbm>>) dst(%dma_wait3A_1924 : memref<128x128xf32, #tpu.memory_space<vmem>>)
      %dma_wait3A_1928 = arith.constant 1 : i32
      %dma_wait3A_1929 = arith.constant 0 : i32
      %dma_wait3A_1930 = arith.constant 0 : i32
      %dma_wait3A_1931 = arith.constant 1 : i32
      %dma_wait3A_1932 = arith.constant 0 : i32
      %dma_wait3A_1933 = arith.constant 0 : i32
      %dma_wait3A_1934 = arith.constant 0 : i32
      %dma_wait3A_1935 = tpu.memref_slice %arg8[%dma_wait3A_1928, %dma_wait3A_1932, %dma_wait3A_1933, %dma_wait3A_1934] : memref<2x8x8x128xf32, #tpu.memory_space<vmem>> -> memref<1x8x8x128xf32, #tpu.memory_space<vmem>>
      %dma_wait3A_1936 = tpu.memref_squeeze %dma_wait3A_1935 : memref<1x8x8x128xf32, #tpu.memory_space<vmem>> -> memref<8x8x128xf32, #tpu.memory_space<vmem>>
      %dma_wait3A_1937 = arith.constant 0 : i32
      %dma_wait3A_1938 = arith.constant 0 : i32
      %dma_wait3A_1939 = arith.constant 0 : i32
      %dma_wait3A_1940 = tpu.memref_slice %arg4[%dma_wait3A_1929, %dma_wait3A_1937, %dma_wait3A_1930, %dma_wait3A_1938, %dma_wait3A_1939] : memref<50x8x128x8x128xf32, #tpu.memory_space<hbm>> -> memref<1x8x1x8x128xf32, #tpu.memory_space<hbm>>
      %dma_wait3A_1941 = tpu.memref_squeeze %dma_wait3A_1940 : memref<1x8x1x8x128xf32, #tpu.memory_space<hbm>> -> memref<8x8x128xf32, #tpu.memory_space<hbm>>
      %dma_wait3A_1942 = tpu.memref_slice %arg11[%dma_wait3A_1931] : memref<2x!tpu.dma_semaphore, #tpu.memory_space<semaphore_mem>> -> memref<1x!tpu.dma_semaphore, #tpu.memory_space<semaphore_mem>>
      %dma_wait3A_1943 = tpu.memref_squeeze %dma_wait3A_1942 : memref<1x!tpu.dma_semaphore, #tpu.memory_space<semaphore_mem>> -> memref<!tpu.dma_semaphore, #tpu.memory_space<semaphore_mem>>
      %dma_wait3A_1944 = arith.constant 0 : i32
      %dma_wait3A_1945 = arith.constant 0 : i32
      %dma_wait3A_1946 = arith.constant 0 : i32
      %dma_wait3A_1947 = tpu.memref_slice %arg4[%dma_wait3A_1929, %dma_wait3A_1944, %dma_wait3A_1930, %dma_wait3A_1945, %dma_wait3A_1946] : memref<50x8x128x8x128xf32, #tpu.memory_space<hbm>> -> memref<1x8x1x8x128xf32, #tpu.memory_space<hbm>>
      %dma_wait3A_1948 = tpu.memref_squeeze %dma_wait3A_1947 : memref<1x8x1x8x128xf32, #tpu.memory_space<hbm>> -> memref<8x8x128xf32, #tpu.memory_space<hbm>>
      %dma_wait3A_1949 = arith.constant 0 : i32
      %dma_wait3A_1950 = arith.constant 0 : i32
      %dma_wait3A_1951 = arith.constant 0 : i32
      %dma_wait3A_1952 = tpu.memref_slice %arg8[%dma_wait3A_1928, %dma_wait3A_1949, %dma_wait3A_1950, %dma_wait3A_1951] : memref<2x8x8x128xf32, #tpu.memory_space<vmem>> -> memref<1x8x8x128xf32, #tpu.memory_space<vmem>>
      %dma_wait3A_1953 = tpu.memref_squeeze %dma_wait3A_1952 : memref<1x8x8x128xf32, #tpu.memory_space<vmem>> -> memref<8x8x128xf32, #tpu.memory_space<vmem>>
      tpu.wait_dma2 semaphore(%dma_wait3A_1943 : memref<!tpu.dma_semaphore, #tpu.memory_space<semaphore_mem>>) src(%dma_wait3A_1953 : memref<8x8x128xf32, #tpu.memory_space<vmem>>) dst(%dma_wait3A_1948 : memref<8x8x128xf32, #tpu.memory_space<hbm>>)
      %scan3A_1954 = arith.constant 0 : i32
      %scan3A_1955 = arith.constant 8 : i32
      %scan3A_1956 = arith.addi %scan3A_1954, %scan3A_1955 : i32
      %scan3A_1957 = arith.constant 1 : i32
      scf.for %scan3A_2523 = %scan3A_1954 to %scan3A_1956 step %scan3A_1957  : i32 {
        %mul3A_2524 = arith.constant 16 : i32
        %mul3A_2525 = arith.muli %scan3A_2523, %mul3A_2524 : i32
        %add3A_2526 = arith.constant 128 : i32
        %add3A_2527 = arith.addi %add3A_2526, %mul3A_2525 : i32
        %add3A_2528 = vector.broadcast %add3A_2527 : i32 to vector<16xi32>
        %add3A_2529 = arith.addi %iota3A, %add3A_2528 : vector<16xi32>
        %get3A_2530 = arith.constant 1 : i32
        %get3A_2531 = arith.index_cast %get3A_2530 : i32 to index
        %get3A_2532 = arith.index_cast %mul3A_2525 : i32 to index
        %get3A_2533 = tpu.vector_load %arg5[%get3A_2531, %get3A_2532] {strides = array<i32>} : memref<4x128xi32, #tpu.memory_space<vmem>>, vector<16xi32>,
        %and3A = arith.constant 1 : i32
        %and3A_2534 = vector.broadcast %and3A : i32 to vector<16xi32>
        %and3A_2535 = arith.andi %get3A_2533, %and3A_2534 : vector<16xi32>
        %mul3A_2536 = arith.constant 64 : i32
        %mul3A_2537 = vector.broadcast %mul3A_2536 : i32 to vector<16xi32>
        %mul3A_2538 = arith.muli %and3A_2535, %mul3A_2537 : vector<16xi32>
        %parallel_loop3A = arith.constant 0 : i32
        %parallel_loop3A_2539 = arith.constant 64 : i32
        %parallel_loop3A_2540 = arith.constant 1 : i32
        scf.for %parallel_loop3A_2541 = %parallel_loop3A to %parallel_loop3A_2539 step %parallel_loop3A_2540  : i32 {
          %parallel_loop3A_2542 = vector.broadcast %parallel_loop3A_2541 : i32 to vector<16xi32>
          %parallel_loop3A_2543 = arith.addi %mul3A_2538, %parallel_loop3A_2542 : vector<16xi32>
          %parallel_loop3A_2544 = tpu.vector_load_idx %arg7[%add3A_2529, %parallel_loop3A_2543] : memref<512x128xf32, #tpu.memory_space<vmem>>[vector<16xi32>, vector<16xi32>], vector<16xf32>,
          %parallel_loop3A_2545 = arith.constant 8.000000e+00 : f32
          %parallel_loop3A_2546 = vector.broadcast %parallel_loop3A_2545 : f32 to vector<16xf32>
          %parallel_loop3A_2547 = arith.mulf %parallel_loop3A_2544, %parallel_loop3A_2546 : vector<16xf32>
          %parallel_loop3A_2548 = arith.constant 3 : i32
          %parallel_loop3A_2549 = arith.shrsi %parallel_loop3A_2541, %parallel_loop3A_2548 : i32
          %parallel_loop3A_2550 = arith.constant 7 : i32
          %parallel_loop3A_2551 = arith.andi %parallel_loop3A_2541, %parallel_loop3A_2550 : i32
          %parallel_loop3A_2552 = arith.constant 1 : i32
          %parallel_loop3A_2553 = arith.index_cast %parallel_loop3A_2552 : i32 to index
          %parallel_loop3A_2554 = arith.index_cast %parallel_loop3A_2549 : i32 to index
          %parallel_loop3A_2555 = arith.index_cast %parallel_loop3A_2551 : i32 to index
          %parallel_loop3A_2556 = arith.index_cast %mul3A_2525 : i32 to index
          %parallel_loop3A_2557 = tpu.vector_load %arg8[%parallel_loop3A_2553, %parallel_loop3A_2554, %parallel_loop3A_2555, %parallel_loop3A_2556] {strides = array<i32>} : memref<2x8x8x128xf32, #tpu.memory_space<vmem>>, vector<16xf32>,
          tpu.vector_store %arg8[%parallel_loop3A_2553, %parallel_loop3A_2554, %parallel_loop3A_2555, %parallel_loop3A_2556], %parallel_loop3A_2547 {strides = array<i32>} : memref<2x8x8x128xf32, #tpu.memory_space<vmem>>, vector<16xf32>,
        } {sc.loop_unroll_factor = 16 : i64, sc.parallel_access}
      }
      %scan3A_1958 = arith.constant 8 : i32
      %add3A_1959 = arith.constant 1 : i32
      %add3A_1960 = arith.addi %mul3A_2, %add3A_1959 : i32
      %dma_start3A_1961 = arith.constant 1 : i32
      %dma_start3A_1962 = arith.constant 1 : i32
      %dma_start3A_1963 = arith.constant 0 : i32
      %dma_start3A_1964 = arith.constant 0 : i32
      %dma_start3A_1965 = arith.constant 0 : i32
      %dma_start3A_1966 = tpu.memref_slice %arg8[%dma_start3A_1961, %dma_start3A_1963, %dma_start3A_1964, %dma_start3A_1965] : memref<2x8x8x128xf32, #tpu.memory_space<vmem>> -> memref<1x8x8x128xf32, #tpu.memory_space<vmem>>
      %dma_start3A_1967 = tpu.memref_squeeze %dma_start3A_1966 : memref<1x8x8x128xf32, #tpu.memory_space<vmem>> -> memref<8x8x128xf32, #tpu.memory_space<vmem>>
      %dma_start3A_1968 = arith.constant 0 : i32
      %dma_start3A_1969 = arith.constant 0 : i32
      %dma_start3A_1970 = arith.constant 0 : i32
      %dma_start3A_1971 = tpu.memref_slice %arg4[%scan3A_1682, %dma_start3A_1968, %add3A_1960, %dma_start3A_1969, %dma_start3A_1970] : memref<50x8x128x8x128xf32, #tpu.memory_space<hbm>> -> memref<1x8x1x8x128xf32, #tpu.memory_space<hbm>>
      %dma_start3A_1972 = tpu.memref_squeeze %dma_start3A_1971 : memref<1x8x1x8x128xf32, #tpu.memory_space<hbm>> -> memref<8x8x128xf32, #tpu.memory_space<hbm>>
      %dma_start3A_1973 = tpu.memref_slice %arg11[%dma_start3A_1962] : memref<2x!tpu.dma_semaphore, #tpu.memory_space<semaphore_mem>> -> memref<1x!tpu.dma_semaphore, #tpu.memory_space<semaphore_mem>>
      %dma_start3A_1974 = tpu.memref_squeeze %dma_start3A_1973 : memref<1x!tpu.dma_semaphore, #tpu.memory_space<semaphore_mem>> -> memref<!tpu.dma_semaphore, #tpu.memory_space<semaphore_mem>>
      %dma_start3A_1975 = arith.constant 0 : i32
      %dma_start3A_1976 = arith.constant 0 : i32
      %dma_start3A_1977 = arith.constant 0 : i32
      %dma_start3A_1978 = tpu.memref_slice %arg4[%scan3A_1682, %dma_start3A_1975, %add3A_1960, %dma_start3A_1976, %dma_start3A_1977] : memref<50x8x128x8x128xf32, #tpu.memory_space<hbm>> -> memref<1x8x1x8x128xf32, #tpu.memory_space<hbm>>
      %dma_start3A_1979 = tpu.memref_squeeze %dma_start3A_1978 : memref<1x8x1x8x128xf32, #tpu.memory_space<hbm>> -> memref<8x8x128xf32, #tpu.memory_space<hbm>>
      %dma_start3A_1980 = arith.constant 0 : i32
      %dma_start3A_1981 = arith.constant 0 : i32
      %dma_start3A_1982 = arith.constant 0 : i32
      %dma_start3A_1983 = tpu.memref_slice %arg8[%dma_start3A_1961, %dma_start3A_1980, %dma_start3A_1981, %dma_start3A_1982] : memref<2x8x8x128xf32, #tpu.memory_space<vmem>> -> memref<1x8x8x128xf32, #tpu.memory_space<vmem>>
      %dma_start3A_1984 = tpu.memref_squeeze %dma_start3A_1983 : memref<1x8x8x128xf32, #tpu.memory_space<vmem>> -> memref<8x8x128xf32, #tpu.memory_space<vmem>>
      tpu.enqueue_dma source(%dma_start3A_1984 : memref<8x8x128xf32, #tpu.memory_space<vmem>>) target(%dma_start3A_1979 : memref<8x8x128xf32, #tpu.memory_space<hbm>>) target_semaphore(%dma_start3A_1974 : memref<!tpu.dma_semaphore, #tpu.memory_space<semaphore_mem>>)
      %dma_wait3A_1985 = arith.constant 0 : i32
      %dma_wait3A_1986 = arith.constant 0 : i32
      %dma_wait3A_1987 = arith.constant 0 : i32
      %dma_wait3A_1988 = arith.constant 0 : i32
      %dma_wait3A_1989 = tpu.memref_slice %arg5[%dma_wait3A_1986, %dma_wait3A_1988] : memref<4x128xi32, #tpu.memory_space<vmem>> -> memref<1x128xi32, #tpu.memory_space<vmem>>
      %dma_wait3A_1990 = tpu.memref_squeeze %dma_wait3A_1989 : memref<1x128xi32, #tpu.memory_space<vmem>> -> memref<128xi32, #tpu.memory_space<vmem>>
      %dma_wait3A_1991 = arith.constant 0 : i32
      %dma_wait3A_1992 = tpu.memref_slice %arg2[%dma_wait3A_1985, %dma_wait3A_1991] : memref<50x16384xi32, #tpu.memory_space<hbm>> -> memref<1x128xi32, #tpu.memory_space<hbm>>
      %dma_wait3A_1993 = tpu.memref_squeeze %dma_wait3A_1992 : memref<1x128xi32, #tpu.memory_space<hbm>> -> memref<128xi32, #tpu.memory_space<hbm>>
      %dma_wait3A_1994 = tpu.memref_slice %arg9[%dma_wait3A_1987] : memref<4x!tpu.dma_semaphore, #tpu.memory_space<semaphore_mem>> -> memref<1x!tpu.dma_semaphore, #tpu.memory_space<semaphore_mem>>
      %dma_wait3A_1995 = tpu.memref_squeeze %dma_wait3A_1994 : memref<1x!tpu.dma_semaphore, #tpu.memory_space<semaphore_mem>> -> memref<!tpu.dma_semaphore, #tpu.memory_space<semaphore_mem>>
      %dma_wait3A_1996 = arith.constant 0 : i32
      %dma_wait3A_1997 = tpu.memref_slice %arg5[%dma_wait3A_1986, %dma_wait3A_1996] : memref<4x128xi32, #tpu.memory_space<vmem>> -> memref<1x128xi32, #tpu.memory_space<vmem>>
      %dma_wait3A_1998 = tpu.memref_squeeze %dma_wait3A_1997 : memref<1x128xi32, #tpu.memory_space<vmem>> -> memref<128xi32, #tpu.memory_space<vmem>>
      %dma_wait3A_1999 = arith.constant 0 : i32
      %dma_wait3A_2000 = tpu.memref_slice %arg2[%dma_wait3A_1985, %dma_wait3A_1999] : memref<50x16384xi32, #tpu.memory_space<hbm>> -> memref<1x128xi32, #tpu.memory_space<hbm>>
      %dma_wait3A_2001 = tpu.memref_squeeze %dma_wait3A_2000 : memref<1x128xi32, #tpu.memory_space<hbm>> -> memref<128xi32, #tpu.memory_space<hbm>>
      tpu.wait_dma2 semaphore(%dma_wait3A_1995 : memref<!tpu.dma_semaphore, #tpu.memory_space<semaphore_mem>>) src(%dma_wait3A_2001 : memref<128xi32, #tpu.memory_space<hbm>>) dst(%dma_wait3A_1998 : memref<128xi32, #tpu.memory_space<vmem>>)
      %get3A_2002 = arith.constant 0 : i32
      %get3A_2003 = arith.index_cast %get3A_2002 : i32 to index
      %get3A_2004 = arith.constant 0 : index
      %get3A_2005 = tpu.vector_load %arg5[%get3A_2003, %get3A_2004] {strides = array<i32>} : memref<4x128xi32, #tpu.memory_space<vmem>>, vector<16xi32>,
      %shift_right_arithmetic3A_2006 = arith.constant 1 : i32
      %shift_right_arithmetic3A_2007 = vector.broadcast %shift_right_arithmetic3A_2006 : i32 to vector<16xi32>
      %shift_right_arithmetic3A_2008 = arith.shrsi %get3A_2005, %shift_right_arithmetic3A_2007 : vector<16xi32>
      %swap3A_2009 = arith.constant 0 : i32
      %swap3A_2010 = arith.index_cast %swap3A_2009 : i32 to index
      %swap3A_2011 = arith.constant 0 : index
      %swap3A_2012 = tpu.vector_load %arg6[%swap3A_2010, %swap3A_2011] {strides = array<i32>} : memref<4x128xi32, #tpu.memory_space<vmem>>, vector<16xi32>,
      tpu.vector_store %arg6[%swap3A_2010, %swap3A_2011], %shift_right_arithmetic3A_2008 {strides = array<i32>} : memref<4x128xi32, #tpu.memory_space<vmem>>, vector<16xi32>,
      %get3A_2013 = arith.constant 0 : i32
      %get3A_2014 = arith.index_cast %get3A_2013 : i32 to index
      %get3A_2015 = arith.constant 16 : index
      %get3A_2016 = tpu.vector_load %arg5[%get3A_2014, %get3A_2015] {strides = array<i32>} : memref<4x128xi32, #tpu.memory_space<vmem>>, vector<16xi32>,
      %shift_right_arithmetic3A_2017 = arith.constant 1 : i32
      %shift_right_arithmetic3A_2018 = vector.broadcast %shift_right_arithmetic3A_2017 : i32 to vector<16xi32>
      %shift_right_arithmetic3A_2019 = arith.shrsi %get3A_2016, %shift_right_arithmetic3A_2018 : vector<16xi32>
      %swap3A_2020 = arith.constant 0 : i32
      %swap3A_2021 = arith.index_cast %swap3A_2020 : i32 to index
      %swap3A_2022 = arith.constant 16 : index
      %swap3A_2023 = tpu.vector_load %arg6[%swap3A_2021, %swap3A_2022] {strides = array<i32>} : memref<4x128xi32, #tpu.memory_space<vmem>>, vector<16xi32>,
      tpu.vector_store %arg6[%swap3A_2021, %swap3A_2022], %shift_right_arithmetic3A_2019 {strides = array<i32>} : memref<4x128xi32, #tpu.memory_space<vmem>>, vector<16xi32>,
      %get3A_2024 = arith.constant 0 : i32
      %get3A_2025 = arith.index_cast %get3A_2024 : i32 to index
      %get3A_2026 = arith.constant 32 : index
      %get3A_2027 = tpu.vector_load %arg5[%get3A_2025, %get3A_2026] {strides = array<i32>} : memref<4x128xi32, #tpu.memory_space<vmem>>, vector<16xi32>,
      %shift_right_arithmetic3A_2028 = arith.constant 1 : i32
      %shift_right_arithmetic3A_2029 = vector.broadcast %shift_right_arithmetic3A_2028 : i32 to vector<16xi32>
      %shift_right_arithmetic3A_2030 = arith.shrsi %get3A_2027, %shift_right_arithmetic3A_2029 : vector<16xi32>
      %swap3A_2031 = arith.constant 0 : i32
      %swap3A_2032 = arith.index_cast %swap3A_2031 : i32 to index
      %swap3A_2033 = arith.constant 32 : index
      %swap3A_2034 = tpu.vector_load %arg6[%swap3A_2032, %swap3A_2033] {strides = array<i32>} : memref<4x128xi32, #tpu.memory_space<vmem>>, vector<16xi32>,
      tpu.vector_store %arg6[%swap3A_2032, %swap3A_2033], %shift_right_arithmetic3A_2030 {strides = array<i32>} : memref<4x128xi32, #tpu.memory_space<vmem>>, vector<16xi32>,
      %get3A_2035 = arith.constant 0 : i32
      %get3A_2036 = arith.index_cast %get3A_2035 : i32 to index
      %get3A_2037 = arith.constant 48 : index
      %get3A_2038 = tpu.vector_load %arg5[%get3A_2036, %get3A_2037] {strides = array<i32>} : memref<4x128xi32, #tpu.memory_space<vmem>>, vector<16xi32>,
      %shift_right_arithmetic3A_2039 = arith.constant 1 : i32
      %shift_right_arithmetic3A_2040 = vector.broadcast %shift_right_arithmetic3A_2039 : i32 to vector<16xi32>
      %shift_right_arithmetic3A_2041 = arith.shrsi %get3A_2038, %shift_right_arithmetic3A_2040 : vector<16xi32>
      %swap3A_2042 = arith.constant 0 : i32
      %swap3A_2043 = arith.index_cast %swap3A_2042 : i32 to index
      %swap3A_2044 = arith.constant 48 : index
      %swap3A_2045 = tpu.vector_load %arg6[%swap3A_2043, %swap3A_2044] {strides = array<i32>} : memref<4x128xi32, #tpu.memory_space<vmem>>, vector<16xi32>,
      tpu.vector_store %arg6[%swap3A_2043, %swap3A_2044], %shift_right_arithmetic3A_2041 {strides = array<i32>} : memref<4x128xi32, #tpu.memory_space<vmem>>, vector<16xi32>,
      %get3A_2046 = arith.constant 0 : i32
      %get3A_2047 = arith.index_cast %get3A_2046 : i32 to index
      %get3A_2048 = arith.constant 64 : index
      %get3A_2049 = tpu.vector_load %arg5[%get3A_2047, %get3A_2048] {strides = array<i32>} : memref<4x128xi32, #tpu.memory_space<vmem>>, vector<16xi32>,
      %shift_right_arithmetic3A_2050 = arith.constant 1 : i32
      %shift_right_arithmetic3A_2051 = vector.broadcast %shift_right_arithmetic3A_2050 : i32 to vector<16xi32>
      %shift_right_arithmetic3A_2052 = arith.shrsi %get3A_2049, %shift_right_arithmetic3A_2051 : vector<16xi32>
      %swap3A_2053 = arith.constant 0 : i32
      %swap3A_2054 = arith.index_cast %swap3A_2053 : i32 to index
      %swap3A_2055 = arith.constant 64 : index
      %swap3A_2056 = tpu.vector_load %arg6[%swap3A_2054, %swap3A_2055] {strides = array<i32>} : memref<4x128xi32, #tpu.memory_space<vmem>>, vector<16xi32>,
      tpu.vector_store %arg6[%swap3A_2054, %swap3A_2055], %shift_right_arithmetic3A_2052 {strides = array<i32>} : memref<4x128xi32, #tpu.memory_space<vmem>>, vector<16xi32>,
      %get3A_2057 = arith.constant 0 : i32
      %get3A_2058 = arith.index_cast %get3A_2057 : i32 to index
      %get3A_2059 = arith.constant 80 : index
      %get3A_2060 = tpu.vector_load %arg5[%get3A_2058, %get3A_2059] {strides = array<i32>} : memref<4x128xi32, #tpu.memory_space<vmem>>, vector<16xi32>,
      %shift_right_arithmetic3A_2061 = arith.constant 1 : i32
      %shift_right_arithmetic3A_2062 = vector.broadcast %shift_right_arithmetic3A_2061 : i32 to vector<16xi32>
      %shift_right_arithmetic3A_2063 = arith.shrsi %get3A_2060, %shift_right_arithmetic3A_2062 : vector<16xi32>
      %swap3A_2064 = arith.constant 0 : i32
      %swap3A_2065 = arith.index_cast %swap3A_2064 : i32 to index
      %swap3A_2066 = arith.constant 80 : index
      %swap3A_2067 = tpu.vector_load %arg6[%swap3A_2065, %swap3A_2066] {strides = array<i32>} : memref<4x128xi32, #tpu.memory_space<vmem>>, vector<16xi32>,
      tpu.vector_store %arg6[%swap3A_2065, %swap3A_2066], %shift_right_arithmetic3A_2063 {strides = array<i32>} : memref<4x128xi32, #tpu.memory_space<vmem>>, vector<16xi32>,
      %get3A_2068 = arith.constant 0 : i32
      %get3A_2069 = arith.index_cast %get3A_2068 : i32 to index
      %get3A_2070 = arith.constant 96 : index
      %get3A_2071 = tpu.vector_load %arg5[%get3A_2069, %get3A_2070] {strides = array<i32>} : memref<4x128xi32, #tpu.memory_space<vmem>>, vector<16xi32>,
      %shift_right_arithmetic3A_2072 = arith.constant 1 : i32
      %shift_right_arithmetic3A_2073 = vector.broadcast %shift_right_arithmetic3A_2072 : i32 to vector<16xi32>
      %shift_right_arithmetic3A_2074 = arith.shrsi %get3A_2071, %shift_right_arithmetic3A_2073 : vector<16xi32>
      %swap3A_2075 = arith.constant 0 : i32
      %swap3A_2076 = arith.index_cast %swap3A_2075 : i32 to index
      %swap3A_2077 = arith.constant 96 : index
      %swap3A_2078 = tpu.vector_load %arg6[%swap3A_2076, %swap3A_2077] {strides = array<i32>} : memref<4x128xi32, #tpu.memory_space<vmem>>, vector<16xi32>,
      tpu.vector_store %arg6[%swap3A_2076, %swap3A_2077], %shift_right_arithmetic3A_2074 {strides = array<i32>} : memref<4x128xi32, #tpu.memory_space<vmem>>, vector<16xi32>,
      %get3A_2079 = arith.constant 0 : i32
      %get3A_2080 = arith.index_cast %get3A_2079 : i32 to index
      %get3A_2081 = arith.constant 112 : index
      %get3A_2082 = tpu.vector_load %arg5[%get3A_2080, %get3A_2081] {strides = array<i32>} : memref<4x128xi32, #tpu.memory_space<vmem>>, vector<16xi32>,
      %shift_right_arithmetic3A_2083 = arith.constant 1 : i32
      %shift_right_arithmetic3A_2084 = vector.broadcast %shift_right_arithmetic3A_2083 : i32 to vector<16xi32>
      %shift_right_arithmetic3A_2085 = arith.shrsi %get3A_2082, %shift_right_arithmetic3A_2084 : vector<16xi32>
      %swap3A_2086 = arith.constant 0 : i32
      %swap3A_2087 = arith.index_cast %swap3A_2086 : i32 to index
      %swap3A_2088 = arith.constant 112 : index
      %swap3A_2089 = tpu.vector_load %arg6[%swap3A_2087, %swap3A_2088] {strides = array<i32>} : memref<4x128xi32, #tpu.memory_space<vmem>>, vector<16xi32>,
      tpu.vector_store %arg6[%swap3A_2087, %swap3A_2088], %shift_right_arithmetic3A_2085 {strides = array<i32>} : memref<4x128xi32, #tpu.memory_space<vmem>>, vector<16xi32>,
      %dma_start3A_2090 = arith.constant 0 : i32
      %dma_start3A_2091 = arith.constant 0 : i32
      %dma_start3A_2092 = arith.constant 0 : i32
      %dma_start3A_2093 = arith.constant 0 : i32
      %dma_start3A_2094 = tpu.memref_slice %arg7[%dma_start3A_2092, %dma_start3A_2093] : memref<512x128xf32, #tpu.memory_space<vmem>> -> memref<128x128xf32, #tpu.memory_space<vmem>>
      %dma_start3A_2095 = arith.constant 0 : i32
      %dma_start3A_2096 = tpu.memref_slice %arg6[%dma_start3A_2090, %dma_start3A_2095] : memref<4x128xi32, #tpu.memory_space<vmem>> -> memref<1x128xi32, #tpu.memory_space<vmem>>
      %dma_start3A_2097 = tpu.memref_squeeze %dma_start3A_2096 : memref<1x128xi32, #tpu.memory_space<vmem>> -> memref<128xi32, #tpu.memory_space<vmem>>
      %dma_start3A_2098 = arith.constant 0 : i32
      %dma_start3A_2099 = arith.constant 0 : i32
      %dma_start3A_2100 = tpu.memref_slice %arg3[%dma_start3A_2098, %dma_start3A_2099] : memref<500000x128xf32, #tpu.memory_space<hbm>> -> memref<500000x128xf32, #tpu.memory_space<hbm>>
      %dma_start3A_2101 = tpu.memref_slice %arg10[%dma_start3A_2091] : memref<4x!tpu.dma_semaphore, #tpu.memory_space<semaphore_mem>> -> memref<1x!tpu.dma_semaphore, #tpu.memory_space<semaphore_mem>>
      %dma_start3A_2102 = tpu.memref_squeeze %dma_start3A_2101 : memref<1x!tpu.dma_semaphore, #tpu.memory_space<semaphore_mem>> -> memref<!tpu.dma_semaphore, #tpu.memory_space<semaphore_mem>>
      tpu.enqueue_indirect_dma source(%dma_start3A_2100 : memref<500000x128xf32, #tpu.memory_space<hbm>>) target(%dma_start3A_2094 : memref<128x128xf32, #tpu.memory_space<vmem>>) offsets(%dma_start3A_2097 : memref<128xi32, #tpu.memory_space<vmem>>) semaphore(%dma_start3A_2102 : memref<!tpu.dma_semaphore, #tpu.memory_space<semaphore_mem>>)
      %add3A_2103 = arith.constant 1 : i32
      %add3A_2104 = arith.addi %scan3A_1682, %add3A_2103 : i32
      %add3A_2105 = arith.constant 1 : i32
      %add3A_2106 = arith.addi %mul3A_2, %add3A_2105 : i32
      %mul3A_2107 = arith.constant 128 : i32
      %mul3A_2108 = arith.muli %add3A_2106, %mul3A_2107 : i32
      %dma_start3A_2109 = arith.constant 1 : i32
      %dma_start3A_2110 = arith.constant 1 : i32
      %dma_start3A_2111 = arith.constant 0 : i32
      %dma_start3A_2112 = tpu.memref_slice %arg5[%dma_start3A_2109, %dma_start3A_2111] : memref<4x128xi32, #tpu.memory_space<vmem>> -> memref<1x128xi32, #tpu.memory_space<vmem>>
      %dma_start3A_2113 = tpu.memref_squeeze %dma_start3A_2112 : memref<1x128xi32, #tpu.memory_space<vmem>> -> memref<128xi32, #tpu.memory_space<vmem>>
      %dma_start3A_2114 = tpu.memref_slice %arg2[%add3A_2104, %mul3A_2108] : memref<50x16384xi32, #tpu.memory_space<hbm>> -> memref<1x128xi32, #tpu.memory_space<hbm>>
      %dma_start3A_2115 = tpu.memref_squeeze %dma_start3A_2114 : memref<1x128xi32, #tpu.memory_space<hbm>> -> memref<128xi32, #tpu.memory_space<hbm>>
      %dma_start3A_2116 = tpu.memref_slice %arg9[%dma_start3A_2110] : memref<4x!tpu.dma_semaphore, #tpu.memory_space<semaphore_mem>> -> memref<1x!tpu.dma_semaphore, #tpu.memory_space<semaphore_mem>>
      %dma_start3A_2117 = tpu.memref_squeeze %dma_start3A_2116 : memref<1x!tpu.dma_semaphore, #tpu.memory_space<semaphore_mem>> -> memref<!tpu.dma_semaphore, #tpu.memory_space<semaphore_mem>>
      %dma_start3A_2118 = arith.constant 0 : i32
      %dma_start3A_2119 = tpu.memref_slice %arg5[%dma_start3A_2109, %dma_start3A_2118] : memref<4x128xi32, #tpu.memory_space<vmem>> -> memref<1x128xi32, #tpu.memory_space<vmem>>
      %dma_start3A_2120 = tpu.memref_squeeze %dma_start3A_2119 : memref<1x128xi32, #tpu.memory_space<vmem>> -> memref<128xi32, #tpu.memory_space<vmem>>
      %dma_start3A_2121 = tpu.memref_slice %arg2[%add3A_2104, %mul3A_2108] : memref<50x16384xi32, #tpu.memory_space<hbm>> -> memref<1x128xi32, #tpu.memory_space<hbm>>
      %dma_start3A_2122 = tpu.memref_squeeze %dma_start3A_2121 : memref<1x128xi32, #tpu.memory_space<hbm>> -> memref<128xi32, #tpu.memory_space<hbm>>
      tpu.enqueue_dma source(%dma_start3A_2122 : memref<128xi32, #tpu.memory_space<hbm>>) target(%dma_start3A_2120 : memref<128xi32, #tpu.memory_space<vmem>>) target_semaphore(%dma_start3A_2117 : memref<!tpu.dma_semaphore, #tpu.memory_space<semaphore_mem>>)
      %dma_wait3A_2123 = arith.constant 2 : i32
      %dma_wait3A_2124 = arith.constant 256 : i32
      %dma_wait3A_2125 = arith.constant 0 : i32
      %dma_wait3A_2126 = tpu.memref_slice %arg7[%dma_wait3A_2124, %dma_wait3A_2125] : memref<512x128xf32, #tpu.memory_space<vmem>> -> memref<128x128xf32, #tpu.memory_space<vmem>>
      %dma_wait3A_2127 = arith.constant 0 : i32
      %dma_wait3A_2128 = arith.constant 0 : i32
      %dma_wait3A_2129 = tpu.memref_slice %arg3[%dma_wait3A_2127, %dma_wait3A_2128] : memref<500000x128xf32, #tpu.memory_space<hbm>> -> memref<128x128xf32, #tpu.memory_space<hbm>>
      %dma_wait3A_2130 = tpu.memref_slice %arg10[%dma_wait3A_2123] : memref<4x!tpu.dma_semaphore, #tpu.memory_space<semaphore_mem>> -> memref<1x!tpu.dma_semaphore, #tpu.memory_space<semaphore_mem>>
      %dma_wait3A_2131 = tpu.memref_squeeze %dma_wait3A_2130 : memref<1x!tpu.dma_semaphore, #tpu.memory_space<semaphore_mem>> -> memref<!tpu.dma_semaphore, #tpu.memory_space<semaphore_mem>>
      %dma_wait3A_2132 = arith.constant 256 : i32
      %dma_wait3A_2133 = arith.constant 0 : i32
      %dma_wait3A_2134 = tpu.memref_slice %arg7[%dma_wait3A_2132, %dma_wait3A_2133] : memref<512x128xf32, #tpu.memory_space<vmem>> -> memref<128x128xf32, #tpu.memory_space<vmem>>
      %dma_wait3A_2135 = arith.constant 0 : i32
      %dma_wait3A_2136 = arith.constant 0 : i32
      %dma_wait3A_2137 = tpu.memref_slice %arg3[%dma_wait3A_2135, %dma_wait3A_2136] : memref<500000x128xf32, #tpu.memory_space<hbm>> -> memref<128x128xf32, #tpu.memory_space<hbm>>
      tpu.wait_dma2 semaphore(%dma_wait3A_2131 : memref<!tpu.dma_semaphore, #tpu.memory_space<semaphore_mem>>) src(%dma_wait3A_2137 : memref<128x128xf32, #tpu.memory_space<hbm>>) dst(%dma_wait3A_2134 : memref<128x128xf32, #tpu.memory_space<vmem>>)
      %dma_wait3A_2138 = arith.constant 0 : i32
      %dma_wait3A_2139 = arith.constant 0 : i32
      %dma_wait3A_2140 = arith.constant 0 : i32
      %dma_wait3A_2141 = arith.constant 0 : i32
      %dma_wait3A_2142 = arith.constant 0 : i32
      %dma_wait3A_2143 = arith.constant 0 : i32
      %dma_wait3A_2144 = arith.constant 0 : i32
      %dma_wait3A_2145 = tpu.memref_slice %arg8[%dma_wait3A_2138, %dma_wait3A_2142, %dma_wait3A_2143, %dma_wait3A_2144] : memref<2x8x8x128xf32, #tpu.memory_space<vmem>> -> memref<1x8x8x128xf32, #tpu.memory_space<vmem>>
      %dma_wait3A_2146 = tpu.memref_squeeze %dma_wait3A_2145 : memref<1x8x8x128xf32, #tpu.memory_space<vmem>> -> memref<8x8x128xf32, #tpu.memory_space<vmem>>
      %dma_wait3A_2147 = arith.constant 0 : i32
      %dma_wait3A_2148 = arith.constant 0 : i32
      %dma_wait3A_2149 = arith.constant 0 : i32
      %dma_wait3A_2150 = tpu.memref_slice %arg4[%dma_wait3A_2139, %dma_wait3A_2147, %dma_wait3A_2140, %dma_wait3A_2148, %dma_wait3A_2149] : memref<50x8x128x8x128xf32, #tpu.memory_space<hbm>> -> memref<1x8x1x8x128xf32, #tpu.memory_space<hbm>>
      %dma_wait3A_2151 = tpu.memref_squeeze %dma_wait3A_2150 : memref<1x8x1x8x128xf32, #tpu.memory_space<hbm>> -> memref<8x8x128xf32, #tpu.memory_space<hbm>>
      %dma_wait3A_2152 = tpu.memref_slice %arg11[%dma_wait3A_2141] : memref<2x!tpu.dma_semaphore, #tpu.memory_space<semaphore_mem>> -> memref<1x!tpu.dma_semaphore, #tpu.memory_space<semaphore_mem>>
      %dma_wait3A_2153 = tpu.memref_squeeze %dma_wait3A_2152 : memref<1x!tpu.dma_semaphore, #tpu.memory_space<semaphore_mem>> -> memref<!tpu.dma_semaphore, #tpu.memory_space<semaphore_mem>>
      %dma_wait3A_2154 = arith.constant 0 : i32
      %dma_wait3A_2155 = arith.constant 0 : i32
      %dma_wait3A_2156 = arith.constant 0 : i32
      %dma_wait3A_2157 = tpu.memref_slice %arg4[%dma_wait3A_2139, %dma_wait3A_2154, %dma_wait3A_2140, %dma_wait3A_2155, %dma_wait3A_2156] : memref<50x8x128x8x128xf32, #tpu.memory_space<hbm>> -> memref<1x8x1x8x128xf32, #tpu.memory_space<hbm>>
      %dma_wait3A_2158 = tpu.memref_squeeze %dma_wait3A_2157 : memref<1x8x1x8x128xf32, #tpu.memory_space<hbm>> -> memref<8x8x128xf32, #tpu.memory_space<hbm>>
      %dma_wait3A_2159 = arith.constant 0 : i32
      %dma_wait3A_2160 = arith.constant 0 : i32
      %dma_wait3A_2161 = arith.constant 0 : i32
      %dma_wait3A_2162 = tpu.memref_slice %arg8[%dma_wait3A_2138, %dma_wait3A_2159, %dma_wait3A_2160, %dma_wait3A_2161] : memref<2x8x8x128xf32, #tpu.memory_space<vmem>> -> memref<1x8x8x128xf32, #tpu.memory_space<vmem>>
      %dma_wait3A_2163 = tpu.memref_squeeze %dma_wait3A_2162 : memref<1x8x8x128xf32, #tpu.memory_space<vmem>> -> memref<8x8x128xf32, #tpu.memory_space<vmem>>
      tpu.wait_dma2 semaphore(%dma_wait3A_2153 : memref<!tpu.dma_semaphore, #tpu.memory_space<semaphore_mem>>) src(%dma_wait3A_2163 : memref<8x8x128xf32, #tpu.memory_space<vmem>>) dst(%dma_wait3A_2158 : memref<8x8x128xf32, #tpu.memory_space<hbm>>)
      %scan3A_2164 = arith.constant 0 : i32
      %scan3A_2165 = arith.constant 8 : i32
      %scan3A_2166 = arith.addi %scan3A_2164, %scan3A_2165 : i32
      %scan3A_2167 = arith.constant 1 : i32
      scf.for %scan3A_2523 = %scan3A_2164 to %scan3A_2166 step %scan3A_2167  : i32 {
        %mul3A_2524 = arith.constant 16 : i32
        %mul3A_2525 = arith.muli %scan3A_2523, %mul3A_2524 : i32
        %add3A_2526 = arith.constant 256 : i32
        %add3A_2527 = arith.addi %add3A_2526, %mul3A_2525 : i32
        %add3A_2528 = vector.broadcast %add3A_2527 : i32 to vector<16xi32>
        %add3A_2529 = arith.addi %iota3A, %add3A_2528 : vector<16xi32>
        %get3A_2530 = arith.constant 2 : i32
        %get3A_2531 = arith.index_cast %get3A_2530 : i32 to index
        %get3A_2532 = arith.index_cast %mul3A_2525 : i32 to index
        %get3A_2533 = tpu.vector_load %arg5[%get3A_2531, %get3A_2532] {strides = array<i32>} : memref<4x128xi32, #tpu.memory_space<vmem>>, vector<16xi32>,
        %and3A = arith.constant 1 : i32
        %and3A_2534 = vector.broadcast %and3A : i32 to vector<16xi32>
        %and3A_2535 = arith.andi %get3A_2533, %and3A_2534 : vector<16xi32>
        %mul3A_2536 = arith.constant 64 : i32
        %mul3A_2537 = vector.broadcast %mul3A_2536 : i32 to vector<16xi32>
        %mul3A_2538 = arith.muli %and3A_2535, %mul3A_2537 : vector<16xi32>
        %parallel_loop3A = arith.constant 0 : i32
        %parallel_loop3A_2539 = arith.constant 64 : i32
        %parallel_loop3A_2540 = arith.constant 1 : i32
        scf.for %parallel_loop3A_2541 = %parallel_loop3A to %parallel_loop3A_2539 step %parallel_loop3A_2540  : i32 {
          %parallel_loop3A_2542 = vector.broadcast %parallel_loop3A_2541 : i32 to vector<16xi32>
          %parallel_loop3A_2543 = arith.addi %mul3A_2538, %parallel_loop3A_2542 : vector<16xi32>
          %parallel_loop3A_2544 = tpu.vector_load_idx %arg7[%add3A_2529, %parallel_loop3A_2543] : memref<512x128xf32, #tpu.memory_space<vmem>>[vector<16xi32>, vector<16xi32>], vector<16xf32>,
          %parallel_loop3A_2545 = arith.constant 8.000000e+00 : f32
          %parallel_loop3A_2546 = vector.broadcast %parallel_loop3A_2545 : f32 to vector<16xf32>
          %parallel_loop3A_2547 = arith.mulf %parallel_loop3A_2544, %parallel_loop3A_2546 : vector<16xf32>
          %parallel_loop3A_2548 = arith.constant 3 : i32
          %parallel_loop3A_2549 = arith.shrsi %parallel_loop3A_2541, %parallel_loop3A_2548 : i32
          %parallel_loop3A_2550 = arith.constant 7 : i32
          %parallel_loop3A_2551 = arith.andi %parallel_loop3A_2541, %parallel_loop3A_2550 : i32
          %parallel_loop3A_2552 = arith.constant 0 : i32
          %parallel_loop3A_2553 = arith.index_cast %parallel_loop3A_2552 : i32 to index
          %parallel_loop3A_2554 = arith.index_cast %parallel_loop3A_2549 : i32 to index
          %parallel_loop3A_2555 = arith.index_cast %parallel_loop3A_2551 : i32 to index
          %parallel_loop3A_2556 = arith.index_cast %mul3A_2525 : i32 to index
          %parallel_loop3A_2557 = tpu.vector_load %arg8[%parallel_loop3A_2553, %parallel_loop3A_2554, %parallel_loop3A_2555, %parallel_loop3A_2556] {strides = array<i32>} : memref<2x8x8x128xf32, #tpu.memory_space<vmem>>, vector<16xf32>,
          tpu.vector_store %arg8[%parallel_loop3A_2553, %parallel_loop3A_2554, %parallel_loop3A_2555, %parallel_loop3A_2556], %parallel_loop3A_2547 {strides = array<i32>} : memref<2x8x8x128xf32, #tpu.memory_space<vmem>>, vector<16xf32>,
        } {sc.loop_unroll_factor = 16 : i64, sc.parallel_access}
      }
      %scan3A_2168 = arith.constant 8 : i32
      %add3A_2169 = arith.constant 2 : i32
      %add3A_2170 = arith.addi %mul3A_2, %add3A_2169 : i32
      %dma_start3A_2171 = arith.constant 0 : i32
      %dma_start3A_2172 = arith.constant 0 : i32
      %dma_start3A_2173 = arith.constant 0 : i32
      %dma_start3A_2174 = arith.constant 0 : i32
      %dma_start3A_2175 = arith.constant 0 : i32
      %dma_start3A_2176 = tpu.memref_slice %arg8[%dma_start3A_2171, %dma_start3A_2173, %dma_start3A_2174, %dma_start3A_2175] : memref<2x8x8x128xf32, #tpu.memory_space<vmem>> -> memref<1x8x8x128xf32, #tpu.memory_space<vmem>>
      %dma_start3A_2177 = tpu.memref_squeeze %dma_start3A_2176 : memref<1x8x8x128xf32, #tpu.memory_space<vmem>> -> memref<8x8x128xf32, #tpu.memory_space<vmem>>
      %dma_start3A_2178 = arith.constant 0 : i32
      %dma_start3A_2179 = arith.constant 0 : i32
      %dma_start3A_2180 = arith.constant 0 : i32
      %dma_start3A_2181 = tpu.memref_slice %arg4[%scan3A_1682, %dma_start3A_2178, %add3A_2170, %dma_start3A_2179, %dma_start3A_2180] : memref<50x8x128x8x128xf32, #tpu.memory_space<hbm>> -> memref<1x8x1x8x128xf32, #tpu.memory_space<hbm>>
      %dma_start3A_2182 = tpu.memref_squeeze %dma_start3A_2181 : memref<1x8x1x8x128xf32, #tpu.memory_space<hbm>> -> memref<8x8x128xf32, #tpu.memory_space<hbm>>
      %dma_start3A_2183 = tpu.memref_slice %arg11[%dma_start3A_2172] : memref<2x!tpu.dma_semaphore, #tpu.memory_space<semaphore_mem>> -> memref<1x!tpu.dma_semaphore, #tpu.memory_space<semaphore_mem>>
      %dma_start3A_2184 = tpu.memref_squeeze %dma_start3A_2183 : memref<1x!tpu.dma_semaphore, #tpu.memory_space<semaphore_mem>> -> memref<!tpu.dma_semaphore, #tpu.memory_space<semaphore_mem>>
      %dma_start3A_2185 = arith.constant 0 : i32
      %dma_start3A_2186 = arith.constant 0 : i32
      %dma_start3A_2187 = arith.constant 0 : i32
      %dma_start3A_2188 = tpu.memref_slice %arg4[%scan3A_1682, %dma_start3A_2185, %add3A_2170, %dma_start3A_2186, %dma_start3A_2187] : memref<50x8x128x8x128xf32, #tpu.memory_space<hbm>> -> memref<1x8x1x8x128xf32, #tpu.memory_space<hbm>>
      %dma_start3A_2189 = tpu.memref_squeeze %dma_start3A_2188 : memref<1x8x1x8x128xf32, #tpu.memory_space<hbm>> -> memref<8x8x128xf32, #tpu.memory_space<hbm>>
      %dma_start3A_2190 = arith.constant 0 : i32
      %dma_start3A_2191 = arith.constant 0 : i32
      %dma_start3A_2192 = arith.constant 0 : i32
      %dma_start3A_2193 = tpu.memref_slice %arg8[%dma_start3A_2171, %dma_start3A_2190, %dma_start3A_2191, %dma_start3A_2192] : memref<2x8x8x128xf32, #tpu.memory_space<vmem>> -> memref<1x8x8x128xf32, #tpu.memory_space<vmem>>
      %dma_start3A_2194 = tpu.memref_squeeze %dma_start3A_2193 : memref<1x8x8x128xf32, #tpu.memory_space<vmem>> -> memref<8x8x128xf32, #tpu.memory_space<vmem>>
      tpu.enqueue_dma source(%dma_start3A_2194 : memref<8x8x128xf32, #tpu.memory_space<vmem>>) target(%dma_start3A_2189 : memref<8x8x128xf32, #tpu.memory_space<hbm>>) target_semaphore(%dma_start3A_2184 : memref<!tpu.dma_semaphore, #tpu.memory_space<semaphore_mem>>)
      %dma_wait3A_2195 = arith.constant 0 : i32
      %dma_wait3A_2196 = arith.constant 1 : i32
      %dma_wait3A_2197 = arith.constant 1 : i32
      %dma_wait3A_2198 = arith.constant 0 : i32
      %dma_wait3A_2199 = tpu.memref_slice %arg5[%dma_wait3A_2196, %dma_wait3A_2198] : memref<4x128xi32, #tpu.memory_space<vmem>> -> memref<1x128xi32, #tpu.memory_space<vmem>>
      %dma_wait3A_2200 = tpu.memref_squeeze %dma_wait3A_2199 : memref<1x128xi32, #tpu.memory_space<vmem>> -> memref<128xi32, #tpu.memory_space<vmem>>
      %dma_wait3A_2201 = arith.constant 0 : i32
      %dma_wait3A_2202 = tpu.memref_slice %arg2[%dma_wait3A_2195, %dma_wait3A_2201] : memref<50x16384xi32, #tpu.memory_space<hbm>> -> memref<1x128xi32, #tpu.memory_space<hbm>>
      %dma_wait3A_2203 = tpu.memref_squeeze %dma_wait3A_2202 : memref<1x128xi32, #tpu.memory_space<hbm>> -> memref<128xi32, #tpu.memory_space<hbm>>
      %dma_wait3A_2204 = tpu.memref_slice %arg9[%dma_wait3A_2197] : memref<4x!tpu.dma_semaphore, #tpu.memory_space<semaphore_mem>> -> memref<1x!tpu.dma_semaphore, #tpu.memory_space<semaphore_mem>>
      %dma_wait3A_2205 = tpu.memref_squeeze %dma_wait3A_2204 : memref<1x!tpu.dma_semaphore, #tpu.memory_space<semaphore_mem>> -> memref<!tpu.dma_semaphore, #tpu.memory_space<semaphore_mem>>
      %dma_wait3A_2206 = arith.constant 0 : i32
      %dma_wait3A_2207 = tpu.memref_slice %arg5[%dma_wait3A_2196, %dma_wait3A_2206] : memref<4x128xi32, #tpu.memory_space<vmem>> -> memref<1x128xi32, #tpu.memory_space<vmem>>
      %dma_wait3A_2208 = tpu.memref_squeeze %dma_wait3A_2207 : memref<1x128xi32, #tpu.memory_space<vmem>> -> memref<128xi32, #tpu.memory_space<vmem>>
      %dma_wait3A_2209 = arith.constant 0 : i32
      %dma_wait3A_2210 = tpu.memref_slice %arg2[%dma_wait3A_2195, %dma_wait3A_2209] : memref<50x16384xi32, #tpu.memory_space<hbm>> -> memref<1x128xi32, #tpu.memory_space<hbm>>
      %dma_wait3A_2211 = tpu.memref_squeeze %dma_wait3A_2210 : memref<1x128xi32, #tpu.memory_space<hbm>> -> memref<128xi32, #tpu.memory_space<hbm>>
      tpu.wait_dma2 semaphore(%dma_wait3A_2205 : memref<!tpu.dma_semaphore, #tpu.memory_space<semaphore_mem>>) src(%dma_wait3A_2211 : memref<128xi32, #tpu.memory_space<hbm>>) dst(%dma_wait3A_2208 : memref<128xi32, #tpu.memory_space<vmem>>)
      %get3A_2212 = arith.constant 1 : i32
      %get3A_2213 = arith.index_cast %get3A_2212 : i32 to index
      %get3A_2214 = arith.constant 0 : index
      %get3A_2215 = tpu.vector_load %arg5[%get3A_2213, %get3A_2214] {strides = array<i32>} : memref<4x128xi32, #tpu.memory_space<vmem>>, vector<16xi32>,
      %shift_right_arithmetic3A_2216 = arith.constant 1 : i32
      %shift_right_arithmetic3A_2217 = vector.broadcast %shift_right_arithmetic3A_2216 : i32 to vector<16xi32>
      %shift_right_arithmetic3A_2218 = arith.shrsi %get3A_2215, %shift_right_arithmetic3A_2217 : vector<16xi32>
      %swap3A_2219 = arith.constant 1 : i32
      %swap3A_2220 = arith.index_cast %swap3A_2219 : i32 to index
      %swap3A_2221 = arith.constant 0 : index
      %swap3A_2222 = tpu.vector_load %arg6[%swap3A_2220, %swap3A_2221] {strides = array<i32>} : memref<4x128xi32, #tpu.memory_space<vmem>>, vector<16xi32>,
      tpu.vector_store %arg6[%swap3A_2220, %swap3A_2221], %shift_right_arithmetic3A_2218 {strides = array<i32>} : memref<4x128xi32, #tpu.memory_space<vmem>>, vector<16xi32>,
      %get3A_2223 = arith.constant 1 : i32
      %get3A_2224 = arith.index_cast %get3A_2223 : i32 to index
      %get3A_2225 = arith.constant 16 : index
      %get3A_2226 = tpu.vector_load %arg5[%get3A_2224, %get3A_2225] {strides = array<i32>} : memref<4x128xi32, #tpu.memory_space<vmem>>, vector<16xi32>,
      %shift_right_arithmetic3A_2227 = arith.constant 1 : i32
      %shift_right_arithmetic3A_2228 = vector.broadcast %shift_right_arithmetic3A_2227 : i32 to vector<16xi32>
      %shift_right_arithmetic3A_2229 = arith.shrsi %get3A_2226, %shift_right_arithmetic3A_2228 : vector<16xi32>
      %swap3A_2230 = arith.constant 1 : i32
      %swap3A_2231 = arith.index_cast %swap3A_2230 : i32 to index
      %swap3A_2232 = arith.constant 16 : index
      %swap3A_2233 = tpu.vector_load %arg6[%swap3A_2231, %swap3A_2232] {strides = array<i32>} : memref<4x128xi32, #tpu.memory_space<vmem>>, vector<16xi32>,
      tpu.vector_store %arg6[%swap3A_2231, %swap3A_2232], %shift_right_arithmetic3A_2229 {strides = array<i32>} : memref<4x128xi32, #tpu.memory_space<vmem>>, vector<16xi32>,
      %get3A_2234 = arith.constant 1 : i32
      %get3A_2235 = arith.index_cast %get3A_2234 : i32 to index
      %get3A_2236 = arith.constant 32 : index
      %get3A_2237 = tpu.vector_load %arg5[%get3A_2235, %get3A_2236] {strides = array<i32>} : memref<4x128xi32, #tpu.memory_space<vmem>>, vector<16xi32>,
      %shift_right_arithmetic3A_2238 = arith.constant 1 : i32
      %shift_right_arithmetic3A_2239 = vector.broadcast %shift_right_arithmetic3A_2238 : i32 to vector<16xi32>
      %shift_right_arithmetic3A_2240 = arith.shrsi %get3A_2237, %shift_right_arithmetic3A_2239 : vector<16xi32>
      %swap3A_2241 = arith.constant 1 : i32
      %swap3A_2242 = arith.index_cast %swap3A_2241 : i32 to index
      %swap3A_2243 = arith.constant 32 : index
      %swap3A_2244 = tpu.vector_load %arg6[%swap3A_2242, %swap3A_2243] {strides = array<i32>} : memref<4x128xi32, #tpu.memory_space<vmem>>, vector<16xi32>,
      tpu.vector_store %arg6[%swap3A_2242, %swap3A_2243], %shift_right_arithmetic3A_2240 {strides = array<i32>} : memref<4x128xi32, #tpu.memory_space<vmem>>, vector<16xi32>,
      %get3A_2245 = arith.constant 1 : i32
      %get3A_2246 = arith.index_cast %get3A_2245 : i32 to index
      %get3A_2247 = arith.constant 48 : index
      %get3A_2248 = tpu.vector_load %arg5[%get3A_2246, %get3A_2247] {strides = array<i32>} : memref<4x128xi32, #tpu.memory_space<vmem>>, vector<16xi32>,
      %shift_right_arithmetic3A_2249 = arith.constant 1 : i32
      %shift_right_arithmetic3A_2250 = vector.broadcast %shift_right_arithmetic3A_2249 : i32 to vector<16xi32>
      %shift_right_arithmetic3A_2251 = arith.shrsi %get3A_2248, %shift_right_arithmetic3A_2250 : vector<16xi32>
      %swap3A_2252 = arith.constant 1 : i32
      %swap3A_2253 = arith.index_cast %swap3A_2252 : i32 to index
      %swap3A_2254 = arith.constant 48 : index
      %swap3A_2255 = tpu.vector_load %arg6[%swap3A_2253, %swap3A_2254] {strides = array<i32>} : memref<4x128xi32, #tpu.memory_space<vmem>>, vector<16xi32>,
      tpu.vector_store %arg6[%swap3A_2253, %swap3A_2254], %shift_right_arithmetic3A_2251 {strides = array<i32>} : memref<4x128xi32, #tpu.memory_space<vmem>>, vector<16xi32>,
      %get3A_2256 = arith.constant 1 : i32
      %get3A_2257 = arith.index_cast %get3A_2256 : i32 to index
      %get3A_2258 = arith.constant 64 : index
      %get3A_2259 = tpu.vector_load %arg5[%get3A_2257, %get3A_2258] {strides = array<i32>} : memref<4x128xi32, #tpu.memory_space<vmem>>, vector<16xi32>,
      %shift_right_arithmetic3A_2260 = arith.constant 1 : i32
      %shift_right_arithmetic3A_2261 = vector.broadcast %shift_right_arithmetic3A_2260 : i32 to vector<16xi32>
      %shift_right_arithmetic3A_2262 = arith.shrsi %get3A_2259, %shift_right_arithmetic3A_2261 : vector<16xi32>
      %swap3A_2263 = arith.constant 1 : i32
      %swap3A_2264 = arith.index_cast %swap3A_2263 : i32 to index
      %swap3A_2265 = arith.constant 64 : index
      %swap3A_2266 = tpu.vector_load %arg6[%swap3A_2264, %swap3A_2265] {strides = array<i32>} : memref<4x128xi32, #tpu.memory_space<vmem>>, vector<16xi32>,
      tpu.vector_store %arg6[%swap3A_2264, %swap3A_2265], %shift_right_arithmetic3A_2262 {strides = array<i32>} : memref<4x128xi32, #tpu.memory_space<vmem>>, vector<16xi32>,
      %get3A_2267 = arith.constant 1 : i32
      %get3A_2268 = arith.index_cast %get3A_2267 : i32 to index
      %get3A_2269 = arith.constant 80 : index
      %get3A_2270 = tpu.vector_load %arg5[%get3A_2268, %get3A_2269] {strides = array<i32>} : memref<4x128xi32, #tpu.memory_space<vmem>>, vector<16xi32>,
      %shift_right_arithmetic3A_2271 = arith.constant 1 : i32
      %shift_right_arithmetic3A_2272 = vector.broadcast %shift_right_arithmetic3A_2271 : i32 to vector<16xi32>
      %shift_right_arithmetic3A_2273 = arith.shrsi %get3A_2270, %shift_right_arithmetic3A_2272 : vector<16xi32>
      %swap3A_2274 = arith.constant 1 : i32
      %swap3A_2275 = arith.index_cast %swap3A_2274 : i32 to index
      %swap3A_2276 = arith.constant 80 : index
      %swap3A_2277 = tpu.vector_load %arg6[%swap3A_2275, %swap3A_2276] {strides = array<i32>} : memref<4x128xi32, #tpu.memory_space<vmem>>, vector<16xi32>,
      tpu.vector_store %arg6[%swap3A_2275, %swap3A_2276], %shift_right_arithmetic3A_2273 {strides = array<i32>} : memref<4x128xi32, #tpu.memory_space<vmem>>, vector<16xi32>,
      %get3A_2278 = arith.constant 1 : i32
      %get3A_2279 = arith.index_cast %get3A_2278 : i32 to index
      %get3A_2280 = arith.constant 96 : index
      %get3A_2281 = tpu.vector_load %arg5[%get3A_2279, %get3A_2280] {strides = array<i32>} : memref<4x128xi32, #tpu.memory_space<vmem>>, vector<16xi32>,
      %shift_right_arithmetic3A_2282 = arith.constant 1 : i32
      %shift_right_arithmetic3A_2283 = vector.broadcast %shift_right_arithmetic3A_2282 : i32 to vector<16xi32>
      %shift_right_arithmetic3A_2284 = arith.shrsi %get3A_2281, %shift_right_arithmetic3A_2283 : vector<16xi32>
      %swap3A_2285 = arith.constant 1 : i32
      %swap3A_2286 = arith.index_cast %swap3A_2285 : i32 to index
      %swap3A_2287 = arith.constant 96 : index
      %swap3A_2288 = tpu.vector_load %arg6[%swap3A_2286, %swap3A_2287] {strides = array<i32>} : memref<4x128xi32, #tpu.memory_space<vmem>>, vector<16xi32>,
      tpu.vector_store %arg6[%swap3A_2286, %swap3A_2287], %shift_right_arithmetic3A_2284 {strides = array<i32>} : memref<4x128xi32, #tpu.memory_space<vmem>>, vector<16xi32>,
      %get3A_2289 = arith.constant 1 : i32
      %get3A_2290 = arith.index_cast %get3A_2289 : i32 to index
      %get3A_2291 = arith.constant 112 : index
      %get3A_2292 = tpu.vector_load %arg5[%get3A_2290, %get3A_2291] {strides = array<i32>} : memref<4x128xi32, #tpu.memory_space<vmem>>, vector<16xi32>,
      %shift_right_arithmetic3A_2293 = arith.constant 1 : i32
      %shift_right_arithmetic3A_2294 = vector.broadcast %shift_right_arithmetic3A_2293 : i32 to vector<16xi32>
      %shift_right_arithmetic3A_2295 = arith.shrsi %get3A_2292, %shift_right_arithmetic3A_2294 : vector<16xi32>
      %swap3A_2296 = arith.constant 1 : i32
      %swap3A_2297 = arith.index_cast %swap3A_2296 : i32 to index
      %swap3A_2298 = arith.constant 112 : index
      %swap3A_2299 = tpu.vector_load %arg6[%swap3A_2297, %swap3A_2298] {strides = array<i32>} : memref<4x128xi32, #tpu.memory_space<vmem>>, vector<16xi32>,
      tpu.vector_store %arg6[%swap3A_2297, %swap3A_2298], %shift_right_arithmetic3A_2295 {strides = array<i32>} : memref<4x128xi32, #tpu.memory_space<vmem>>, vector<16xi32>,
      %dma_start3A_2300 = arith.constant 1 : i32
      %dma_start3A_2301 = arith.constant 1 : i32
      %dma_start3A_2302 = arith.constant 128 : i32
      %dma_start3A_2303 = arith.constant 0 : i32
      %dma_start3A_2304 = tpu.memref_slice %arg7[%dma_start3A_2302, %dma_start3A_2303] : memref<512x128xf32, #tpu.memory_space<vmem>> -> memref<128x128xf32, #tpu.memory_space<vmem>>
      %dma_start3A_2305 = arith.constant 0 : i32
      %dma_start3A_2306 = tpu.memref_slice %arg6[%dma_start3A_2300, %dma_start3A_2305] : memref<4x128xi32, #tpu.memory_space<vmem>> -> memref<1x128xi32, #tpu.memory_space<vmem>>
      %dma_start3A_2307 = tpu.memref_squeeze %dma_start3A_2306 : memref<1x128xi32, #tpu.memory_space<vmem>> -> memref<128xi32, #tpu.memory_space<vmem>>
      %dma_start3A_2308 = arith.constant 0 : i32
      %dma_start3A_2309 = arith.constant 0 : i32
      %dma_start3A_2310 = tpu.memref_slice %arg3[%dma_start3A_2308, %dma_start3A_2309] : memref<500000x128xf32, #tpu.memory_space<hbm>> -> memref<500000x128xf32, #tpu.memory_space<hbm>>
      %dma_start3A_2311 = tpu.memref_slice %arg10[%dma_start3A_2301] : memref<4x!tpu.dma_semaphore, #tpu.memory_space<semaphore_mem>> -> memref<1x!tpu.dma_semaphore, #tpu.memory_space<semaphore_mem>>
      %dma_start3A_2312 = tpu.memref_squeeze %dma_start3A_2311 : memref<1x!tpu.dma_semaphore, #tpu.memory_space<semaphore_mem>> -> memref<!tpu.dma_semaphore, #tpu.memory_space<semaphore_mem>>
      tpu.enqueue_indirect_dma source(%dma_start3A_2310 : memref<500000x128xf32, #tpu.memory_space<hbm>>) target(%dma_start3A_2304 : memref<128x128xf32, #tpu.memory_space<vmem>>) offsets(%dma_start3A_2307 : memref<128xi32, #tpu.memory_space<vmem>>) semaphore(%dma_start3A_2312 : memref<!tpu.dma_semaphore, #tpu.memory_space<semaphore_mem>>)
      %add3A_2313 = arith.constant 1 : i32
      %add3A_2314 = arith.addi %scan3A_1682, %add3A_2313 : i32
      %add3A_2315 = arith.constant 2 : i32
      %add3A_2316 = arith.addi %mul3A_2, %add3A_2315 : i32
      %mul3A_2317 = arith.constant 128 : i32
      %mul3A_2318 = arith.muli %add3A_2316, %mul3A_2317 : i32
      %dma_start3A_2319 = arith.constant 2 : i32
      %dma_start3A_2320 = arith.constant 2 : i32
      %dma_start3A_2321 = arith.constant 0 : i32
      %dma_start3A_2322 = tpu.memref_slice %arg5[%dma_start3A_2319, %dma_start3A_2321] : memref<4x128xi32, #tpu.memory_space<vmem>> -> memref<1x128xi32, #tpu.memory_space<vmem>>
      %dma_start3A_2323 = tpu.memref_squeeze %dma_start3A_2322 : memref<1x128xi32, #tpu.memory_space<vmem>> -> memref<128xi32, #tpu.memory_space<vmem>>
      %dma_start3A_2324 = tpu.memref_slice %arg2[%add3A_2314, %mul3A_2318] : memref<50x16384xi32, #tpu.memory_space<hbm>> -> memref<1x128xi32, #tpu.memory_space<hbm>>
      %dma_start3A_2325 = tpu.memref_squeeze %dma_start3A_2324 : memref<1x128xi32, #tpu.memory_space<hbm>> -> memref<128xi32, #tpu.memory_space<hbm>>
      %dma_start3A_2326 = tpu.memref_slice %arg9[%dma_start3A_2320] : memref<4x!tpu.dma_semaphore, #tpu.memory_space<semaphore_mem>> -> memref<1x!tpu.dma_semaphore, #tpu.memory_space<semaphore_mem>>
      %dma_start3A_2327 = tpu.memref_squeeze %dma_start3A_2326 : memref<1x!tpu.dma_semaphore, #tpu.memory_space<semaphore_mem>> -> memref<!tpu.dma_semaphore, #tpu.memory_space<semaphore_mem>>
      %dma_start3A_2328 = arith.constant 0 : i32
      %dma_start3A_2329 = tpu.memref_slice %arg5[%dma_start3A_2319, %dma_start3A_2328] : memref<4x128xi32, #tpu.memory_space<vmem>> -> memref<1x128xi32, #tpu.memory_space<vmem>>
      %dma_start3A_2330 = tpu.memref_squeeze %dma_start3A_2329 : memref<1x128xi32, #tpu.memory_space<vmem>> -> memref<128xi32, #tpu.memory_space<vmem>>
      %dma_start3A_2331 = tpu.memref_slice %arg2[%add3A_2314, %mul3A_2318] : memref<50x16384xi32, #tpu.memory_space<hbm>> -> memref<1x128xi32, #tpu.memory_space<hbm>>
      %dma_start3A_2332 = tpu.memref_squeeze %dma_start3A_2331 : memref<1x128xi32, #tpu.memory_space<hbm>> -> memref<128xi32, #tpu.memory_space<hbm>>
      tpu.enqueue_dma source(%dma_start3A_2332 : memref<128xi32, #tpu.memory_space<hbm>>) target(%dma_start3A_2330 : memref<128xi32, #tpu.memory_space<vmem>>) target_semaphore(%dma_start3A_2327 : memref<!tpu.dma_semaphore, #tpu.memory_space<semaphore_mem>>)
      %dma_wait3A_2333 = arith.constant 3 : i32
      %dma_wait3A_2334 = arith.constant 384 : i32
      %dma_wait3A_2335 = arith.constant 0 : i32
      %dma_wait3A_2336 = tpu.memref_slice %arg7[%dma_wait3A_2334, %dma_wait3A_2335] : memref<512x128xf32, #tpu.memory_space<vmem>> -> memref<128x128xf32, #tpu.memory_space<vmem>>
      %dma_wait3A_2337 = arith.constant 0 : i32
      %dma_wait3A_2338 = arith.constant 0 : i32
      %dma_wait3A_2339 = tpu.memref_slice %arg3[%dma_wait3A_2337, %dma_wait3A_2338] : memref<500000x128xf32, #tpu.memory_space<hbm>> -> memref<128x128xf32, #tpu.memory_space<hbm>>
      %dma_wait3A_2340 = tpu.memref_slice %arg10[%dma_wait3A_2333] : memref<4x!tpu.dma_semaphore, #tpu.memory_space<semaphore_mem>> -> memref<1x!tpu.dma_semaphore, #tpu.memory_space<semaphore_mem>>
      %dma_wait3A_2341 = tpu.memref_squeeze %dma_wait3A_2340 : memref<1x!tpu.dma_semaphore, #tpu.memory_space<semaphore_mem>> -> memref<!tpu.dma_semaphore, #tpu.memory_space<semaphore_mem>>
      %dma_wait3A_2342 = arith.constant 384 : i32
      %dma_wait3A_2343 = arith.constant 0 : i32
      %dma_wait3A_2344 = tpu.memref_slice %arg7[%dma_wait3A_2342, %dma_wait3A_2343] : memref<512x128xf32, #tpu.memory_space<vmem>> -> memref<128x128xf32, #tpu.memory_space<vmem>>
      %dma_wait3A_2345 = arith.constant 0 : i32
      %dma_wait3A_2346 = arith.constant 0 : i32
      %dma_wait3A_2347 = tpu.memref_slice %arg3[%dma_wait3A_2345, %dma_wait3A_2346] : memref<500000x128xf32, #tpu.memory_space<hbm>> -> memref<128x128xf32, #tpu.memory_space<hbm>>
      tpu.wait_dma2 semaphore(%dma_wait3A_2341 : memref<!tpu.dma_semaphore, #tpu.memory_space<semaphore_mem>>) src(%dma_wait3A_2347 : memref<128x128xf32, #tpu.memory_space<hbm>>) dst(%dma_wait3A_2344 : memref<128x128xf32, #tpu.memory_space<vmem>>)
      %dma_wait3A_2348 = arith.constant 1 : i32
      %dma_wait3A_2349 = arith.constant 0 : i32
      %dma_wait3A_2350 = arith.constant 0 : i32
      %dma_wait3A_2351 = arith.constant 1 : i32
      %dma_wait3A_2352 = arith.constant 0 : i32
      %dma_wait3A_2353 = arith.constant 0 : i32
      %dma_wait3A_2354 = arith.constant 0 : i32
      %dma_wait3A_2355 = tpu.memref_slice %arg8[%dma_wait3A_2348, %dma_wait3A_2352, %dma_wait3A_2353, %dma_wait3A_2354] : memref<2x8x8x128xf32, #tpu.memory_space<vmem>> -> memref<1x8x8x128xf32, #tpu.memory_space<vmem>>
      %dma_wait3A_2356 = tpu.memref_squeeze %dma_wait3A_2355 : memref<1x8x8x128xf32, #tpu.memory_space<vmem>> -> memref<8x8x128xf32, #tpu.memory_space<vmem>>
      %dma_wait3A_2357 = arith.constant 0 : i32
      %dma_wait3A_2358 = arith.constant 0 : i32
      %dma_wait3A_2359 = arith.constant 0 : i32
      %dma_wait3A_2360 = tpu.memref_slice %arg4[%dma_wait3A_2349, %dma_wait3A_2357, %dma_wait3A_2350, %dma_wait3A_2358, %dma_wait3A_2359] : memref<50x8x128x8x128xf32, #tpu.memory_space<hbm>> -> memref<1x8x1x8x128xf32, #tpu.memory_space<hbm>>
      %dma_wait3A_2361 = tpu.memref_squeeze %dma_wait3A_2360 : memref<1x8x1x8x128xf32, #tpu.memory_space<hbm>> -> memref<8x8x128xf32, #tpu.memory_space<hbm>>
      %dma_wait3A_2362 = tpu.memref_slice %arg11[%dma_wait3A_2351] : memref<2x!tpu.dma_semaphore, #tpu.memory_space<semaphore_mem>> -> memref<1x!tpu.dma_semaphore, #tpu.memory_space<semaphore_mem>>
      %dma_wait3A_2363 = tpu.memref_squeeze %dma_wait3A_2362 : memref<1x!tpu.dma_semaphore, #tpu.memory_space<semaphore_mem>> -> memref<!tpu.dma_semaphore, #tpu.memory_space<semaphore_mem>>
      %dma_wait3A_2364 = arith.constant 0 : i32
      %dma_wait3A_2365 = arith.constant 0 : i32
      %dma_wait3A_2366 = arith.constant 0 : i32
      %dma_wait3A_2367 = tpu.memref_slice %arg4[%dma_wait3A_2349, %dma_wait3A_2364, %dma_wait3A_2350, %dma_wait3A_2365, %dma_wait3A_2366] : memref<50x8x128x8x128xf32, #tpu.memory_space<hbm>> -> memref<1x8x1x8x128xf32, #tpu.memory_space<hbm>>
      %dma_wait3A_2368 = tpu.memref_squeeze %dma_wait3A_2367 : memref<1x8x1x8x128xf32, #tpu.memory_space<hbm>> -> memref<8x8x128xf32, #tpu.memory_space<hbm>>
      %dma_wait3A_2369 = arith.constant 0 : i32
      %dma_wait3A_2370 = arith.constant 0 : i32
      %dma_wait3A_2371 = arith.constant 0 : i32
      %dma_wait3A_2372 = tpu.memref_slice %arg8[%dma_wait3A_2348, %dma_wait3A_2369, %dma_wait3A_2370, %dma_wait3A_2371] : memref<2x8x8x128xf32, #tpu.memory_space<vmem>> -> memref<1x8x8x128xf32, #tpu.memory_space<vmem>>
      %dma_wait3A_2373 = tpu.memref_squeeze %dma_wait3A_2372 : memref<1x8x8x128xf32, #tpu.memory_space<vmem>> -> memref<8x8x128xf32, #tpu.memory_space<vmem>>
      tpu.wait_dma2 semaphore(%dma_wait3A_2363 : memref<!tpu.dma_semaphore, #tpu.memory_space<semaphore_mem>>) src(%dma_wait3A_2373 : memref<8x8x128xf32, #tpu.memory_space<vmem>>) dst(%dma_wait3A_2368 : memref<8x8x128xf32, #tpu.memory_space<hbm>>)
      %scan3A_2374 = arith.constant 0 : i32
      %scan3A_2375 = arith.constant 8 : i32
      %scan3A_2376 = arith.addi %scan3A_2374, %scan3A_2375 : i32
      %scan3A_2377 = arith.constant 1 : i32
      scf.for %scan3A_2523 = %scan3A_2374 to %scan3A_2376 step %scan3A_2377  : i32 {
        %mul3A_2524 = arith.constant 16 : i32
        %mul3A_2525 = arith.muli %scan3A_2523, %mul3A_2524 : i32
        %add3A_2526 = arith.constant 384 : i32
        %add3A_2527 = arith.addi %add3A_2526, %mul3A_2525 : i32
        %add3A_2528 = vector.broadcast %add3A_2527 : i32 to vector<16xi32>
        %add3A_2529 = arith.addi %iota3A, %add3A_2528 : vector<16xi32>
        %get3A_2530 = arith.constant 3 : i32
        %get3A_2531 = arith.index_cast %get3A_2530 : i32 to index
        %get3A_2532 = arith.index_cast %mul3A_2525 : i32 to index
        %get3A_2533 = tpu.vector_load %arg5[%get3A_2531, %get3A_2532] {strides = array<i32>} : memref<4x128xi32, #tpu.memory_space<vmem>>, vector<16xi32>,
        %and3A = arith.constant 1 : i32
        %and3A_2534 = vector.broadcast %and3A : i32 to vector<16xi32>
        %and3A_2535 = arith.andi %get3A_2533, %and3A_2534 : vector<16xi32>
        %mul3A_2536 = arith.constant 64 : i32
        %mul3A_2537 = vector.broadcast %mul3A_2536 : i32 to vector<16xi32>
        %mul3A_2538 = arith.muli %and3A_2535, %mul3A_2537 : vector<16xi32>
        %parallel_loop3A = arith.constant 0 : i32
        %parallel_loop3A_2539 = arith.constant 64 : i32
        %parallel_loop3A_2540 = arith.constant 1 : i32
        scf.for %parallel_loop3A_2541 = %parallel_loop3A to %parallel_loop3A_2539 step %parallel_loop3A_2540  : i32 {
          %parallel_loop3A_2542 = vector.broadcast %parallel_loop3A_2541 : i32 to vector<16xi32>
          %parallel_loop3A_2543 = arith.addi %mul3A_2538, %parallel_loop3A_2542 : vector<16xi32>
          %parallel_loop3A_2544 = tpu.vector_load_idx %arg7[%add3A_2529, %parallel_loop3A_2543] : memref<512x128xf32, #tpu.memory_space<vmem>>[vector<16xi32>, vector<16xi32>], vector<16xf32>,
          %parallel_loop3A_2545 = arith.constant 8.000000e+00 : f32
          %parallel_loop3A_2546 = vector.broadcast %parallel_loop3A_2545 : f32 to vector<16xf32>
          %parallel_loop3A_2547 = arith.mulf %parallel_loop3A_2544, %parallel_loop3A_2546 : vector<16xf32>
          %parallel_loop3A_2548 = arith.constant 3 : i32
          %parallel_loop3A_2549 = arith.shrsi %parallel_loop3A_2541, %parallel_loop3A_2548 : i32
          %parallel_loop3A_2550 = arith.constant 7 : i32
          %parallel_loop3A_2551 = arith.andi %parallel_loop3A_2541, %parallel_loop3A_2550 : i32
          %parallel_loop3A_2552 = arith.constant 1 : i32
          %parallel_loop3A_2553 = arith.index_cast %parallel_loop3A_2552 : i32 to index
          %parallel_loop3A_2554 = arith.index_cast %parallel_loop3A_2549 : i32 to index
          %parallel_loop3A_2555 = arith.index_cast %parallel_loop3A_2551 : i32 to index
          %parallel_loop3A_2556 = arith.index_cast %mul3A_2525 : i32 to index
          %parallel_loop3A_2557 = tpu.vector_load %arg8[%parallel_loop3A_2553, %parallel_loop3A_2554, %parallel_loop3A_2555, %parallel_loop3A_2556] {strides = array<i32>} : memref<2x8x8x128xf32, #tpu.memory_space<vmem>>, vector<16xf32>,
          tpu.vector_store %arg8[%parallel_loop3A_2553, %parallel_loop3A_2554, %parallel_loop3A_2555, %parallel_loop3A_2556], %parallel_loop3A_2547 {strides = array<i32>} : memref<2x8x8x128xf32, #tpu.memory_space<vmem>>, vector<16xf32>,
        } {sc.loop_unroll_factor = 16 : i64, sc.parallel_access}
      }
      %scan3A_2378 = arith.constant 8 : i32
      %add3A_2379 = arith.constant 3 : i32
      %add3A_2380 = arith.addi %mul3A_2, %add3A_2379 : i32
      %dma_start3A_2381 = arith.constant 1 : i32
      %dma_start3A_2382 = arith.constant 1 : i32
      %dma_start3A_2383 = arith.constant 0 : i32
      %dma_start3A_2384 = arith.constant 0 : i32
      %dma_start3A_2385 = arith.constant 0 : i32
      %dma_start3A_2386 = tpu.memref_slice %arg8[%dma_start3A_2381, %dma_start3A_2383, %dma_start3A_2384, %dma_start3A_2385] : memref<2x8x8x128xf32, #tpu.memory_space<vmem>> -> memref<1x8x8x128xf32, #tpu.memory_space<vmem>>
      %dma_start3A_2387 = tpu.memref_squeeze %dma_start3A_2386 : memref<1x8x8x128xf32, #tpu.memory_space<vmem>> -> memref<8x8x128xf32, #tpu.memory_space<vmem>>
      %dma_start3A_2388 = arith.constant 0 : i32
      %dma_start3A_2389 = arith.constant 0 : i32
      %dma_start3A_2390 = arith.constant 0 : i32
      %dma_start3A_2391 = tpu.memref_slice %arg4[%scan3A_1682, %dma_start3A_2388, %add3A_2380, %dma_start3A_2389, %dma_start3A_2390] : memref<50x8x128x8x128xf32, #tpu.memory_space<hbm>> -> memref<1x8x1x8x128xf32, #tpu.memory_space<hbm>>
      %dma_start3A_2392 = tpu.memref_squeeze %dma_start3A_2391 : memref<1x8x1x8x128xf32, #tpu.memory_space<hbm>> -> memref<8x8x128xf32, #tpu.memory_space<hbm>>
      %dma_start3A_2393 = tpu.memref_slice %arg11[%dma_start3A_2382] : memref<2x!tpu.dma_semaphore, #tpu.memory_space<semaphore_mem>> -> memref<1x!tpu.dma_semaphore, #tpu.memory_space<semaphore_mem>>
      %dma_start3A_2394 = tpu.memref_squeeze %dma_start3A_2393 : memref<1x!tpu.dma_semaphore, #tpu.memory_space<semaphore_mem>> -> memref<!tpu.dma_semaphore, #tpu.memory_space<semaphore_mem>>
      %dma_start3A_2395 = arith.constant 0 : i32
      %dma_start3A_2396 = arith.constant 0 : i32
      %dma_start3A_2397 = arith.constant 0 : i32
      %dma_start3A_2398 = tpu.memref_slice %arg4[%scan3A_1682, %dma_start3A_2395, %add3A_2380, %dma_start3A_2396, %dma_start3A_2397] : memref<50x8x128x8x128xf32, #tpu.memory_space<hbm>> -> memref<1x8x1x8x128xf32, #tpu.memory_space<hbm>>
      %dma_start3A_2399 = tpu.memref_squeeze %dma_start3A_2398 : memref<1x8x1x8x128xf32, #tpu.memory_space<hbm>> -> memref<8x8x128xf32, #tpu.memory_space<hbm>>
      %dma_start3A_2400 = arith.constant 0 : i32
      %dma_start3A_2401 = arith.constant 0 : i32
      %dma_start3A_2402 = arith.constant 0 : i32
      %dma_start3A_2403 = tpu.memref_slice %arg8[%dma_start3A_2381, %dma_start3A_2400, %dma_start3A_2401, %dma_start3A_2402] : memref<2x8x8x128xf32, #tpu.memory_space<vmem>> -> memref<1x8x8x128xf32, #tpu.memory_space<vmem>>
      %dma_start3A_2404 = tpu.memref_squeeze %dma_start3A_2403 : memref<1x8x8x128xf32, #tpu.memory_space<vmem>> -> memref<8x8x128xf32, #tpu.memory_space<vmem>>
      tpu.enqueue_dma source(%dma_start3A_2404 : memref<8x8x128xf32, #tpu.memory_space<vmem>>) target(%dma_start3A_2399 : memref<8x8x128xf32, #tpu.memory_space<hbm>>) target_semaphore(%dma_start3A_2394 : memref<!tpu.dma_semaphore, #tpu.memory_space<semaphore_mem>>)
      %dma_wait3A_2405 = arith.constant 0 : i32
      %dma_wait3A_2406 = arith.constant 2 : i32
      %dma_wait3A_2407 = arith.constant 2 : i32
      %dma_wait3A_2408 = arith.constant 0 : i32
      %dma_wait3A_2409 = tpu.memref_slice %arg5[%dma_wait3A_2406, %dma_wait3A_2408] : memref<4x128xi32, #tpu.memory_space<vmem>> -> memref<1x128xi32, #tpu.memory_space<vmem>>
      %dma_wait3A_2410 = tpu.memref_squeeze %dma_wait3A_2409 : memref<1x128xi32, #tpu.memory_space<vmem>> -> memref<128xi32, #tpu.memory_space<vmem>>
      %dma_wait3A_2411 = arith.constant 0 : i32
      %dma_wait3A_2412 = tpu.memref_slice %arg2[%dma_wait3A_2405, %dma_wait3A_2411] : memref<50x16384xi32, #tpu.memory_space<hbm>> -> memref<1x128xi32, #tpu.memory_space<hbm>>
      %dma_wait3A_2413 = tpu.memref_squeeze %dma_wait3A_2412 : memref<1x128xi32, #tpu.memory_space<hbm>> -> memref<128xi32, #tpu.memory_space<hbm>>
      %dma_wait3A_2414 = tpu.memref_slice %arg9[%dma_wait3A_2407] : memref<4x!tpu.dma_semaphore, #tpu.memory_space<semaphore_mem>> -> memref<1x!tpu.dma_semaphore, #tpu.memory_space<semaphore_mem>>
      %dma_wait3A_2415 = tpu.memref_squeeze %dma_wait3A_2414 : memref<1x!tpu.dma_semaphore, #tpu.memory_space<semaphore_mem>> -> memref<!tpu.dma_semaphore, #tpu.memory_space<semaphore_mem>>
      %dma_wait3A_2416 = arith.constant 0 : i32
      %dma_wait3A_2417 = tpu.memref_slice %arg5[%dma_wait3A_2406, %dma_wait3A_2416] : memref<4x128xi32, #tpu.memory_space<vmem>> -> memref<1x128xi32, #tpu.memory_space<vmem>>
      %dma_wait3A_2418 = tpu.memref_squeeze %dma_wait3A_2417 : memref<1x128xi32, #tpu.memory_space<vmem>> -> memref<128xi32, #tpu.memory_space<vmem>>
      %dma_wait3A_2419 = arith.constant 0 : i32
      %dma_wait3A_2420 = tpu.memref_slice %arg2[%dma_wait3A_2405, %dma_wait3A_2419] : memref<50x16384xi32, #tpu.memory_space<hbm>> -> memref<1x128xi32, #tpu.memory_space<hbm>>
      %dma_wait3A_2421 = tpu.memref_squeeze %dma_wait3A_2420 : memref<1x128xi32, #tpu.memory_space<hbm>> -> memref<128xi32, #tpu.memory_space<hbm>>
      tpu.wait_dma2 semaphore(%dma_wait3A_2415 : memref<!tpu.dma_semaphore, #tpu.memory_space<semaphore_mem>>) src(%dma_wait3A_2421 : memref<128xi32, #tpu.memory_space<hbm>>) dst(%dma_wait3A_2418 : memref<128xi32, #tpu.memory_space<vmem>>)
      %get3A_2422 = arith.constant 2 : i32
      %get3A_2423 = arith.index_cast %get3A_2422 : i32 to index
      %get3A_2424 = arith.constant 0 : index
      %get3A_2425 = tpu.vector_load %arg5[%get3A_2423, %get3A_2424] {strides = array<i32>} : memref<4x128xi32, #tpu.memory_space<vmem>>, vector<16xi32>,
      %shift_right_arithmetic3A_2426 = arith.constant 1 : i32
      %shift_right_arithmetic3A_2427 = vector.broadcast %shift_right_arithmetic3A_2426 : i32 to vector<16xi32>
      %shift_right_arithmetic3A_2428 = arith.shrsi %get3A_2425, %shift_right_arithmetic3A_2427 : vector<16xi32>
      %swap3A_2429 = arith.constant 2 : i32
      %swap3A_2430 = arith.index_cast %swap3A_2429 : i32 to index
      %swap3A_2431 = arith.constant 0 : index
      %swap3A_2432 = tpu.vector_load %arg6[%swap3A_2430, %swap3A_2431] {strides = array<i32>} : memref<4x128xi32, #tpu.memory_space<vmem>>, vector<16xi32>,
      tpu.vector_store %arg6[%swap3A_2430, %swap3A_2431], %shift_right_arithmetic3A_2428 {strides = array<i32>} : memref<4x128xi32, #tpu.memory_space<vmem>>, vector<16xi32>,
      %get3A_2433 = arith.constant 2 : i32
      %get3A_2434 = arith.index_cast %get3A_2433 : i32 to index
      %get3A_2435 = arith.constant 16 : index
      %get3A_2436 = tpu.vector_load %arg5[%get3A_2434, %get3A_2435] {strides = array<i32>} : memref<4x128xi32, #tpu.memory_space<vmem>>, vector<16xi32>,
      %shift_right_arithmetic3A_2437 = arith.constant 1 : i32
      %shift_right_arithmetic3A_2438 = vector.broadcast %shift_right_arithmetic3A_2437 : i32 to vector<16xi32>
      %shift_right_arithmetic3A_2439 = arith.shrsi %get3A_2436, %shift_right_arithmetic3A_2438 : vector<16xi32>
      %swap3A_2440 = arith.constant 2 : i32
      %swap3A_2441 = arith.index_cast %swap3A_2440 : i32 to index
      %swap3A_2442 = arith.constant 16 : index
      %swap3A_2443 = tpu.vector_load %arg6[%swap3A_2441, %swap3A_2442] {strides = array<i32>} : memref<4x128xi32, #tpu.memory_space<vmem>>, vector<16xi32>,
      tpu.vector_store %arg6[%swap3A_2441, %swap3A_2442], %shift_right_arithmetic3A_2439 {strides = array<i32>} : memref<4x128xi32, #tpu.memory_space<vmem>>, vector<16xi32>,
      %get3A_2444 = arith.constant 2 : i32
      %get3A_2445 = arith.index_cast %get3A_2444 : i32 to index
      %get3A_2446 = arith.constant 32 : index
      %get3A_2447 = tpu.vector_load %arg5[%get3A_2445, %get3A_2446] {strides = array<i32>} : memref<4x128xi32, #tpu.memory_space<vmem>>, vector<16xi32>,
      %shift_right_arithmetic3A_2448 = arith.constant 1 : i32
      %shift_right_arithmetic3A_2449 = vector.broadcast %shift_right_arithmetic3A_2448 : i32 to vector<16xi32>
      %shift_right_arithmetic3A_2450 = arith.shrsi %get3A_2447, %shift_right_arithmetic3A_2449 : vector<16xi32>
      %swap3A_2451 = arith.constant 2 : i32
      %swap3A_2452 = arith.index_cast %swap3A_2451 : i32 to index
      %swap3A_2453 = arith.constant 32 : index
      %swap3A_2454 = tpu.vector_load %arg6[%swap3A_2452, %swap3A_2453] {strides = array<i32>} : memref<4x128xi32, #tpu.memory_space<vmem>>, vector<16xi32>,
      tpu.vector_store %arg6[%swap3A_2452, %swap3A_2453], %shift_right_arithmetic3A_2450 {strides = array<i32>} : memref<4x128xi32, #tpu.memory_space<vmem>>, vector<16xi32>,
      %get3A_2455 = arith.constant 2 : i32
      %get3A_2456 = arith.index_cast %get3A_2455 : i32 to index
      %get3A_2457 = arith.constant 48 : index
      %get3A_2458 = tpu.vector_load %arg5[%get3A_2456, %get3A_2457] {strides = array<i32>} : memref<4x128xi32, #tpu.memory_space<vmem>>, vector<16xi32>,
      %shift_right_arithmetic3A_2459 = arith.constant 1 : i32
      %shift_right_arithmetic3A_2460 = vector.broadcast %shift_right_arithmetic3A_2459 : i32 to vector<16xi32>
      %shift_right_arithmetic3A_2461 = arith.shrsi %get3A_2458, %shift_right_arithmetic3A_2460 : vector<16xi32>
      %swap3A_2462 = arith.constant 2 : i32
      %swap3A_2463 = arith.index_cast %swap3A_2462 : i32 to index
      %swap3A_2464 = arith.constant 48 : index
      %swap3A_2465 = tpu.vector_load %arg6[%swap3A_2463, %swap3A_2464] {strides = array<i32>} : memref<4x128xi32, #tpu.memory_space<vmem>>, vector<16xi32>,
      tpu.vector_store %arg6[%swap3A_2463, %swap3A_2464], %shift_right_arithmetic3A_2461 {strides = array<i32>} : memref<4x128xi32, #tpu.memory_space<vmem>>, vector<16xi32>,
      %get3A_2466 = arith.constant 2 : i32
      %get3A_2467 = arith.index_cast %get3A_2466 : i32 to index
      %get3A_2468 = arith.constant 64 : index
      %get3A_2469 = tpu.vector_load %arg5[%get3A_2467, %get3A_2468] {strides = array<i32>} : memref<4x128xi32, #tpu.memory_space<vmem>>, vector<16xi32>,
      %shift_right_arithmetic3A_2470 = arith.constant 1 : i32
      %shift_right_arithmetic3A_2471 = vector.broadcast %shift_right_arithmetic3A_2470 : i32 to vector<16xi32>
      %shift_right_arithmetic3A_2472 = arith.shrsi %get3A_2469, %shift_right_arithmetic3A_2471 : vector<16xi32>
      %swap3A_2473 = arith.constant 2 : i32
      %swap3A_2474 = arith.index_cast %swap3A_2473 : i32 to index
      %swap3A_2475 = arith.constant 64 : index
      %swap3A_2476 = tpu.vector_load %arg6[%swap3A_2474, %swap3A_2475] {strides = array<i32>} : memref<4x128xi32, #tpu.memory_space<vmem>>, vector<16xi32>,
      tpu.vector_store %arg6[%swap3A_2474, %swap3A_2475], %shift_right_arithmetic3A_2472 {strides = array<i32>} : memref<4x128xi32, #tpu.memory_space<vmem>>, vector<16xi32>,
      %get3A_2477 = arith.constant 2 : i32
      %get3A_2478 = arith.index_cast %get3A_2477 : i32 to index
      %get3A_2479 = arith.constant 80 : index
      %get3A_2480 = tpu.vector_load %arg5[%get3A_2478, %get3A_2479] {strides = array<i32>} : memref<4x128xi32, #tpu.memory_space<vmem>>, vector<16xi32>,
      %shift_right_arithmetic3A_2481 = arith.constant 1 : i32
      %shift_right_arithmetic3A_2482 = vector.broadcast %shift_right_arithmetic3A_2481 : i32 to vector<16xi32>
      %shift_right_arithmetic3A_2483 = arith.shrsi %get3A_2480, %shift_right_arithmetic3A_2482 : vector<16xi32>
      %swap3A_2484 = arith.constant 2 : i32
      %swap3A_2485 = arith.index_cast %swap3A_2484 : i32 to index
      %swap3A_2486 = arith.constant 80 : index
      %swap3A_2487 = tpu.vector_load %arg6[%swap3A_2485, %swap3A_2486] {strides = array<i32>} : memref<4x128xi32, #tpu.memory_space<vmem>>, vector<16xi32>,
      tpu.vector_store %arg6[%swap3A_2485, %swap3A_2486], %shift_right_arithmetic3A_2483 {strides = array<i32>} : memref<4x128xi32, #tpu.memory_space<vmem>>, vector<16xi32>,
      %get3A_2488 = arith.constant 2 : i32
      %get3A_2489 = arith.index_cast %get3A_2488 : i32 to index
      %get3A_2490 = arith.constant 96 : index
      %get3A_2491 = tpu.vector_load %arg5[%get3A_2489, %get3A_2490] {strides = array<i32>} : memref<4x128xi32, #tpu.memory_space<vmem>>, vector<16xi32>,
      %shift_right_arithmetic3A_2492 = arith.constant 1 : i32
      %shift_right_arithmetic3A_2493 = vector.broadcast %shift_right_arithmetic3A_2492 : i32 to vector<16xi32>
      %shift_right_arithmetic3A_2494 = arith.shrsi %get3A_2491, %shift_right_arithmetic3A_2493 : vector<16xi32>
      %swap3A_2495 = arith.constant 2 : i32
      %swap3A_2496 = arith.index_cast %swap3A_2495 : i32 to index
      %swap3A_2497 = arith.constant 96 : index
      %swap3A_2498 = tpu.vector_load %arg6[%swap3A_2496, %swap3A_2497] {strides = array<i32>} : memref<4x128xi32, #tpu.memory_space<vmem>>, vector<16xi32>,
      tpu.vector_store %arg6[%swap3A_2496, %swap3A_2497], %shift_right_arithmetic3A_2494 {strides = array<i32>} : memref<4x128xi32, #tpu.memory_space<vmem>>, vector<16xi32>,
      %get3A_2499 = arith.constant 2 : i32
      %get3A_2500 = arith.index_cast %get3A_2499 : i32 to index
      %get3A_2501 = arith.constant 112 : index
      %get3A_2502 = tpu.vector_load %arg5[%get3A_2500, %get3A_2501] {strides = array<i32>} : memref<4x128xi32, #tpu.memory_space<vmem>>, vector<16xi32>,
      %shift_right_arithmetic3A_2503 = arith.constant 1 : i32
      %shift_right_arithmetic3A_2504 = vector.broadcast %shift_right_arithmetic3A_2503 : i32 to vector<16xi32>
      %shift_right_arithmetic3A_2505 = arith.shrsi %get3A_2502, %shift_right_arithmetic3A_2504 : vector<16xi32>
      %swap3A_2506 = arith.constant 2 : i32
      %swap3A_2507 = arith.index_cast %swap3A_2506 : i32 to index
      %swap3A_2508 = arith.constant 112 : index
      %swap3A_2509 = tpu.vector_load %arg6[%swap3A_2507, %swap3A_2508] {strides = array<i32>} : memref<4x128xi32, #tpu.memory_space<vmem>>, vector<16xi32>,
      tpu.vector_store %arg6[%swap3A_2507, %swap3A_2508], %shift_right_arithmetic3A_2505 {strides = array<i32>} : memref<4x128xi32, #tpu.memory_space<vmem>>, vector<16xi32>,
      %dma_start3A_2510 = arith.constant 2 : i32
      %dma_start3A_2511 = arith.constant 2 : i32
      %dma_start3A_2512 = arith.constant 256 : i32
      %dma_start3A_2513 = arith.constant 0 : i32
      %dma_start3A_2514 = tpu.memref_slice %arg7[%dma_start3A_2512, %dma_start3A_2513] : memref<512x128xf32, #tpu.memory_space<vmem>> -> memref<128x128xf32, #tpu.memory_space<vmem>>
      %dma_start3A_2515 = arith.constant 0 : i32
      %dma_start3A_2516 = tpu.memref_slice %arg6[%dma_start3A_2510, %dma_start3A_2515] : memref<4x128xi32, #tpu.memory_space<vmem>> -> memref<1x128xi32, #tpu.memory_space<vmem>>
      %dma_start3A_2517 = tpu.memref_squeeze %dma_start3A_2516 : memref<1x128xi32, #tpu.memory_space<vmem>> -> memref<128xi32, #tpu.memory_space<vmem>>
      %dma_start3A_2518 = arith.constant 0 : i32
      %dma_start3A_2519 = arith.constant 0 : i32
      %dma_start3A_2520 = tpu.memref_slice %arg3[%dma_start3A_2518, %dma_start3A_2519] : memref<500000x128xf32, #tpu.memory_space<hbm>> -> memref<500000x128xf32, #tpu.memory_space<hbm>>
      %dma_start3A_2521 = tpu.memref_slice %arg10[%dma_start3A_2511] : memref<4x!tpu.dma_semaphore, #tpu.memory_space<semaphore_mem>> -> memref<1x!tpu.dma_semaphore, #tpu.memory_space<semaphore_mem>>
      %dma_start3A_2522 = tpu.memref_squeeze %dma_start3A_2521 : memref<1x!tpu.dma_semaphore, #tpu.memory_space<semaphore_mem>> -> memref<!tpu.dma_semaphore, #tpu.memory_space<semaphore_mem>>
      tpu.enqueue_indirect_dma source(%dma_start3A_2520 : memref<500000x128xf32, #tpu.memory_space<hbm>>) target(%dma_start3A_2514 : memref<128x128xf32, #tpu.memory_space<vmem>>) offsets(%dma_start3A_2517 : memref<128xi32, #tpu.memory_space<vmem>>) semaphore(%dma_start3A_2522 : memref<!tpu.dma_semaphore, #tpu.memory_space<semaphore_mem>>)
    }
    %scan3A_1200 = arith.constant 48 : i32
    %add3A_1201 = arith.constant 3 : i32
    %add3A_1202 = arith.addi %mul3A_2, %add3A_1201 : i32
    %mul3A_1203 = arith.constant 128 : i32
    %mul3A_1204 = arith.muli %add3A_1202, %mul3A_1203 : i32
    %dma_start3A_1205 = arith.constant 49 : i32
    %dma_start3A_1206 = arith.constant 3 : i32
    %dma_start3A_1207 = arith.constant 3 : i32
    %dma_start3A_1208 = arith.constant 0 : i32
    %dma_start3A_1209 = tpu.memref_slice %arg5[%dma_start3A_1206, %dma_start3A_1208] : memref<4x128xi32, #tpu.memory_space<vmem>> -> memref<1x128xi32, #tpu.memory_space<vmem>>
    %dma_start3A_1210 = tpu.memref_squeeze %dma_start3A_1209 : memref<1x128xi32, #tpu.memory_space<vmem>> -> memref<128xi32, #tpu.memory_space<vmem>>
    %dma_start3A_1211 = tpu.memref_slice %arg2[%dma_start3A_1205, %mul3A_1204] : memref<50x16384xi32, #tpu.memory_space<hbm>> -> memref<1x128xi32, #tpu.memory_space<hbm>>
    %dma_start3A_1212 = tpu.memref_squeeze %dma_start3A_1211 : memref<1x128xi32, #tpu.memory_space<hbm>> -> memref<128xi32, #tpu.memory_space<hbm>>
    %dma_start3A_1213 = tpu.memref_slice %arg9[%dma_start3A_1207] : memref<4x!tpu.dma_semaphore, #tpu.memory_space<semaphore_mem>> -> memref<1x!tpu.dma_semaphore, #tpu.memory_space<semaphore_mem>>
    %dma_start3A_1214 = tpu.memref_squeeze %dma_start3A_1213 : memref<1x!tpu.dma_semaphore, #tpu.memory_space<semaphore_mem>> -> memref<!tpu.dma_semaphore, #tpu.memory_space<semaphore_mem>>
    %dma_start3A_1215 = arith.constant 0 : i32
    %dma_start3A_1216 = tpu.memref_slice %arg5[%dma_start3A_1206, %dma_start3A_1215] : memref<4x128xi32, #tpu.memory_space<vmem>> -> memref<1x128xi32, #tpu.memory_space<vmem>>
    %dma_start3A_1217 = tpu.memref_squeeze %dma_start3A_1216 : memref<1x128xi32, #tpu.memory_space<vmem>> -> memref<128xi32, #tpu.memory_space<vmem>>
    %dma_start3A_1218 = tpu.memref_slice %arg2[%dma_start3A_1205, %mul3A_1204] : memref<50x16384xi32, #tpu.memory_space<hbm>> -> memref<1x128xi32, #tpu.memory_space<hbm>>
    %dma_start3A_1219 = tpu.memref_squeeze %dma_start3A_1218 : memref<1x128xi32, #tpu.memory_space<hbm>> -> memref<128xi32, #tpu.memory_space<hbm>>
    tpu.enqueue_dma source(%dma_start3A_1219 : memref<128xi32, #tpu.memory_space<hbm>>) target(%dma_start3A_1217 : memref<128xi32, #tpu.memory_space<vmem>>) target_semaphore(%dma_start3A_1214 : memref<!tpu.dma_semaphore, #tpu.memory_space<semaphore_mem>>)
    %dma_wait3A_1220 = arith.constant 0 : i32
    %dma_wait3A_1221 = arith.constant 0 : i32
    %dma_wait3A_1222 = arith.constant 0 : i32
    %dma_wait3A_1223 = tpu.memref_slice %arg7[%dma_wait3A_1221, %dma_wait3A_1222] : memref<512x128xf32, #tpu.memory_space<vmem>> -> memref<128x128xf32, #tpu.memory_space<vmem>>
    %dma_wait3A_1224 = arith.constant 0 : i32
    %dma_wait3A_1225 = arith.constant 0 : i32
    %dma_wait3A_1226 = tpu.memref_slice %arg3[%dma_wait3A_1224, %dma_wait3A_1225] : memref<500000x128xf32, #tpu.memory_space<hbm>> -> memref<128x128xf32, #tpu.memory_space<hbm>>
    %dma_wait3A_1227 = tpu.memref_slice %arg10[%dma_wait3A_1220] : memref<4x!tpu.dma_semaphore, #tpu.memory_space<semaphore_mem>> -> memref<1x!tpu.dma_semaphore, #tpu.memory_space<semaphore_mem>>
    %dma_wait3A_1228 = tpu.memref_squeeze %dma_wait3A_1227 : memref<1x!tpu.dma_semaphore, #tpu.memory_space<semaphore_mem>> -> memref<!tpu.dma_semaphore, #tpu.memory_space<semaphore_mem>>
    %dma_wait3A_1229 = arith.constant 0 : i32
    %dma_wait3A_1230 = arith.constant 0 : i32
    %dma_wait3A_1231 = tpu.memref_slice %arg7[%dma_wait3A_1229, %dma_wait3A_1230] : memref<512x128xf32, #tpu.memory_space<vmem>> -> memref<128x128xf32, #tpu.memory_space<vmem>>
    %dma_wait3A_1232 = arith.constant 0 : i32
    %dma_wait3A_1233 = arith.constant 0 : i32
    %dma_wait3A_1234 = tpu.memref_slice %arg3[%dma_wait3A_1232, %dma_wait3A_1233] : memref<500000x128xf32, #tpu.memory_space<hbm>> -> memref<128x128xf32, #tpu.memory_space<hbm>>
    tpu.wait_dma2 semaphore(%dma_wait3A_1228 : memref<!tpu.dma_semaphore, #tpu.memory_space<semaphore_mem>>) src(%dma_wait3A_1234 : memref<128x128xf32, #tpu.memory_space<hbm>>) dst(%dma_wait3A_1231 : memref<128x128xf32, #tpu.memory_space<vmem>>)
    %dma_wait3A_1235 = arith.constant 0 : i32
    %dma_wait3A_1236 = arith.constant 0 : i32
    %dma_wait3A_1237 = arith.constant 0 : i32
    %dma_wait3A_1238 = arith.constant 0 : i32
    %dma_wait3A_1239 = arith.constant 0 : i32
    %dma_wait3A_1240 = arith.constant 0 : i32
    %dma_wait3A_1241 = arith.constant 0 : i32
    %dma_wait3A_1242 = tpu.memref_slice %arg8[%dma_wait3A_1235, %dma_wait3A_1239, %dma_wait3A_1240, %dma_wait3A_1241] : memref<2x8x8x128xf32, #tpu.memory_space<vmem>> -> memref<1x8x8x128xf32, #tpu.memory_space<vmem>>
    %dma_wait3A_1243 = tpu.memref_squeeze %dma_wait3A_1242 : memref<1x8x8x128xf32, #tpu.memory_space<vmem>> -> memref<8x8x128xf32, #tpu.memory_space<vmem>>
    %dma_wait3A_1244 = arith.constant 0 : i32
    %dma_wait3A_1245 = arith.constant 0 : i32
    %dma_wait3A_1246 = arith.constant 0 : i32
    %dma_wait3A_1247 = tpu.memref_slice %arg4[%dma_wait3A_1236, %dma_wait3A_1244, %dma_wait3A_1237, %dma_wait3A_1245, %dma_wait3A_1246] : memref<50x8x128x8x128xf32, #tpu.memory_space<hbm>> -> memref<1x8x1x8x128xf32, #tpu.memory_space<hbm>>
    %dma_wait3A_1248 = tpu.memref_squeeze %dma_wait3A_1247 : memref<1x8x1x8x128xf32, #tpu.memory_space<hbm>> -> memref<8x8x128xf32, #tpu.memory_space<hbm>>
    %dma_wait3A_1249 = tpu.memref_slice %arg11[%dma_wait3A_1238] : memref<2x!tpu.dma_semaphore, #tpu.memory_space<semaphore_mem>> -> memref<1x!tpu.dma_semaphore, #tpu.memory_space<semaphore_mem>>
    %dma_wait3A_1250 = tpu.memref_squeeze %dma_wait3A_1249 : memref<1x!tpu.dma_semaphore, #tpu.memory_space<semaphore_mem>> -> memref<!tpu.dma_semaphore, #tpu.memory_space<semaphore_mem>>
    %dma_wait3A_1251 = arith.constant 0 : i32
    %dma_wait3A_1252 = arith.constant 0 : i32
    %dma_wait3A_1253 = arith.constant 0 : i32
    %dma_wait3A_1254 = tpu.memref_slice %arg4[%dma_wait3A_1236, %dma_wait3A_1251, %dma_wait3A_1237, %dma_wait3A_1252, %dma_wait3A_1253] : memref<50x8x128x8x128xf32, #tpu.memory_space<hbm>> -> memref<1x8x1x8x128xf32, #tpu.memory_space<hbm>>
    %dma_wait3A_1255 = tpu.memref_squeeze %dma_wait3A_1254 : memref<1x8x1x8x128xf32, #tpu.memory_space<hbm>> -> memref<8x8x128xf32, #tpu.memory_space<hbm>>
    %dma_wait3A_1256 = arith.constant 0 : i32
    %dma_wait3A_1257 = arith.constant 0 : i32
    %dma_wait3A_1258 = arith.constant 0 : i32
    %dma_wait3A_1259 = tpu.memref_slice %arg8[%dma_wait3A_1235, %dma_wait3A_1256, %dma_wait3A_1257, %dma_wait3A_1258] : memref<2x8x8x128xf32, #tpu.memory_space<vmem>> -> memref<1x8x8x128xf32, #tpu.memory_space<vmem>>
    %dma_wait3A_1260 = tpu.memref_squeeze %dma_wait3A_1259 : memref<1x8x8x128xf32, #tpu.memory_space<vmem>> -> memref<8x8x128xf32, #tpu.memory_space<vmem>>
    tpu.wait_dma2 semaphore(%dma_wait3A_1250 : memref<!tpu.dma_semaphore, #tpu.memory_space<semaphore_mem>>) src(%dma_wait3A_1260 : memref<8x8x128xf32, #tpu.memory_space<vmem>>) dst(%dma_wait3A_1255 : memref<8x8x128xf32, #tpu.memory_space<hbm>>)
    %scan3A_1261 = arith.constant 0 : i32
    %scan3A_1262 = arith.constant 8 : i32
    %scan3A_1263 = arith.addi %scan3A_1261, %scan3A_1262 : i32
    %scan3A_1264 = arith.constant 1 : i32
    scf.for %scan3A_1682 = %scan3A_1261 to %scan3A_1263 step %scan3A_1264  : i32 {
      %mul3A_1683 = arith.constant 16 : i32
      %mul3A_1684 = arith.muli %scan3A_1682, %mul3A_1683 : i32
      %add3A_1685 = arith.constant 0 : i32
      %add3A_1686 = arith.addi %add3A_1685, %mul3A_1684 : i32
      %add3A_1687 = vector.broadcast %add3A_1686 : i32 to vector<16xi32>
      %add3A_1688 = arith.addi %iota3A, %add3A_1687 : vector<16xi32>
      %get3A_1689 = arith.constant 0 : i32
      %get3A_1690 = arith.index_cast %get3A_1689 : i32 to index
      %get3A_1691 = arith.index_cast %mul3A_1684 : i32 to index
      %get3A_1692 = tpu.vector_load %arg5[%get3A_1690, %get3A_1691] {strides = array<i32>} : memref<4x128xi32, #tpu.memory_space<vmem>>, vector<16xi32>,
      %and3A = arith.constant 1 : i32
      %and3A_1693 = vector.broadcast %and3A : i32 to vector<16xi32>
      %and3A_1694 = arith.andi %get3A_1692, %and3A_1693 : vector<16xi32>
      %mul3A_1695 = arith.constant 64 : i32
      %mul3A_1696 = vector.broadcast %mul3A_1695 : i32 to vector<16xi32>
      %mul3A_1697 = arith.muli %and3A_1694, %mul3A_1696 : vector<16xi32>
      %parallel_loop3A = arith.constant 0 : i32
      %parallel_loop3A_1698 = arith.constant 64 : i32
      %parallel_loop3A_1699 = arith.constant 1 : i32
      scf.for %parallel_loop3A_1700 = %parallel_loop3A to %parallel_loop3A_1698 step %parallel_loop3A_1699  : i32 {
        %parallel_loop3A_1701 = vector.broadcast %parallel_loop3A_1700 : i32 to vector<16xi32>
        %parallel_loop3A_1702 = arith.addi %mul3A_1697, %parallel_loop3A_1701 : vector<16xi32>
        %parallel_loop3A_1703 = tpu.vector_load_idx %arg7[%add3A_1688, %parallel_loop3A_1702] : memref<512x128xf32, #tpu.memory_space<vmem>>[vector<16xi32>, vector<16xi32>], vector<16xf32>,
        %parallel_loop3A_1704 = arith.constant 8.000000e+00 : f32
        %parallel_loop3A_1705 = vector.broadcast %parallel_loop3A_1704 : f32 to vector<16xf32>
        %parallel_loop3A_1706 = arith.mulf %parallel_loop3A_1703, %parallel_loop3A_1705 : vector<16xf32>
        %parallel_loop3A_1707 = arith.constant 3 : i32
        %parallel_loop3A_1708 = arith.shrsi %parallel_loop3A_1700, %parallel_loop3A_1707 : i32
        %parallel_loop3A_1709 = arith.constant 7 : i32
        %parallel_loop3A_1710 = arith.andi %parallel_loop3A_1700, %parallel_loop3A_1709 : i32
        %parallel_loop3A_1711 = arith.constant 0 : i32
        %parallel_loop3A_1712 = arith.index_cast %parallel_loop3A_1711 : i32 to index
        %parallel_loop3A_1713 = arith.index_cast %parallel_loop3A_1708 : i32 to index
        %parallel_loop3A_1714 = arith.index_cast %parallel_loop3A_1710 : i32 to index
        %parallel_loop3A_1715 = arith.index_cast %mul3A_1684 : i32 to index
        %parallel_loop3A_1716 = tpu.vector_load %arg8[%parallel_loop3A_1712, %parallel_loop3A_1713, %parallel_loop3A_1714, %parallel_loop3A_1715] {strides = array<i32>} : memref<2x8x8x128xf32, #tpu.memory_space<vmem>>, vector<16xf32>,
        tpu.vector_store %arg8[%parallel_loop3A_1712, %parallel_loop3A_1713, %parallel_loop3A_1714, %parallel_loop3A_1715], %parallel_loop3A_1706 {strides = array<i32>} : memref<2x8x8x128xf32, #tpu.memory_space<vmem>>, vector<16xf32>,
      } {sc.loop_unroll_factor = 16 : i64, sc.parallel_access}
    }
    %scan3A_1265 = arith.constant 8 : i32
    %add3A_1266 = arith.constant 0 : i32
    %add3A_1267 = arith.addi %mul3A_2, %add3A_1266 : i32
    %dma_start3A_1268 = arith.constant 0 : i32
    %dma_start3A_1269 = arith.constant 49 : i32
    %dma_start3A_1270 = arith.constant 0 : i32
    %dma_start3A_1271 = arith.constant 0 : i32
    %dma_start3A_1272 = arith.constant 0 : i32
    %dma_start3A_1273 = arith.constant 0 : i32
    %dma_start3A_1274 = tpu.memref_slice %arg8[%dma_start3A_1268, %dma_start3A_1271, %dma_start3A_1272, %dma_start3A_1273] : memref<2x8x8x128xf32, #tpu.memory_space<vmem>> -> memref<1x8x8x128xf32, #tpu.memory_space<vmem>>
    %dma_start3A_1275 = tpu.memref_squeeze %dma_start3A_1274 : memref<1x8x8x128xf32, #tpu.memory_space<vmem>> -> memref<8x8x128xf32, #tpu.memory_space<vmem>>
    %dma_start3A_1276 = arith.constant 0 : i32
    %dma_start3A_1277 = arith.constant 0 : i32
    %dma_start3A_1278 = arith.constant 0 : i32
    %dma_start3A_1279 = tpu.memref_slice %arg4[%dma_start3A_1269, %dma_start3A_1276, %add3A_1267, %dma_start3A_1277, %dma_start3A_1278] : memref<50x8x128x8x128xf32, #tpu.memory_space<hbm>> -> memref<1x8x1x8x128xf32, #tpu.memory_space<hbm>>
    %dma_start3A_1280 = tpu.memref_squeeze %dma_start3A_1279 : memref<1x8x1x8x128xf32, #tpu.memory_space<hbm>> -> memref<8x8x128xf32, #tpu.memory_space<hbm>>
    %dma_start3A_1281 = tpu.memref_slice %arg11[%dma_start3A_1270] : memref<2x!tpu.dma_semaphore, #tpu.memory_space<semaphore_mem>> -> memref<1x!tpu.dma_semaphore, #tpu.memory_space<semaphore_mem>>
    %dma_start3A_1282 = tpu.memref_squeeze %dma_start3A_1281 : memref<1x!tpu.dma_semaphore, #tpu.memory_space<semaphore_mem>> -> memref<!tpu.dma_semaphore, #tpu.memory_space<semaphore_mem>>
    %dma_start3A_1283 = arith.constant 0 : i32
    %dma_start3A_1284 = arith.constant 0 : i32
    %dma_start3A_1285 = arith.constant 0 : i32
    %dma_start3A_1286 = tpu.memref_slice %arg4[%dma_start3A_1269, %dma_start3A_1283, %add3A_1267, %dma_start3A_1284, %dma_start3A_1285] : memref<50x8x128x8x128xf32, #tpu.memory_space<hbm>> -> memref<1x8x1x8x128xf32, #tpu.memory_space<hbm>>
    %dma_start3A_1287 = tpu.memref_squeeze %dma_start3A_1286 : memref<1x8x1x8x128xf32, #tpu.memory_space<hbm>> -> memref<8x8x128xf32, #tpu.memory_space<hbm>>
    %dma_start3A_1288 = arith.constant 0 : i32
    %dma_start3A_1289 = arith.constant 0 : i32
    %dma_start3A_1290 = arith.constant 0 : i32
    %dma_start3A_1291 = tpu.memref_slice %arg8[%dma_start3A_1268, %dma_start3A_1288, %dma_start3A_1289, %dma_start3A_1290] : memref<2x8x8x128xf32, #tpu.memory_space<vmem>> -> memref<1x8x8x128xf32, #tpu.memory_space<vmem>>
    %dma_start3A_1292 = tpu.memref_squeeze %dma_start3A_1291 : memref<1x8x8x128xf32, #tpu.memory_space<vmem>> -> memref<8x8x128xf32, #tpu.memory_space<vmem>>
    tpu.enqueue_dma source(%dma_start3A_1292 : memref<8x8x128xf32, #tpu.memory_space<vmem>>) target(%dma_start3A_1287 : memref<8x8x128xf32, #tpu.memory_space<hbm>>) target_semaphore(%dma_start3A_1282 : memref<!tpu.dma_semaphore, #tpu.memory_space<semaphore_mem>>)
    %dma_wait3A_1293 = arith.constant 0 : i32
    %dma_wait3A_1294 = arith.constant 3 : i32
    %dma_wait3A_1295 = arith.constant 3 : i32
    %dma_wait3A_1296 = arith.constant 0 : i32
    %dma_wait3A_1297 = tpu.memref_slice %arg5[%dma_wait3A_1294, %dma_wait3A_1296] : memref<4x128xi32, #tpu.memory_space<vmem>> -> memref<1x128xi32, #tpu.memory_space<vmem>>
    %dma_wait3A_1298 = tpu.memref_squeeze %dma_wait3A_1297 : memref<1x128xi32, #tpu.memory_space<vmem>> -> memref<128xi32, #tpu.memory_space<vmem>>
    %dma_wait3A_1299 = arith.constant 0 : i32
    %dma_wait3A_1300 = tpu.memref_slice %arg2[%dma_wait3A_1293, %dma_wait3A_1299] : memref<50x16384xi32, #tpu.memory_space<hbm>> -> memref<1x128xi32, #tpu.memory_space<hbm>>
    %dma_wait3A_1301 = tpu.memref_squeeze %dma_wait3A_1300 : memref<1x128xi32, #tpu.memory_space<hbm>> -> memref<128xi32, #tpu.memory_space<hbm>>
    %dma_wait3A_1302 = tpu.memref_slice %arg9[%dma_wait3A_1295] : memref<4x!tpu.dma_semaphore, #tpu.memory_space<semaphore_mem>> -> memref<1x!tpu.dma_semaphore, #tpu.memory_space<semaphore_mem>>
    %dma_wait3A_1303 = tpu.memref_squeeze %dma_wait3A_1302 : memref<1x!tpu.dma_semaphore, #tpu.memory_space<semaphore_mem>> -> memref<!tpu.dma_semaphore, #tpu.memory_space<semaphore_mem>>
    %dma_wait3A_1304 = arith.constant 0 : i32
    %dma_wait3A_1305 = tpu.memref_slice %arg5[%dma_wait3A_1294, %dma_wait3A_1304] : memref<4x128xi32, #tpu.memory_space<vmem>> -> memref<1x128xi32, #tpu.memory_space<vmem>>
    %dma_wait3A_1306 = tpu.memref_squeeze %dma_wait3A_1305 : memref<1x128xi32, #tpu.memory_space<vmem>> -> memref<128xi32, #tpu.memory_space<vmem>>
    %dma_wait3A_1307 = arith.constant 0 : i32
    %dma_wait3A_1308 = tpu.memref_slice %arg2[%dma_wait3A_1293, %dma_wait3A_1307] : memref<50x16384xi32, #tpu.memory_space<hbm>> -> memref<1x128xi32, #tpu.memory_space<hbm>>
    %dma_wait3A_1309 = tpu.memref_squeeze %dma_wait3A_1308 : memref<1x128xi32, #tpu.memory_space<hbm>> -> memref<128xi32, #tpu.memory_space<hbm>>
    tpu.wait_dma2 semaphore(%dma_wait3A_1303 : memref<!tpu.dma_semaphore, #tpu.memory_space<semaphore_mem>>) src(%dma_wait3A_1309 : memref<128xi32, #tpu.memory_space<hbm>>) dst(%dma_wait3A_1306 : memref<128xi32, #tpu.memory_space<vmem>>)
    %get3A_1310 = arith.constant 3 : i32
    %get3A_1311 = arith.index_cast %get3A_1310 : i32 to index
    %get3A_1312 = arith.constant 0 : index
    %get3A_1313 = tpu.vector_load %arg5[%get3A_1311, %get3A_1312] {strides = array<i32>} : memref<4x128xi32, #tpu.memory_space<vmem>>, vector<16xi32>,
    %shift_right_arithmetic3A_1314 = arith.constant 1 : i32
    %shift_right_arithmetic3A_1315 = vector.broadcast %shift_right_arithmetic3A_1314 : i32 to vector<16xi32>
    %shift_right_arithmetic3A_1316 = arith.shrsi %get3A_1313, %shift_right_arithmetic3A_1315 : vector<16xi32>
    %swap3A_1317 = arith.constant 3 : i32
    %swap3A_1318 = arith.index_cast %swap3A_1317 : i32 to index
    %swap3A_1319 = arith.constant 0 : index
    %swap3A_1320 = tpu.vector_load %arg6[%swap3A_1318, %swap3A_1319] {strides = array<i32>} : memref<4x128xi32, #tpu.memory_space<vmem>>, vector<16xi32>,
    tpu.vector_store %arg6[%swap3A_1318, %swap3A_1319], %shift_right_arithmetic3A_1316 {strides = array<i32>} : memref<4x128xi32, #tpu.memory_space<vmem>>, vector<16xi32>,
    %get3A_1321 = arith.constant 3 : i32
    %get3A_1322 = arith.index_cast %get3A_1321 : i32 to index
    %get3A_1323 = arith.constant 16 : index
    %get3A_1324 = tpu.vector_load %arg5[%get3A_1322, %get3A_1323] {strides = array<i32>} : memref<4x128xi32, #tpu.memory_space<vmem>>, vector<16xi32>,
    %shift_right_arithmetic3A_1325 = arith.constant 1 : i32
    %shift_right_arithmetic3A_1326 = vector.broadcast %shift_right_arithmetic3A_1325 : i32 to vector<16xi32>
    %shift_right_arithmetic3A_1327 = arith.shrsi %get3A_1324, %shift_right_arithmetic3A_1326 : vector<16xi32>
    %swap3A_1328 = arith.constant 3 : i32
    %swap3A_1329 = arith.index_cast %swap3A_1328 : i32 to index
    %swap3A_1330 = arith.constant 16 : index
    %swap3A_1331 = tpu.vector_load %arg6[%swap3A_1329, %swap3A_1330] {strides = array<i32>} : memref<4x128xi32, #tpu.memory_space<vmem>>, vector<16xi32>,
    tpu.vector_store %arg6[%swap3A_1329, %swap3A_1330], %shift_right_arithmetic3A_1327 {strides = array<i32>} : memref<4x128xi32, #tpu.memory_space<vmem>>, vector<16xi32>,
    %get3A_1332 = arith.constant 3 : i32
    %get3A_1333 = arith.index_cast %get3A_1332 : i32 to index
    %get3A_1334 = arith.constant 32 : index
    %get3A_1335 = tpu.vector_load %arg5[%get3A_1333, %get3A_1334] {strides = array<i32>} : memref<4x128xi32, #tpu.memory_space<vmem>>, vector<16xi32>,
    %shift_right_arithmetic3A_1336 = arith.constant 1 : i32
    %shift_right_arithmetic3A_1337 = vector.broadcast %shift_right_arithmetic3A_1336 : i32 to vector<16xi32>
    %shift_right_arithmetic3A_1338 = arith.shrsi %get3A_1335, %shift_right_arithmetic3A_1337 : vector<16xi32>
    %swap3A_1339 = arith.constant 3 : i32
    %swap3A_1340 = arith.index_cast %swap3A_1339 : i32 to index
    %swap3A_1341 = arith.constant 32 : index
    %swap3A_1342 = tpu.vector_load %arg6[%swap3A_1340, %swap3A_1341] {strides = array<i32>} : memref<4x128xi32, #tpu.memory_space<vmem>>, vector<16xi32>,
    tpu.vector_store %arg6[%swap3A_1340, %swap3A_1341], %shift_right_arithmetic3A_1338 {strides = array<i32>} : memref<4x128xi32, #tpu.memory_space<vmem>>, vector<16xi32>,
    %get3A_1343 = arith.constant 3 : i32
    %get3A_1344 = arith.index_cast %get3A_1343 : i32 to index
    %get3A_1345 = arith.constant 48 : index
    %get3A_1346 = tpu.vector_load %arg5[%get3A_1344, %get3A_1345] {strides = array<i32>} : memref<4x128xi32, #tpu.memory_space<vmem>>, vector<16xi32>,
    %shift_right_arithmetic3A_1347 = arith.constant 1 : i32
    %shift_right_arithmetic3A_1348 = vector.broadcast %shift_right_arithmetic3A_1347 : i32 to vector<16xi32>
    %shift_right_arithmetic3A_1349 = arith.shrsi %get3A_1346, %shift_right_arithmetic3A_1348 : vector<16xi32>
    %swap3A_1350 = arith.constant 3 : i32
    %swap3A_1351 = arith.index_cast %swap3A_1350 : i32 to index
    %swap3A_1352 = arith.constant 48 : index
    %swap3A_1353 = tpu.vector_load %arg6[%swap3A_1351, %swap3A_1352] {strides = array<i32>} : memref<4x128xi32, #tpu.memory_space<vmem>>, vector<16xi32>,
    tpu.vector_store %arg6[%swap3A_1351, %swap3A_1352], %shift_right_arithmetic3A_1349 {strides = array<i32>} : memref<4x128xi32, #tpu.memory_space<vmem>>, vector<16xi32>,
    %get3A_1354 = arith.constant 3 : i32
    %get3A_1355 = arith.index_cast %get3A_1354 : i32 to index
    %get3A_1356 = arith.constant 64 : index
    %get3A_1357 = tpu.vector_load %arg5[%get3A_1355, %get3A_1356] {strides = array<i32>} : memref<4x128xi32, #tpu.memory_space<vmem>>, vector<16xi32>,
    %shift_right_arithmetic3A_1358 = arith.constant 1 : i32
    %shift_right_arithmetic3A_1359 = vector.broadcast %shift_right_arithmetic3A_1358 : i32 to vector<16xi32>
    %shift_right_arithmetic3A_1360 = arith.shrsi %get3A_1357, %shift_right_arithmetic3A_1359 : vector<16xi32>
    %swap3A_1361 = arith.constant 3 : i32
    %swap3A_1362 = arith.index_cast %swap3A_1361 : i32 to index
    %swap3A_1363 = arith.constant 64 : index
    %swap3A_1364 = tpu.vector_load %arg6[%swap3A_1362, %swap3A_1363] {strides = array<i32>} : memref<4x128xi32, #tpu.memory_space<vmem>>, vector<16xi32>,
    tpu.vector_store %arg6[%swap3A_1362, %swap3A_1363], %shift_right_arithmetic3A_1360 {strides = array<i32>} : memref<4x128xi32, #tpu.memory_space<vmem>>, vector<16xi32>,
    %get3A_1365 = arith.constant 3 : i32
    %get3A_1366 = arith.index_cast %get3A_1365 : i32 to index
    %get3A_1367 = arith.constant 80 : index
    %get3A_1368 = tpu.vector_load %arg5[%get3A_1366, %get3A_1367] {strides = array<i32>} : memref<4x128xi32, #tpu.memory_space<vmem>>, vector<16xi32>,
    %shift_right_arithmetic3A_1369 = arith.constant 1 : i32
    %shift_right_arithmetic3A_1370 = vector.broadcast %shift_right_arithmetic3A_1369 : i32 to vector<16xi32>
    %shift_right_arithmetic3A_1371 = arith.shrsi %get3A_1368, %shift_right_arithmetic3A_1370 : vector<16xi32>
    %swap3A_1372 = arith.constant 3 : i32
    %swap3A_1373 = arith.index_cast %swap3A_1372 : i32 to index
    %swap3A_1374 = arith.constant 80 : index
    %swap3A_1375 = tpu.vector_load %arg6[%swap3A_1373, %swap3A_1374] {strides = array<i32>} : memref<4x128xi32, #tpu.memory_space<vmem>>, vector<16xi32>,
    tpu.vector_store %arg6[%swap3A_1373, %swap3A_1374], %shift_right_arithmetic3A_1371 {strides = array<i32>} : memref<4x128xi32, #tpu.memory_space<vmem>>, vector<16xi32>,
    %get3A_1376 = arith.constant 3 : i32
    %get3A_1377 = arith.index_cast %get3A_1376 : i32 to index
    %get3A_1378 = arith.constant 96 : index
    %get3A_1379 = tpu.vector_load %arg5[%get3A_1377, %get3A_1378] {strides = array<i32>} : memref<4x128xi32, #tpu.memory_space<vmem>>, vector<16xi32>,
    %shift_right_arithmetic3A_1380 = arith.constant 1 : i32
    %shift_right_arithmetic3A_1381 = vector.broadcast %shift_right_arithmetic3A_1380 : i32 to vector<16xi32>
    %shift_right_arithmetic3A_1382 = arith.shrsi %get3A_1379, %shift_right_arithmetic3A_1381 : vector<16xi32>
    %swap3A_1383 = arith.constant 3 : i32
    %swap3A_1384 = arith.index_cast %swap3A_1383 : i32 to index
    %swap3A_1385 = arith.constant 96 : index
    %swap3A_1386 = tpu.vector_load %arg6[%swap3A_1384, %swap3A_1385] {strides = array<i32>} : memref<4x128xi32, #tpu.memory_space<vmem>>, vector<16xi32>,
    tpu.vector_store %arg6[%swap3A_1384, %swap3A_1385], %shift_right_arithmetic3A_1382 {strides = array<i32>} : memref<4x128xi32, #tpu.memory_space<vmem>>, vector<16xi32>,
    %get3A_1387 = arith.constant 3 : i32
    %get3A_1388 = arith.index_cast %get3A_1387 : i32 to index
    %get3A_1389 = arith.constant 112 : index
    %get3A_1390 = tpu.vector_load %arg5[%get3A_1388, %get3A_1389] {strides = array<i32>} : memref<4x128xi32, #tpu.memory_space<vmem>>, vector<16xi32>,
    %shift_right_arithmetic3A_1391 = arith.constant 1 : i32
    %shift_right_arithmetic3A_1392 = vector.broadcast %shift_right_arithmetic3A_1391 : i32 to vector<16xi32>
    %shift_right_arithmetic3A_1393 = arith.shrsi %get3A_1390, %shift_right_arithmetic3A_1392 : vector<16xi32>
    %swap3A_1394 = arith.constant 3 : i32
    %swap3A_1395 = arith.index_cast %swap3A_1394 : i32 to index
    %swap3A_1396 = arith.constant 112 : index
    %swap3A_1397 = tpu.vector_load %arg6[%swap3A_1395, %swap3A_1396] {strides = array<i32>} : memref<4x128xi32, #tpu.memory_space<vmem>>, vector<16xi32>,
    tpu.vector_store %arg6[%swap3A_1395, %swap3A_1396], %shift_right_arithmetic3A_1393 {strides = array<i32>} : memref<4x128xi32, #tpu.memory_space<vmem>>, vector<16xi32>,
    %dma_start3A_1398 = arith.constant 3 : i32
    %dma_start3A_1399 = arith.constant 3 : i32
    %dma_start3A_1400 = arith.constant 384 : i32
    %dma_start3A_1401 = arith.constant 0 : i32
    %dma_start3A_1402 = tpu.memref_slice %arg7[%dma_start3A_1400, %dma_start3A_1401] : memref<512x128xf32, #tpu.memory_space<vmem>> -> memref<128x128xf32, #tpu.memory_space<vmem>>
    %dma_start3A_1403 = arith.constant 0 : i32
    %dma_start3A_1404 = tpu.memref_slice %arg6[%dma_start3A_1398, %dma_start3A_1403] : memref<4x128xi32, #tpu.memory_space<vmem>> -> memref<1x128xi32, #tpu.memory_space<vmem>>
    %dma_start3A_1405 = tpu.memref_squeeze %dma_start3A_1404 : memref<1x128xi32, #tpu.memory_space<vmem>> -> memref<128xi32, #tpu.memory_space<vmem>>
    %dma_start3A_1406 = arith.constant 0 : i32
    %dma_start3A_1407 = arith.constant 0 : i32
    %dma_start3A_1408 = tpu.memref_slice %arg3[%dma_start3A_1406, %dma_start3A_1407] : memref<500000x128xf32, #tpu.memory_space<hbm>> -> memref<500000x128xf32, #tpu.memory_space<hbm>>
    %dma_start3A_1409 = tpu.memref_slice %arg10[%dma_start3A_1399] : memref<4x!tpu.dma_semaphore, #tpu.memory_space<semaphore_mem>> -> memref<1x!tpu.dma_semaphore, #tpu.memory_space<semaphore_mem>>
    %dma_start3A_1410 = tpu.memref_squeeze %dma_start3A_1409 : memref<1x!tpu.dma_semaphore, #tpu.memory_space<semaphore_mem>> -> memref<!tpu.dma_semaphore, #tpu.memory_space<semaphore_mem>>
    tpu.enqueue_indirect_dma source(%dma_start3A_1408 : memref<500000x128xf32, #tpu.memory_space<hbm>>) target(%dma_start3A_1402 : memref<128x128xf32, #tpu.memory_space<vmem>>) offsets(%dma_start3A_1405 : memref<128xi32, #tpu.memory_space<vmem>>) semaphore(%dma_start3A_1410 : memref<!tpu.dma_semaphore, #tpu.memory_space<semaphore_mem>>)
    %dma_wait3A_1411 = arith.constant 1 : i32
    %dma_wait3A_1412 = arith.constant 128 : i32
    %dma_wait3A_1413 = arith.constant 0 : i32
    %dma_wait3A_1414 = tpu.memref_slice %arg7[%dma_wait3A_1412, %dma_wait3A_1413] : memref<512x128xf32, #tpu.memory_space<vmem>> -> memref<128x128xf32, #tpu.memory_space<vmem>>
    %dma_wait3A_1415 = arith.constant 0 : i32
    %dma_wait3A_1416 = arith.constant 0 : i32
    %dma_wait3A_1417 = tpu.memref_slice %arg3[%dma_wait3A_1415, %dma_wait3A_1416] : memref<500000x128xf32, #tpu.memory_space<hbm>> -> memref<128x128xf32, #tpu.memory_space<hbm>>
    %dma_wait3A_1418 = tpu.memref_slice %arg10[%dma_wait3A_1411] : memref<4x!tpu.dma_semaphore, #tpu.memory_space<semaphore_mem>> -> memref<1x!tpu.dma_semaphore, #tpu.memory_space<semaphore_mem>>
    %dma_wait3A_1419 = tpu.memref_squeeze %dma_wait3A_1418 : memref<1x!tpu.dma_semaphore, #tpu.memory_space<semaphore_mem>> -> memref<!tpu.dma_semaphore, #tpu.memory_space<semaphore_mem>>
    %dma_wait3A_1420 = arith.constant 128 : i32
    %dma_wait3A_1421 = arith.constant 0 : i32
    %dma_wait3A_1422 = tpu.memref_slice %arg7[%dma_wait3A_1420, %dma_wait3A_1421] : memref<512x128xf32, #tpu.memory_space<vmem>> -> memref<128x128xf32, #tpu.memory_space<vmem>>
    %dma_wait3A_1423 = arith.constant 0 : i32
    %dma_wait3A_1424 = arith.constant 0 : i32
    %dma_wait3A_1425 = tpu.memref_slice %arg3[%dma_wait3A_1423, %dma_wait3A_1424] : memref<500000x128xf32, #tpu.memory_space<hbm>> -> memref<128x128xf32, #tpu.memory_space<hbm>>
    tpu.wait_dma2 semaphore(%dma_wait3A_1419 : memref<!tpu.dma_semaphore, #tpu.memory_space<semaphore_mem>>) src(%dma_wait3A_1425 : memref<128x128xf32, #tpu.memory_space<hbm>>) dst(%dma_wait3A_1422 : memref<128x128xf32, #tpu.memory_space<vmem>>)
    %dma_wait3A_1426 = arith.constant 1 : i32
    %dma_wait3A_1427 = arith.constant 0 : i32
    %dma_wait3A_1428 = arith.constant 0 : i32
    %dma_wait3A_1429 = arith.constant 1 : i32
    %dma_wait3A_1430 = arith.constant 0 : i32
    %dma_wait3A_1431 = arith.constant 0 : i32
    %dma_wait3A_1432 = arith.constant 0 : i32
    %dma_wait3A_1433 = tpu.memref_slice %arg8[%dma_wait3A_1426, %dma_wait3A_1430, %dma_wait3A_1431, %dma_wait3A_1432] : memref<2x8x8x128xf32, #tpu.memory_space<vmem>> -> memref<1x8x8x128xf32, #tpu.memory_space<vmem>>
    %dma_wait3A_1434 = tpu.memref_squeeze %dma_wait3A_1433 : memref<1x8x8x128xf32, #tpu.memory_space<vmem>> -> memref<8x8x128xf32, #tpu.memory_space<vmem>>
    %dma_wait3A_1435 = arith.constant 0 : i32
    %dma_wait3A_1436 = arith.constant 0 : i32
    %dma_wait3A_1437 = arith.constant 0 : i32
    %dma_wait3A_1438 = tpu.memref_slice %arg4[%dma_wait3A_1427, %dma_wait3A_1435, %dma_wait3A_1428, %dma_wait3A_1436, %dma_wait3A_1437] : memref<50x8x128x8x128xf32, #tpu.memory_space<hbm>> -> memref<1x8x1x8x128xf32, #tpu.memory_space<hbm>>
    %dma_wait3A_1439 = tpu.memref_squeeze %dma_wait3A_1438 : memref<1x8x1x8x128xf32, #tpu.memory_space<hbm>> -> memref<8x8x128xf32, #tpu.memory_space<hbm>>
    %dma_wait3A_1440 = tpu.memref_slice %arg11[%dma_wait3A_1429] : memref<2x!tpu.dma_semaphore, #tpu.memory_space<semaphore_mem>> -> memref<1x!tpu.dma_semaphore, #tpu.memory_space<semaphore_mem>>
    %dma_wait3A_1441 = tpu.memref_squeeze %dma_wait3A_1440 : memref<1x!tpu.dma_semaphore, #tpu.memory_space<semaphore_mem>> -> memref<!tpu.dma_semaphore, #tpu.memory_space<semaphore_mem>>
    %dma_wait3A_1442 = arith.constant 0 : i32
    %dma_wait3A_1443 = arith.constant 0 : i32
    %dma_wait3A_1444 = arith.constant 0 : i32
    %dma_wait3A_1445 = tpu.memref_slice %arg4[%dma_wait3A_1427, %dma_wait3A_1442, %dma_wait3A_1428, %dma_wait3A_1443, %dma_wait3A_1444] : memref<50x8x128x8x128xf32, #tpu.memory_space<hbm>> -> memref<1x8x1x8x128xf32, #tpu.memory_space<hbm>>
    %dma_wait3A_1446 = tpu.memref_squeeze %dma_wait3A_1445 : memref<1x8x1x8x128xf32, #tpu.memory_space<hbm>> -> memref<8x8x128xf32, #tpu.memory_space<hbm>>
    %dma_wait3A_1447 = arith.constant 0 : i32
    %dma_wait3A_1448 = arith.constant 0 : i32
    %dma_wait3A_1449 = arith.constant 0 : i32
    %dma_wait3A_1450 = tpu.memref_slice %arg8[%dma_wait3A_1426, %dma_wait3A_1447, %dma_wait3A_1448, %dma_wait3A_1449] : memref<2x8x8x128xf32, #tpu.memory_space<vmem>> -> memref<1x8x8x128xf32, #tpu.memory_space<vmem>>
    %dma_wait3A_1451 = tpu.memref_squeeze %dma_wait3A_1450 : memref<1x8x8x128xf32, #tpu.memory_space<vmem>> -> memref<8x8x128xf32, #tpu.memory_space<vmem>>
    tpu.wait_dma2 semaphore(%dma_wait3A_1441 : memref<!tpu.dma_semaphore, #tpu.memory_space<semaphore_mem>>) src(%dma_wait3A_1451 : memref<8x8x128xf32, #tpu.memory_space<vmem>>) dst(%dma_wait3A_1446 : memref<8x8x128xf32, #tpu.memory_space<hbm>>)
    %scan3A_1452 = arith.constant 0 : i32
    %scan3A_1453 = arith.constant 8 : i32
    %scan3A_1454 = arith.addi %scan3A_1452, %scan3A_1453 : i32
    %scan3A_1455 = arith.constant 1 : i32
    scf.for %scan3A_1682 = %scan3A_1452 to %scan3A_1454 step %scan3A_1455  : i32 {
      %mul3A_1683 = arith.constant 16 : i32
      %mul3A_1684 = arith.muli %scan3A_1682, %mul3A_1683 : i32
      %add3A_1685 = arith.constant 128 : i32
      %add3A_1686 = arith.addi %add3A_1685, %mul3A_1684 : i32
      %add3A_1687 = vector.broadcast %add3A_1686 : i32 to vector<16xi32>
      %add3A_1688 = arith.addi %iota3A, %add3A_1687 : vector<16xi32>
      %get3A_1689 = arith.constant 1 : i32
      %get3A_1690 = arith.index_cast %get3A_1689 : i32 to index
      %get3A_1691 = arith.index_cast %mul3A_1684 : i32 to index
      %get3A_1692 = tpu.vector_load %arg5[%get3A_1690, %get3A_1691] {strides = array<i32>} : memref<4x128xi32, #tpu.memory_space<vmem>>, vector<16xi32>,
      %and3A = arith.constant 1 : i32
      %and3A_1693 = vector.broadcast %and3A : i32 to vector<16xi32>
      %and3A_1694 = arith.andi %get3A_1692, %and3A_1693 : vector<16xi32>
      %mul3A_1695 = arith.constant 64 : i32
      %mul3A_1696 = vector.broadcast %mul3A_1695 : i32 to vector<16xi32>
      %mul3A_1697 = arith.muli %and3A_1694, %mul3A_1696 : vector<16xi32>
      %parallel_loop3A = arith.constant 0 : i32
      %parallel_loop3A_1698 = arith.constant 64 : i32
      %parallel_loop3A_1699 = arith.constant 1 : i32
      scf.for %parallel_loop3A_1700 = %parallel_loop3A to %parallel_loop3A_1698 step %parallel_loop3A_1699  : i32 {
        %parallel_loop3A_1701 = vector.broadcast %parallel_loop3A_1700 : i32 to vector<16xi32>
        %parallel_loop3A_1702 = arith.addi %mul3A_1697, %parallel_loop3A_1701 : vector<16xi32>
        %parallel_loop3A_1703 = tpu.vector_load_idx %arg7[%add3A_1688, %parallel_loop3A_1702] : memref<512x128xf32, #tpu.memory_space<vmem>>[vector<16xi32>, vector<16xi32>], vector<16xf32>,
        %parallel_loop3A_1704 = arith.constant 8.000000e+00 : f32
        %parallel_loop3A_1705 = vector.broadcast %parallel_loop3A_1704 : f32 to vector<16xf32>
        %parallel_loop3A_1706 = arith.mulf %parallel_loop3A_1703, %parallel_loop3A_1705 : vector<16xf32>
        %parallel_loop3A_1707 = arith.constant 3 : i32
        %parallel_loop3A_1708 = arith.shrsi %parallel_loop3A_1700, %parallel_loop3A_1707 : i32
        %parallel_loop3A_1709 = arith.constant 7 : i32
        %parallel_loop3A_1710 = arith.andi %parallel_loop3A_1700, %parallel_loop3A_1709 : i32
        %parallel_loop3A_1711 = arith.constant 1 : i32
        %parallel_loop3A_1712 = arith.index_cast %parallel_loop3A_1711 : i32 to index
        %parallel_loop3A_1713 = arith.index_cast %parallel_loop3A_1708 : i32 to index
        %parallel_loop3A_1714 = arith.index_cast %parallel_loop3A_1710 : i32 to index
        %parallel_loop3A_1715 = arith.index_cast %mul3A_1684 : i32 to index
        %parallel_loop3A_1716 = tpu.vector_load %arg8[%parallel_loop3A_1712, %parallel_loop3A_1713, %parallel_loop3A_1714, %parallel_loop3A_1715] {strides = array<i32>} : memref<2x8x8x128xf32, #tpu.memory_space<vmem>>, vector<16xf32>,
        tpu.vector_store %arg8[%parallel_loop3A_1712, %parallel_loop3A_1713, %parallel_loop3A_1714, %parallel_loop3A_1715], %parallel_loop3A_1706 {strides = array<i32>} : memref<2x8x8x128xf32, #tpu.memory_space<vmem>>, vector<16xf32>,
      } {sc.loop_unroll_factor = 16 : i64, sc.parallel_access}
    }
    %scan3A_1456 = arith.constant 8 : i32
    %add3A_1457 = arith.constant 1 : i32
    %add3A_1458 = arith.addi %mul3A_2, %add3A_1457 : i32
    %dma_start3A_1459 = arith.constant 1 : i32
    %dma_start3A_1460 = arith.constant 49 : i32
    %dma_start3A_1461 = arith.constant 1 : i32
    %dma_start3A_1462 = arith.constant 0 : i32
    %dma_start3A_1463 = arith.constant 0 : i32
    %dma_start3A_1464 = arith.constant 0 : i32
    %dma_start3A_1465 = tpu.memref_slice %arg8[%dma_start3A_1459, %dma_start3A_1462, %dma_start3A_1463, %dma_start3A_1464] : memref<2x8x8x128xf32, #tpu.memory_space<vmem>> -> memref<1x8x8x128xf32, #tpu.memory_space<vmem>>
    %dma_start3A_1466 = tpu.memref_squeeze %dma_start3A_1465 : memref<1x8x8x128xf32, #tpu.memory_space<vmem>> -> memref<8x8x128xf32, #tpu.memory_space<vmem>>
    %dma_start3A_1467 = arith.constant 0 : i32
    %dma_start3A_1468 = arith.constant 0 : i32
    %dma_start3A_1469 = arith.constant 0 : i32
    %dma_start3A_1470 = tpu.memref_slice %arg4[%dma_start3A_1460, %dma_start3A_1467, %add3A_1458, %dma_start3A_1468, %dma_start3A_1469] : memref<50x8x128x8x128xf32, #tpu.memory_space<hbm>> -> memref<1x8x1x8x128xf32, #tpu.memory_space<hbm>>
    %dma_start3A_1471 = tpu.memref_squeeze %dma_start3A_1470 : memref<1x8x1x8x128xf32, #tpu.memory_space<hbm>> -> memref<8x8x128xf32, #tpu.memory_space<hbm>>
    %dma_start3A_1472 = tpu.memref_slice %arg11[%dma_start3A_1461] : memref<2x!tpu.dma_semaphore, #tpu.memory_space<semaphore_mem>> -> memref<1x!tpu.dma_semaphore, #tpu.memory_space<semaphore_mem>>
    %dma_start3A_1473 = tpu.memref_squeeze %dma_start3A_1472 : memref<1x!tpu.dma_semaphore, #tpu.memory_space<semaphore_mem>> -> memref<!tpu.dma_semaphore, #tpu.memory_space<semaphore_mem>>
    %dma_start3A_1474 = arith.constant 0 : i32
    %dma_start3A_1475 = arith.constant 0 : i32
    %dma_start3A_1476 = arith.constant 0 : i32
    %dma_start3A_1477 = tpu.memref_slice %arg4[%dma_start3A_1460, %dma_start3A_1474, %add3A_1458, %dma_start3A_1475, %dma_start3A_1476] : memref<50x8x128x8x128xf32, #tpu.memory_space<hbm>> -> memref<1x8x1x8x128xf32, #tpu.memory_space<hbm>>
    %dma_start3A_1478 = tpu.memref_squeeze %dma_start3A_1477 : memref<1x8x1x8x128xf32, #tpu.memory_space<hbm>> -> memref<8x8x128xf32, #tpu.memory_space<hbm>>
    %dma_start3A_1479 = arith.constant 0 : i32
    %dma_start3A_1480 = arith.constant 0 : i32
    %dma_start3A_1481 = arith.constant 0 : i32
    %dma_start3A_1482 = tpu.memref_slice %arg8[%dma_start3A_1459, %dma_start3A_1479, %dma_start3A_1480, %dma_start3A_1481] : memref<2x8x8x128xf32, #tpu.memory_space<vmem>> -> memref<1x8x8x128xf32, #tpu.memory_space<vmem>>
    %dma_start3A_1483 = tpu.memref_squeeze %dma_start3A_1482 : memref<1x8x8x128xf32, #tpu.memory_space<vmem>> -> memref<8x8x128xf32, #tpu.memory_space<vmem>>
    tpu.enqueue_dma source(%dma_start3A_1483 : memref<8x8x128xf32, #tpu.memory_space<vmem>>) target(%dma_start3A_1478 : memref<8x8x128xf32, #tpu.memory_space<hbm>>) target_semaphore(%dma_start3A_1473 : memref<!tpu.dma_semaphore, #tpu.memory_space<semaphore_mem>>)
    %dma_wait3A_1484 = arith.constant 2 : i32
    %dma_wait3A_1485 = arith.constant 256 : i32
    %dma_wait3A_1486 = arith.constant 0 : i32
    %dma_wait3A_1487 = tpu.memref_slice %arg7[%dma_wait3A_1485, %dma_wait3A_1486] : memref<512x128xf32, #tpu.memory_space<vmem>> -> memref<128x128xf32, #tpu.memory_space<vmem>>
    %dma_wait3A_1488 = arith.constant 0 : i32
    %dma_wait3A_1489 = arith.constant 0 : i32
    %dma_wait3A_1490 = tpu.memref_slice %arg3[%dma_wait3A_1488, %dma_wait3A_1489] : memref<500000x128xf32, #tpu.memory_space<hbm>> -> memref<128x128xf32, #tpu.memory_space<hbm>>
    %dma_wait3A_1491 = tpu.memref_slice %arg10[%dma_wait3A_1484] : memref<4x!tpu.dma_semaphore, #tpu.memory_space<semaphore_mem>> -> memref<1x!tpu.dma_semaphore, #tpu.memory_space<semaphore_mem>>
    %dma_wait3A_1492 = tpu.memref_squeeze %dma_wait3A_1491 : memref<1x!tpu.dma_semaphore, #tpu.memory_space<semaphore_mem>> -> memref<!tpu.dma_semaphore, #tpu.memory_space<semaphore_mem>>
    %dma_wait3A_1493 = arith.constant 256 : i32
    %dma_wait3A_1494 = arith.constant 0 : i32
    %dma_wait3A_1495 = tpu.memref_slice %arg7[%dma_wait3A_1493, %dma_wait3A_1494] : memref<512x128xf32, #tpu.memory_space<vmem>> -> memref<128x128xf32, #tpu.memory_space<vmem>>
    %dma_wait3A_1496 = arith.constant 0 : i32
    %dma_wait3A_1497 = arith.constant 0 : i32
    %dma_wait3A_1498 = tpu.memref_slice %arg3[%dma_wait3A_1496, %dma_wait3A_1497] : memref<500000x128xf32, #tpu.memory_space<hbm>> -> memref<128x128xf32, #tpu.memory_space<hbm>>
    tpu.wait_dma2 semaphore(%dma_wait3A_1492 : memref<!tpu.dma_semaphore, #tpu.memory_space<semaphore_mem>>) src(%dma_wait3A_1498 : memref<128x128xf32, #tpu.memory_space<hbm>>) dst(%dma_wait3A_1495 : memref<128x128xf32, #tpu.memory_space<vmem>>)
    %dma_wait3A_1499 = arith.constant 0 : i32
    %dma_wait3A_1500 = arith.constant 0 : i32
    %dma_wait3A_1501 = arith.constant 0 : i32
    %dma_wait3A_1502 = arith.constant 0 : i32
    %dma_wait3A_1503 = arith.constant 0 : i32
    %dma_wait3A_1504 = arith.constant 0 : i32
    %dma_wait3A_1505 = arith.constant 0 : i32
    %dma_wait3A_1506 = tpu.memref_slice %arg8[%dma_wait3A_1499, %dma_wait3A_1503, %dma_wait3A_1504, %dma_wait3A_1505] : memref<2x8x8x128xf32, #tpu.memory_space<vmem>> -> memref<1x8x8x128xf32, #tpu.memory_space<vmem>>
    %dma_wait3A_1507 = tpu.memref_squeeze %dma_wait3A_1506 : memref<1x8x8x128xf32, #tpu.memory_space<vmem>> -> memref<8x8x128xf32, #tpu.memory_space<vmem>>
    %dma_wait3A_1508 = arith.constant 0 : i32
    %dma_wait3A_1509 = arith.constant 0 : i32
    %dma_wait3A_1510 = arith.constant 0 : i32
    %dma_wait3A_1511 = tpu.memref_slice %arg4[%dma_wait3A_1500, %dma_wait3A_1508, %dma_wait3A_1501, %dma_wait3A_1509, %dma_wait3A_1510] : memref<50x8x128x8x128xf32, #tpu.memory_space<hbm>> -> memref<1x8x1x8x128xf32, #tpu.memory_space<hbm>>
    %dma_wait3A_1512 = tpu.memref_squeeze %dma_wait3A_1511 : memref<1x8x1x8x128xf32, #tpu.memory_space<hbm>> -> memref<8x8x128xf32, #tpu.memory_space<hbm>>
    %dma_wait3A_1513 = tpu.memref_slice %arg11[%dma_wait3A_1502] : memref<2x!tpu.dma_semaphore, #tpu.memory_space<semaphore_mem>> -> memref<1x!tpu.dma_semaphore, #tpu.memory_space<semaphore_mem>>
    %dma_wait3A_1514 = tpu.memref_squeeze %dma_wait3A_1513 : memref<1x!tpu.dma_semaphore, #tpu.memory_space<semaphore_mem>> -> memref<!tpu.dma_semaphore, #tpu.memory_space<semaphore_mem>>
    %dma_wait3A_1515 = arith.constant 0 : i32
    %dma_wait3A_1516 = arith.constant 0 : i32
    %dma_wait3A_1517 = arith.constant 0 : i32
    %dma_wait3A_1518 = tpu.memref_slice %arg4[%dma_wait3A_1500, %dma_wait3A_1515, %dma_wait3A_1501, %dma_wait3A_1516, %dma_wait3A_1517] : memref<50x8x128x8x128xf32, #tpu.memory_space<hbm>> -> memref<1x8x1x8x128xf32, #tpu.memory_space<hbm>>
    %dma_wait3A_1519 = tpu.memref_squeeze %dma_wait3A_1518 : memref<1x8x1x8x128xf32, #tpu.memory_space<hbm>> -> memref<8x8x128xf32, #tpu.memory_space<hbm>>
    %dma_wait3A_1520 = arith.constant 0 : i32
    %dma_wait3A_1521 = arith.constant 0 : i32
    %dma_wait3A_1522 = arith.constant 0 : i32
    %dma_wait3A_1523 = tpu.memref_slice %arg8[%dma_wait3A_1499, %dma_wait3A_1520, %dma_wait3A_1521, %dma_wait3A_1522] : memref<2x8x8x128xf32, #tpu.memory_space<vmem>> -> memref<1x8x8x128xf32, #tpu.memory_space<vmem>>
    %dma_wait3A_1524 = tpu.memref_squeeze %dma_wait3A_1523 : memref<1x8x8x128xf32, #tpu.memory_space<vmem>> -> memref<8x8x128xf32, #tpu.memory_space<vmem>>
    tpu.wait_dma2 semaphore(%dma_wait3A_1514 : memref<!tpu.dma_semaphore, #tpu.memory_space<semaphore_mem>>) src(%dma_wait3A_1524 : memref<8x8x128xf32, #tpu.memory_space<vmem>>) dst(%dma_wait3A_1519 : memref<8x8x128xf32, #tpu.memory_space<hbm>>)
    %scan3A_1525 = arith.constant 0 : i32
    %scan3A_1526 = arith.constant 8 : i32
    %scan3A_1527 = arith.addi %scan3A_1525, %scan3A_1526 : i32
    %scan3A_1528 = arith.constant 1 : i32
    scf.for %scan3A_1682 = %scan3A_1525 to %scan3A_1527 step %scan3A_1528  : i32 {
      %mul3A_1683 = arith.constant 16 : i32
      %mul3A_1684 = arith.muli %scan3A_1682, %mul3A_1683 : i32
      %add3A_1685 = arith.constant 256 : i32
      %add3A_1686 = arith.addi %add3A_1685, %mul3A_1684 : i32
      %add3A_1687 = vector.broadcast %add3A_1686 : i32 to vector<16xi32>
      %add3A_1688 = arith.addi %iota3A, %add3A_1687 : vector<16xi32>
      %get3A_1689 = arith.constant 2 : i32
      %get3A_1690 = arith.index_cast %get3A_1689 : i32 to index
      %get3A_1691 = arith.index_cast %mul3A_1684 : i32 to index
      %get3A_1692 = tpu.vector_load %arg5[%get3A_1690, %get3A_1691] {strides = array<i32>} : memref<4x128xi32, #tpu.memory_space<vmem>>, vector<16xi32>,
      %and3A = arith.constant 1 : i32
      %and3A_1693 = vector.broadcast %and3A : i32 to vector<16xi32>
      %and3A_1694 = arith.andi %get3A_1692, %and3A_1693 : vector<16xi32>
      %mul3A_1695 = arith.constant 64 : i32
      %mul3A_1696 = vector.broadcast %mul3A_1695 : i32 to vector<16xi32>
      %mul3A_1697 = arith.muli %and3A_1694, %mul3A_1696 : vector<16xi32>
      %parallel_loop3A = arith.constant 0 : i32
      %parallel_loop3A_1698 = arith.constant 64 : i32
      %parallel_loop3A_1699 = arith.constant 1 : i32
      scf.for %parallel_loop3A_1700 = %parallel_loop3A to %parallel_loop3A_1698 step %parallel_loop3A_1699  : i32 {
        %parallel_loop3A_1701 = vector.broadcast %parallel_loop3A_1700 : i32 to vector<16xi32>
        %parallel_loop3A_1702 = arith.addi %mul3A_1697, %parallel_loop3A_1701 : vector<16xi32>
        %parallel_loop3A_1703 = tpu.vector_load_idx %arg7[%add3A_1688, %parallel_loop3A_1702] : memref<512x128xf32, #tpu.memory_space<vmem>>[vector<16xi32>, vector<16xi32>], vector<16xf32>,
        %parallel_loop3A_1704 = arith.constant 8.000000e+00 : f32
        %parallel_loop3A_1705 = vector.broadcast %parallel_loop3A_1704 : f32 to vector<16xf32>
        %parallel_loop3A_1706 = arith.mulf %parallel_loop3A_1703, %parallel_loop3A_1705 : vector<16xf32>
        %parallel_loop3A_1707 = arith.constant 3 : i32
        %parallel_loop3A_1708 = arith.shrsi %parallel_loop3A_1700, %parallel_loop3A_1707 : i32
        %parallel_loop3A_1709 = arith.constant 7 : i32
        %parallel_loop3A_1710 = arith.andi %parallel_loop3A_1700, %parallel_loop3A_1709 : i32
        %parallel_loop3A_1711 = arith.constant 0 : i32
        %parallel_loop3A_1712 = arith.index_cast %parallel_loop3A_1711 : i32 to index
        %parallel_loop3A_1713 = arith.index_cast %parallel_loop3A_1708 : i32 to index
        %parallel_loop3A_1714 = arith.index_cast %parallel_loop3A_1710 : i32 to index
        %parallel_loop3A_1715 = arith.index_cast %mul3A_1684 : i32 to index
        %parallel_loop3A_1716 = tpu.vector_load %arg8[%parallel_loop3A_1712, %parallel_loop3A_1713, %parallel_loop3A_1714, %parallel_loop3A_1715] {strides = array<i32>} : memref<2x8x8x128xf32, #tpu.memory_space<vmem>>, vector<16xf32>,
        tpu.vector_store %arg8[%parallel_loop3A_1712, %parallel_loop3A_1713, %parallel_loop3A_1714, %parallel_loop3A_1715], %parallel_loop3A_1706 {strides = array<i32>} : memref<2x8x8x128xf32, #tpu.memory_space<vmem>>, vector<16xf32>,
      } {sc.loop_unroll_factor = 16 : i64, sc.parallel_access}
    }
    %scan3A_1529 = arith.constant 8 : i32
    %add3A_1530 = arith.constant 2 : i32
    %add3A_1531 = arith.addi %mul3A_2, %add3A_1530 : i32
    %dma_start3A_1532 = arith.constant 0 : i32
    %dma_start3A_1533 = arith.constant 49 : i32
    %dma_start3A_1534 = arith.constant 0 : i32
    %dma_start3A_1535 = arith.constant 0 : i32
    %dma_start3A_1536 = arith.constant 0 : i32
    %dma_start3A_1537 = arith.constant 0 : i32
    %dma_start3A_1538 = tpu.memref_slice %arg8[%dma_start3A_1532, %dma_start3A_1535, %dma_start3A_1536, %dma_start3A_1537] : memref<2x8x8x128xf32, #tpu.memory_space<vmem>> -> memref<1x8x8x128xf32, #tpu.memory_space<vmem>>
    %dma_start3A_1539 = tpu.memref_squeeze %dma_start3A_1538 : memref<1x8x8x128xf32, #tpu.memory_space<vmem>> -> memref<8x8x128xf32, #tpu.memory_space<vmem>>
    %dma_start3A_1540 = arith.constant 0 : i32
    %dma_start3A_1541 = arith.constant 0 : i32
    %dma_start3A_1542 = arith.constant 0 : i32
    %dma_start3A_1543 = tpu.memref_slice %arg4[%dma_start3A_1533, %dma_start3A_1540, %add3A_1531, %dma_start3A_1541, %dma_start3A_1542] : memref<50x8x128x8x128xf32, #tpu.memory_space<hbm>> -> memref<1x8x1x8x128xf32, #tpu.memory_space<hbm>>
    %dma_start3A_1544 = tpu.memref_squeeze %dma_start3A_1543 : memref<1x8x1x8x128xf32, #tpu.memory_space<hbm>> -> memref<8x8x128xf32, #tpu.memory_space<hbm>>
    %dma_start3A_1545 = tpu.memref_slice %arg11[%dma_start3A_1534] : memref<2x!tpu.dma_semaphore, #tpu.memory_space<semaphore_mem>> -> memref<1x!tpu.dma_semaphore, #tpu.memory_space<semaphore_mem>>
    %dma_start3A_1546 = tpu.memref_squeeze %dma_start3A_1545 : memref<1x!tpu.dma_semaphore, #tpu.memory_space<semaphore_mem>> -> memref<!tpu.dma_semaphore, #tpu.memory_space<semaphore_mem>>
    %dma_start3A_1547 = arith.constant 0 : i32
    %dma_start3A_1548 = arith.constant 0 : i32
    %dma_start3A_1549 = arith.constant 0 : i32
    %dma_start3A_1550 = tpu.memref_slice %arg4[%dma_start3A_1533, %dma_start3A_1547, %add3A_1531, %dma_start3A_1548, %dma_start3A_1549] : memref<50x8x128x8x128xf32, #tpu.memory_space<hbm>> -> memref<1x8x1x8x128xf32, #tpu.memory_space<hbm>>
    %dma_start3A_1551 = tpu.memref_squeeze %dma_start3A_1550 : memref<1x8x1x8x128xf32, #tpu.memory_space<hbm>> -> memref<8x8x128xf32, #tpu.memory_space<hbm>>
    %dma_start3A_1552 = arith.constant 0 : i32
    %dma_start3A_1553 = arith.constant 0 : i32
    %dma_start3A_1554 = arith.constant 0 : i32
    %dma_start3A_1555 = tpu.memref_slice %arg8[%dma_start3A_1532, %dma_start3A_1552, %dma_start3A_1553, %dma_start3A_1554] : memref<2x8x8x128xf32, #tpu.memory_space<vmem>> -> memref<1x8x8x128xf32, #tpu.memory_space<vmem>>
    %dma_start3A_1556 = tpu.memref_squeeze %dma_start3A_1555 : memref<1x8x8x128xf32, #tpu.memory_space<vmem>> -> memref<8x8x128xf32, #tpu.memory_space<vmem>>
    tpu.enqueue_dma source(%dma_start3A_1556 : memref<8x8x128xf32, #tpu.memory_space<vmem>>) target(%dma_start3A_1551 : memref<8x8x128xf32, #tpu.memory_space<hbm>>) target_semaphore(%dma_start3A_1546 : memref<!tpu.dma_semaphore, #tpu.memory_space<semaphore_mem>>)
    %dma_wait3A_1557 = arith.constant 3 : i32
    %dma_wait3A_1558 = arith.constant 384 : i32
    %dma_wait3A_1559 = arith.constant 0 : i32
    %dma_wait3A_1560 = tpu.memref_slice %arg7[%dma_wait3A_1558, %dma_wait3A_1559] : memref<512x128xf32, #tpu.memory_space<vmem>> -> memref<128x128xf32, #tpu.memory_space<vmem>>
    %dma_wait3A_1561 = arith.constant 0 : i32
    %dma_wait3A_1562 = arith.constant 0 : i32
    %dma_wait3A_1563 = tpu.memref_slice %arg3[%dma_wait3A_1561, %dma_wait3A_1562] : memref<500000x128xf32, #tpu.memory_space<hbm>> -> memref<128x128xf32, #tpu.memory_space<hbm>>
    %dma_wait3A_1564 = tpu.memref_slice %arg10[%dma_wait3A_1557] : memref<4x!tpu.dma_semaphore, #tpu.memory_space<semaphore_mem>> -> memref<1x!tpu.dma_semaphore, #tpu.memory_space<semaphore_mem>>
    %dma_wait3A_1565 = tpu.memref_squeeze %dma_wait3A_1564 : memref<1x!tpu.dma_semaphore, #tpu.memory_space<semaphore_mem>> -> memref<!tpu.dma_semaphore, #tpu.memory_space<semaphore_mem>>
    %dma_wait3A_1566 = arith.constant 384 : i32
    %dma_wait3A_1567 = arith.constant 0 : i32
    %dma_wait3A_1568 = tpu.memref_slice %arg7[%dma_wait3A_1566, %dma_wait3A_1567] : memref<512x128xf32, #tpu.memory_space<vmem>> -> memref<128x128xf32, #tpu.memory_space<vmem>>
    %dma_wait3A_1569 = arith.constant 0 : i32
    %dma_wait3A_1570 = arith.constant 0 : i32
    %dma_wait3A_1571 = tpu.memref_slice %arg3[%dma_wait3A_1569, %dma_wait3A_1570] : memref<500000x128xf32, #tpu.memory_space<hbm>> -> memref<128x128xf32, #tpu.memory_space<hbm>>
    tpu.wait_dma2 semaphore(%dma_wait3A_1565 : memref<!tpu.dma_semaphore, #tpu.memory_space<semaphore_mem>>) src(%dma_wait3A_1571 : memref<128x128xf32, #tpu.memory_space<hbm>>) dst(%dma_wait3A_1568 : memref<128x128xf32, #tpu.memory_space<vmem>>)
    %dma_wait3A_1572 = arith.constant 1 : i32
    %dma_wait3A_1573 = arith.constant 0 : i32
    %dma_wait3A_1574 = arith.constant 0 : i32
    %dma_wait3A_1575 = arith.constant 1 : i32
    %dma_wait3A_1576 = arith.constant 0 : i32
    %dma_wait3A_1577 = arith.constant 0 : i32
    %dma_wait3A_1578 = arith.constant 0 : i32
    %dma_wait3A_1579 = tpu.memref_slice %arg8[%dma_wait3A_1572, %dma_wait3A_1576, %dma_wait3A_1577, %dma_wait3A_1578] : memref<2x8x8x128xf32, #tpu.memory_space<vmem>> -> memref<1x8x8x128xf32, #tpu.memory_space<vmem>>
    %dma_wait3A_1580 = tpu.memref_squeeze %dma_wait3A_1579 : memref<1x8x8x128xf32, #tpu.memory_space<vmem>> -> memref<8x8x128xf32, #tpu.memory_space<vmem>>
    %dma_wait3A_1581 = arith.constant 0 : i32
    %dma_wait3A_1582 = arith.constant 0 : i32
    %dma_wait3A_1583 = arith.constant 0 : i32
    %dma_wait3A_1584 = tpu.memref_slice %arg4[%dma_wait3A_1573, %dma_wait3A_1581, %dma_wait3A_1574, %dma_wait3A_1582, %dma_wait3A_1583] : memref<50x8x128x8x128xf32, #tpu.memory_space<hbm>> -> memref<1x8x1x8x128xf32, #tpu.memory_space<hbm>>
    %dma_wait3A_1585 = tpu.memref_squeeze %dma_wait3A_1584 : memref<1x8x1x8x128xf32, #tpu.memory_space<hbm>> -> memref<8x8x128xf32, #tpu.memory_space<hbm>>
    %dma_wait3A_1586 = tpu.memref_slice %arg11[%dma_wait3A_1575] : memref<2x!tpu.dma_semaphore, #tpu.memory_space<semaphore_mem>> -> memref<1x!tpu.dma_semaphore, #tpu.memory_space<semaphore_mem>>
    %dma_wait3A_1587 = tpu.memref_squeeze %dma_wait3A_1586 : memref<1x!tpu.dma_semaphore, #tpu.memory_space<semaphore_mem>> -> memref<!tpu.dma_semaphore, #tpu.memory_space<semaphore_mem>>
    %dma_wait3A_1588 = arith.constant 0 : i32
    %dma_wait3A_1589 = arith.constant 0 : i32
    %dma_wait3A_1590 = arith.constant 0 : i32
    %dma_wait3A_1591 = tpu.memref_slice %arg4[%dma_wait3A_1573, %dma_wait3A_1588, %dma_wait3A_1574, %dma_wait3A_1589, %dma_wait3A_1590] : memref<50x8x128x8x128xf32, #tpu.memory_space<hbm>> -> memref<1x8x1x8x128xf32, #tpu.memory_space<hbm>>
    %dma_wait3A_1592 = tpu.memref_squeeze %dma_wait3A_1591 : memref<1x8x1x8x128xf32, #tpu.memory_space<hbm>> -> memref<8x8x128xf32, #tpu.memory_space<hbm>>
    %dma_wait3A_1593 = arith.constant 0 : i32
    %dma_wait3A_1594 = arith.constant 0 : i32
    %dma_wait3A_1595 = arith.constant 0 : i32
    %dma_wait3A_1596 = tpu.memref_slice %arg8[%dma_wait3A_1572, %dma_wait3A_1593, %dma_wait3A_1594, %dma_wait3A_1595] : memref<2x8x8x128xf32, #tpu.memory_space<vmem>> -> memref<1x8x8x128xf32, #tpu.memory_space<vmem>>
    %dma_wait3A_1597 = tpu.memref_squeeze %dma_wait3A_1596 : memref<1x8x8x128xf32, #tpu.memory_space<vmem>> -> memref<8x8x128xf32, #tpu.memory_space<vmem>>
    tpu.wait_dma2 semaphore(%dma_wait3A_1587 : memref<!tpu.dma_semaphore, #tpu.memory_space<semaphore_mem>>) src(%dma_wait3A_1597 : memref<8x8x128xf32, #tpu.memory_space<vmem>>) dst(%dma_wait3A_1592 : memref<8x8x128xf32, #tpu.memory_space<hbm>>)
    %scan3A_1598 = arith.constant 0 : i32
    %scan3A_1599 = arith.constant 8 : i32
    %scan3A_1600 = arith.addi %scan3A_1598, %scan3A_1599 : i32
    %scan3A_1601 = arith.constant 1 : i32
    scf.for %scan3A_1682 = %scan3A_1598 to %scan3A_1600 step %scan3A_1601  : i32 {
      %mul3A_1683 = arith.constant 16 : i32
      %mul3A_1684 = arith.muli %scan3A_1682, %mul3A_1683 : i32
      %add3A_1685 = arith.constant 384 : i32
      %add3A_1686 = arith.addi %add3A_1685, %mul3A_1684 : i32
      %add3A_1687 = vector.broadcast %add3A_1686 : i32 to vector<16xi32>
      %add3A_1688 = arith.addi %iota3A, %add3A_1687 : vector<16xi32>
      %get3A_1689 = arith.constant 3 : i32
      %get3A_1690 = arith.index_cast %get3A_1689 : i32 to index
      %get3A_1691 = arith.index_cast %mul3A_1684 : i32 to index
      %get3A_1692 = tpu.vector_load %arg5[%get3A_1690, %get3A_1691] {strides = array<i32>} : memref<4x128xi32, #tpu.memory_space<vmem>>, vector<16xi32>,
      %and3A = arith.constant 1 : i32
      %and3A_1693 = vector.broadcast %and3A : i32 to vector<16xi32>
      %and3A_1694 = arith.andi %get3A_1692, %and3A_1693 : vector<16xi32>
      %mul3A_1695 = arith.constant 64 : i32
      %mul3A_1696 = vector.broadcast %mul3A_1695 : i32 to vector<16xi32>
      %mul3A_1697 = arith.muli %and3A_1694, %mul3A_1696 : vector<16xi32>
      %parallel_loop3A = arith.constant 0 : i32
      %parallel_loop3A_1698 = arith.constant 64 : i32
      %parallel_loop3A_1699 = arith.constant 1 : i32
      scf.for %parallel_loop3A_1700 = %parallel_loop3A to %parallel_loop3A_1698 step %parallel_loop3A_1699  : i32 {
        %parallel_loop3A_1701 = vector.broadcast %parallel_loop3A_1700 : i32 to vector<16xi32>
        %parallel_loop3A_1702 = arith.addi %mul3A_1697, %parallel_loop3A_1701 : vector<16xi32>
        %parallel_loop3A_1703 = tpu.vector_load_idx %arg7[%add3A_1688, %parallel_loop3A_1702] : memref<512x128xf32, #tpu.memory_space<vmem>>[vector<16xi32>, vector<16xi32>], vector<16xf32>,
        %parallel_loop3A_1704 = arith.constant 8.000000e+00 : f32
        %parallel_loop3A_1705 = vector.broadcast %parallel_loop3A_1704 : f32 to vector<16xf32>
        %parallel_loop3A_1706 = arith.mulf %parallel_loop3A_1703, %parallel_loop3A_1705 : vector<16xf32>
        %parallel_loop3A_1707 = arith.constant 3 : i32
        %parallel_loop3A_1708 = arith.shrsi %parallel_loop3A_1700, %parallel_loop3A_1707 : i32
        %parallel_loop3A_1709 = arith.constant 7 : i32
        %parallel_loop3A_1710 = arith.andi %parallel_loop3A_1700, %parallel_loop3A_1709 : i32
        %parallel_loop3A_1711 = arith.constant 1 : i32
        %parallel_loop3A_1712 = arith.index_cast %parallel_loop3A_1711 : i32 to index
        %parallel_loop3A_1713 = arith.index_cast %parallel_loop3A_1708 : i32 to index
        %parallel_loop3A_1714 = arith.index_cast %parallel_loop3A_1710 : i32 to index
        %parallel_loop3A_1715 = arith.index_cast %mul3A_1684 : i32 to index
        %parallel_loop3A_1716 = tpu.vector_load %arg8[%parallel_loop3A_1712, %parallel_loop3A_1713, %parallel_loop3A_1714, %parallel_loop3A_1715] {strides = array<i32>} : memref<2x8x8x128xf32, #tpu.memory_space<vmem>>, vector<16xf32>,
        tpu.vector_store %arg8[%parallel_loop3A_1712, %parallel_loop3A_1713, %parallel_loop3A_1714, %parallel_loop3A_1715], %parallel_loop3A_1706 {strides = array<i32>} : memref<2x8x8x128xf32, #tpu.memory_space<vmem>>, vector<16xf32>,
      } {sc.loop_unroll_factor = 16 : i64, sc.parallel_access}
    }
    %scan3A_1602 = arith.constant 8 : i32
    %add3A_1603 = arith.constant 3 : i32
    %add3A_1604 = arith.addi %mul3A_2, %add3A_1603 : i32
    %dma_start3A_1605 = arith.constant 1 : i32
    %dma_start3A_1606 = arith.constant 49 : i32
    %dma_start3A_1607 = arith.constant 1 : i32
    %dma_start3A_1608 = arith.constant 0 : i32
    %dma_start3A_1609 = arith.constant 0 : i32
    %dma_start3A_1610 = arith.constant 0 : i32
    %dma_start3A_1611 = tpu.memref_slice %arg8[%dma_start3A_1605, %dma_start3A_1608, %dma_start3A_1609, %dma_start3A_1610] : memref<2x8x8x128xf32, #tpu.memory_space<vmem>> -> memref<1x8x8x128xf32, #tpu.memory_space<vmem>>
    %dma_start3A_1612 = tpu.memref_squeeze %dma_start3A_1611 : memref<1x8x8x128xf32, #tpu.memory_space<vmem>> -> memref<8x8x128xf32, #tpu.memory_space<vmem>>
    %dma_start3A_1613 = arith.constant 0 : i32
    %dma_start3A_1614 = arith.constant 0 : i32
    %dma_start3A_1615 = arith.constant 0 : i32
    %dma_start3A_1616 = tpu.memref_slice %arg4[%dma_start3A_1606, %dma_start3A_1613, %add3A_1604, %dma_start3A_1614, %dma_start3A_1615] : memref<50x8x128x8x128xf32, #tpu.memory_space<hbm>> -> memref<1x8x1x8x128xf32, #tpu.memory_space<hbm>>
    %dma_start3A_1617 = tpu.memref_squeeze %dma_start3A_1616 : memref<1x8x1x8x128xf32, #tpu.memory_space<hbm>> -> memref<8x8x128xf32, #tpu.memory_space<hbm>>
    %dma_start3A_1618 = tpu.memref_slice %arg11[%dma_start3A_1607] : memref<2x!tpu.dma_semaphore, #tpu.memory_space<semaphore_mem>> -> memref<1x!tpu.dma_semaphore, #tpu.memory_space<semaphore_mem>>
    %dma_start3A_1619 = tpu.memref_squeeze %dma_start3A_1618 : memref<1x!tpu.dma_semaphore, #tpu.memory_space<semaphore_mem>> -> memref<!tpu.dma_semaphore, #tpu.memory_space<semaphore_mem>>
    %dma_start3A_1620 = arith.constant 0 : i32
    %dma_start3A_1621 = arith.constant 0 : i32
    %dma_start3A_1622 = arith.constant 0 : i32
    %dma_start3A_1623 = tpu.memref_slice %arg4[%dma_start3A_1606, %dma_start3A_1620, %add3A_1604, %dma_start3A_1621, %dma_start3A_1622] : memref<50x8x128x8x128xf32, #tpu.memory_space<hbm>> -> memref<1x8x1x8x128xf32, #tpu.memory_space<hbm>>
    %dma_start3A_1624 = tpu.memref_squeeze %dma_start3A_1623 : memref<1x8x1x8x128xf32, #tpu.memory_space<hbm>> -> memref<8x8x128xf32, #tpu.memory_space<hbm>>
    %dma_start3A_1625 = arith.constant 0 : i32
    %dma_start3A_1626 = arith.constant 0 : i32
    %dma_start3A_1627 = arith.constant 0 : i32
    %dma_start3A_1628 = tpu.memref_slice %arg8[%dma_start3A_1605, %dma_start3A_1625, %dma_start3A_1626, %dma_start3A_1627] : memref<2x8x8x128xf32, #tpu.memory_space<vmem>> -> memref<1x8x8x128xf32, #tpu.memory_space<vmem>>
    %dma_start3A_1629 = tpu.memref_squeeze %dma_start3A_1628 : memref<1x8x8x128xf32, #tpu.memory_space<vmem>> -> memref<8x8x128xf32, #tpu.memory_space<vmem>>
    tpu.enqueue_dma source(%dma_start3A_1629 : memref<8x8x128xf32, #tpu.memory_space<vmem>>) target(%dma_start3A_1624 : memref<8x8x128xf32, #tpu.memory_space<hbm>>) target_semaphore(%dma_start3A_1619 : memref<!tpu.dma_semaphore, #tpu.memory_space<semaphore_mem>>)
    %dma_wait3A_1630 = arith.constant 0 : i32
    %dma_wait3A_1631 = arith.constant 0 : i32
    %dma_wait3A_1632 = arith.constant 0 : i32
    %dma_wait3A_1633 = arith.constant 0 : i32
    %dma_wait3A_1634 = arith.constant 0 : i32
    %dma_wait3A_1635 = arith.constant 0 : i32
    %dma_wait3A_1636 = arith.constant 0 : i32
    %dma_wait3A_1637 = tpu.memref_slice %arg8[%dma_wait3A_1630, %dma_wait3A_1634, %dma_wait3A_1635, %dma_wait3A_1636] : memref<2x8x8x128xf32, #tpu.memory_space<vmem>> -> memref<1x8x8x128xf32, #tpu.memory_space<vmem>>
    %dma_wait3A_1638 = tpu.memref_squeeze %dma_wait3A_1637 : memref<1x8x8x128xf32, #tpu.memory_space<vmem>> -> memref<8x8x128xf32, #tpu.memory_space<vmem>>
    %dma_wait3A_1639 = arith.constant 0 : i32
    %dma_wait3A_1640 = arith.constant 0 : i32
    %dma_wait3A_1641 = arith.constant 0 : i32
    %dma_wait3A_1642 = tpu.memref_slice %arg4[%dma_wait3A_1631, %dma_wait3A_1639, %dma_wait3A_1632, %dma_wait3A_1640, %dma_wait3A_1641] : memref<50x8x128x8x128xf32, #tpu.memory_space<hbm>> -> memref<1x8x1x8x128xf32, #tpu.memory_space<hbm>>
    %dma_wait3A_1643 = tpu.memref_squeeze %dma_wait3A_1642 : memref<1x8x1x8x128xf32, #tpu.memory_space<hbm>> -> memref<8x8x128xf32, #tpu.memory_space<hbm>>
    %dma_wait3A_1644 = tpu.memref_slice %arg11[%dma_wait3A_1633] : memref<2x!tpu.dma_semaphore, #tpu.memory_space<semaphore_mem>> -> memref<1x!tpu.dma_semaphore, #tpu.memory_space<semaphore_mem>>
    %dma_wait3A_1645 = tpu.memref_squeeze %dma_wait3A_1644 : memref<1x!tpu.dma_semaphore, #tpu.memory_space<semaphore_mem>> -> memref<!tpu.dma_semaphore, #tpu.memory_space<semaphore_mem>>
    %dma_wait3A_1646 = arith.constant 0 : i32
    %dma_wait3A_1647 = arith.constant 0 : i32
    %dma_wait3A_1648 = arith.constant 0 : i32
    %dma_wait3A_1649 = tpu.memref_slice %arg4[%dma_wait3A_1631, %dma_wait3A_1646, %dma_wait3A_1632, %dma_wait3A_1647, %dma_wait3A_1648] : memref<50x8x128x8x128xf32, #tpu.memory_space<hbm>> -> memref<1x8x1x8x128xf32, #tpu.memory_space<hbm>>
    %dma_wait3A_1650 = tpu.memref_squeeze %dma_wait3A_1649 : memref<1x8x1x8x128xf32, #tpu.memory_space<hbm>> -> memref<8x8x128xf32, #tpu.memory_space<hbm>>
    %dma_wait3A_1651 = arith.constant 0 : i32
    %dma_wait3A_1652 = arith.constant 0 : i32
    %dma_wait3A_1653 = arith.constant 0 : i32
    %dma_wait3A_1654 = tpu.memref_slice %arg8[%dma_wait3A_1630, %dma_wait3A_1651, %dma_wait3A_1652, %dma_wait3A_1653] : memref<2x8x8x128xf32, #tpu.memory_space<vmem>> -> memref<1x8x8x128xf32, #tpu.memory_space<vmem>>
    %dma_wait3A_1655 = tpu.memref_squeeze %dma_wait3A_1654 : memref<1x8x8x128xf32, #tpu.memory_space<vmem>> -> memref<8x8x128xf32, #tpu.memory_space<vmem>>
    tpu.wait_dma2 semaphore(%dma_wait3A_1645 : memref<!tpu.dma_semaphore, #tpu.memory_space<semaphore_mem>>) src(%dma_wait3A_1655 : memref<8x8x128xf32, #tpu.memory_space<vmem>>) dst(%dma_wait3A_1650 : memref<8x8x128xf32, #tpu.memory_space<hbm>>)
    %dma_wait3A_1656 = arith.constant 1 : i32
    %dma_wait3A_1657 = arith.constant 0 : i32
    %dma_wait3A_1658 = arith.constant 0 : i32
    %dma_wait3A_1659 = arith.constant 1 : i32
    %dma_wait3A_1660 = arith.constant 0 : i32
    %dma_wait3A_1661 = arith.constant 0 : i32
    %dma_wait3A_1662 = arith.constant 0 : i32
    %dma_wait3A_1663 = tpu.memref_slice %arg8[%dma_wait3A_1656, %dma_wait3A_1660, %dma_wait3A_1661, %dma_wait3A_1662] : memref<2x8x8x128xf32, #tpu.memory_space<vmem>> -> memref<1x8x8x128xf32, #tpu.memory_space<vmem>>
    %dma_wait3A_1664 = tpu.memref_squeeze %dma_wait3A_1663 : memref<1x8x8x128xf32, #tpu.memory_space<vmem>> -> memref<8x8x128xf32, #tpu.memory_space<vmem>>
    %dma_wait3A_1665 = arith.constant 0 : i32
    %dma_wait3A_1666 = arith.constant 0 : i32
    %dma_wait3A_1667 = arith.constant 0 : i32
    %dma_wait3A_1668 = tpu.memref_slice %arg4[%dma_wait3A_1657, %dma_wait3A_1665, %dma_wait3A_1658, %dma_wait3A_1666, %dma_wait3A_1667] : memref<50x8x128x8x128xf32, #tpu.memory_space<hbm>> -> memref<1x8x1x8x128xf32, #tpu.memory_space<hbm>>
    %dma_wait3A_1669 = tpu.memref_squeeze %dma_wait3A_1668 : memref<1x8x1x8x128xf32, #tpu.memory_space<hbm>> -> memref<8x8x128xf32, #tpu.memory_space<hbm>>
    %dma_wait3A_1670 = tpu.memref_slice %arg11[%dma_wait3A_1659] : memref<2x!tpu.dma_semaphore, #tpu.memory_space<semaphore_mem>> -> memref<1x!tpu.dma_semaphore, #tpu.memory_space<semaphore_mem>>
    %dma_wait3A_1671 = tpu.memref_squeeze %dma_wait3A_1670 : memref<1x!tpu.dma_semaphore, #tpu.memory_space<semaphore_mem>> -> memref<!tpu.dma_semaphore, #tpu.memory_space<semaphore_mem>>
    %dma_wait3A_1672 = arith.constant 0 : i32
    %dma_wait3A_1673 = arith.constant 0 : i32
    %dma_wait3A_1674 = arith.constant 0 : i32
    %dma_wait3A_1675 = tpu.memref_slice %arg4[%dma_wait3A_1657, %dma_wait3A_1672, %dma_wait3A_1658, %dma_wait3A_1673, %dma_wait3A_1674] : memref<50x8x128x8x128xf32, #tpu.memory_space<hbm>> -> memref<1x8x1x8x128xf32, #tpu.memory_space<hbm>>
    %dma_wait3A_1676 = tpu.memref_squeeze %dma_wait3A_1675 : memref<1x8x1x8x128xf32, #tpu.memory_space<hbm>> -> memref<8x8x128xf32, #tpu.memory_space<hbm>>
    %dma_wait3A_1677 = arith.constant 0 : i32
    %dma_wait3A_1678 = arith.constant 0 : i32
    %dma_wait3A_1679 = arith.constant 0 : i32
    %dma_wait3A_1680 = tpu.memref_slice %arg8[%dma_wait3A_1656, %dma_wait3A_1677, %dma_wait3A_1678, %dma_wait3A_1679] : memref<2x8x8x128xf32, #tpu.memory_space<vmem>> -> memref<1x8x8x128xf32, #tpu.memory_space<vmem>>
    %dma_wait3A_1681 = tpu.memref_squeeze %dma_wait3A_1680 : memref<1x8x8x128xf32, #tpu.memory_space<vmem>> -> memref<8x8x128xf32, #tpu.memory_space<vmem>>
    tpu.wait_dma2 semaphore(%dma_wait3A_1671 : memref<!tpu.dma_semaphore, #tpu.memory_space<semaphore_mem>>) src(%dma_wait3A_1681 : memref<8x8x128xf32, #tpu.memory_space<vmem>>) dst(%dma_wait3A_1676 : memref<8x8x128xf32, #tpu.memory_space<hbm>>)
    return
  }
}

</mosaic_0001>

<sc_bundles>
// kernel: kernel.3.cloned.1.call-start
scs
__scs_entry_jumppad:
0x0: {  	(pc) =	sbr.rel $0x88, $3  }
0x1: {  	(tag) =	ssettag $0x0;
	lr =	simm.s32 $0x1  }
0x2: {  	[smem:$0x3F9F] =	sst lr;
	_ =	strace $0xD0000000  }
0x3: {  	_ = 	snop  }
0x4: {  	_ = 	snop  }
0x5: {  	_ = 	snop  }
0x6: {  	_ = 	snop  }
0x7: {  	_ = 	snop  }
__scs_overlays_trampoline_lowered:
0x8: {  	[smem:$0x3FAE] =	sst s0  }
0x9: {  	[smem:$0x3FAF] =	sst s1  }
0xa: {  	[smem:$0x3FB0] =	sst s2  }
0xb: {  	[smem:$0x3FB1] =	sst s3  }
0xc: {  	[smem:$0x3FB2] =	sst s4  }
0xd: {  	[smem:$0x3FB3] =	sst s5  }
0xe: {  	[smem:$0x3FB4] =	sst s6  }
0xf: {  	[smem:$0x3FB5] =	sst s7  }
0x10: {  	[smem:$0x3FB6] =	sst s8  }
0x11: {  	[smem:$0x3FB7] =	sst s9;
	s0 =	simm.s32 @!p0 $0x0  }
0x12: {  	s1 =	sld [smem:$0x3F9D];
	s0 =	simm.s32 @p0 $0x1  }
0x13: {  	[smem:$0x3FB8] =	sst s0;
	s0 =	simm.s32 @!p1 $0x0  }
0x14: {  	s2 =	sld [smem:$0x3F9C];
	s0 =	simm.s32 @p1 $0x1  }
0x15: {  	[smem:$0x3FB9] =	sst s0;
	s0 =	simm.s32 @!p2 $0x0  }
0x16: {  	s3 =	sld [smem:$0x3FDB];
	s0 =	simm.s32 @p2 $0x1  }
0x17: {  	s4 =	simm.s32 $0x1BF5;
	[smem:$0x3FBB] =	sst s0  }
0x18: {  	s0 =	sld [smem:$0x3F9E];
	_ =	swait.ge [sflag:s4], $0x0  }
0x19: {  	s7 =	sld [smem:$0x3F9F]  }
0x1a: {  	s8 =	sadd.s32 $0xFFFFE003, lr  }
0x1b: {  	s9 =	sadd.s32 $0xFFFFFEF7, lr;
	s5 =	simm.s32 $0xFFFFFFFF;
	p2 =	slt.u32 s8, $0xFFFFF086  }
0x1c: {  	p1 =	slt.u32 s9, $0xF7A;
	s5 =	simm.s32 @!p2 $0x0  }
0x1d: {  	s5 =	simm.s32 @p1 $0x1;
	p0 =	seq.s32 s7, s2  }
0x1e: {  	s7 =	smul.u32 @!p0 $0xF7A, s2;
	p2 =	seq.s32 @!p0 s5, $0x0  }
0x1f: {  	s9 =	smul.u32 $0xF7A, s1;
	s8 =	simm.s32 @!p0 $0x1BF5;
	p2 =	por !p2, p0  }
0x20: {  	[sflag:s8] =	ssyncset.s32 @!p0 $0xFFFFF086;
	s6 =	sadd.s32 @!p0 s3, s7;
	s7 =	simm.s32 @!p0 $0x108  }
0x21: {  	s3 =	sadd.s32 s3, s9;
	s6 =	sadd.s32 @!p0 $0x88, s6;
	s7 =	simm.s32 @p2 $0x1082  }
0x22: {  	[simem:s7], [sflag:s8] =	dma.local @!p0 [hbm:s6], $0xF7A  }
0x23: {  	s9 =	sor.u32 $0xD0000000, s2;
	s6 =	simm.s32 $0x108;
	_ =	swait.ge @!p0 [sflag:s8], $0x0  }
0x24: {  	s3 =	sadd.s32 $0x88, s3;
	s6 =	simm.s32 @!p1 $0x1082;
	[sflag:s4] =	ssyncset.s32 $0xFFFFF086  }
0x25: {  	[simem:s6], [sflag:s4] =	dma.local [hbm:s3], $0xF7A  }
0x26: {  	[smem:$0x3F9F] =	sst s1;
	(tag) =	ssettag s2;
	_ =	strace s9  }
0x27: {  	s1 =	sld [smem:$0x3FAF]  }
0x28: {  	s2 =	sld [smem:$0x3FB0]  }
0x29: {  	s4 =	sld [smem:$0x3FB2]  }
0x2a: {  	p0 =	seq.s32 s5, $0x0;
	s5 =	sld [smem:$0x3FB3]  }
0x2b: {  	s6 =	sld [smem:$0x3FB4]  }
0x2c: {  	s7 =	sld [smem:$0x3FB5]  }
0x2d: {  	s3 =	simm.s32 $0x108;
	s8 =	sld [smem:$0x3FB6]  }
0x2e: {  	s3 =	simm.s32 @!p0 $0x1082;
	s9 =	sld [smem:$0x3FB7]  }
0x2f: {  	lr =	sadd.s32 s0, s3;
	s0 =	sld [smem:$0x3FAE]  }
0x30: {  	s3 =	sld [smem:$0x3FB1]  }
0x31: {  	[smem:$0x3FBA] =	sst s10  }
0x32: {  	s10 =	sld [smem:$0x3FB8];
	_ =	sdelay $0x3  }
0x33: {  	p0 =	seq.s32 s10, $0x1;
	s10 =	sld [smem:$0x3FBA];
	_ =	sdelay $0x3  }
0x34: {  	[smem:$0x3FBA] =	sst s10  }
0x35: {  	s10 =	sld [smem:$0x3FB9];
	_ =	sdelay $0x3  }
0x36: {  	p1 =	seq.s32 s10, $0x1;
	s10 =	sld [smem:$0x3FBA];
	_ =	sdelay $0x3  }
0x37: {  	[smem:$0x3FBA] =	sst s10  }
0x38: {  	s10 =	sld [smem:$0x3FBB]  }
0x39: {  	_ = 	snop;
	(pc) =	sbr.ind lr, $3  }
0x3a: {  	_ = 	snop  }
0x3b: {  	_ = 	snop  }
0x3c: {  	p2 =	seq.s32 s10, $0x1;
	s10 =	sld [smem:$0x3FBA]  }
0x3d: {  	_ =	shalt  }
0x3e: {  	_ =	shalt  }
0x3f: {  	_ =	shalt  }
0x40: {  	_ =	shalt  }
0x41: {  	_ =	shalt  }
0x42: {  	_ =	shalt  }
0x43: {  	_ =	shalt  }
0x44: {  	_ =	shalt  }
0x45: {  	_ =	shalt  }
0x46: {  	_ =	shalt  }
0x47: {  	_ =	shalt  }
0x48: {  	_ =	shalt  }
0x49: {  	_ =	shalt  }
0x4a: {  	_ =	shalt  }
0x4b: {  	_ =	shalt  }
0x4c: {  	_ =	shalt  }
0x4d: {  	_ =	shalt  }
0x4e: {  	_ =	shalt  }
0x4f: {  	_ =	shalt  }
0x50: {  	_ =	shalt  }
0x51: {  	_ =	shalt  }
0x52: {  	_ =	shalt  }
0x53: {  	_ =	shalt  }
0x54: {  	_ =	shalt  }
0x55: {  	_ =	shalt  }
0x56: {  	_ =	shalt  }
0x57: {  	_ =	shalt  }
0x58: {  	_ =	shalt  }
0x59: {  	_ =	shalt  }
0x5a: {  	_ =	shalt  }
0x5b: {  	_ =	shalt  }
0x5c: {  	_ =	shalt  }
0x5d: {  	_ =	shalt  }
0x5e: {  	_ =	shalt  }
0x5f: {  	_ =	shalt  }
0x60: {  	_ =	shalt  }
0x61: {  	_ =	shalt  }
0x62: {  	_ =	shalt  }
0x63: {  	_ =	shalt  }
0x64: {  	_ =	shalt  }
0x65: {  	_ =	shalt  }
0x66: {  	_ =	shalt  }
0x67: {  	_ =	shalt  }
0x68: {  	_ =	shalt  }
0x69: {  	_ =	shalt  }
0x6a: {  	_ =	shalt  }
0x6b: {  	_ =	shalt  }
0x6c: {  	_ =	shalt  }
0x6d: {  	_ =	shalt  }
0x6e: {  	_ =	shalt  }
0x6f: {  	_ =	shalt  }
0x70: {  	_ =	shalt  }
0x71: {  	_ =	shalt  }
0x72: {  	_ =	shalt  }
0x73: {  	_ =	shalt  }
0x74: {  	_ =	shalt  }
0x75: {  	_ =	shalt  }
0x76: {  	_ =	shalt  }
0x77: {  	_ =	shalt  }
0x78: {  	_ =	shalt  }
0x79: {  	_ =	shalt  }
0x7a: {  	_ =	shalt  }
0x7b: {  	_ =	shalt  }
0x7c: {  	_ =	shalt  }
0x7d: {  	_ =	shalt  }
0x7e: {  	_ =	shalt  }
0x7f: {  	_ =	shalt  }
0x80: {  	_ =	shalt  }
0x81: {  	_ =	shalt  }
0x82: {  	_ =	shalt  }
0x83: {  	_ =	shalt  }
0x84: {  	_ =	shalt  }
0x85: {  	_ =	shalt  }
0x86: {  	_ =	shalt  }
0x87: {  	_ =	shalt  }
.Lfunc_end0:
.L_simem_size_0:
called_computation_lowered:
.L_overlay_start_0:
0x88: {  	s2 =	sld [smem:$0x3FD9]  }
0x89: {  	s3 =	sld [smem:$0x3FFE];
	_ =	sdelay $0x1  }
0x8a: {  	s1 =	srdreg.scid  }
0x8b: {  	s0 =	sand.u32 $0x1, s1  }
0x8c: {  	s17 =	sshll.u32 s0, $0xA;
	s2 =	sadd.s32 s3, s2  }
0x8d: {  	s2 =	sadd.s32 s2, s17  }
0x8e: {  	[smem:$0x3FC6] =	sst s2  }
0x8f: {  	_ = 	snop  }
0x90: {  	s2 =	sld [smem:$0x3FC9]  }
0x91: {  	s18 =	sld [smem:$0x3FD0];
	(tm) =	ssettm $0x1  }
0x92: {  	s4 =	sld [smem:$0x3FFB];
	_ =	sdelay $0x3  }
0x93: {  	_ =	strace s4  }
0x94: {  	s4 =	sld [smem:$0x3FFC];
	_ =	sdelay $0x3  }
0x95: {  	_ =	strace s4  }
0x96: {  	s4 =	sld [smem:$0x3FFD];
	_ =	sdelay $0x3  }
0x97: {  	_ =	strace s4  }
0x98: {  	_ =	strace $0x8FFFFFFF  }
0x99: {  	s19 =	sld [smem:$0x3FDB];
	_ =	sdelay $0x1  }
0x9a: {  	s5 =	simm.s32 $_scs_section_size  }
0x9b: {  	s6 =	simm.s32 $_size__tile_overlayer_lowered;
	s7 =	simm.s32 $_tile_overlayer_lowered  }
0x9c: {  	s22 =	simm.s32 $0x1BFF;
	s21 =	sshll.u32 s7, $0x1;
	s4 =	sadd.s32 s5, s19  }
0x9d: {  	s8 =	simm.s32 $0x0;
	s20 =	sshll.u32 s6, $0x1;
	s6 =	sadd.s32 s21, s4  }
0x9e: {  	[timem:s8], [sflag:s22] =	dma.local [hbm:s6], s20  }
0x9f: {  	_ =	swait.ge [sflag:s22], s20  }
0xa0: {  	s5 =	ssub.s32 $0x0, s20;
	[sflag:s22] =	ssyncset.done $0x0  }
0xa1: {  	[sflag:s22] =	ssyncadd.s32 s5;
	_ =	sdelay $0x1  }
0xa2: {  	s23 =	simm.s32 $0x1B8B  }
0xa3: {  	_ =	swait.ge [sflag:s23], $0x1  }
0xa4: {  	[sflag:s23] =	ssyncset.done $0x0  }
0xa5: {  	s25 =	simm.s32 $0x1B8E;
	s24 =	sld [smem:$0x3FFE];
	[sflag:s23] =	ssyncadd.s32 $0xFFFFFFFF  }
0xa6: {  	s26 =	simm.s32 $execute0_lowered;
	[smem:$0x3FD2] =	sst s25  }
0xa7: {  	s6 =	sshll.u32 s26, $0x1;
	_ =	strace $0x80000046;
	[dreg:$0x1] =	wrdreg $0xFFFFFFFF  }
0xa8: {  	s28 =	simm.s32 $_size_execute0_lowered;
	s4 =	sadd.s32 s4, s6;
	[dreg:$0x0] =	wrdreg $0x0  }
0xa9: {  	s6 =	sshll.u32 s28, $0x1;
	[dreg:$0x2] =	wrdreg s4  }
0xaa: {  	[dreg:$0x3] =	wrdreg s6  }
0xab: {  	[dreg:$0x4] =	wrdreg $0xC0  }
0xac: {  	_ =	task [dreg:s8], $0x5FFFF  }
0xad: {  	[dreg:$0x1] =	wrdreg $0xFFFFFFFF  }
0xae: {  	[dreg:$0x0] =	wrdreg $0x60  }
0xaf: {  	[dreg:$0x2] =	wrdreg s2  }
0xb0: {  	[dreg:$0x3] =	wrdreg s24  }
0xb1: {  	[dreg:$0x4] =	wrdreg s18  }
0xb2: {  	[dreg:$0x5] =	wrdreg $0x9  }
0xb3: {  	_ =	task.clear_ibuf [dreg:s8], $0x6FFFF;
	_ =	strace $0x90000046  }
0xb4: {  	s29 =	simm.s32 $0x9;
	_ =	strace $0x80000048  }
0xb5: {  	_ =	swait.ge [sflag:s29], $0x1  }
0xb6: {  	[sflag:s29] =	ssyncadd.s32 $0xFFFFFFFF  }
0xb7: {  	_ =	strace $0x90000048  }
0xb8: {  	_ =	sfence  }
0xb9: {  	s30 =	sld [smem:$0x0];
	_ =	sdelay $0x2  }
0xba: {  	s31 =	sshll.u32 s1, $0xD;
	s1 =	sshrl.u32 s1, $0x2  }
0xbb: {  	s3 =	sand.u32 $0x4000, s31;
	s1 =	sadd.s32 s1, s30  }
0xbc: {  	s0 =	sor.u32 s3, s0;
	s1 =	sshll.u32 s1, $0x11  }
0xbd: {  	s0 =	sor.u32 s1, s0  }
0xbe: {  	s0 =	sadd.s32 $0x8F2B, s0  }
0xbf: {  	[sflag:s0] =	ssyncadd.remote.s32 $0x1  }
0xc0: {  	_ =	sfence.sel $0xFFFF  }
0xc1: {  	[dreg:$0x0] =	wrdreg $0xFFFFFFFF;
	(pc) =	sbr.abs _section_cstart, $3  }
0xc2: {  	[dreg:$0x1] =	wrdreg $0xFFFFFFFF  }
0xc3: {  	_ =	task.clear_ibuf [dreg:s8], $0x2FFFF;
	_ =	strace $0x9FFFFFFF  }
0xc4: {  	(tm) =	ssettm $0x7FFFFFFF  }
0xc5: {  	_ =	shalt  }
tec
execute0_lowered:
.L_overlay_start_1:
0x0: {  	(tag) =	ssettag $0x1  }
0x1: {  	s1 =	rddreg [dreg:$0x0]  }
0x2: {  	s0 =	rddreg [dreg:$0x1]  }
0x3: {  	s2 =	rddreg [dreg:$0x2]  }
0x4: {  	s4 =	simm.s32 $0x0;
	s3 =	srdreg.scid;
	s5 =	stileid.u32  }
0x5: {  	s28 =	simm.s32 $0x80;
	s30 =	simm.s32 $0x1;
	[smem:$0x7FF] =	sst s4  }
0x6: {  	s3 =	sand.u32 $0x1, s3;
	s6 =	sshll.u32 s5, $0x1;
	s5 =	sadd.s32 $0xF42800, s0  }
0x7: {  	s17 =	sadd.s32 $0x10, s1;
	s22 =	sadd.s32 $0x620000, s2;
	s12 =	ssub.s32 $0x2, s3  }
0x8: {  	_ =	strace $0x80000047;
	s3 =	sor.u32 s3, s6;
	s13 =	sshrl.u32 s12, $0x1  }
0x9: {  	s14 =	sshll.u32 s3, $0x2;
	s7 =	sshll.u32 s3, $0x9;
	s6 =	sshll.u32 s3, $0xC  }
0xa: {  	s3 =	sshllo.u32 s3, $0x2;
	s0 =	ssub.s32 s12, s13;
	s8 =	sadd.s32 s1, s7  }
0xb: {  	s9 =	sor.u32 $0x1, s14;
	s13 =	sadd.s32 s2, s7;
	[dreg:$0x4] =	wrdreg s8  }
0xc: {  	s4 =	sor.u32 $0x2, s14;
	s18 =	sadd.s32 s7, s17;
	[dreg:$0x8] =	wrdreg s13  }
0xd: {  	s16 =	sshll.u32 s3, $0x7;
	s23 =	sadd.s32 s7, s22;
	[dreg:$0x9] =	wrdreg s18  }
0xe: {  	s12 =	sshll.u32 s3, $0xA;
	[dreg:$0xe] =	wrdreg s23;
	s26 =	sadd.s32 s16, s22  }
0xf: {  	s8 =	sshll.u32 s9, $0xA;
	s29 =	sadd.s32 s2, s16;
	[dreg:$0x11] =	wrdreg s26  }
0x10: {  	s9 =	sshll.u32 s9, $0x7;
	s0 =	smax.u32 s0, $0x1;
	[dreg:$0x12] =	wrdreg s29  }
0x11: {  	s11 =	sshll.u32 s4, $0x7;
	s14 =	sadd.s32 s1, s16;
	[dreg:$0x13] =	wrdreg s0  }
0x12: {  	s18 =	simm.s32 $0x20000;
	s10 =	sadd.s32 s1, s9;
	[dreg:$0x7] =	wrdreg s14  }
0x13: {  	s23 =	simm.s32 $0x6;
	s15 =	sadd.s32 s1, s11;
	[dreg:$0x5] =	wrdreg s10  }
0x14: {  	s13 =	simm.s32 $0x8;
	s19 =	sadd.s32 s2, s9;
	[dreg:$0x6] =	wrdreg s15  }
0x15: {  	s20 =	sadd.s32 s9, s17;
	s21 =	sadd.s32 s2, s11;
	[dreg:$0xa] =	wrdreg s19  }
0x16: {  	s3 =	sadd.s32 s11, s17;
	s24 =	sadd.s32 s9, s22;
	[dreg:$0xb] =	wrdreg s20  }
0x17: {  	s25 =	sadd.s32 s11, s22;
	s31 =	sadd.s32 $0x18010, s14;
	[dreg:$0xc] =	wrdreg s21  }
0x18: {  	s0 =	simm.s32 $0x400;
	s11 =	simm.s32 $0x3;
	[dreg:$0xd] =	wrdreg s3  }
0x19: {  	s17 =	simm.s32 $0x5;
	s26 =	simm.s32 $0x9;
	[dreg:$0xf] =	wrdreg s24  }
0x1a: {  	s9 =	simm.s32 $0x0;
	s10 =	sshll.u32 s4, $0xA;
	[dreg:$0x10] =	wrdreg s25  }
0x1b: {  	v0 =	vlaneseq.u32;
	[dreg:$0x14] =	wrdreg s31;
	s3 =	simm.s32 $0x2;
	s24 =	simm.s32 $0x10400  }
0x1c: {  	v0 =	vmul.u32 $0x80, v0;
	s20 =	simm.s32 $0x4;
	s25 =	simm.s32 $0x7;
	s4 =	simm.s32 $0xA  }
.LBB2_1:
0x1d: {  	[dreg:$0x15] =	wrdreg s9  }
0x1e: {  	s7 =	simm.s32 $0x0;
	s22 =	rddreg [dreg:$0x4]  }
0x1f: {  	[tilespmem:s7], [sflag:$0x1] =	stream.linear.gather [hbm4b:s22+s7], $0x80, $0x38;
	[tilespmem:$0x14400] =	vst v63  }
0x20: {  	s29 =	rddreg [dreg:$0x5]  }
0x21: {  	[tilespmem:s28], [sflag:$0x2] =	stream.linear.gather [hbm4b:s29+s7], $0x80, $0x38;
	[tilespmem:$0x14400] =	vst v63  }
0x22: {  	s31 =	rddreg [dreg:$0x6];
	s14 =	simm.s32 $0x100  }
0x23: {  	[tilespmem:s14], [sflag:$0x3] =	stream.linear.gather [hbm4b:s31+s7], $0x80, $0x38;
	[tilespmem:$0x14400] =	vst v63  }
0x24: {  	_ =	swait.ge [sflag:s30], $0x80  }
0x25: {  	[sflag:s30] =	ssyncset.done $0x0  }
0x26: {  	[sflag:s30] =	ssyncadd.s32 $0xFFFFFF80  }
0x27: {  	v1 =	vld [tilespmem:$0x0]  }
0x28: {  	v2 =	vld [tilespmem:$0x10]  }
0x29: {  	v3 =	vld [tilespmem:$0x20]  }
0x2a: {  	v4 =	vld [tilespmem:$0x30]  }
0x2b: {  	v5 =	vld [tilespmem:$0x40]  }
0x2c: {  	v6 =	vld [tilespmem:$0x50];
	v1 =	vshra.s32 v1, $0x1  }
0x2d: {  	[tilespmem:$0x200] =	vst v1;
	v1 =	vshra.s32 v2, $0x1;
	v2 =	vld [tilespmem:$0x60]  }
0x2e: {  	[tilespmem:$0x210] =	vst v1;
	v1 =	vshra.s32 v3, $0x1;
	v3 =	vld [tilespmem:$0x70]  }
0x2f: {  	[tilespmem:$0x220] =	vst v1;
	v1 =	vshra.s32 v4, $0x1  }
0x30: {  	[tilespmem:$0x230] =	vst v1;
	v1 =	vshra.s32 v5, $0x1  }
0x31: {  	[tilespmem:$0x240] =	vst v1;
	v1 =	vshra.s32 v6, $0x1  }
0x32: {  	[tilespmem:$0x250] =	vst v1;
	v1 =	vshra.s32 v2, $0x1  }
0x33: {  	[tilespmem:$0x260] =	vst v1;
	v1 =	vshra.s32 v3, $0x1  }
0x34: {  	s15 =	simm.s32 $0x200;
	[tilespmem:$0x270] =	vst v1  }
0x35: {  	[tilespmem:s0], [sflag:$0x5] =	stream.indirect.gather [hbm4b:s5+s28], $0x80, s15, s28, $0xb8;
	[tilespmem:$0x14400] =	vst v63  }
0x36: {  	_ =	swait.ge [sflag:s3], $0x80  }
0x37: {  	[sflag:s3] =	ssyncset.done $0x0  }
0x38: {  	[sflag:s3] =	ssyncadd.s32 $0xFFFFFF80  }
0x39: {  	v1 =	vld [tilespmem:$0x80]  }
0x3a: {  	v2 =	vld [tilespmem:$0x90]  }
0x3b: {  	v3 =	vld [tilespmem:$0xA0]  }
0x3c: {  	v58 =	vld [tilespmem:$0xB0]  }
0x3d: {  	v59 =	vld [tilespmem:$0xC0]  }
0x3e: {  	v60 =	vld [tilespmem:$0xD0];
	v1 =	vshra.s32 v1, $0x1  }
0x3f: {  	[tilespmem:$0x280] =	vst v1;
	v1 =	vshra.s32 v2, $0x1;
	v2 =	vld [tilespmem:$0xE0]  }
0x40: {  	[tilespmem:$0x290] =	vst v1;
	v1 =	vshra.s32 v3, $0x1;
	v3 =	vld [tilespmem:$0xF0]  }
0x41: {  	[tilespmem:$0x2A0] =	vst v1;
	v1 =	vshra.s32 v58, $0x1  }
0x42: {  	[tilespmem:$0x2B0] =	vst v1;
	v1 =	vshra.s32 v59, $0x1  }
0x43: {  	[tilespmem:$0x2C0] =	vst v1;
	v1 =	vshra.s32 v60, $0x1  }
0x44: {  	[tilespmem:$0x2D0] =	vst v1;
	v1 =	vshra.s32 v2, $0x1  }
0x45: {  	[tilespmem:$0x2E0] =	vst v1;
	v1 =	vshra.s32 v3, $0x1  }
0x46: {  	s16 =	simm.s32 $0x280;
	s19 =	simm.s32 $0x4400;
	[tilespmem:$0x2F0] =	vst v1  }
0x47: {  	[tilespmem:s19], [sflag:$0x6] =	stream.indirect.gather [hbm4b:s5+s28], $0x80, s16, s28, $0xb8;
	[tilespmem:$0x14400] =	vst v63  }
0x48: {  	_ =	swait.ge [sflag:s11], $0x80  }
0x49: {  	[sflag:s11] =	ssyncset.done $0x0  }
0x4a: {  	[sflag:s11] =	ssyncadd.s32 $0xFFFFFF80  }
0x4b: {  	v1 =	vld [tilespmem:$0x100]  }
0x4c: {  	v2 =	vld [tilespmem:$0x110]  }
0x4d: {  	v3 =	vld [tilespmem:$0x120]  }
0x4e: {  	v61 =	vld [tilespmem:$0x130]  }
0x4f: {  	v62 =	vld [tilespmem:$0x140]  }
0x50: {  	v63 =	vld [tilespmem:$0x150];
	v1 =	vshra.s32 v1, $0x1  }
0x51: {  	[tilespmem:$0x300] =	vst v1;
	v1 =	vshra.s32 v2, $0x1;
	v2 =	vld [tilespmem:$0x160]  }
0x52: {  	[tilespmem:$0x310] =	vst v1;
	v1 =	vshra.s32 v3, $0x1;
	v3 =	vld [tilespmem:$0x170]  }
0x53: {  	[tilespmem:$0x320] =	vst v1;
	v1 =	vshra.s32 v61, $0x1  }
0x54: {  	[tilespmem:$0x330] =	vst v1;
	v1 =	vshra.s32 v62, $0x1  }
0x55: {  	[tilespmem:$0x340] =	vst v1;
	v1 =	vshra.s32 v63, $0x1  }
0x56: {  	[tilespmem:$0x350] =	vst v1;
	v1 =	vshra.s32 v2, $0x1  }
0x57: {  	[tilespmem:$0x360] =	vst v1;
	v1 =	vshra.s32 v3, $0x1  }
0x58: {  	s21 =	simm.s32 $0x300;
	s22 =	simm.s32 $0x8400;
	[tilespmem:$0x370] =	vst v1  }
0x59: {  	[tilespmem:s22], [sflag:$0x7] =	stream.indirect.gather [hbm4b:s5+s28], $0x80, s21, s28, $0xb8;
	[tilespmem:$0x14400] =	vst v63  }
0x5a: {  	s31 =	simm.s32 $0x180;
	s29 =	rddreg [dreg:$0x7]  }
0x5b: {  	[tilespmem:s31], [sflag:$0x4] =	stream.linear.gather [hbm4b:s29+s7], $0x80, $0x38;
	[tilespmem:$0x14400] =	vst v63  }
0x5c: {  	_ =	swait.ge [sflag:s17], $0x4000  }
0x5d: {  	[sflag:s17] =	ssyncset.done $0x0  }
0x5e: {  	s9 =	simm.s32 $0x0;
	s7 =	simm.s32 $0x10800;
	[sflag:s17] =	ssyncadd.s32 $0xFFFFC000  }
.LBB2_2:
0x5f: {  	s14 =	sshll.u32 s9, $0x4  }
0x60: {  	v1 =	vld [tilespmem:s14+$0x0];
	_ =	sdelay $0x3  }
0x61: {  	v2 =	vmov s14  }
0x62: {  	v2 =	vshll.u32 v2, $0x7;
	v1 =	vshll.u32 v1, $0x6  }
0x63: {  	v2 =	vor.u32 v0, v2;
	v1 =	vand.u32 $0x40, v1  }
0x64: {  	s31 =	simm.s32 $0xF;
	v1 =	vor.u32 v2, v1  }
0x65: {  	s15 =	simm.s32 $0x1;
	v2 =	vor.u32 s31, v1  }
0x66: {  	s16 =	simm.s32 $0x2;
	v3 =	vor.u32 s15, v1  }
0x67: {  	s19 =	simm.s32 $0x3;
	v4 =	vor.u32 s16, v1  }
0x68: {  	s21 =	simm.s32 $0x4;
	v5 =	vor.u32 s19, v1  }
0x69: {  	s22 =	simm.s32 $0x5;
	v6 =	vor.u32 s21, v1  }
0x6a: {  	v7 =	vor.u32 s22, v1;
	s31 =	simm.s32 $0x7;
	v8 =	vld.idx.msk [tilespmem:v2+s0+$0x0], $0xffff  }
0x6b: {  	s29 =	simm.s32 $0x6;
	v9 =	vor.u32 s31, v1;
	v3 =	vld.idx.msk [tilespmem:v3+s0+$0x0], $0xffff  }
0x6c: {  	s15 =	simm.s32 $0x8;
	v2 =	vor.u32 s29, v1;
	v4 =	vld.idx.msk [tilespmem:v4+s0+$0x0], $0xffff  }
0x6d: {  	s16 =	simm.s32 $0x9;
	v10 =	vor.u32 s15, v1;
	v11 =	vld.idx.msk [tilespmem:v5+s0+$0x0], $0xffff  }
0x6e: {  	s19 =	simm.s32 $0xA;
	v14 =	vld.idx.msk [tilespmem:v6+s0+$0x0], $0xffff;
	v6 =	vor.u32 s16, v1  }
0x6f: {  	s21 =	simm.s32 $0xB;
	v5 =	vld.idx.msk [tilespmem:v7+s0+$0x0], $0xffff;
	v7 =	vor.u32 s19, v1  }
0x70: {  	s22 =	simm.s32 $0xC;
	v8 =	vmul.f32 $8.000000000e+00, v8;
	v13 =	vmul.f32 $8.000000000e+00, v3;
	v3 =	vld.idx.msk [tilespmem:v9+s0+$0x0], $0xffff;
	v9 =	vor.u32 s21, v1  }
0x71: {  	v12 =	vor.u32 s22, v1;
	s29 =	simm.s32 $0xD;
	v2 =	vld.idx.msk [tilespmem:v2+s0+$0x0], $0xffff  }
0x72: {  	s31 =	simm.s32 $0xE;
	v15 =	vmul.f32 $8.000000000e+00, v4;
	v4 =	vld.idx.msk [tilespmem:v10+s0+$0x0], $0xffff;
	v10 =	vor.u32 s29, v1;
	[tilespmem:s7+$0x380] =	vst v8  }
0x73: {  	s14 =	simm.s32 $0x10;
	s19 =	simm.s32 $0x0;
	v6 =	vld.idx.msk [tilespmem:v6+s0+$0x0], $0xffff;
	[tilespmem:s7+$0xFFFFFC80] =	vst v13;
	v13 =	vmul.f32 $8.000000000e+00, v11;
	v11 =	vor.u32 s31, v1  }
0x74: {  	s15 =	smov.u32 s7;
	s16 =	simm.s32 $0x20;
	s21 =	simm.s32 $0x1F;
	v14 =	vmul.f32 $8.000000000e+00, v14;
	v7 =	vld.idx.msk [tilespmem:v7+s0+$0x0], $0xffff;
	v8 =	vor.u32 s19, v1;
	[tilespmem:s7+$0xFFFFFD00] =	vst v15  }
.LBB2_3:
0x75: {  	p0 =	slt.u32 s16, $0x30;
	s19 =	sadd.s32 $0x1, s14;
	v15 =	vor.u32 s21, v1;
	[tilespmem:s15+$0xFFFFFD80] =	vst v13;
	v5 =	vmul.f32 $8.000000000e+00, v5;
	v9 =	vld.idx.msk [tilespmem:v9+s0+$0x0], $0xffff  }
0x76: {  	v2 =	vmul.f32 $8.000000000e+00, v2;
	v13 =	vor.u32 s19, v1;
	s19 =	sadd.s32 $0x2, s14;
	[tilespmem:s15+$0xFFFFFE00] =	vst v14;
	v12 =	vld.idx.msk [tilespmem:v12+s0+$0x0], $0xffff  }
0x77: {  	v3 =	vmul.f32 $8.000000000e+00, v3;
	v14 =	vor.u32 s19, v1;
	s19 =	sadd.s32 $0x3, s14;
	[tilespmem:s15+$0xFFFFFE80] =	vst v5;
	v5 =	vld.idx.msk [tilespmem:v10+s0+$0x0], $0xffff  }
0x78: {  	v10 =	vor.u32 s19, v1;
	s19 =	sadd.s32 $0x4, s14;
	[tilespmem:s15+$0xFFFFFF00] =	vst v2;
	v2 =	vmul.f32 $8.000000000e+00, v4;
	v4 =	vld.idx.msk [tilespmem:v11+s0+$0x0], $0xffff  }
0x79: {  	v11 =	vor.u32 s19, v1;
	s19 =	sadd.s32 $0x5, s14;
	v8 =	vld.idx.msk [tilespmem:v8+s0+$0x0], $0xffff;
	[tilespmem:s15+$0xFFFFFF80] =	vst v3;
	v3 =	vmul.f32 $8.000000000e+00, v6  }
0x7a: {  	v6 =	vor.u32 s19, v1;
	s19 =	sadd.s32 $0x6, s14;
	v15 =	vld.idx.msk [tilespmem:v15+s0+$0x0], $0xffff;
	[tilespmem:s15+$0x0] =	vst v2;
	v2 =	vmul.f32 $8.000000000e+00, v7  }
0x7b: {  	v7 =	vld.idx.msk [tilespmem:v13+s0+$0x0], $0xffff;
	v13 =	vor.u32 s19, v1;
	s19 =	sadd.s32 $0x7, s14;
	[tilespmem:s15+$0x80] =	vst v3;
	v3 =	vmul.f32 $8.000000000e+00, v9  }
0x7c: {  	v14 =	vld.idx.msk [tilespmem:v14+s0+$0x0], $0xffff;
	v16 =	vor.u32 s19, v1;
	s19 =	sadd.s32 $0x8, s14;
	[tilespmem:s15+$0x100] =	vst v2;
	v2 =	vmul.f32 $8.000000000e+00, v12  }
0x7d: {  	v17 =	vld.idx.msk [tilespmem:v10+s0+$0x0], $0xffff;
	v10 =	vor.u32 s19, v1;
	s19 =	sadd.s32 $0x9, s14;
	[tilespmem:s15+$0x180] =	vst v3;
	v3 =	vmul.f32 $8.000000000e+00, v5  }
0x7e: {  	v4 =	vmul.f32 $8.000000000e+00, v4;
	v18 =	vld.idx.msk [tilespmem:v11+s0+$0x0], $0xffff;
	v11 =	vor.u32 s19, v1;
	s19 =	sadd.s32 $0xA, s14;
	[tilespmem:s15+$0x200] =	vst v2  }
0x7f: {  	v5 =	vld.idx.msk [tilespmem:v6+s0+$0x0], $0xffff;
	v19 =	vor.u32 s19, v1;
	s19 =	sadd.s32 $0xB, s14;
	v6 =	vmul.f32 $8.000000000e+00, v8;
	[tilespmem:s15+$0x280] =	vst v3  }
.Ltmp0:
0x80: {  	v8 =	vmul.f32 $8.000000000e+00, v15;
	v2 =	vld.idx.msk [tilespmem:v13+s0+$0x0], $0xffff;
	v9 =	vor.u32 s19, v1;
	s19 =	sadd.s32 $0xC, s14;
	[tilespmem:s15+$0x300] =	vst v4;
	(pc) =	sbr.rel @p0 .LBB2_3-.Ltmp0, $4  }
0x81: {  	v7 =	vmul.f32 $8.000000000e+00, v7;
	v3 =	vld.idx.msk [tilespmem:v16+s0+$0x0], $0xffff;
	v12 =	vor.u32 s19, v1;
	s19 =	sadd.s32 $0xD, s14;
	[tilespmem:s15+$0xFFFFFC00] =	vst v6;
	s15 =	sadd.s32 $0x800, s15  }
0x82: {  	v14 =	vmul.f32 $8.000000000e+00, v14;
	v4 =	vld.idx.msk [tilespmem:v10+s0+$0x0], $0xffff;
	v10 =	vor.u32 s19, v1;
	s19 =	sadd.s32 $0xE, s14;
	[tilespmem:s15+$0x380] =	vst v8  }
0x83: {  	v13 =	vmul.f32 $8.000000000e+00, v17;
	[tilespmem:s15+$0xFFFFFC80] =	vst v7;
	v6 =	vld.idx.msk [tilespmem:v11+s0+$0x0], $0xffff;
	v11 =	vor.u32 s19, v1  }
0x84: {  	s21 =	sadd.s32 $0xF, s16;
	v8 =	vor.u32 s14, v1;
	s14 =	smov.u32 s16;
	s16 =	sadd.s32 $0x10, s16;
	[tilespmem:s15+$0xFFFFFD00] =	vst v14;
	v14 =	vmul.f32 $8.000000000e+00, v18;
	v7 =	vld.idx.msk [tilespmem:v19+s0+$0x0], $0xffff  }
0x85: {  	_ =	sdelay $0x3  }
0x86: {  	v5 =	vmul.f32 $8.000000000e+00, v5;
	s16 =	sadd.s32 $0x1, s14;
	v40 =	vor.u32 s21, v1;
	v9 =	vld.idx.msk [tilespmem:v9+s0+$0x0], $0xffff  }
0x87: {  	[tilespmem:s15+$0xFFFFFD80] =	vst v13;
	v2 =	vmul.f32 $8.000000000e+00, v2;
	s21 =	sadd.s32 $0x2, s14;
	v12 =	vld.idx.msk [tilespmem:v12+s0+$0x0], $0xffff;
	s22 =	sadd.s32 $0x3, s14;
	s29 =	sadd.s32 $0x4, s14;
	v41 =	vor.u32 s16, v1;
	v3 =	vmul.f32 $8.000000000e+00, v3  }
0x88: {  	s31 =	sadd.s32 $0x5, s14;
	s19 =	sadd.s32 $0x6, s14;
	[tilespmem:s15+$0xFFFFFE00] =	vst v14;
	v42 =	vor.u32 s21, v1;
	v43 =	vor.u32 s22, v1;
	v44 =	vor.u32 s29, v1  }
0x89: {  	v8 =	vld.idx.msk [tilespmem:v8+s0+$0x0], $0xffff;
	v45 =	vor.u32 s31, v1;
	v47 =	vor.u32 s19, v1;
	s21 =	sadd.s32 $0x7, s14;
	s22 =	sadd.s32 $0x8, s14;
	s29 =	sadd.s32 $0x9, s14;
	[tilespmem:s15+$0xFFFFFF00] =	vst v2;
	v2 =	vmul.f32 $8.000000000e+00, v4  }
0x8a: {  	s31 =	sadd.s32 $0xA, s14;
	s19 =	sadd.s32 $0xB, s14;
	[tilespmem:s15+$0xFFFFFE80] =	vst v5;
	v48 =	vor.u32 s21, v1;
	v49 =	vor.u32 s22, v1;
	v50 =	vor.u32 s29, v1  }
0x8b: {  	v10 =	vld.idx.msk [tilespmem:v10+s0+$0x0], $0xffff;
	v51 =	vor.u32 s31, v1;
	v52 =	vor.u32 s19, v1;
	s21 =	sadd.s32 $0xC, s14;
	s29 =	sadd.s32 $0xD, s14;
	[tilespmem:s15+$0xFFFFFF80] =	vst v3;
	v3 =	vmul.f32 $8.000000000e+00, v6  }
0x8c: {  	v11 =	vld.idx.msk [tilespmem:v11+s0+$0x0], $0xffff;
	s31 =	sadd.s32 $0xE, s14;
	v54 =	vor.u32 s21, v1;
	v55 =	vor.u32 s29, v1;
	[tilespmem:s15+$0x0] =	vst v2;
	v2 =	vmul.f32 $8.000000000e+00, v7  }
0x8d: {  	v57 =	vor.u32 s31, v1;
	v1 =	vor.u32 s14, v1;
	v13 =	vld.idx.msk [tilespmem:v40+s0+$0x0], $0xffff;
	[tilespmem:s15+$0x80] =	vst v3;
	v3 =	vmul.f32 $8.000000000e+00, v9  }
0x8e: {  	v8 =	vmul.f32 $8.000000000e+00, v8;
	v46 =	vld.idx.msk [tilespmem:v41+s0+$0x0], $0xffff;
	[tilespmem:s15+$0x100] =	vst v2  }
0x8f: {  	v2 =	vmul.f32 $8.000000000e+00, v12;
	v5 =	vld.idx.msk [tilespmem:v42+s0+$0x0], $0xffff;
	[tilespmem:s15+$0x180] =	vst v3  }
0x90: {  	v4 =	vld.idx.msk [tilespmem:v43+s0+$0x0], $0xffff;
	v3 =	vmul.f32 $8.000000000e+00, v10;
	[tilespmem:s15+$0xFFFFFC00] =	vst v8  }
0x91: {  	v6 =	vld.idx.msk [tilespmem:v44+s0+$0x0], $0xffff;
	[tilespmem:s15+$0x200] =	vst v2;
	v2 =	vmul.f32 $8.000000000e+00, v11  }
0x92: {  	v1 =	vld.idx.msk [tilespmem:v1+s0+$0x0], $0xffff;
	[tilespmem:s15+$0x280] =	vst v3;
	v13 =	vmul.f32 $8.000000000e+00, v13  }
0x93: {  	s22 =	sadd.s32 $0x800, s15;
	v3 =	vld.idx.msk [tilespmem:v45+s0+$0x0], $0xffff;
	[tilespmem:s15+$0x300] =	vst v2;
	v9 =	vmul.f32 $8.000000000e+00, v46  }
0x94: {  	v2 =	vld.idx.msk [tilespmem:v47+s0+$0x0], $0xffff;
	v5 =	vmul.f32 $8.000000000e+00, v5;
	[tilespmem:s22+$0x380] =	vst v13  }
0x95: {  	v53 =	vld.idx.msk [tilespmem:v48+s0+$0x0], $0xffff;
	v4 =	vmul.f32 $8.000000000e+00, v4;
	[tilespmem:s22+$0xFFFFFC80] =	vst v9  }
0x96: {  	v10 =	vld.idx.msk [tilespmem:v49+s0+$0x0], $0xffff;
	v58 =	vmul.f32 $8.000000000e+00, v6;
	[tilespmem:s22+$0xFFFFFD00] =	vst v5  }
0x97: {  	v56 =	vld.idx.msk [tilespmem:v50+s0+$0x0], $0xffff;
	[tilespmem:s22+$0xFFFFFD80] =	vst v4;
	v1 =	vmul.f32 $8.000000000e+00, v1  }
0x98: {  	v59 =	vld.idx.msk [tilespmem:v51+s0+$0x0], $0xffff;
	[tilespmem:s22+$0xFFFFFE00] =	vst v58;
	v3 =	vmul.f32 $8.000000000e+00, v3  }
0x99: {  	v60 =	vld.idx.msk [tilespmem:v52+s0+$0x0], $0xffff;
	v2 =	vmul.f32 $8.000000000e+00, v2;
	[tilespmem:s22+$0xFFFFFC00] =	vst v1  }
0x9a: {  	v61 =	vld.idx.msk [tilespmem:v54+s0+$0x0], $0xffff;
	[tilespmem:s22+$0xFFFFFE80] =	vst v3;
	v3 =	vmul.f32 $8.000000000e+00, v53  }
0x9b: {  	v62 =	vld.idx.msk [tilespmem:v55+s0+$0x0], $0xffff;
	[tilespmem:s22+$0xFFFFFF00] =	vst v2;
	v2 =	vmul.f32 $8.000000000e+00, v10  }
0x9c: {  	v63 =	vld.idx.msk [tilespmem:v57+s0+$0x0], $0xffff;
	[tilespmem:s22+$0xFFFFFF80] =	vst v3;
	v3 =	vmul.f32 $8.000000000e+00, v56  }
0x9d: {  	s9 =	sadd.s32 $0x1, s9;
	[tilespmem:s22+$0x0] =	vst v2;
	v2 =	vmul.f32 $8.000000000e+00, v59  }
0x9e: {  	p0 =	sne.s32 s9, $0x8;
	[tilespmem:s22+$0x80] =	vst v3;
	v3 =	vmul.f32 $8.000000000e+00, v60  }
.Ltmp1:
0x9f: {  	[tilespmem:s22+$0x100] =	vst v2;
	v2 =	vmul.f32 $8.000000000e+00, v61;
	(pc) =	sbr.rel @p0 .LBB2_2-.Ltmp1, $4  }
0xa0: {  	[tilespmem:s22+$0x180] =	vst v3;
	v3 =	vmul.f32 $8.000000000e+00, v62  }
0xa1: {  	[tilespmem:s22+$0x200] =	vst v2;
	v2 =	vmul.f32 $8.000000000e+00, v63  }
0xa2: {  	[tilespmem:s22+$0x280] =	vst v3  }
0xa3: {  	s7 =	sadd.s32 $0x10, s7;
	[tilespmem:s22+$0x300] =	vst v2  }
0xa4: {  	s7 =	rddreg [dreg:$0x8]  }
0xa5: {  	[hbm4b:s7+s0] =	stream.strided.scatter [tilespmem:s24], [sflag:$0x9], $0x2000, s18, s0, $0x38;
	[tilespmem:$0x14400] =	vst v63  }
0xa6: {  	_ =	swait.ge [sflag:s20], $0x80  }
0xa7: {  	[sflag:s20] =	ssyncset.done $0x0  }
0xa8: {  	[sflag:s20] =	ssyncadd.s32 $0xFFFFFF80  }
0xa9: {  	v1 =	vld [tilespmem:$0x180]  }
0xaa: {  	v2 =	vld [tilespmem:$0x190]  }
0xab: {  	v3 =	vld [tilespmem:$0x1A0]  }
0xac: {  	v4 =	vld [tilespmem:$0x1B0]  }
0xad: {  	v5 =	vld [tilespmem:$0x1C0]  }
0xae: {  	v6 =	vld [tilespmem:$0x1D0];
	v1 =	vshra.s32 v1, $0x1  }
0xaf: {  	[tilespmem:$0x380] =	vst v1;
	v1 =	vshra.s32 v2, $0x1;
	v2 =	vld [tilespmem:$0x1E0]  }
0xb0: {  	[tilespmem:$0x390] =	vst v1;
	v1 =	vshra.s32 v3, $0x1;
	v3 =	vld [tilespmem:$0x1F0]  }
0xb1: {  	[tilespmem:$0x3A0] =	vst v1;
	v1 =	vshra.s32 v4, $0x1  }
0xb2: {  	[tilespmem:$0x3B0] =	vst v1;
	v1 =	vshra.s32 v5, $0x1  }
0xb3: {  	[tilespmem:$0x3C0] =	vst v1;
	v1 =	vshra.s32 v6, $0x1  }
0xb4: {  	[tilespmem:$0x3D0] =	vst v1;
	v1 =	vshra.s32 v2, $0x1  }
0xb5: {  	[tilespmem:$0x3E0] =	vst v1;
	v1 =	vshra.s32 v3, $0x1  }
0xb6: {  	s29 =	simm.s32 $0x380;
	s9 =	simm.s32 $0xC400;
	[tilespmem:$0x3F0] =	vst v1  }
0xb7: {  	[tilespmem:s9], [sflag:$0x8] =	stream.indirect.gather [hbm4b:s5+s28], $0x80, s29, s28, $0xb8;
	[tilespmem:$0x14400] =	vst v63  }
0xb8: {  	s7 =	simm.s32 $0x0;
	s31 =	rddreg [dreg:$0x9]  }
0xb9: {  	[tilespmem:s7], [sflag:$0x1] =	stream.linear.gather [hbm4b:s31+s7], $0x80, $0x38;
	[tilespmem:$0x14400] =	vst v63  }
0xba: {  	_ =	swait.ge [sflag:s23], $0x4000  }
0xbb: {  	[sflag:s23] =	ssyncset.done $0x0  }
0xbc: {  	s14 =	simm.s32 $0x0;
	s9 =	simm.s32 $0x12B80;
	[sflag:s23] =	ssyncadd.s32 $0xFFFFC000  }
.LBB2_6:
0xbd: {  	s15 =	sshll.u32 s14, $0x4  }
0xbe: {  	v1 =	vld [tilespmem:s15+$0x80];
	_ =	sdelay $0x2  }
0xbf: {  	s15 =	sor.u32 $0x80, s15  }
0xc0: {  	v2 =	vmov s15  }
0xc1: {  	v2 =	vshll.u32 v2, $0x7;
	v1 =	vshll.u32 v1, $0x6  }
0xc2: {  	v2 =	vor.u32 v0, v2;
	v1 =	vand.u32 $0x40, v1  }
0xc3: {  	s29 =	simm.s32 $0xF;
	v1 =	vor.u32 v2, v1  }
0xc4: {  	s16 =	simm.s32 $0x1;
	v2 =	vor.u32 s29, v1  }
0xc5: {  	s31 =	simm.s32 $0x2;
	v3 =	vor.u32 s16, v1  }
0xc6: {  	s19 =	simm.s32 $0x4;
	v4 =	vor.u32 s31, v1  }
0xc7: {  	s16 =	simm.s32 $0x3;
	v6 =	vor.u32 s19, v1  }
0xc8: {  	s21 =	simm.s32 $0x5;
	v5 =	vor.u32 s16, v1  }
0xc9: {  	s22 =	simm.s32 $0x6;
	v7 =	vor.u32 s21, v1;
	v8 =	vld.idx.msk [tilespmem:v2+s0+$0x0], $0xffff  }
0xca: {  	s31 =	simm.s32 $0x8;
	v3 =	vld.idx.msk [tilespmem:v3+s0+$0x0], $0xffff;
	v2 =	vor.u32 s22, v1  }
0xcb: {  	s29 =	simm.s32 $0x7;
	v12 =	vor.u32 s31, v1;
	v4 =	vld.idx.msk [tilespmem:v4+s0+$0x0], $0xffff  }
0xcc: {  	v9 =	vor.u32 s29, v1;
	s16 =	simm.s32 $0x9;
	v14 =	vld.idx.msk [tilespmem:v6+s0+$0x0], $0xffff  }
0xcd: {  	s19 =	simm.s32 $0xA;
	v6 =	vor.u32 s16, v1;
	v11 =	vld.idx.msk [tilespmem:v5+s0+$0x0], $0xffff  }
0xce: {  	s21 =	simm.s32 $0xB;
	v5 =	vld.idx.msk [tilespmem:v7+s0+$0x0], $0xffff;
	v7 =	vor.u32 s19, v1  }
0xcf: {  	v10 =	vor.u32 s21, v1;
	s22 =	simm.s32 $0xC;
	v2 =	vld.idx.msk [tilespmem:v2+s0+$0x0], $0xffff;
	v8 =	vmul.f32 $8.000000000e+00, v8  }
0xd0: {  	s29 =	simm.s32 $0xD;
	v13 =	vmul.f32 $8.000000000e+00, v3;
	v15 =	vmul.f32 $8.000000000e+00, v4;
	v4 =	vld.idx.msk [tilespmem:v12+s0+$0x0], $0xffff;
	v12 =	vor.u32 s22, v1  }
0xd1: {  	s31 =	simm.s32 $0xE;
	v3 =	vld.idx.msk [tilespmem:v9+s0+$0x0], $0xffff;
	v9 =	vor.u32 s29, v1;
	[tilespmem:s9+$0x0] =	vst v8  }
0xd2: {  	s15 =	simm.s32 $0x10;
	v6 =	vld.idx.msk [tilespmem:v6+s0+$0x0], $0xffff;
	[tilespmem:s9+$0xFFFFF900] =	vst v13;
	v13 =	vmul.f32 $8.000000000e+00, v11;
	v11 =	vor.u32 s31, v1  }
0xd3: {  	s21 =	simm.s32 $0x20;
	s16 =	smov.u32 s9;
	s22 =	simm.s32 $0x1F;
	v14 =	vmul.f32 $8.000000000e+00, v14;
	v7 =	vld.idx.msk [tilespmem:v7+s0+$0x0], $0xffff;
	v8 =	vor.u32 s7, v1;
	[tilespmem:s9+$0xFFFFF980] =	vst v15  }
.LBB2_7:
0xd4: {  	p0 =	slt.u32 s21, $0x30;
	s19 =	sadd.s32 $0x1, s15;
	v15 =	vor.u32 s22, v1;
	[tilespmem:s16+$0xFFFFFA00] =	vst v13;
	v5 =	vmul.f32 $8.000000000e+00, v5;
	v10 =	vld.idx.msk [tilespmem:v10+s0+$0x0], $0xffff  }
0xd5: {  	v2 =	vmul.f32 $8.000000000e+00, v2;
	v13 =	vor.u32 s19, v1;
	s19 =	sadd.s32 $0x2, s15;
	[tilespmem:s16+$0xFFFFFA80] =	vst v14;
	v12 =	vld.idx.msk [tilespmem:v12+s0+$0x0], $0xffff  }
0xd6: {  	v3 =	vmul.f32 $8.000000000e+00, v3;
	v14 =	vor.u32 s19, v1;
	s19 =	sadd.s32 $0x3, s15;
	[tilespmem:s16+$0xFFFFFB00] =	vst v5;
	v5 =	vld.idx.msk [tilespmem:v9+s0+$0x0], $0xffff  }
0xd7: {  	v9 =	vor.u32 s19, v1;
	s19 =	sadd.s32 $0x4, s15;
	[tilespmem:s16+$0xFFFFFB80] =	vst v2;
	v2 =	vmul.f32 $8.000000000e+00, v4;
	v4 =	vld.idx.msk [tilespmem:v11+s0+$0x0], $0xffff  }
0xd8: {  	v11 =	vor.u32 s19, v1;
	s19 =	sadd.s32 $0x5, s15;
	v8 =	vld.idx.msk [tilespmem:v8+s0+$0x0], $0xffff;
	[tilespmem:s16+$0xFFFFFC00] =	vst v3;
	v3 =	vmul.f32 $8.000000000e+00, v6  }
0xd9: {  	v6 =	vor.u32 s19, v1;
	s19 =	sadd.s32 $0x6, s15;
	v15 =	vld.idx.msk [tilespmem:v15+s0+$0x0], $0xffff;
	[tilespmem:s16+$0xFFFFFC80] =	vst v2;
	v2 =	vmul.f32 $8.000000000e+00, v7  }
0xda: {  	v7 =	vld.idx.msk [tilespmem:v13+s0+$0x0], $0xffff;
	v13 =	vor.u32 s19, v1;
	s19 =	sadd.s32 $0x7, s15;
	[tilespmem:s16+$0xFFFFFD00] =	vst v3;
	v3 =	vmul.f32 $8.000000000e+00, v10  }
0xdb: {  	v14 =	vld.idx.msk [tilespmem:v14+s0+$0x0], $0xffff;
	v16 =	vor.u32 s19, v1;
	s19 =	sadd.s32 $0x8, s15;
	[tilespmem:s16+$0xFFFFFD80] =	vst v2;
	v2 =	vmul.f32 $8.000000000e+00, v12  }
0xdc: {  	v17 =	vld.idx.msk [tilespmem:v9+s0+$0x0], $0xffff;
	v9 =	vor.u32 s19, v1;
	s19 =	sadd.s32 $0x9, s15;
	[tilespmem:s16+$0xFFFFFE00] =	vst v3;
	v3 =	vmul.f32 $8.000000000e+00, v5  }
0xdd: {  	v4 =	vmul.f32 $8.000000000e+00, v4;
	v18 =	vld.idx.msk [tilespmem:v11+s0+$0x0], $0xffff;
	v11 =	vor.u32 s19, v1;
	s19 =	sadd.s32 $0xA, s15;
	[tilespmem:s16+$0xFFFFFE80] =	vst v2  }
0xde: {  	v5 =	vld.idx.msk [tilespmem:v6+s0+$0x0], $0xffff;
	v19 =	vor.u32 s19, v1;
	s19 =	sadd.s32 $0xB, s15;
	v6 =	vmul.f32 $8.000000000e+00, v8;
	[tilespmem:s16+$0xFFFFFF00] =	vst v3  }
.Ltmp2:
0xdf: {  	v8 =	vmul.f32 $8.000000000e+00, v15;
	v2 =	vld.idx.msk [tilespmem:v13+s0+$0x0], $0xffff;
	v10 =	vor.u32 s19, v1;
	s19 =	sadd.s32 $0xC, s15;
	[tilespmem:s16+$0xFFFFFF80] =	vst v4;
	(pc) =	sbr.rel @p0 .LBB2_7-.Ltmp2, $4  }
0xe0: {  	v7 =	vmul.f32 $8.000000000e+00, v7;
	v3 =	vld.idx.msk [tilespmem:v16+s0+$0x0], $0xffff;
	v12 =	vor.u32 s19, v1;
	s19 =	sadd.s32 $0xD, s15;
	[tilespmem:s16+$0xFFFFF880] =	vst v6;
	s16 =	sadd.s32 $0x800, s16  }
0xe1: {  	v14 =	vmul.f32 $8.000000000e+00, v14;
	v4 =	vld.idx.msk [tilespmem:v9+s0+$0x0], $0xffff;
	v9 =	vor.u32 s19, v1;
	s19 =	sadd.s32 $0xE, s15;
	[tilespmem:s16+$0x0] =	vst v8  }
0xe2: {  	v13 =	vmul.f32 $8.000000000e+00, v17;
	[tilespmem:s16+$0xFFFFF900] =	vst v7;
	v6 =	vld.idx.msk [tilespmem:v11+s0+$0x0], $0xffff;
	v11 =	vor.u32 s19, v1  }
0xe3: {  	s22 =	sadd.s32 $0xF, s21;
	v8 =	vor.u32 s15, v1;
	s15 =	smov.u32 s21;
	s21 =	sadd.s32 $0x10, s21;
	[tilespmem:s16+$0xFFFFF980] =	vst v14;
	v14 =	vmul.f32 $8.000000000e+00, v18;
	v7 =	vld.idx.msk [tilespmem:v19+s0+$0x0], $0xffff  }
0xe4: {  	_ =	sdelay $0x3  }
0xe5: {  	[tilespmem:s16+$0xFFFFFA00] =	vst v13;
	v5 =	vmul.f32 $8.000000000e+00, v5;
	s19 =	sadd.s32 $0x1, s15;
	v40 =	vor.u32 s22, v1;
	v10 =	vld.idx.msk [tilespmem:v10+s0+$0x0], $0xffff;
	v2 =	vmul.f32 $8.000000000e+00, v2;
	s29 =	sadd.s32 $0x2, s15  }
0xe6: {  	s31 =	sadd.s32 $0x3, s15;
	s21 =	sadd.s32 $0x4, s15;
	s22 =	sadd.s32 $0x5, s15;
	v8 =	vld.idx.msk [tilespmem:v8+s0+$0x0], $0xffff;
	[tilespmem:s16+$0xFFFFFA80] =	vst v14;
	v41 =	vor.u32 s19, v1;
	v3 =	vmul.f32 $8.000000000e+00, v3;
	v42 =	vor.u32 s29, v1  }
0xe7: {  	v43 =	vor.u32 s31, v1;
	v44 =	vor.u32 s21, v1;
	v45 =	vor.u32 s22, v1;
	s29 =	sadd.s32 $0x6, s15;
	s31 =	sadd.s32 $0x7, s15;
	[tilespmem:s16+$0xFFFFFB00] =	vst v5  }
0xe8: {  	v12 =	vld.idx.msk [tilespmem:v12+s0+$0x0], $0xffff;
	s21 =	sadd.s32 $0x8, s15;
	s22 =	sadd.s32 $0x9, s15;
	[tilespmem:s16+$0xFFFFFB80] =	vst v2;
	v2 =	vmul.f32 $8.000000000e+00, v4;
	v47 =	vor.u32 s29, v1;
	v48 =	vor.u32 s31, v1  }
0xe9: {  	v9 =	vld.idx.msk [tilespmem:v9+s0+$0x0], $0xffff;
	v49 =	vor.u32 s21, v1;
	v50 =	vor.u32 s22, v1;
	s29 =	sadd.s32 $0xA, s15;
	s31 =	sadd.s32 $0xB, s15;
	[tilespmem:s16+$0xFFFFFC00] =	vst v3;
	v3 =	vmul.f32 $8.000000000e+00, v6  }
0xea: {  	v11 =	vld.idx.msk [tilespmem:v11+s0+$0x0], $0xffff;
	s21 =	sadd.s32 $0xC, s15;
	v51 =	vor.u32 s29, v1;
	v52 =	vor.u32 s31, v1;
	s29 =	sadd.s32 $0xD, s15;
	[tilespmem:s16+$0xFFFFFC80] =	vst v2;
	v2 =	vmul.f32 $8.000000000e+00, v7  }
0xeb: {  	v54 =	vor.u32 s21, v1;
	s31 =	sadd.s32 $0xE, s15;
	v55 =	vor.u32 s29, v1;
	v13 =	vld.idx.msk [tilespmem:v40+s0+$0x0], $0xffff;
	[tilespmem:s16+$0xFFFFFD00] =	vst v3;
	v3 =	vmul.f32 $8.000000000e+00, v10  }
0xec: {  	v57 =	vor.u32 s31, v1;
	v1 =	vor.u32 s15, v1;
	v8 =	vmul.f32 $8.000000000e+00, v8;
	v46 =	vld.idx.msk [tilespmem:v41+s0+$0x0], $0xffff;
	[tilespmem:s16+$0xFFFFFD80] =	vst v2  }
0xed: {  	v2 =	vmul.f32 $8.000000000e+00, v12;
	v5 =	vld.idx.msk [tilespmem:v42+s0+$0x0], $0xffff;
	[tilespmem:s16+$0xFFFFFE00] =	vst v3  }
0xee: {  	v4 =	vld.idx.msk [tilespmem:v43+s0+$0x0], $0xffff;
	v3 =	vmul.f32 $8.000000000e+00, v9;
	[tilespmem:s16+$0xFFFFF880] =	vst v8  }
0xef: {  	v6 =	vld.idx.msk [tilespmem:v44+s0+$0x0], $0xffff;
	[tilespmem:s16+$0xFFFFFE80] =	vst v2;
	v2 =	vmul.f32 $8.000000000e+00, v11  }
0xf0: {  	[tilespmem:s16+$0xFFFFFF00] =	vst v3;
	v3 =	vld.idx.msk [tilespmem:v45+s0+$0x0], $0xffff;
	v13 =	vmul.f32 $8.000000000e+00, v13  }
0xf1: {  	s22 =	sadd.s32 $0x800, s16;
	v1 =	vld.idx.msk [tilespmem:v1+s0+$0x0], $0xffff;
	[tilespmem:s16+$0xFFFFFF80] =	vst v2;
	v10 =	vmul.f32 $8.000000000e+00, v46  }
0xf2: {  	v2 =	vld.idx.msk [tilespmem:v47+s0+$0x0], $0xffff;
	v5 =	vmul.f32 $8.000000000e+00, v5;
	[tilespmem:s22+$0x0] =	vst v13  }
0xf3: {  	v53 =	vld.idx.msk [tilespmem:v48+s0+$0x0], $0xffff;
	v4 =	vmul.f32 $8.000000000e+00, v4;
	[tilespmem:s22+$0xFFFFF900] =	vst v10  }
0xf4: {  	v9 =	vld.idx.msk [tilespmem:v49+s0+$0x0], $0xffff;
	v58 =	vmul.f32 $8.000000000e+00, v6;
	[tilespmem:s22+$0xFFFFF980] =	vst v5  }
0xf5: {  	v56 =	vld.idx.msk [tilespmem:v50+s0+$0x0], $0xffff;
	[tilespmem:s22+$0xFFFFFA00] =	vst v4;
	v3 =	vmul.f32 $8.000000000e+00, v3  }
0xf6: {  	v59 =	vld.idx.msk [tilespmem:v51+s0+$0x0], $0xffff;
	[tilespmem:s22+$0xFFFFFA80] =	vst v58;
	v1 =	vmul.f32 $8.000000000e+00, v1  }
0xf7: {  	v60 =	vld.idx.msk [tilespmem:v52+s0+$0x0], $0xffff;
	v2 =	vmul.f32 $8.000000000e+00, v2;
	[tilespmem:s22+$0xFFFFFB00] =	vst v3  }
0xf8: {  	v61 =	vld.idx.msk [tilespmem:v54+s0+$0x0], $0xffff;
	v3 =	vmul.f32 $8.000000000e+00, v53;
	[tilespmem:s22+$0xFFFFF880] =	vst v1  }
0xf9: {  	v62 =	vld.idx.msk [tilespmem:v55+s0+$0x0], $0xffff;
	[tilespmem:s22+$0xFFFFFB80] =	vst v2;
	v2 =	vmul.f32 $8.000000000e+00, v9  }
0xfa: {  	v63 =	vld.idx.msk [tilespmem:v57+s0+$0x0], $0xffff;
	[tilespmem:s22+$0xFFFFFC00] =	vst v3;
	v3 =	vmul.f32 $8.000000000e+00, v56  }
0xfb: {  	s14 =	sadd.s32 $0x1, s14;
	[tilespmem:s22+$0xFFFFFC80] =	vst v2;
	v2 =	vmul.f32 $8.000000000e+00, v59  }
0xfc: {  	p0 =	sne.s32 s14, $0x8;
	[tilespmem:s22+$0xFFFFFD00] =	vst v3;
	v3 =	vmul.f32 $8.000000000e+00, v60  }
.Ltmp3:
0xfd: {  	[tilespmem:s22+$0xFFFFFD80] =	vst v2;
	v2 =	vmul.f32 $8.000000000e+00, v61;
	(pc) =	sbr.rel @p0 .LBB2_6-.Ltmp3, $4  }
0xfe: {  	[tilespmem:s22+$0xFFFFFE00] =	vst v3;
	v3 =	vmul.f32 $8.000000000e+00, v62  }
0xff: {  	[tilespmem:s22+$0xFFFFFE80] =	vst v2;
	v2 =	vmul.f32 $8.000000000e+00, v63  }
0x100: {  	[tilespmem:s22+$0xFFFFFF00] =	vst v3  }
0x101: {  	s9 =	sadd.s32 $0x10, s9;
	[tilespmem:s22+$0xFFFFFF80] =	vst v2  }
0x102: {  	s7 =	rddreg [dreg:$0xa];
	s9 =	simm.s32 $0x12400  }
0x103: {  	[hbm4b:s7+s0] =	stream.strided.scatter [tilespmem:s9], [sflag:$0xA], $0x2000, s18, s0, $0x38;
	[tilespmem:$0x14400] =	vst v63  }
0x104: {  	_ =	swait.ge [sflag:s30], $0x80  }
0x105: {  	[sflag:s30] =	ssyncset.done $0x0  }
0x106: {  	[sflag:s30] =	ssyncadd.s32 $0xFFFFFF80  }
0x107: {  	v1 =	vld [tilespmem:$0x0]  }
0x108: {  	v2 =	vld [tilespmem:$0x10]  }
0x109: {  	v3 =	vld [tilespmem:$0x20]  }
0x10a: {  	v4 =	vld [tilespmem:$0x30]  }
0x10b: {  	v5 =	vld [tilespmem:$0x40]  }
0x10c: {  	v6 =	vld [tilespmem:$0x50];
	v1 =	vshra.s32 v1, $0x1  }
0x10d: {  	[tilespmem:$0x200] =	vst v1;
	v1 =	vshra.s32 v2, $0x1;
	v2 =	vld [tilespmem:$0x60]  }
0x10e: {  	[tilespmem:$0x210] =	vst v1;
	v1 =	vshra.s32 v3, $0x1;
	v3 =	vld [tilespmem:$0x70]  }
0x10f: {  	[tilespmem:$0x220] =	vst v1;
	v1 =	vshra.s32 v4, $0x1  }
0x110: {  	[tilespmem:$0x230] =	vst v1;
	v1 =	vshra.s32 v5, $0x1  }
0x111: {  	[tilespmem:$0x240] =	vst v1;
	v1 =	vshra.s32 v6, $0x1  }
0x112: {  	[tilespmem:$0x250] =	vst v1;
	v1 =	vshra.s32 v2, $0x1  }
0x113: {  	[tilespmem:$0x260] =	vst v1;
	v1 =	vshra.s32 v3, $0x1  }
0x114: {  	s29 =	simm.s32 $0x200;
	[tilespmem:$0x270] =	vst v1  }
0x115: {  	[tilespmem:s0], [sflag:$0x5] =	stream.indirect.gather [hbm4b:s5+s28], $0x80, s29, s28, $0xb8;
	[tilespmem:$0x14400] =	vst v63  }
0x116: {  	s7 =	simm.s32 $0x0;
	s31 =	rddreg [dreg:$0xb]  }
0x117: {  	[tilespmem:s28], [sflag:$0x2] =	stream.linear.gather [hbm4b:s31+s7], $0x80, $0x38;
	[tilespmem:$0x14400] =	vst v63  }
0x118: {  	_ =	swait.ge [sflag:s25], $0x4000  }
0x119: {  	[sflag:s25] =	ssyncset.done $0x0  }
0x11a: {  	[sflag:s25] =	ssyncadd.s32 $0xFFFFC000  }
0x11b: {  	_ =	swait.ge [sflag:s26], $0x2000  }
0x11c: {  	[sflag:s26] =	ssyncset.done $0x0  }
0x11d: {  	s14 =	simm.s32 $0x0;
	s9 =	simm.s32 $0x10800;
	[sflag:s26] =	ssyncadd.s32 $0xFFFFE000  }
.LBB2_10:
0x11e: {  	s15 =	sshll.u32 s14, $0x4  }
0x11f: {  	v1 =	vld [tilespmem:s15+$0x100];
	_ =	sdelay $0x2  }
0x120: {  	s15 =	sor.u32 $0x100, s15  }
0x121: {  	v2 =	vmov s15  }
0x122: {  	v2 =	vshll.u32 v2, $0x7;
	v1 =	vshll.u32 v1, $0x6  }
0x123: {  	v2 =	vor.u32 v0, v2;
	v1 =	vand.u32 $0x40, v1  }
0x124: {  	s29 =	simm.s32 $0xF;
	v1 =	vor.u32 v2, v1  }
0x125: {  	s16 =	simm.s32 $0x1;
	v2 =	vor.u32 s29, v1  }
0x126: {  	s31 =	simm.s32 $0x2;
	v3 =	vor.u32 s16, v1  }
0x127: {  	s19 =	simm.s32 $0x4;
	v4 =	vor.u32 s31, v1  }
0x128: {  	s16 =	simm.s32 $0x3;
	v6 =	vor.u32 s19, v1  }
0x129: {  	s21 =	simm.s32 $0x5;
	v5 =	vor.u32 s16, v1  }
0x12a: {  	s22 =	simm.s32 $0x6;
	v7 =	vor.u32 s21, v1;
	v8 =	vld.idx.msk [tilespmem:v2+s0+$0x0], $0xffff  }
0x12b: {  	s31 =	simm.s32 $0x8;
	v3 =	vld.idx.msk [tilespmem:v3+s0+$0x0], $0xffff;
	v2 =	vor.u32 s22, v1  }
0x12c: {  	s29 =	simm.s32 $0x7;
	v12 =	vor.u32 s31, v1;
	v4 =	vld.idx.msk [tilespmem:v4+s0+$0x0], $0xffff  }
0x12d: {  	v9 =	vor.u32 s29, v1;
	s16 =	simm.s32 $0x9;
	v14 =	vld.idx.msk [tilespmem:v6+s0+$0x0], $0xffff  }
0x12e: {  	s19 =	simm.s32 $0xA;
	v6 =	vor.u32 s16, v1;
	v11 =	vld.idx.msk [tilespmem:v5+s0+$0x0], $0xffff  }
0x12f: {  	s21 =	simm.s32 $0xB;
	v5 =	vld.idx.msk [tilespmem:v7+s0+$0x0], $0xffff;
	v7 =	vor.u32 s19, v1  }
0x130: {  	v10 =	vor.u32 s21, v1;
	s22 =	simm.s32 $0xC;
	v2 =	vld.idx.msk [tilespmem:v2+s0+$0x0], $0xffff;
	v8 =	vmul.f32 $8.000000000e+00, v8  }
0x131: {  	s29 =	simm.s32 $0xD;
	v13 =	vmul.f32 $8.000000000e+00, v3;
	v15 =	vmul.f32 $8.000000000e+00, v4;
	v4 =	vld.idx.msk [tilespmem:v12+s0+$0x0], $0xffff;
	v12 =	vor.u32 s22, v1  }
0x132: {  	s31 =	simm.s32 $0xE;
	v3 =	vld.idx.msk [tilespmem:v9+s0+$0x0], $0xffff;
	v9 =	vor.u32 s29, v1;
	[tilespmem:s9+$0x380] =	vst v8  }
0x133: {  	s15 =	simm.s32 $0x10;
	v6 =	vld.idx.msk [tilespmem:v6+s0+$0x0], $0xffff;
	[tilespmem:s9+$0xFFFFFC80] =	vst v13;
	v13 =	vmul.f32 $8.000000000e+00, v11;
	v11 =	vor.u32 s31, v1  }
0x134: {  	s21 =	simm.s32 $0x20;
	s16 =	smov.u32 s9;
	s22 =	simm.s32 $0x1F;
	v14 =	vmul.f32 $8.000000000e+00, v14;
	v7 =	vld.idx.msk [tilespmem:v7+s0+$0x0], $0xffff;
	v8 =	vor.u32 s7, v1;
	[tilespmem:s9+$0xFFFFFD00] =	vst v15  }
.LBB2_11:
0x135: {  	p0 =	slt.u32 s21, $0x30;
	s19 =	sadd.s32 $0x1, s15;
	v15 =	vor.u32 s22, v1;
	[tilespmem:s16+$0xFFFFFD80] =	vst v13;
	v5 =	vmul.f32 $8.000000000e+00, v5;
	v10 =	vld.idx.msk [tilespmem:v10+s0+$0x0], $0xffff  }
0x136: {  	v2 =	vmul.f32 $8.000000000e+00, v2;
	v13 =	vor.u32 s19, v1;
	s19 =	sadd.s32 $0x2, s15;
	[tilespmem:s16+$0xFFFFFE00] =	vst v14;
	v12 =	vld.idx.msk [tilespmem:v12+s0+$0x0], $0xffff  }
0x137: {  	v3 =	vmul.f32 $8.000000000e+00, v3;
	v14 =	vor.u32 s19, v1;
	s19 =	sadd.s32 $0x3, s15;
	[tilespmem:s16+$0xFFFFFE80] =	vst v5;
	v5 =	vld.idx.msk [tilespmem:v9+s0+$0x0], $0xffff  }
0x138: {  	v9 =	vor.u32 s19, v1;
	s19 =	sadd.s32 $0x4, s15;
	[tilespmem:s16+$0xFFFFFF00] =	vst v2;
	v2 =	vmul.f32 $8.000000000e+00, v4;
	v4 =	vld.idx.msk [tilespmem:v11+s0+$0x0], $0xffff  }
0x139: {  	v11 =	vor.u32 s19, v1;
	s19 =	sadd.s32 $0x5, s15;
	v8 =	vld.idx.msk [tilespmem:v8+s0+$0x0], $0xffff;
	[tilespmem:s16+$0xFFFFFF80] =	vst v3;
	v3 =	vmul.f32 $8.000000000e+00, v6  }
0x13a: {  	v6 =	vor.u32 s19, v1;
	s19 =	sadd.s32 $0x6, s15;
	v15 =	vld.idx.msk [tilespmem:v15+s0+$0x0], $0xffff;
	[tilespmem:s16+$0x0] =	vst v2;
	v2 =	vmul.f32 $8.000000000e+00, v7  }
0x13b: {  	v7 =	vld.idx.msk [tilespmem:v13+s0+$0x0], $0xffff;
	v13 =	vor.u32 s19, v1;
	s19 =	sadd.s32 $0x7, s15;
	[tilespmem:s16+$0x80] =	vst v3;
	v3 =	vmul.f32 $8.000000000e+00, v10  }
0x13c: {  	v14 =	vld.idx.msk [tilespmem:v14+s0+$0x0], $0xffff;
	v16 =	vor.u32 s19, v1;
	s19 =	sadd.s32 $0x8, s15;
	[tilespmem:s16+$0x100] =	vst v2;
	v2 =	vmul.f32 $8.000000000e+00, v12  }
0x13d: {  	v17 =	vld.idx.msk [tilespmem:v9+s0+$0x0], $0xffff;
	v9 =	vor.u32 s19, v1;
	s19 =	sadd.s32 $0x9, s15;
	[tilespmem:s16+$0x180] =	vst v3;
	v3 =	vmul.f32 $8.000000000e+00, v5  }
0x13e: {  	v4 =	vmul.f32 $8.000000000e+00, v4;
	v18 =	vld.idx.msk [tilespmem:v11+s0+$0x0], $0xffff;
	v11 =	vor.u32 s19, v1;
	s19 =	sadd.s32 $0xA, s15;
	[tilespmem:s16+$0x200] =	vst v2  }
0x13f: {  	v5 =	vld.idx.msk [tilespmem:v6+s0+$0x0], $0xffff;
	v19 =	vor.u32 s19, v1;
	s19 =	sadd.s32 $0xB, s15;
	v6 =	vmul.f32 $8.000000000e+00, v8;
	[tilespmem:s16+$0x280] =	vst v3  }
.Ltmp4:
0x140: {  	v8 =	vmul.f32 $8.000000000e+00, v15;
	v2 =	vld.idx.msk [tilespmem:v13+s0+$0x0], $0xffff;
	v10 =	vor.u32 s19, v1;
	s19 =	sadd.s32 $0xC, s15;
	[tilespmem:s16+$0x300] =	vst v4;
	(pc) =	sbr.rel @p0 .LBB2_11-.Ltmp4, $4  }
0x141: {  	v7 =	vmul.f32 $8.000000000e+00, v7;
	v3 =	vld.idx.msk [tilespmem:v16+s0+$0x0], $0xffff;
	v12 =	vor.u32 s19, v1;
	s19 =	sadd.s32 $0xD, s15;
	[tilespmem:s16+$0xFFFFFC00] =	vst v6;
	s16 =	sadd.s32 $0x800, s16  }
0x142: {  	v14 =	vmul.f32 $8.000000000e+00, v14;
	v4 =	vld.idx.msk [tilespmem:v9+s0+$0x0], $0xffff;
	v9 =	vor.u32 s19, v1;
	s19 =	sadd.s32 $0xE, s15;
	[tilespmem:s16+$0x380] =	vst v8  }
0x143: {  	v13 =	vmul.f32 $8.000000000e+00, v17;
	[tilespmem:s16+$0xFFFFFC80] =	vst v7;
	v6 =	vld.idx.msk [tilespmem:v11+s0+$0x0], $0xffff;
	v11 =	vor.u32 s19, v1  }
0x144: {  	s22 =	sadd.s32 $0xF, s21;
	v8 =	vor.u32 s15, v1;
	s15 =	smov.u32 s21;
	s21 =	sadd.s32 $0x10, s21;
	[tilespmem:s16+$0xFFFFFD00] =	vst v14;
	v14 =	vmul.f32 $8.000000000e+00, v18;
	v7 =	vld.idx.msk [tilespmem:v19+s0+$0x0], $0xffff  }
0x145: {  	_ =	sdelay $0x3  }
0x146: {  	[tilespmem:s16+$0xFFFFFD80] =	vst v13;
	v5 =	vmul.f32 $8.000000000e+00, v5;
	s19 =	sadd.s32 $0x1, s15;
	v40 =	vor.u32 s22, v1;
	v10 =	vld.idx.msk [tilespmem:v10+s0+$0x0], $0xffff;
	v2 =	vmul.f32 $8.000000000e+00, v2;
	s29 =	sadd.s32 $0x2, s15  }
0x147: {  	s31 =	sadd.s32 $0x3, s15;
	s21 =	sadd.s32 $0x4, s15;
	s22 =	sadd.s32 $0x5, s15;
	v8 =	vld.idx.msk [tilespmem:v8+s0+$0x0], $0xffff;
	[tilespmem:s16+$0xFFFFFE00] =	vst v14;
	v41 =	vor.u32 s19, v1;
	v3 =	vmul.f32 $8.000000000e+00, v3;
	v42 =	vor.u32 s29, v1  }
0x148: {  	v43 =	vor.u32 s31, v1;
	v44 =	vor.u32 s21, v1;
	v45 =	vor.u32 s22, v1;
	s29 =	sadd.s32 $0x6, s15;
	s31 =	sadd.s32 $0x7, s15;
	[tilespmem:s16+$0xFFFFFE80] =	vst v5  }
0x149: {  	v12 =	vld.idx.msk [tilespmem:v12+s0+$0x0], $0xffff;
	s21 =	sadd.s32 $0x8, s15;
	s22 =	sadd.s32 $0x9, s15;
	[tilespmem:s16+$0xFFFFFF00] =	vst v2;
	v2 =	vmul.f32 $8.000000000e+00, v4;
	v47 =	vor.u32 s29, v1;
	v48 =	vor.u32 s31, v1  }
0x14a: {  	v9 =	vld.idx.msk [tilespmem:v9+s0+$0x0], $0xffff;
	v49 =	vor.u32 s21, v1;
	v50 =	vor.u32 s22, v1;
	s29 =	sadd.s32 $0xA, s15;
	s31 =	sadd.s32 $0xB, s15;
	[tilespmem:s16+$0xFFFFFF80] =	vst v3;
	v3 =	vmul.f32 $8.000000000e+00, v6  }
0x14b: {  	v11 =	vld.idx.msk [tilespmem:v11+s0+$0x0], $0xffff;
	s21 =	sadd.s32 $0xC, s15;
	v51 =	vor.u32 s29, v1;
	v52 =	vor.u32 s31, v1;
	s29 =	sadd.s32 $0xD, s15;
	[tilespmem:s16+$0x0] =	vst v2;
	v2 =	vmul.f32 $8.000000000e+00, v7  }
0x14c: {  	v54 =	vor.u32 s21, v1;
	s31 =	sadd.s32 $0xE, s15;
	v55 =	vor.u32 s29, v1;
	v13 =	vld.idx.msk [tilespmem:v40+s0+$0x0], $0xffff;
	[tilespmem:s16+$0x80] =	vst v3;
	v3 =	vmul.f32 $8.000000000e+00, v10  }
0x14d: {  	v57 =	vor.u32 s31, v1;
	v1 =	vor.u32 s15, v1;
	v8 =	vmul.f32 $8.000000000e+00, v8;
	v46 =	vld.idx.msk [tilespmem:v41+s0+$0x0], $0xffff;
	[tilespmem:s16+$0x100] =	vst v2  }
0x14e: {  	v2 =	vmul.f32 $8.000000000e+00, v12;
	v5 =	vld.idx.msk [tilespmem:v42+s0+$0x0], $0xffff;
	[tilespmem:s16+$0x180] =	vst v3  }
0x14f: {  	v4 =	vld.idx.msk [tilespmem:v43+s0+$0x0], $0xffff;
	v3 =	vmul.f32 $8.000000000e+00, v9;
	[tilespmem:s16+$0xFFFFFC00] =	vst v8  }
0x150: {  	v6 =	vld.idx.msk [tilespmem:v44+s0+$0x0], $0xffff;
	[tilespmem:s16+$0x200] =	vst v2;
	v2 =	vmul.f32 $8.000000000e+00, v11  }
0x151: {  	[tilespmem:s16+$0x280] =	vst v3;
	v3 =	vld.idx.msk [tilespmem:v45+s0+$0x0], $0xffff;
	v13 =	vmul.f32 $8.000000000e+00, v13  }
0x152: {  	s22 =	sadd.s32 $0x800, s16;
	v1 =	vld.idx.msk [tilespmem:v1+s0+$0x0], $0xffff;
	[tilespmem:s16+$0x300] =	vst v2;
	v10 =	vmul.f32 $8.000000000e+00, v46  }
0x153: {  	v2 =	vld.idx.msk [tilespmem:v47+s0+$0x0], $0xffff;
	v5 =	vmul.f32 $8.000000000e+00, v5;
	[tilespmem:s22+$0x380] =	vst v13  }
0x154: {  	v53 =	vld.idx.msk [tilespmem:v48+s0+$0x0], $0xffff;
	v4 =	vmul.f32 $8.000000000e+00, v4;
	[tilespmem:s22+$0xFFFFFC80] =	vst v10  }
0x155: {  	v9 =	vld.idx.msk [tilespmem:v49+s0+$0x0], $0xffff;
	v58 =	vmul.f32 $8.000000000e+00, v6;
	[tilespmem:s22+$0xFFFFFD00] =	vst v5  }
0x156: {  	v56 =	vld.idx.msk [tilespmem:v50+s0+$0x0], $0xffff;
	[tilespmem:s22+$0xFFFFFD80] =	vst v4;
	v3 =	vmul.f32 $8.000000000e+00, v3  }
0x157: {  	v59 =	vld.idx.msk [tilespmem:v51+s0+$0x0], $0xffff;
	[tilespmem:s22+$0xFFFFFE00] =	vst v58;
	v1 =	vmul.f32 $8.000000000e+00, v1  }
0x158: {  	v60 =	vld.idx.msk [tilespmem:v52+s0+$0x0], $0xffff;
	v2 =	vmul.f32 $8.000000000e+00, v2;
	[tilespmem:s22+$0xFFFFFE80] =	vst v3  }
0x159: {  	v61 =	vld.idx.msk [tilespmem:v54+s0+$0x0], $0xffff;
	v3 =	vmul.f32 $8.000000000e+00, v53;
	[tilespmem:s22+$0xFFFFFC00] =	vst v1  }
0x15a: {  	v62 =	vld.idx.msk [tilespmem:v55+s0+$0x0], $0xffff;
	[tilespmem:s22+$0xFFFFFF00] =	vst v2;
	v2 =	vmul.f32 $8.000000000e+00, v9  }
0x15b: {  	v63 =	vld.idx.msk [tilespmem:v57+s0+$0x0], $0xffff;
	[tilespmem:s22+$0xFFFFFF80] =	vst v3;
	v3 =	vmul.f32 $8.000000000e+00, v56  }
0x15c: {  	s14 =	sadd.s32 $0x1, s14;
	[tilespmem:s22+$0x0] =	vst v2;
	v2 =	vmul.f32 $8.000000000e+00, v59  }
0x15d: {  	p0 =	sne.s32 s14, $0x8;
	[tilespmem:s22+$0x80] =	vst v3;
	v3 =	vmul.f32 $8.000000000e+00, v60  }
.Ltmp5:
0x15e: {  	[tilespmem:s22+$0x100] =	vst v2;
	v2 =	vmul.f32 $8.000000000e+00, v61;
	(pc) =	sbr.rel @p0 .LBB2_10-.Ltmp5, $4  }
0x15f: {  	[tilespmem:s22+$0x180] =	vst v3;
	v3 =	vmul.f32 $8.000000000e+00, v62  }
0x160: {  	[tilespmem:s22+$0x200] =	vst v2;
	v2 =	vmul.f32 $8.000000000e+00, v63  }
0x161: {  	[tilespmem:s22+$0x280] =	vst v3  }
0x162: {  	s9 =	sadd.s32 $0x10, s9;
	[tilespmem:s22+$0x300] =	vst v2  }
0x163: {  	s7 =	rddreg [dreg:$0xc]  }
0x164: {  	[hbm4b:s7+s0] =	stream.strided.scatter [tilespmem:s24], [sflag:$0x9], $0x2000, s18, s0, $0x38;
	[tilespmem:$0x14400] =	vst v63  }
0x165: {  	_ =	swait.ge [sflag:s3], $0x80  }
0x166: {  	[sflag:s3] =	ssyncset.done $0x0  }
0x167: {  	[sflag:s3] =	ssyncadd.s32 $0xFFFFFF80  }
0x168: {  	v1 =	vld [tilespmem:$0x80]  }
0x169: {  	v2 =	vld [tilespmem:$0x90]  }
0x16a: {  	v3 =	vld [tilespmem:$0xA0]  }
0x16b: {  	v4 =	vld [tilespmem:$0xB0]  }
0x16c: {  	v5 =	vld [tilespmem:$0xC0]  }
0x16d: {  	v6 =	vld [tilespmem:$0xD0];
	v1 =	vshra.s32 v1, $0x1  }
0x16e: {  	[tilespmem:$0x280] =	vst v1;
	v1 =	vshra.s32 v2, $0x1;
	v2 =	vld [tilespmem:$0xE0]  }
0x16f: {  	[tilespmem:$0x290] =	vst v1;
	v1 =	vshra.s32 v3, $0x1;
	v3 =	vld [tilespmem:$0xF0]  }
0x170: {  	[tilespmem:$0x2A0] =	vst v1;
	v1 =	vshra.s32 v4, $0x1  }
0x171: {  	[tilespmem:$0x2B0] =	vst v1;
	v1 =	vshra.s32 v5, $0x1  }
0x172: {  	[tilespmem:$0x2C0] =	vst v1;
	v1 =	vshra.s32 v6, $0x1  }
0x173: {  	[tilespmem:$0x2D0] =	vst v1;
	v1 =	vshra.s32 v2, $0x1  }
0x174: {  	[tilespmem:$0x2E0] =	vst v1;
	v1 =	vshra.s32 v3, $0x1  }
0x175: {  	s29 =	simm.s32 $0x280;
	s9 =	simm.s32 $0x4400;
	[tilespmem:$0x2F0] =	vst v1  }
0x176: {  	[tilespmem:s9], [sflag:$0x6] =	stream.indirect.gather [hbm4b:s5+s28], $0x80, s29, s28, $0xb8;
	[tilespmem:$0x14400] =	vst v63  }
0x177: {  	s14 =	simm.s32 $0x100;
	s7 =	simm.s32 $0x0;
	s31 =	rddreg [dreg:$0xd]  }
0x178: {  	[tilespmem:s14], [sflag:$0x3] =	stream.linear.gather [hbm4b:s31+s7], $0x80, $0x38;
	[tilespmem:$0x14400] =	vst v63  }
0x179: {  	_ =	swait.ge [sflag:s13], $0x4000  }
0x17a: {  	[sflag:s13] =	ssyncset.done $0x0  }
0x17b: {  	[sflag:s13] =	ssyncadd.s32 $0xFFFFC000  }
0x17c: {  	_ =	swait.ge [sflag:s4], $0x2000  }
0x17d: {  	[sflag:s4] =	ssyncset.done $0x0  }
0x17e: {  	s9 =	simm.s32 $0x12B80;
	s14 =	simm.s32 $0x0;
	[sflag:s4] =	ssyncadd.s32 $0xFFFFE000  }
.LBB2_14:
0x17f: {  	s15 =	sshll.u32 s14, $0x4  }
0x180: {  	v1 =	vld [tilespmem:s15+$0x180];
	_ =	sdelay $0x2  }
0x181: {  	s15 =	sor.u32 $0x180, s15  }
0x182: {  	v2 =	vmov s15  }
0x183: {  	v2 =	vshll.u32 v2, $0x7;
	v1 =	vshll.u32 v1, $0x6  }
0x184: {  	v2 =	vor.u32 v0, v2;
	v1 =	vand.u32 $0x40, v1  }
0x185: {  	s29 =	simm.s32 $0xF;
	v1 =	vor.u32 v2, v1  }
0x186: {  	s16 =	simm.s32 $0x1;
	v2 =	vor.u32 s29, v1  }
0x187: {  	s31 =	simm.s32 $0x2;
	v3 =	vor.u32 s16, v1  }
0x188: {  	s19 =	simm.s32 $0x4;
	v4 =	vor.u32 s31, v1  }
0x189: {  	s16 =	simm.s32 $0x3;
	v6 =	vor.u32 s19, v1  }
0x18a: {  	s21 =	simm.s32 $0x5;
	v5 =	vor.u32 s16, v1  }
0x18b: {  	s22 =	simm.s32 $0x6;
	v7 =	vor.u32 s21, v1;
	v8 =	vld.idx.msk [tilespmem:v2+s0+$0x0], $0xffff  }
0x18c: {  	s31 =	simm.s32 $0x8;
	v3 =	vld.idx.msk [tilespmem:v3+s0+$0x0], $0xffff;
	v2 =	vor.u32 s22, v1  }
0x18d: {  	s29 =	simm.s32 $0x7;
	v12 =	vor.u32 s31, v1;
	v4 =	vld.idx.msk [tilespmem:v4+s0+$0x0], $0xffff  }
0x18e: {  	v9 =	vor.u32 s29, v1;
	s16 =	simm.s32 $0x9;
	v14 =	vld.idx.msk [tilespmem:v6+s0+$0x0], $0xffff  }
0x18f: {  	s19 =	simm.s32 $0xA;
	v6 =	vor.u32 s16, v1;
	v11 =	vld.idx.msk [tilespmem:v5+s0+$0x0], $0xffff  }
0x190: {  	s21 =	simm.s32 $0xB;
	v5 =	vld.idx.msk [tilespmem:v7+s0+$0x0], $0xffff;
	v7 =	vor.u32 s19, v1  }
0x191: {  	v10 =	vor.u32 s21, v1;
	s22 =	simm.s32 $0xC;
	v2 =	vld.idx.msk [tilespmem:v2+s0+$0x0], $0xffff;
	v8 =	vmul.f32 $8.000000000e+00, v8  }
0x192: {  	s29 =	simm.s32 $0xD;
	v13 =	vmul.f32 $8.000000000e+00, v3;
	v15 =	vmul.f32 $8.000000000e+00, v4;
	v4 =	vld.idx.msk [tilespmem:v12+s0+$0x0], $0xffff;
	v12 =	vor.u32 s22, v1  }
0x193: {  	s31 =	simm.s32 $0xE;
	v3 =	vld.idx.msk [tilespmem:v9+s0+$0x0], $0xffff;
	v9 =	vor.u32 s29, v1;
	[tilespmem:s9+$0x0] =	vst v8  }
0x194: {  	s15 =	simm.s32 $0x10;
	v6 =	vld.idx.msk [tilespmem:v6+s0+$0x0], $0xffff;
	[tilespmem:s9+$0xFFFFF900] =	vst v13;
	v13 =	vmul.f32 $8.000000000e+00, v11;
	v11 =	vor.u32 s31, v1  }
0x195: {  	s21 =	simm.s32 $0x20;
	s16 =	smov.u32 s9;
	s22 =	simm.s32 $0x1F;
	v14 =	vmul.f32 $8.000000000e+00, v14;
	v7 =	vld.idx.msk [tilespmem:v7+s0+$0x0], $0xffff;
	v8 =	vor.u32 s7, v1;
	[tilespmem:s9+$0xFFFFF980] =	vst v15  }
.LBB2_15:
0x196: {  	p0 =	slt.u32 s21, $0x30;
	s19 =	sadd.s32 $0x1, s15;
	v15 =	vor.u32 s22, v1;
	[tilespmem:s16+$0xFFFFFA00] =	vst v13;
	v5 =	vmul.f32 $8.000000000e+00, v5;
	v10 =	vld.idx.msk [tilespmem:v10+s0+$0x0], $0xffff  }
0x197: {  	v2 =	vmul.f32 $8.000000000e+00, v2;
	v13 =	vor.u32 s19, v1;
	s19 =	sadd.s32 $0x2, s15;
	[tilespmem:s16+$0xFFFFFA80] =	vst v14;
	v12 =	vld.idx.msk [tilespmem:v12+s0+$0x0], $0xffff  }
0x198: {  	v3 =	vmul.f32 $8.000000000e+00, v3;
	v14 =	vor.u32 s19, v1;
	s19 =	sadd.s32 $0x3, s15;
	[tilespmem:s16+$0xFFFFFB00] =	vst v5;
	v5 =	vld.idx.msk [tilespmem:v9+s0+$0x0], $0xffff  }
0x199: {  	v9 =	vor.u32 s19, v1;
	s19 =	sadd.s32 $0x4, s15;
	[tilespmem:s16+$0xFFFFFB80] =	vst v2;
	v2 =	vmul.f32 $8.000000000e+00, v4;
	v4 =	vld.idx.msk [tilespmem:v11+s0+$0x0], $0xffff  }
0x19a: {  	v11 =	vor.u32 s19, v1;
	s19 =	sadd.s32 $0x5, s15;
	v8 =	vld.idx.msk [tilespmem:v8+s0+$0x0], $0xffff;
	[tilespmem:s16+$0xFFFFFC00] =	vst v3;
	v3 =	vmul.f32 $8.000000000e+00, v6  }
0x19b: {  	v6 =	vor.u32 s19, v1;
	s19 =	sadd.s32 $0x6, s15;
	v15 =	vld.idx.msk [tilespmem:v15+s0+$0x0], $0xffff;
	[tilespmem:s16+$0xFFFFFC80] =	vst v2;
	v2 =	vmul.f32 $8.000000000e+00, v7  }
0x19c: {  	v7 =	vld.idx.msk [tilespmem:v13+s0+$0x0], $0xffff;
	v13 =	vor.u32 s19, v1;
	s19 =	sadd.s32 $0x7, s15;
	[tilespmem:s16+$0xFFFFFD00] =	vst v3;
	v3 =	vmul.f32 $8.000000000e+00, v10  }
0x19d: {  	v14 =	vld.idx.msk [tilespmem:v14+s0+$0x0], $0xffff;
	v16 =	vor.u32 s19, v1;
	s19 =	sadd.s32 $0x8, s15;
	[tilespmem:s16+$0xFFFFFD80] =	vst v2;
	v2 =	vmul.f32 $8.000000000e+00, v12  }
0x19e: {  	v17 =	vld.idx.msk [tilespmem:v9+s0+$0x0], $0xffff;
	v9 =	vor.u32 s19, v1;
	s19 =	sadd.s32 $0x9, s15;
	[tilespmem:s16+$0xFFFFFE00] =	vst v3;
	v3 =	vmul.f32 $8.000000000e+00, v5  }
0x19f: {  	v4 =	vmul.f32 $8.000000000e+00, v4;
	v18 =	vld.idx.msk [tilespmem:v11+s0+$0x0], $0xffff;
	v11 =	vor.u32 s19, v1;
	s19 =	sadd.s32 $0xA, s15;
	[tilespmem:s16+$0xFFFFFE80] =	vst v2  }
0x1a0: {  	v5 =	vld.idx.msk [tilespmem:v6+s0+$0x0], $0xffff;
	v19 =	vor.u32 s19, v1;
	s19 =	sadd.s32 $0xB, s15;
	v6 =	vmul.f32 $8.000000000e+00, v8;
	[tilespmem:s16+$0xFFFFFF00] =	vst v3  }
.Ltmp6:
0x1a1: {  	v8 =	vmul.f32 $8.000000000e+00, v15;
	v2 =	vld.idx.msk [tilespmem:v13+s0+$0x0], $0xffff;
	v10 =	vor.u32 s19, v1;
	s19 =	sadd.s32 $0xC, s15;
	[tilespmem:s16+$0xFFFFFF80] =	vst v4;
	(pc) =	sbr.rel @p0 .LBB2_15-.Ltmp6, $4  }
0x1a2: {  	v7 =	vmul.f32 $8.000000000e+00, v7;
	v3 =	vld.idx.msk [tilespmem:v16+s0+$0x0], $0xffff;
	v12 =	vor.u32 s19, v1;
	s19 =	sadd.s32 $0xD, s15;
	[tilespmem:s16+$0xFFFFF880] =	vst v6;
	s16 =	sadd.s32 $0x800, s16  }
0x1a3: {  	v14 =	vmul.f32 $8.000000000e+00, v14;
	v4 =	vld.idx.msk [tilespmem:v9+s0+$0x0], $0xffff;
	v9 =	vor.u32 s19, v1;
	s19 =	sadd.s32 $0xE, s15;
	[tilespmem:s16+$0x0] =	vst v8  }
0x1a4: {  	v13 =	vmul.f32 $8.000000000e+00, v17;
	[tilespmem:s16+$0xFFFFF900] =	vst v7;
	v6 =	vld.idx.msk [tilespmem:v11+s0+$0x0], $0xffff;
	v11 =	vor.u32 s19, v1  }
0x1a5: {  	s22 =	sadd.s32 $0xF, s21;
	v8 =	vor.u32 s15, v1;
	s15 =	smov.u32 s21;
	s21 =	sadd.s32 $0x10, s21;
	[tilespmem:s16+$0xFFFFF980] =	vst v14;
	v14 =	vmul.f32 $8.000000000e+00, v18;
	v7 =	vld.idx.msk [tilespmem:v19+s0+$0x0], $0xffff  }
0x1a6: {  	_ =	sdelay $0x3  }
0x1a7: {  	[tilespmem:s16+$0xFFFFFA00] =	vst v13;
	v5 =	vmul.f32 $8.000000000e+00, v5;
	s19 =	sadd.s32 $0x1, s15;
	v40 =	vor.u32 s22, v1;
	v10 =	vld.idx.msk [tilespmem:v10+s0+$0x0], $0xffff;
	v2 =	vmul.f32 $8.000000000e+00, v2;
	s29 =	sadd.s32 $0x2, s15  }
0x1a8: {  	s31 =	sadd.s32 $0x3, s15;
	s21 =	sadd.s32 $0x4, s15;
	s22 =	sadd.s32 $0x5, s15;
	v8 =	vld.idx.msk [tilespmem:v8+s0+$0x0], $0xffff;
	[tilespmem:s16+$0xFFFFFA80] =	vst v14;
	v41 =	vor.u32 s19, v1;
	v3 =	vmul.f32 $8.000000000e+00, v3;
	v42 =	vor.u32 s29, v1  }
0x1a9: {  	v43 =	vor.u32 s31, v1;
	v44 =	vor.u32 s21, v1;
	v45 =	vor.u32 s22, v1;
	s29 =	sadd.s32 $0x6, s15;
	s31 =	sadd.s32 $0x7, s15;
	[tilespmem:s16+$0xFFFFFB00] =	vst v5  }
0x1aa: {  	v12 =	vld.idx.msk [tilespmem:v12+s0+$0x0], $0xffff;
	s21 =	sadd.s32 $0x8, s15;
	s22 =	sadd.s32 $0x9, s15;
	[tilespmem:s16+$0xFFFFFB80] =	vst v2;
	v2 =	vmul.f32 $8.000000000e+00, v4;
	v47 =	vor.u32 s29, v1;
	v48 =	vor.u32 s31, v1  }
0x1ab: {  	v9 =	vld.idx.msk [tilespmem:v9+s0+$0x0], $0xffff;
	v49 =	vor.u32 s21, v1;
	v50 =	vor.u32 s22, v1;
	s29 =	sadd.s32 $0xA, s15;
	s31 =	sadd.s32 $0xB, s15;
	[tilespmem:s16+$0xFFFFFC00] =	vst v3;
	v3 =	vmul.f32 $8.000000000e+00, v6  }
0x1ac: {  	v11 =	vld.idx.msk [tilespmem:v11+s0+$0x0], $0xffff;
	s21 =	sadd.s32 $0xC, s15;
	v51 =	vor.u32 s29, v1;
	v52 =	vor.u32 s31, v1;
	s29 =	sadd.s32 $0xD, s15;
	[tilespmem:s16+$0xFFFFFC80] =	vst v2;
	v2 =	vmul.f32 $8.000000000e+00, v7  }
0x1ad: {  	v54 =	vor.u32 s21, v1;
	s31 =	sadd.s32 $0xE, s15;
	v55 =	vor.u32 s29, v1;
	v13 =	vld.idx.msk [tilespmem:v40+s0+$0x0], $0xffff;
	[tilespmem:s16+$0xFFFFFD00] =	vst v3;
	v3 =	vmul.f32 $8.000000000e+00, v10  }
0x1ae: {  	v57 =	vor.u32 s31, v1;
	v1 =	vor.u32 s15, v1;
	v8 =	vmul.f32 $8.000000000e+00, v8;
	v46 =	vld.idx.msk [tilespmem:v41+s0+$0x0], $0xffff;
	[tilespmem:s16+$0xFFFFFD80] =	vst v2  }
0x1af: {  	v2 =	vmul.f32 $8.000000000e+00, v12;
	v5 =	vld.idx.msk [tilespmem:v42+s0+$0x0], $0xffff;
	[tilespmem:s16+$0xFFFFFE00] =	vst v3  }
0x1b0: {  	v4 =	vld.idx.msk [tilespmem:v43+s0+$0x0], $0xffff;
	v3 =	vmul.f32 $8.000000000e+00, v9;
	[tilespmem:s16+$0xFFFFF880] =	vst v8  }
0x1b1: {  	v6 =	vld.idx.msk [tilespmem:v44+s0+$0x0], $0xffff;
	[tilespmem:s16+$0xFFFFFE80] =	vst v2;
	v2 =	vmul.f32 $8.000000000e+00, v11  }
0x1b2: {  	[tilespmem:s16+$0xFFFFFF00] =	vst v3;
	v3 =	vld.idx.msk [tilespmem:v45+s0+$0x0], $0xffff;
	v13 =	vmul.f32 $8.000000000e+00, v13  }
0x1b3: {  	s22 =	sadd.s32 $0x800, s16;
	v1 =	vld.idx.msk [tilespmem:v1+s0+$0x0], $0xffff;
	[tilespmem:s16+$0xFFFFFF80] =	vst v2;
	v10 =	vmul.f32 $8.000000000e+00, v46  }
0x1b4: {  	v2 =	vld.idx.msk [tilespmem:v47+s0+$0x0], $0xffff;
	v5 =	vmul.f32 $8.000000000e+00, v5;
	[tilespmem:s22+$0x0] =	vst v13  }
0x1b5: {  	v53 =	vld.idx.msk [tilespmem:v48+s0+$0x0], $0xffff;
	v4 =	vmul.f32 $8.000000000e+00, v4;
	[tilespmem:s22+$0xFFFFF900] =	vst v10  }
0x1b6: {  	v9 =	vld.idx.msk [tilespmem:v49+s0+$0x0], $0xffff;
	v58 =	vmul.f32 $8.000000000e+00, v6;
	[tilespmem:s22+$0xFFFFF980] =	vst v5  }
0x1b7: {  	v56 =	vld.idx.msk [tilespmem:v50+s0+$0x0], $0xffff;
	[tilespmem:s22+$0xFFFFFA00] =	vst v4;
	v3 =	vmul.f32 $8.000000000e+00, v3  }
0x1b8: {  	v59 =	vld.idx.msk [tilespmem:v51+s0+$0x0], $0xffff;
	[tilespmem:s22+$0xFFFFFA80] =	vst v58;
	v1 =	vmul.f32 $8.000000000e+00, v1  }
0x1b9: {  	v60 =	vld.idx.msk [tilespmem:v52+s0+$0x0], $0xffff;
	v2 =	vmul.f32 $8.000000000e+00, v2;
	[tilespmem:s22+$0xFFFFFB00] =	vst v3  }
0x1ba: {  	v61 =	vld.idx.msk [tilespmem:v54+s0+$0x0], $0xffff;
	v3 =	vmul.f32 $8.000000000e+00, v53;
	[tilespmem:s22+$0xFFFFF880] =	vst v1  }
0x1bb: {  	v62 =	vld.idx.msk [tilespmem:v55+s0+$0x0], $0xffff;
	[tilespmem:s22+$0xFFFFFB80] =	vst v2;
	v2 =	vmul.f32 $8.000000000e+00, v9  }
0x1bc: {  	v63 =	vld.idx.msk [tilespmem:v57+s0+$0x0], $0xffff;
	[tilespmem:s22+$0xFFFFFC00] =	vst v3;
	v3 =	vmul.f32 $8.000000000e+00, v56  }
0x1bd: {  	s14 =	sadd.s32 $0x1, s14;
	[tilespmem:s22+$0xFFFFFC80] =	vst v2;
	v2 =	vmul.f32 $8.000000000e+00, v59  }
0x1be: {  	p0 =	sne.s32 s14, $0x8;
	[tilespmem:s22+$0xFFFFFD00] =	vst v3;
	v3 =	vmul.f32 $8.000000000e+00, v60  }
.Ltmp7:
0x1bf: {  	[tilespmem:s22+$0xFFFFFD80] =	vst v2;
	v2 =	vmul.f32 $8.000000000e+00, v61;
	(pc) =	sbr.rel @p0 .LBB2_14-.Ltmp7, $4  }
0x1c0: {  	[tilespmem:s22+$0xFFFFFE00] =	vst v3;
	v3 =	vmul.f32 $8.000000000e+00, v62  }
0x1c1: {  	[tilespmem:s22+$0xFFFFFE80] =	vst v2;
	v2 =	vmul.f32 $8.000000000e+00, v63  }
0x1c2: {  	[tilespmem:s22+$0xFFFFFF00] =	vst v3  }
0x1c3: {  	s9 =	sadd.s32 $0x10, s9;
	[tilespmem:s22+$0xFFFFFF80] =	vst v2  }
0x1c4: {  	s7 =	rddreg [dreg:$0x12];
	s9 =	simm.s32 $0x12400  }
0x1c5: {  	[hbm4b:s7+s0] =	stream.strided.scatter [tilespmem:s9], [sflag:$0xA], $0x2000, s18, s0, $0x38;
	[tilespmem:$0x14400] =	vst v63  }
0x1c6: {  	_ =	swait.ge [sflag:s11], $0x80  }
0x1c7: {  	[sflag:s11] =	ssyncset.done $0x0  }
0x1c8: {  	[sflag:s11] =	ssyncadd.s32 $0xFFFFFF80  }
0x1c9: {  	v1 =	vld [tilespmem:$0x100]  }
0x1ca: {  	v2 =	vld [tilespmem:$0x110]  }
0x1cb: {  	v3 =	vld [tilespmem:$0x120]  }
0x1cc: {  	v4 =	vld [tilespmem:$0x130]  }
0x1cd: {  	v5 =	vld [tilespmem:$0x140]  }
0x1ce: {  	v6 =	vld [tilespmem:$0x150];
	v1 =	vshra.s32 v1, $0x1  }
0x1cf: {  	[tilespmem:$0x300] =	vst v1;
	v1 =	vshra.s32 v2, $0x1;
	v2 =	vld [tilespmem:$0x160]  }
0x1d0: {  	[tilespmem:$0x310] =	vst v1;
	v1 =	vshra.s32 v3, $0x1;
	v3 =	vld [tilespmem:$0x170]  }
0x1d1: {  	[tilespmem:$0x320] =	vst v1;
	v1 =	vshra.s32 v4, $0x1  }
0x1d2: {  	[tilespmem:$0x330] =	vst v1;
	v1 =	vshra.s32 v5, $0x1  }
0x1d3: {  	[tilespmem:$0x340] =	vst v1;
	v1 =	vshra.s32 v6, $0x1  }
0x1d4: {  	[tilespmem:$0x350] =	vst v1;
	v1 =	vshra.s32 v2, $0x1  }
0x1d5: {  	[tilespmem:$0x360] =	vst v1;
	v1 =	vshra.s32 v3, $0x1  }
0x1d6: {  	s22 =	simm.s32 $0x300;
	s31 =	simm.s32 $0x8400;
	s29 =	simm.s32 $0x1;
	[tilespmem:$0x370] =	vst v1  }
0x1d7: {  	[tilespmem:s31], [sflag:$0x7] =	stream.indirect.gather [hbm4b:s5+s28], $0x80, s22, s28, $0xb8;
	[tilespmem:$0x14400] =	vst v63  }
.LBB2_18:
0x1d8: {  	s7 =	sshll.u32 s29, $0x7;
	s9 =	sshll.u32 s29, $0xE  }
0x1d9: {  	s7 =	sand.u32 $0x380, s7;
	s9 =	sand.u32 $0xE0000, s9  }
0x1da: {  	s7 =	sor.u32 s9, s7  }
0x1db: {  	s7 =	sor.u32 s12, s7  }
0x1dc: {  	s7 =	sshrl.u32 s7, $0x3  }
0x1dd: {  	s14 =	simm.s32 $0x180;
	s31 =	sadd.s32 s1, s7;
	s7 =	simm.s32 $0x0  }
0x1de: {  	[tilespmem:s14], [sflag:$0x4] =	stream.linear.gather [hbm4b:s31+s7], $0x80, $0x38;
	[tilespmem:$0x14400] =	vst v63  }
0x1df: {  	_ =	swait.ge [sflag:s17], $0x4000  }
0x1e0: {  	[sflag:s17] =	ssyncset.done $0x0  }
0x1e1: {  	[sflag:s17] =	ssyncadd.s32 $0xFFFFC000  }
0x1e2: {  	_ =	swait.ge [sflag:s26], $0x2000  }
0x1e3: {  	[sflag:s26] =	ssyncset.done $0x0  }
0x1e4: {  	s9 =	simm.s32 $0x10800;
	s14 =	simm.s32 $0x0;
	[sflag:s26] =	ssyncadd.s32 $0xFFFFE000  }
.LBB2_19:
0x1e5: {  	s15 =	sshll.u32 s14, $0x4  }
0x1e6: {  	v1 =	vld [tilespmem:s15+$0x0];
	_ =	sdelay $0x3  }
0x1e7: {  	v2 =	vmov s15  }
0x1e8: {  	v2 =	vshll.u32 v2, $0x7;
	v1 =	vshll.u32 v1, $0x6  }
0x1e9: {  	v2 =	vor.u32 v0, v2;
	v1 =	vand.u32 $0x40, v1  }
0x1ea: {  	s19 =	simm.s32 $0xF;
	v1 =	vor.u32 v2, v1  }
0x1eb: {  	s16 =	simm.s32 $0x1;
	v2 =	vor.u32 s19, v1  }
0x1ec: {  	s21 =	simm.s32 $0x2;
	v3 =	vor.u32 s16, v1  }
0x1ed: {  	s22 =	simm.s32 $0x3;
	v4 =	vor.u32 s21, v1  }
0x1ee: {  	s31 =	simm.s32 $0x4;
	v5 =	vor.u32 s22, v1  }
0x1ef: {  	v6 =	vor.u32 s31, v1;
	s16 =	simm.s32 $0x5  }
0x1f0: {  	s19 =	simm.s32 $0x6;
	v7 =	vor.u32 s16, v1;
	v8 =	vld.idx.msk [tilespmem:v2+s0+$0x0], $0xffff  }
0x1f1: {  	s22 =	simm.s32 $0x8;
	v3 =	vld.idx.msk [tilespmem:v3+s0+$0x0], $0xffff;
	v2 =	vor.u32 s19, v1  }
0x1f2: {  	s21 =	simm.s32 $0x7;
	v12 =	vor.u32 s22, v1;
	v4 =	vld.idx.msk [tilespmem:v4+s0+$0x0], $0xffff  }
0x1f3: {  	s31 =	simm.s32 $0x9;
	v9 =	vor.u32 s21, v1;
	v11 =	vld.idx.msk [tilespmem:v5+s0+$0x0], $0xffff  }
0x1f4: {  	s16 =	simm.s32 $0xA;
	v14 =	vld.idx.msk [tilespmem:v6+s0+$0x0], $0xffff;
	v6 =	vor.u32 s31, v1  }
0x1f5: {  	s19 =	simm.s32 $0xB;
	v5 =	vld.idx.msk [tilespmem:v7+s0+$0x0], $0xffff;
	v7 =	vor.u32 s16, v1  }
0x1f6: {  	s21 =	simm.s32 $0xC;
	v10 =	vor.u32 s19, v1;
	v2 =	vld.idx.msk [tilespmem:v2+s0+$0x0], $0xffff;
	v8 =	vmul.f32 $8.000000000e+00, v8  }
0x1f7: {  	s22 =	simm.s32 $0xD;
	v13 =	vmul.f32 $8.000000000e+00, v3;
	v15 =	vmul.f32 $8.000000000e+00, v4;
	v4 =	vld.idx.msk [tilespmem:v12+s0+$0x0], $0xffff;
	v12 =	vor.u32 s21, v1  }
0x1f8: {  	s31 =	simm.s32 $0xE;
	v3 =	vld.idx.msk [tilespmem:v9+s0+$0x0], $0xffff;
	v9 =	vor.u32 s22, v1;
	[tilespmem:s9+$0x380] =	vst v8  }
0x1f9: {  	s15 =	simm.s32 $0x10;
	v6 =	vld.idx.msk [tilespmem:v6+s0+$0x0], $0xffff;
	[tilespmem:s9+$0xFFFFFC80] =	vst v13;
	v13 =	vmul.f32 $8.000000000e+00, v11;
	v11 =	vor.u32 s31, v1  }
0x1fa: {  	s16 =	smov.u32 s9;
	s22 =	simm.s32 $0x1F;
	s21 =	simm.s32 $0x20;
	v14 =	vmul.f32 $8.000000000e+00, v14;
	v7 =	vld.idx.msk [tilespmem:v7+s0+$0x0], $0xffff;
	v8 =	vor.u32 s7, v1;
	[tilespmem:s9+$0xFFFFFD00] =	vst v15  }
.LBB2_20:
0x1fb: {  	p0 =	slt.u32 s21, $0x30;
	s19 =	sadd.s32 $0x1, s15;
	v15 =	vor.u32 s22, v1;
	[tilespmem:s16+$0xFFFFFD80] =	vst v13;
	v5 =	vmul.f32 $8.000000000e+00, v5;
	v10 =	vld.idx.msk [tilespmem:v10+s0+$0x0], $0xffff  }
0x1fc: {  	v2 =	vmul.f32 $8.000000000e+00, v2;
	v13 =	vor.u32 s19, v1;
	s19 =	sadd.s32 $0x2, s15;
	[tilespmem:s16+$0xFFFFFE00] =	vst v14;
	v12 =	vld.idx.msk [tilespmem:v12+s0+$0x0], $0xffff  }
0x1fd: {  	v3 =	vmul.f32 $8.000000000e+00, v3;
	v14 =	vor.u32 s19, v1;
	s19 =	sadd.s32 $0x3, s15;
	[tilespmem:s16+$0xFFFFFE80] =	vst v5;
	v5 =	vld.idx.msk [tilespmem:v9+s0+$0x0], $0xffff  }
0x1fe: {  	v9 =	vor.u32 s19, v1;
	s19 =	sadd.s32 $0x4, s15;
	[tilespmem:s16+$0xFFFFFF00] =	vst v2;
	v2 =	vmul.f32 $8.000000000e+00, v4;
	v4 =	vld.idx.msk [tilespmem:v11+s0+$0x0], $0xffff  }
0x1ff: {  	v11 =	vor.u32 s19, v1;
	s19 =	sadd.s32 $0x5, s15;
	v8 =	vld.idx.msk [tilespmem:v8+s0+$0x0], $0xffff;
	[tilespmem:s16+$0xFFFFFF80] =	vst v3;
	v3 =	vmul.f32 $8.000000000e+00, v6  }
0x200: {  	v6 =	vor.u32 s19, v1;
	s19 =	sadd.s32 $0x6, s15;
	v15 =	vld.idx.msk [tilespmem:v15+s0+$0x0], $0xffff;
	[tilespmem:s16+$0x0] =	vst v2;
	v2 =	vmul.f32 $8.000000000e+00, v7  }
0x201: {  	v7 =	vld.idx.msk [tilespmem:v13+s0+$0x0], $0xffff;
	v13 =	vor.u32 s19, v1;
	s19 =	sadd.s32 $0x7, s15;
	[tilespmem:s16+$0x80] =	vst v3;
	v3 =	vmul.f32 $8.000000000e+00, v10  }
0x202: {  	v14 =	vld.idx.msk [tilespmem:v14+s0+$0x0], $0xffff;
	v16 =	vor.u32 s19, v1;
	s19 =	sadd.s32 $0x8, s15;
	[tilespmem:s16+$0x100] =	vst v2;
	v2 =	vmul.f32 $8.000000000e+00, v12  }
0x203: {  	v17 =	vld.idx.msk [tilespmem:v9+s0+$0x0], $0xffff;
	v9 =	vor.u32 s19, v1;
	s19 =	sadd.s32 $0x9, s15;
	[tilespmem:s16+$0x180] =	vst v3;
	v3 =	vmul.f32 $8.000000000e+00, v5  }
0x204: {  	v4 =	vmul.f32 $8.000000000e+00, v4;
	v18 =	vld.idx.msk [tilespmem:v11+s0+$0x0], $0xffff;
	v11 =	vor.u32 s19, v1;
	s19 =	sadd.s32 $0xA, s15;
	[tilespmem:s16+$0x200] =	vst v2  }
0x205: {  	v5 =	vld.idx.msk [tilespmem:v6+s0+$0x0], $0xffff;
	v19 =	vor.u32 s19, v1;
	s19 =	sadd.s32 $0xB, s15;
	v6 =	vmul.f32 $8.000000000e+00, v8;
	[tilespmem:s16+$0x280] =	vst v3  }
.Ltmp8:
0x206: {  	v8 =	vmul.f32 $8.000000000e+00, v15;
	v2 =	vld.idx.msk [tilespmem:v13+s0+$0x0], $0xffff;
	v10 =	vor.u32 s19, v1;
	s19 =	sadd.s32 $0xC, s15;
	[tilespmem:s16+$0x300] =	vst v4;
	(pc) =	sbr.rel @p0 .LBB2_20-.Ltmp8, $4  }
0x207: {  	v7 =	vmul.f32 $8.000000000e+00, v7;
	v3 =	vld.idx.msk [tilespmem:v16+s0+$0x0], $0xffff;
	v12 =	vor.u32 s19, v1;
	s19 =	sadd.s32 $0xD, s15;
	[tilespmem:s16+$0xFFFFFC00] =	vst v6;
	s16 =	sadd.s32 $0x800, s16  }
0x208: {  	v14 =	vmul.f32 $8.000000000e+00, v14;
	v4 =	vld.idx.msk [tilespmem:v9+s0+$0x0], $0xffff;
	v9 =	vor.u32 s19, v1;
	s19 =	sadd.s32 $0xE, s15;
	[tilespmem:s16+$0x380] =	vst v8  }
0x209: {  	v13 =	vmul.f32 $8.000000000e+00, v17;
	[tilespmem:s16+$0xFFFFFC80] =	vst v7;
	v6 =	vld.idx.msk [tilespmem:v11+s0+$0x0], $0xffff;
	v11 =	vor.u32 s19, v1  }
0x20a: {  	s22 =	sadd.s32 $0xF, s21;
	v8 =	vor.u32 s15, v1;
	s15 =	smov.u32 s21;
	s21 =	sadd.s32 $0x10, s21;
	[tilespmem:s16+$0xFFFFFD00] =	vst v14;
	v14 =	vmul.f32 $8.000000000e+00, v18;
	v7 =	vld.idx.msk [tilespmem:v19+s0+$0x0], $0xffff  }
0x20b: {  	_ =	sdelay $0x2  }
0x20c: {  	[tilespmem:s16+$0xFFFFFD80] =	vst v13;
	v5 =	vmul.f32 $8.000000000e+00, v5;
	s19 =	sadd.s32 $0x1, s15  }
0x20d: {  	v40 =	vor.u32 s22, v1;
	v10 =	vld.idx.msk [tilespmem:v10+s0+$0x0], $0xffff;
	v2 =	vmul.f32 $8.000000000e+00, v2;
	s22 =	sadd.s32 $0x2, s15;
	s31 =	sadd.s32 $0x3, s15;
	[tilespmem:s16+$0xFFFFFE00] =	vst v14;
	v41 =	vor.u32 s19, v1  }
0x20e: {  	s21 =	sadd.s32 $0x4, s15;
	v8 =	vld.idx.msk [tilespmem:v8+s0+$0x0], $0xffff;
	v3 =	vmul.f32 $8.000000000e+00, v3;
	v42 =	vor.u32 s22, v1;
	v43 =	vor.u32 s31, v1;
	s22 =	sadd.s32 $0x5, s15;
	[tilespmem:s16+$0xFFFFFE80] =	vst v5  }
0x20f: {  	v12 =	vld.idx.msk [tilespmem:v12+s0+$0x0], $0xffff;
	v44 =	vor.u32 s21, v1;
	s31 =	sadd.s32 $0x6, s15;
	s21 =	sadd.s32 $0x7, s15;
	[tilespmem:s16+$0xFFFFFF00] =	vst v2;
	v2 =	vmul.f32 $8.000000000e+00, v4;
	v45 =	vor.u32 s22, v1  }
0x210: {  	v9 =	vld.idx.msk [tilespmem:v9+s0+$0x0], $0xffff;
	v47 =	vor.u32 s31, v1;
	v48 =	vor.u32 s21, v1;
	s22 =	sadd.s32 $0x8, s15;
	s31 =	sadd.s32 $0x9, s15;
	[tilespmem:s16+$0xFFFFFF80] =	vst v3;
	v3 =	vmul.f32 $8.000000000e+00, v6  }
0x211: {  	v11 =	vld.idx.msk [tilespmem:v11+s0+$0x0], $0xffff;
	s21 =	sadd.s32 $0xA, s15;
	v49 =	vor.u32 s22, v1;
	v50 =	vor.u32 s31, v1;
	s22 =	sadd.s32 $0xB, s15;
	[tilespmem:s16+$0x0] =	vst v2;
	v2 =	vmul.f32 $8.000000000e+00, v7  }
0x212: {  	v51 =	vor.u32 s21, v1;
	s31 =	sadd.s32 $0xC, s15;
	v52 =	vor.u32 s22, v1;
	s22 =	sadd.s32 $0xD, s15;
	v13 =	vld.idx.msk [tilespmem:v40+s0+$0x0], $0xffff;
	[tilespmem:s16+$0x80] =	vst v3;
	v3 =	vmul.f32 $8.000000000e+00, v10  }
0x213: {  	v54 =	vor.u32 s31, v1;
	s31 =	sadd.s32 $0xE, s15;
	v8 =	vmul.f32 $8.000000000e+00, v8;
	v55 =	vor.u32 s22, v1;
	v46 =	vld.idx.msk [tilespmem:v41+s0+$0x0], $0xffff;
	[tilespmem:s16+$0x100] =	vst v2  }
0x214: {  	v57 =	vor.u32 s31, v1;
	v1 =	vor.u32 s15, v1;
	v2 =	vmul.f32 $8.000000000e+00, v12;
	v5 =	vld.idx.msk [tilespmem:v42+s0+$0x0], $0xffff;
	[tilespmem:s16+$0x180] =	vst v3  }
0x215: {  	v4 =	vld.idx.msk [tilespmem:v43+s0+$0x0], $0xffff;
	v3 =	vmul.f32 $8.000000000e+00, v9;
	[tilespmem:s16+$0xFFFFFC00] =	vst v8  }
0x216: {  	v6 =	vld.idx.msk [tilespmem:v44+s0+$0x0], $0xffff;
	[tilespmem:s16+$0x200] =	vst v2;
	v2 =	vmul.f32 $8.000000000e+00, v11  }
0x217: {  	[tilespmem:s16+$0x280] =	vst v3;
	v3 =	vld.idx.msk [tilespmem:v45+s0+$0x0], $0xffff;
	v13 =	vmul.f32 $8.000000000e+00, v13  }
0x218: {  	s21 =	sadd.s32 $0x800, s16;
	[tilespmem:s16+$0x300] =	vst v2;
	v2 =	vld.idx.msk [tilespmem:v47+s0+$0x0], $0xffff;
	v10 =	vmul.f32 $8.000000000e+00, v46  }
0x219: {  	v1 =	vld.idx.msk [tilespmem:v1+s0+$0x0], $0xffff;
	v5 =	vmul.f32 $8.000000000e+00, v5;
	[tilespmem:s21+$0x380] =	vst v13  }
0x21a: {  	v53 =	vld.idx.msk [tilespmem:v48+s0+$0x0], $0xffff;
	v4 =	vmul.f32 $8.000000000e+00, v4;
	[tilespmem:s21+$0xFFFFFC80] =	vst v10  }
0x21b: {  	v9 =	vld.idx.msk [tilespmem:v49+s0+$0x0], $0xffff;
	v58 =	vmul.f32 $8.000000000e+00, v6;
	[tilespmem:s21+$0xFFFFFD00] =	vst v5  }
0x21c: {  	v56 =	vld.idx.msk [tilespmem:v50+s0+$0x0], $0xffff;
	[tilespmem:s21+$0xFFFFFD80] =	vst v4;
	v3 =	vmul.f32 $8.000000000e+00, v3  }
0x21d: {  	v59 =	vld.idx.msk [tilespmem:v51+s0+$0x0], $0xffff;
	[tilespmem:s21+$0xFFFFFE00] =	vst v58;
	v2 =	vmul.f32 $8.000000000e+00, v2  }
0x21e: {  	v60 =	vld.idx.msk [tilespmem:v52+s0+$0x0], $0xffff;
	v1 =	vmul.f32 $8.000000000e+00, v1;
	[tilespmem:s21+$0xFFFFFE80] =	vst v3  }
0x21f: {  	v61 =	vld.idx.msk [tilespmem:v54+s0+$0x0], $0xffff;
	v3 =	vmul.f32 $8.000000000e+00, v53;
	[tilespmem:s21+$0xFFFFFF00] =	vst v2  }
0x220: {  	v62 =	vld.idx.msk [tilespmem:v55+s0+$0x0], $0xffff;
	v2 =	vmul.f32 $8.000000000e+00, v9;
	[tilespmem:s21+$0xFFFFFC00] =	vst v1  }
0x221: {  	v63 =	vld.idx.msk [tilespmem:v57+s0+$0x0], $0xffff;
	[tilespmem:s21+$0xFFFFFF80] =	vst v3;
	v3 =	vmul.f32 $8.000000000e+00, v56  }
0x222: {  	s14 =	sadd.s32 $0x1, s14;
	[tilespmem:s21+$0x0] =	vst v2;
	v2 =	vmul.f32 $8.000000000e+00, v59  }
0x223: {  	p0 =	sne.s32 s14, $0x8;
	[tilespmem:s21+$0x80] =	vst v3;
	v3 =	vmul.f32 $8.000000000e+00, v60  }
.Ltmp9:
0x224: {  	[tilespmem:s21+$0x100] =	vst v2;
	v2 =	vmul.f32 $8.000000000e+00, v61;
	(pc) =	sbr.rel @p0 .LBB2_19-.Ltmp9, $4  }
0x225: {  	[tilespmem:s21+$0x180] =	vst v3;
	v3 =	vmul.f32 $8.000000000e+00, v62  }
0x226: {  	[tilespmem:s21+$0x200] =	vst v2;
	v2 =	vmul.f32 $8.000000000e+00, v63  }
0x227: {  	[tilespmem:s21+$0x280] =	vst v3  }
0x228: {  	s9 =	sadd.s32 $0x10, s9;
	[tilespmem:s21+$0x300] =	vst v2  }
0x229: {  	s31 =	sshll.u32 s29, $0x14  }
0x22a: {  	s7 =	sor.u32 s6, s31  }
0x22b: {  	s7 =	sshrl.u32 s7, $0x3  }
0x22c: {  	s7 =	sadd.s32 s2, s7  }
0x22d: {  	[hbm4b:s7+s0] =	stream.strided.scatter [tilespmem:s24], [sflag:$0x9], $0x2000, s18, s0, $0x38;
	[tilespmem:$0x14400] =	vst v63  }
0x22e: {  	_ =	swait.ge [sflag:s20], $0x80  }
0x22f: {  	[sflag:s20] =	ssyncset.done $0x0  }
0x230: {  	[sflag:s20] =	ssyncadd.s32 $0xFFFFFF80  }
0x231: {  	v1 =	vld [tilespmem:$0x180]  }
0x232: {  	v2 =	vld [tilespmem:$0x190]  }
0x233: {  	v3 =	vld [tilespmem:$0x1A0]  }
0x234: {  	v4 =	vld [tilespmem:$0x1B0]  }
0x235: {  	v5 =	vld [tilespmem:$0x1C0]  }
0x236: {  	v6 =	vld [tilespmem:$0x1D0];
	v1 =	vshra.s32 v1, $0x1  }
0x237: {  	[tilespmem:$0x380] =	vst v1;
	v1 =	vshra.s32 v2, $0x1;
	v2 =	vld [tilespmem:$0x1E0]  }
0x238: {  	[tilespmem:$0x390] =	vst v1;
	v1 =	vshra.s32 v3, $0x1;
	v3 =	vld [tilespmem:$0x1F0]  }
0x239: {  	[tilespmem:$0x3A0] =	vst v1;
	v1 =	vshra.s32 v4, $0x1  }
0x23a: {  	[tilespmem:$0x3B0] =	vst v1;
	v1 =	vshra.s32 v5, $0x1  }
0x23b: {  	[tilespmem:$0x3C0] =	vst v1;
	v1 =	vshra.s32 v6, $0x1  }
0x23c: {  	[tilespmem:$0x3D0] =	vst v1;
	v1 =	vshra.s32 v2, $0x1  }
0x23d: {  	s21 =	simm.s32 $0x380;
	s29 =	sadd.s32 $0x1, s29;
	[tilespmem:$0x3E0] =	vst v1;
	v1 =	vshra.s32 v3, $0x1  }
0x23e: {  	s9 =	simm.s32 $0xC400;
	s22 =	sshll.u32 s29, $0xE;
	s24 =	sshll.u32 s29, $0x7;
	[tilespmem:$0x3F0] =	vst v1  }
0x23f: {  	[tilespmem:s9], [sflag:$0x8] =	stream.indirect.gather [hbm4b:s5+s28], $0x80, s21, s28, $0xb8;
	[tilespmem:$0x14400] =	vst v63  }
0x240: {  	s7 =	sand.u32 $0x1E0000, s22;
	s9 =	sand.u32 $0x380, s24  }
0x241: {  	s7 =	sor.u32 s7, s9  }
0x242: {  	s9 =	sor.u32 s6, s7  }
0x243: {  	s9 =	sshrl.u32 s9, $0x3  }
0x244: {  	s14 =	sadd.s32 s1, s9;
	s9 =	simm.s32 $0x0  }
0x245: {  	[tilespmem:s9], [sflag:$0x1] =	stream.linear.gather [hbm4b:s14+s9], $0x80, $0x38;
	[tilespmem:$0x14400] =	vst v63  }
0x246: {  	_ =	swait.ge [sflag:s23], $0x4000  }
0x247: {  	[sflag:s23] =	ssyncset.done $0x0  }
0x248: {  	[sflag:s23] =	ssyncadd.s32 $0xFFFFC000  }
0x249: {  	_ =	swait.ge [sflag:s4], $0x2000  }
0x24a: {  	[sflag:s4] =	ssyncset.done $0x0  }
0x24b: {  	s15 =	simm.s32 $0x0;
	s21 =	simm.s32 $0x12B80;
	[sflag:s4] =	ssyncadd.s32 $0xFFFFE000  }
.LBB2_23:
0x24c: {  	s14 =	sshll.u32 s15, $0x4  }
0x24d: {  	v1 =	vld [tilespmem:s14+$0x80];
	_ =	sdelay $0x2  }
0x24e: {  	s14 =	sor.u32 $0x80, s14  }
0x24f: {  	v2 =	vmov s14  }
0x250: {  	v2 =	vshll.u32 v2, $0x7;
	v1 =	vshll.u32 v1, $0x6  }
0x251: {  	v2 =	vor.u32 v0, v2;
	v1 =	vand.u32 $0x40, v1  }
0x252: {  	s22 =	simm.s32 $0xF;
	v1 =	vor.u32 v2, v1  }
0x253: {  	s16 =	simm.s32 $0x1;
	v2 =	vor.u32 s22, v1  }
0x254: {  	s24 =	simm.s32 $0x2;
	v3 =	vor.u32 s16, v1  }
0x255: {  	s19 =	simm.s32 $0x4;
	v4 =	vor.u32 s24, v1  }
0x256: {  	s16 =	simm.s32 $0x3;
	v6 =	vor.u32 s19, v1  }
0x257: {  	s22 =	simm.s32 $0x5;
	v5 =	vor.u32 s16, v1  }
0x258: {  	s24 =	simm.s32 $0x6;
	v7 =	vor.u32 s22, v1;
	v8 =	vld.idx.msk [tilespmem:v2+s0+$0x0], $0xffff  }
0x259: {  	s19 =	simm.s32 $0x8;
	v3 =	vld.idx.msk [tilespmem:v3+s0+$0x0], $0xffff;
	v2 =	vor.u32 s24, v1  }
0x25a: {  	s16 =	simm.s32 $0x7;
	v12 =	vor.u32 s19, v1;
	v4 =	vld.idx.msk [tilespmem:v4+s0+$0x0], $0xffff  }
0x25b: {  	s22 =	simm.s32 $0x9;
	v9 =	vor.u32 s16, v1;
	v14 =	vld.idx.msk [tilespmem:v6+s0+$0x0], $0xffff  }
0x25c: {  	v6 =	vor.u32 s22, v1;
	s24 =	simm.s32 $0xA;
	v11 =	vld.idx.msk [tilespmem:v5+s0+$0x0], $0xffff  }
0x25d: {  	s16 =	simm.s32 $0xB;
	v5 =	vld.idx.msk [tilespmem:v7+s0+$0x0], $0xffff;
	v7 =	vor.u32 s24, v1  }
0x25e: {  	s19 =	simm.s32 $0xC;
	v10 =	vor.u32 s16, v1;
	v2 =	vld.idx.msk [tilespmem:v2+s0+$0x0], $0xffff;
	v8 =	vmul.f32 $8.000000000e+00, v8  }
0x25f: {  	s22 =	simm.s32 $0xD;
	v13 =	vmul.f32 $8.000000000e+00, v3;
	v15 =	vmul.f32 $8.000000000e+00, v4;
	v4 =	vld.idx.msk [tilespmem:v12+s0+$0x0], $0xffff;
	v12 =	vor.u32 s19, v1  }
0x260: {  	s24 =	simm.s32 $0xE;
	v3 =	vld.idx.msk [tilespmem:v9+s0+$0x0], $0xffff;
	v9 =	vor.u32 s22, v1;
	[tilespmem:s21+$0x0] =	vst v8  }
0x261: {  	s14 =	smov.u32 s21;
	v6 =	vld.idx.msk [tilespmem:v6+s0+$0x0], $0xffff;
	[tilespmem:s21+$0xFFFFF900] =	vst v13;
	v13 =	vmul.f32 $8.000000000e+00, v11;
	v11 =	vor.u32 s24, v1  }
0x262: {  	s16 =	simm.s32 $0x10;
	s19 =	simm.s32 $0x1F;
	s22 =	simm.s32 $0x20;
	v14 =	vmul.f32 $8.000000000e+00, v14;
	v7 =	vld.idx.msk [tilespmem:v7+s0+$0x0], $0xffff;
	v8 =	vor.u32 s9, v1;
	[tilespmem:s21+$0xFFFFF980] =	vst v15  }
.LBB2_24:
0x263: {  	p0 =	slt.u32 s22, $0x30;
	s24 =	sadd.s32 $0x1, s16;
	v15 =	vor.u32 s19, v1;
	[tilespmem:s14+$0xFFFFFA00] =	vst v13;
	v5 =	vmul.f32 $8.000000000e+00, v5;
	v10 =	vld.idx.msk [tilespmem:v10+s0+$0x0], $0xffff  }
0x264: {  	s19 =	sadd.s32 $0x2, s16;
	v2 =	vmul.f32 $8.000000000e+00, v2;
	v13 =	vor.u32 s24, v1;
	[tilespmem:s14+$0xFFFFFA80] =	vst v14;
	v12 =	vld.idx.msk [tilespmem:v12+s0+$0x0], $0xffff  }
0x265: {  	v14 =	vor.u32 s19, v1;
	s19 =	sadd.s32 $0x3, s16;
	v3 =	vmul.f32 $8.000000000e+00, v3;
	[tilespmem:s14+$0xFFFFFB00] =	vst v5;
	v5 =	vld.idx.msk [tilespmem:v9+s0+$0x0], $0xffff  }
0x266: {  	v9 =	vor.u32 s19, v1;
	s19 =	sadd.s32 $0x4, s16;
	[tilespmem:s14+$0xFFFFFB80] =	vst v2;
	v2 =	vmul.f32 $8.000000000e+00, v4;
	v4 =	vld.idx.msk [tilespmem:v11+s0+$0x0], $0xffff  }
0x267: {  	v11 =	vor.u32 s19, v1;
	s19 =	sadd.s32 $0x5, s16;
	v8 =	vld.idx.msk [tilespmem:v8+s0+$0x0], $0xffff;
	[tilespmem:s14+$0xFFFFFC00] =	vst v3;
	v3 =	vmul.f32 $8.000000000e+00, v6  }
0x268: {  	v6 =	vor.u32 s19, v1;
	s19 =	sadd.s32 $0x6, s16;
	v15 =	vld.idx.msk [tilespmem:v15+s0+$0x0], $0xffff;
	[tilespmem:s14+$0xFFFFFC80] =	vst v2;
	v2 =	vmul.f32 $8.000000000e+00, v7  }
0x269: {  	v7 =	vld.idx.msk [tilespmem:v13+s0+$0x0], $0xffff;
	v13 =	vor.u32 s19, v1;
	s19 =	sadd.s32 $0x7, s16;
	[tilespmem:s14+$0xFFFFFD00] =	vst v3;
	v3 =	vmul.f32 $8.000000000e+00, v10  }
0x26a: {  	v14 =	vld.idx.msk [tilespmem:v14+s0+$0x0], $0xffff;
	v16 =	vor.u32 s19, v1;
	s19 =	sadd.s32 $0x8, s16;
	[tilespmem:s14+$0xFFFFFD80] =	vst v2;
	v2 =	vmul.f32 $8.000000000e+00, v12  }
0x26b: {  	v17 =	vld.idx.msk [tilespmem:v9+s0+$0x0], $0xffff;
	v9 =	vor.u32 s19, v1;
	s19 =	sadd.s32 $0x9, s16;
	[tilespmem:s14+$0xFFFFFE00] =	vst v3;
	v3 =	vmul.f32 $8.000000000e+00, v5  }
0x26c: {  	v4 =	vmul.f32 $8.000000000e+00, v4;
	v18 =	vld.idx.msk [tilespmem:v11+s0+$0x0], $0xffff;
	v11 =	vor.u32 s19, v1;
	s19 =	sadd.s32 $0xA, s16;
	[tilespmem:s14+$0xFFFFFE80] =	vst v2  }
0x26d: {  	v5 =	vld.idx.msk [tilespmem:v6+s0+$0x0], $0xffff;
	v19 =	vor.u32 s19, v1;
	s19 =	sadd.s32 $0xB, s16;
	v6 =	vmul.f32 $8.000000000e+00, v8;
	[tilespmem:s14+$0xFFFFFF00] =	vst v3  }
.Ltmp10:
0x26e: {  	v8 =	vmul.f32 $8.000000000e+00, v15;
	v2 =	vld.idx.msk [tilespmem:v13+s0+$0x0], $0xffff;
	v10 =	vor.u32 s19, v1;
	s19 =	sadd.s32 $0xC, s16;
	[tilespmem:s14+$0xFFFFFF80] =	vst v4;
	(pc) =	sbr.rel @p0 .LBB2_24-.Ltmp10, $4  }
0x26f: {  	v7 =	vmul.f32 $8.000000000e+00, v7;
	v3 =	vld.idx.msk [tilespmem:v16+s0+$0x0], $0xffff;
	v12 =	vor.u32 s19, v1;
	s19 =	sadd.s32 $0xD, s16;
	[tilespmem:s14+$0xFFFFF880] =	vst v6;
	s14 =	sadd.s32 $0x800, s14  }
0x270: {  	v14 =	vmul.f32 $8.000000000e+00, v14;
	v4 =	vld.idx.msk [tilespmem:v9+s0+$0x0], $0xffff;
	v9 =	vor.u32 s19, v1;
	s19 =	sadd.s32 $0xE, s16;
	[tilespmem:s14+$0x0] =	vst v8  }
0x271: {  	v13 =	vmul.f32 $8.000000000e+00, v17;
	[tilespmem:s14+$0xFFFFF900] =	vst v7;
	v6 =	vld.idx.msk [tilespmem:v11+s0+$0x0], $0xffff;
	v11 =	vor.u32 s19, v1  }
0x272: {  	v8 =	vor.u32 s16, v1;
	s16 =	smov.u32 s22;
	s19 =	sadd.s32 $0xF, s22;
	s22 =	sadd.s32 $0x10, s22;
	[tilespmem:s14+$0xFFFFF980] =	vst v14;
	v14 =	vmul.f32 $8.000000000e+00, v18;
	v7 =	vld.idx.msk [tilespmem:v19+s0+$0x0], $0xffff  }
0x273: {  	_ =	sdelay $0x2  }
0x274: {  	[tilespmem:s14+$0xFFFFFA00] =	vst v13;
	v5 =	vmul.f32 $8.000000000e+00, v5  }
0x275: {  	s22 =	sadd.s32 $0x1, s16;
	v40 =	vor.u32 s19, v1;
	v10 =	vld.idx.msk [tilespmem:v10+s0+$0x0], $0xffff;
	v2 =	vmul.f32 $8.000000000e+00, v2;
	[tilespmem:s14+$0xFFFFFA80] =	vst v14  }
0x276: {  	s24 =	sadd.s32 $0x2, s16;
	v8 =	vld.idx.msk [tilespmem:v8+s0+$0x0], $0xffff;
	v41 =	vor.u32 s22, v1;
	v3 =	vmul.f32 $8.000000000e+00, v3;
	[tilespmem:s14+$0xFFFFFB00] =	vst v5  }
0x277: {  	v12 =	vld.idx.msk [tilespmem:v12+s0+$0x0], $0xffff;
	v42 =	vor.u32 s24, v1;
	s22 =	sadd.s32 $0x3, s16;
	[tilespmem:s14+$0xFFFFFB80] =	vst v2;
	v2 =	vmul.f32 $8.000000000e+00, v4  }
0x278: {  	v9 =	vld.idx.msk [tilespmem:v9+s0+$0x0], $0xffff;
	s24 =	sadd.s32 $0x4, s16;
	v43 =	vor.u32 s22, v1;
	s22 =	sadd.s32 $0x5, s16;
	[tilespmem:s14+$0xFFFFFC00] =	vst v3;
	v3 =	vmul.f32 $8.000000000e+00, v6  }
0x279: {  	v11 =	vld.idx.msk [tilespmem:v11+s0+$0x0], $0xffff;
	v44 =	vor.u32 s24, v1;
	s24 =	sadd.s32 $0x6, s16;
	v45 =	vor.u32 s22, v1;
	s22 =	sadd.s32 $0x7, s16;
	[tilespmem:s14+$0xFFFFFC80] =	vst v2;
	v2 =	vmul.f32 $8.000000000e+00, v7  }
0x27a: {  	v47 =	vor.u32 s24, v1;
	s24 =	sadd.s32 $0x8, s16;
	v48 =	vor.u32 s22, v1;
	s22 =	sadd.s32 $0x9, s16;
	v13 =	vld.idx.msk [tilespmem:v40+s0+$0x0], $0xffff;
	[tilespmem:s14+$0xFFFFFD00] =	vst v3;
	v3 =	vmul.f32 $8.000000000e+00, v10  }
0x27b: {  	v49 =	vor.u32 s24, v1;
	s24 =	sadd.s32 $0xA, s16;
	v50 =	vor.u32 s22, v1;
	v8 =	vmul.f32 $8.000000000e+00, v8;
	s22 =	sadd.s32 $0xB, s16;
	v46 =	vld.idx.msk [tilespmem:v41+s0+$0x0], $0xffff;
	[tilespmem:s14+$0xFFFFFD80] =	vst v2  }
0x27c: {  	v51 =	vor.u32 s24, v1;
	s24 =	sadd.s32 $0xC, s16;
	v2 =	vmul.f32 $8.000000000e+00, v12;
	v5 =	vld.idx.msk [tilespmem:v42+s0+$0x0], $0xffff;
	v52 =	vor.u32 s22, v1;
	s22 =	sadd.s32 $0xD, s16;
	[tilespmem:s14+$0xFFFFFE00] =	vst v3  }
0x27d: {  	v54 =	vor.u32 s24, v1;
	s24 =	sadd.s32 $0xE, s16;
	v3 =	vmul.f32 $8.000000000e+00, v9;
	v4 =	vld.idx.msk [tilespmem:v43+s0+$0x0], $0xffff;
	[tilespmem:s14+$0xFFFFF880] =	vst v8;
	v55 =	vor.u32 s22, v1  }
0x27e: {  	v6 =	vld.idx.msk [tilespmem:v44+s0+$0x0], $0xffff;
	v57 =	vor.u32 s24, v1;
	v1 =	vor.u32 s16, v1;
	[tilespmem:s14+$0xFFFFFE80] =	vst v2;
	v2 =	vmul.f32 $8.000000000e+00, v11  }
0x27f: {  	[tilespmem:s14+$0xFFFFFF00] =	vst v3;
	v3 =	vld.idx.msk [tilespmem:v45+s0+$0x0], $0xffff;
	v13 =	vmul.f32 $8.000000000e+00, v13  }
0x280: {  	[tilespmem:s14+$0xFFFFFF80] =	vst v2;
	v2 =	vld.idx.msk [tilespmem:v47+s0+$0x0], $0xffff;
	s14 =	sadd.s32 $0x800, s14;
	v10 =	vmul.f32 $8.000000000e+00, v46  }
0x281: {  	v53 =	vld.idx.msk [tilespmem:v48+s0+$0x0], $0xffff;
	v5 =	vmul.f32 $8.000000000e+00, v5;
	[tilespmem:s14+$0x0] =	vst v13  }
0x282: {  	v9 =	vld.idx.msk [tilespmem:v49+s0+$0x0], $0xffff;
	v4 =	vmul.f32 $8.000000000e+00, v4;
	[tilespmem:s14+$0xFFFFF900] =	vst v10  }
0x283: {  	v58 =	vmul.f32 $8.000000000e+00, v6;
	v1 =	vld.idx.msk [tilespmem:v1+s0+$0x0], $0xffff;
	[tilespmem:s14+$0xFFFFF980] =	vst v5  }
0x284: {  	v56 =	vld.idx.msk [tilespmem:v50+s0+$0x0], $0xffff;
	[tilespmem:s14+$0xFFFFFA00] =	vst v4;
	v3 =	vmul.f32 $8.000000000e+00, v3  }
0x285: {  	v59 =	vld.idx.msk [tilespmem:v51+s0+$0x0], $0xffff;
	[tilespmem:s14+$0xFFFFFA80] =	vst v58;
	v2 =	vmul.f32 $8.000000000e+00, v2  }
0x286: {  	v60 =	vld.idx.msk [tilespmem:v52+s0+$0x0], $0xffff;
	[tilespmem:s14+$0xFFFFFB00] =	vst v3;
	v3 =	vmul.f32 $8.000000000e+00, v53  }
0x287: {  	v61 =	vld.idx.msk [tilespmem:v54+s0+$0x0], $0xffff;
	[tilespmem:s14+$0xFFFFFB80] =	vst v2;
	v2 =	vmul.f32 $8.000000000e+00, v9  }
0x288: {  	v62 =	vld.idx.msk [tilespmem:v55+s0+$0x0], $0xffff;
	v1 =	vmul.f32 $8.000000000e+00, v1;
	[tilespmem:s14+$0xFFFFFC00] =	vst v3  }
0x289: {  	v63 =	vld.idx.msk [tilespmem:v57+s0+$0x0], $0xffff;
	v3 =	vmul.f32 $8.000000000e+00, v56;
	[tilespmem:s14+$0xFFFFFC80] =	vst v2  }
0x28a: {  	s15 =	sadd.s32 $0x1, s15;
	v2 =	vmul.f32 $8.000000000e+00, v59;
	[tilespmem:s14+$0xFFFFF880] =	vst v1  }
0x28b: {  	p0 =	sne.s32 s15, $0x8;
	[tilespmem:s14+$0xFFFFFD00] =	vst v3;
	v3 =	vmul.f32 $8.000000000e+00, v60  }
.Ltmp11:
0x28c: {  	[tilespmem:s14+$0xFFFFFD80] =	vst v2;
	v2 =	vmul.f32 $8.000000000e+00, v61;
	(pc) =	sbr.rel @p0 .LBB2_23-.Ltmp11, $4  }
0x28d: {  	[tilespmem:s14+$0xFFFFFE00] =	vst v3;
	v3 =	vmul.f32 $8.000000000e+00, v62  }
0x28e: {  	[tilespmem:s14+$0xFFFFFE80] =	vst v2;
	v2 =	vmul.f32 $8.000000000e+00, v63  }
0x28f: {  	[tilespmem:s14+$0xFFFFFF00] =	vst v3  }
0x290: {  	s21 =	sadd.s32 $0x10, s21;
	[tilespmem:s14+$0xFFFFFF80] =	vst v2  }
0x291: {  	s9 =	sor.u32 s8, s31  }
0x292: {  	s9 =	sshrl.u32 s9, $0x3  }
0x293: {  	s14 =	simm.s32 $0x12400;
	s9 =	sadd.s32 s2, s9  }
0x294: {  	[hbm4b:s9+s0] =	stream.strided.scatter [tilespmem:s14], [sflag:$0xA], $0x2000, s18, s0, $0x38;
	[tilespmem:$0x14400] =	vst v63  }
0x295: {  	_ =	swait.ge [sflag:s30], $0x80  }
0x296: {  	[sflag:s30] =	ssyncset.done $0x0  }
0x297: {  	[sflag:s30] =	ssyncadd.s32 $0xFFFFFF80  }
0x298: {  	v1 =	vld [tilespmem:$0x0]  }
0x299: {  	v2 =	vld [tilespmem:$0x10]  }
0x29a: {  	v3 =	vld [tilespmem:$0x20]  }
0x29b: {  	v4 =	vld [tilespmem:$0x30]  }
0x29c: {  	v5 =	vld [tilespmem:$0x40]  }
0x29d: {  	v6 =	vld [tilespmem:$0x50];
	v1 =	vshra.s32 v1, $0x1  }
0x29e: {  	[tilespmem:$0x200] =	vst v1;
	v1 =	vshra.s32 v2, $0x1;
	v2 =	vld [tilespmem:$0x60]  }
0x29f: {  	[tilespmem:$0x210] =	vst v1;
	v1 =	vshra.s32 v3, $0x1;
	v3 =	vld [tilespmem:$0x70]  }
0x2a0: {  	[tilespmem:$0x220] =	vst v1;
	v1 =	vshra.s32 v4, $0x1  }
0x2a1: {  	[tilespmem:$0x230] =	vst v1;
	v1 =	vshra.s32 v5, $0x1  }
0x2a2: {  	[tilespmem:$0x240] =	vst v1;
	v1 =	vshra.s32 v6, $0x1  }
0x2a3: {  	[tilespmem:$0x250] =	vst v1;
	v1 =	vshra.s32 v2, $0x1  }
0x2a4: {  	s22 =	sor.u32 s8, s7;
	[tilespmem:$0x260] =	vst v1;
	v1 =	vshra.s32 v3, $0x1  }
0x2a5: {  	s21 =	simm.s32 $0x200;
	s9 =	sshrl.u32 s22, $0x3;
	[tilespmem:$0x270] =	vst v1  }
0x2a6: {  	[tilespmem:s0], [sflag:$0x5] =	stream.indirect.gather [hbm4b:s5+s28], $0x80, s21, s28, $0xb8;
	[tilespmem:$0x14400] =	vst v63  }
0x2a7: {  	s24 =	sadd.s32 s1, s9;
	s9 =	simm.s32 $0x0  }
0x2a8: {  	[tilespmem:s28], [sflag:$0x2] =	stream.linear.gather [hbm4b:s24+s9], $0x80, $0x38;
	[tilespmem:$0x14400] =	vst v63  }
0x2a9: {  	_ =	swait.ge [sflag:s25], $0x4000  }
0x2aa: {  	[sflag:s25] =	ssyncset.done $0x0  }
0x2ab: {  	[sflag:s25] =	ssyncadd.s32 $0xFFFFC000  }
0x2ac: {  	_ =	swait.ge [sflag:s26], $0x2000  }
0x2ad: {  	[sflag:s26] =	ssyncset.done $0x0  }
0x2ae: {  	s15 =	simm.s32 $0x0;
	s14 =	simm.s32 $0x10800;
	[sflag:s26] =	ssyncadd.s32 $0xFFFFE000  }
.LBB2_27:
0x2af: {  	s16 =	sshll.u32 s15, $0x4  }
0x2b0: {  	v1 =	vld [tilespmem:s16+$0x100];
	_ =	sdelay $0x2  }
0x2b1: {  	s16 =	sor.u32 $0x100, s16  }
0x2b2: {  	v2 =	vmov s16  }
0x2b3: {  	v2 =	vshll.u32 v2, $0x7;
	v1 =	vshll.u32 v1, $0x6  }
0x2b4: {  	v2 =	vor.u32 v0, v2;
	v1 =	vand.u32 $0x40, v1  }
0x2b5: {  	s22 =	simm.s32 $0xF;
	v1 =	vor.u32 v2, v1  }
0x2b6: {  	s19 =	simm.s32 $0x1;
	v2 =	vor.u32 s22, v1  }
0x2b7: {  	s24 =	simm.s32 $0x2;
	v3 =	vor.u32 s19, v1  }
0x2b8: {  	s21 =	simm.s32 $0x4;
	v4 =	vor.u32 s24, v1  }
0x2b9: {  	s19 =	simm.s32 $0x3;
	v6 =	vor.u32 s21, v1  }
0x2ba: {  	s22 =	simm.s32 $0x5;
	v5 =	vor.u32 s19, v1  }
0x2bb: {  	s24 =	simm.s32 $0x6;
	v7 =	vor.u32 s22, v1;
	v8 =	vld.idx.msk [tilespmem:v2+s0+$0x0], $0xffff  }
0x2bc: {  	s21 =	simm.s32 $0x8;
	v3 =	vld.idx.msk [tilespmem:v3+s0+$0x0], $0xffff;
	v2 =	vor.u32 s24, v1  }
0x2bd: {  	s19 =	simm.s32 $0x7;
	v12 =	vor.u32 s21, v1;
	v4 =	vld.idx.msk [tilespmem:v4+s0+$0x0], $0xffff  }
0x2be: {  	s22 =	simm.s32 $0x9;
	v9 =	vor.u32 s19, v1;
	v14 =	vld.idx.msk [tilespmem:v6+s0+$0x0], $0xffff  }
0x2bf: {  	v6 =	vor.u32 s22, v1;
	s24 =	simm.s32 $0xA;
	v11 =	vld.idx.msk [tilespmem:v5+s0+$0x0], $0xffff  }
0x2c0: {  	s19 =	simm.s32 $0xB;
	v5 =	vld.idx.msk [tilespmem:v7+s0+$0x0], $0xffff;
	v7 =	vor.u32 s24, v1  }
0x2c1: {  	s21 =	simm.s32 $0xC;
	v10 =	vor.u32 s19, v1;
	v2 =	vld.idx.msk [tilespmem:v2+s0+$0x0], $0xffff;
	v8 =	vmul.f32 $8.000000000e+00, v8  }
0x2c2: {  	s22 =	simm.s32 $0xD;
	v13 =	vmul.f32 $8.000000000e+00, v3;
	v15 =	vmul.f32 $8.000000000e+00, v4;
	v4 =	vld.idx.msk [tilespmem:v12+s0+$0x0], $0xffff;
	v12 =	vor.u32 s21, v1  }
0x2c3: {  	s24 =	simm.s32 $0xE;
	v3 =	vld.idx.msk [tilespmem:v9+s0+$0x0], $0xffff;
	v9 =	vor.u32 s22, v1;
	[tilespmem:s14+$0x380] =	vst v8  }
0x2c4: {  	s16 =	simm.s32 $0x10;
	v6 =	vld.idx.msk [tilespmem:v6+s0+$0x0], $0xffff;
	[tilespmem:s14+$0xFFFFFC80] =	vst v13;
	v13 =	vmul.f32 $8.000000000e+00, v11;
	v11 =	vor.u32 s24, v1  }
0x2c5: {  	s19 =	simm.s32 $0x1F;
	s22 =	simm.s32 $0x20;
	v14 =	vmul.f32 $8.000000000e+00, v14;
	s21 =	smov.u32 s14;
	v7 =	vld.idx.msk [tilespmem:v7+s0+$0x0], $0xffff;
	v8 =	vor.u32 s9, v1;
	[tilespmem:s14+$0xFFFFFD00] =	vst v15  }
.LBB2_28:
0x2c6: {  	p0 =	slt.u32 s22, $0x30;
	s24 =	sadd.s32 $0x1, s16;
	v15 =	vor.u32 s19, v1;
	[tilespmem:s21+$0xFFFFFD80] =	vst v13;
	v5 =	vmul.f32 $8.000000000e+00, v5;
	v10 =	vld.idx.msk [tilespmem:v10+s0+$0x0], $0xffff  }
0x2c7: {  	s19 =	sadd.s32 $0x2, s16;
	v2 =	vmul.f32 $8.000000000e+00, v2;
	v13 =	vor.u32 s24, v1;
	[tilespmem:s21+$0xFFFFFE00] =	vst v14;
	v12 =	vld.idx.msk [tilespmem:v12+s0+$0x0], $0xffff  }
0x2c8: {  	v14 =	vor.u32 s19, v1;
	s19 =	sadd.s32 $0x3, s16;
	v3 =	vmul.f32 $8.000000000e+00, v3;
	[tilespmem:s21+$0xFFFFFE80] =	vst v5;
	v5 =	vld.idx.msk [tilespmem:v9+s0+$0x0], $0xffff  }
0x2c9: {  	v9 =	vor.u32 s19, v1;
	s19 =	sadd.s32 $0x4, s16;
	[tilespmem:s21+$0xFFFFFF00] =	vst v2;
	v2 =	vmul.f32 $8.000000000e+00, v4;
	v4 =	vld.idx.msk [tilespmem:v11+s0+$0x0], $0xffff  }
0x2ca: {  	v11 =	vor.u32 s19, v1;
	s19 =	sadd.s32 $0x5, s16;
	v8 =	vld.idx.msk [tilespmem:v8+s0+$0x0], $0xffff;
	[tilespmem:s21+$0xFFFFFF80] =	vst v3;
	v3 =	vmul.f32 $8.000000000e+00, v6  }
0x2cb: {  	v6 =	vor.u32 s19, v1;
	s19 =	sadd.s32 $0x6, s16;
	v15 =	vld.idx.msk [tilespmem:v15+s0+$0x0], $0xffff;
	[tilespmem:s21+$0x0] =	vst v2;
	v2 =	vmul.f32 $8.000000000e+00, v7  }
0x2cc: {  	v7 =	vld.idx.msk [tilespmem:v13+s0+$0x0], $0xffff;
	v13 =	vor.u32 s19, v1;
	s19 =	sadd.s32 $0x7, s16;
	[tilespmem:s21+$0x80] =	vst v3;
	v3 =	vmul.f32 $8.000000000e+00, v10  }
0x2cd: {  	v14 =	vld.idx.msk [tilespmem:v14+s0+$0x0], $0xffff;
	v16 =	vor.u32 s19, v1;
	s19 =	sadd.s32 $0x8, s16;
	[tilespmem:s21+$0x100] =	vst v2;
	v2 =	vmul.f32 $8.000000000e+00, v12  }
0x2ce: {  	v17 =	vld.idx.msk [tilespmem:v9+s0+$0x0], $0xffff;
	v9 =	vor.u32 s19, v1;
	s19 =	sadd.s32 $0x9, s16;
	[tilespmem:s21+$0x180] =	vst v3;
	v3 =	vmul.f32 $8.000000000e+00, v5  }
0x2cf: {  	v4 =	vmul.f32 $8.000000000e+00, v4;
	v18 =	vld.idx.msk [tilespmem:v11+s0+$0x0], $0xffff;
	v11 =	vor.u32 s19, v1;
	s19 =	sadd.s32 $0xA, s16;
	[tilespmem:s21+$0x200] =	vst v2  }
0x2d0: {  	v5 =	vld.idx.msk [tilespmem:v6+s0+$0x0], $0xffff;
	v19 =	vor.u32 s19, v1;
	s19 =	sadd.s32 $0xB, s16;
	v6 =	vmul.f32 $8.000000000e+00, v8;
	[tilespmem:s21+$0x280] =	vst v3  }
.Ltmp12:
0x2d1: {  	v8 =	vmul.f32 $8.000000000e+00, v15;
	v2 =	vld.idx.msk [tilespmem:v13+s0+$0x0], $0xffff;
	v10 =	vor.u32 s19, v1;
	s19 =	sadd.s32 $0xC, s16;
	[tilespmem:s21+$0x300] =	vst v4;
	(pc) =	sbr.rel @p0 .LBB2_28-.Ltmp12, $4  }
0x2d2: {  	v7 =	vmul.f32 $8.000000000e+00, v7;
	v3 =	vld.idx.msk [tilespmem:v16+s0+$0x0], $0xffff;
	v12 =	vor.u32 s19, v1;
	s19 =	sadd.s32 $0xD, s16;
	[tilespmem:s21+$0xFFFFFC00] =	vst v6;
	s21 =	sadd.s32 $0x800, s21  }
0x2d3: {  	v14 =	vmul.f32 $8.000000000e+00, v14;
	v4 =	vld.idx.msk [tilespmem:v9+s0+$0x0], $0xffff;
	v9 =	vor.u32 s19, v1;
	s19 =	sadd.s32 $0xE, s16;
	[tilespmem:s21+$0x380] =	vst v8  }
0x2d4: {  	v13 =	vmul.f32 $8.000000000e+00, v17;
	[tilespmem:s21+$0xFFFFFC80] =	vst v7;
	v6 =	vld.idx.msk [tilespmem:v11+s0+$0x0], $0xffff;
	v11 =	vor.u32 s19, v1  }
0x2d5: {  	v8 =	vor.u32 s16, v1;
	s16 =	smov.u32 s22;
	s19 =	sadd.s32 $0xF, s22;
	s22 =	sadd.s32 $0x10, s22;
	[tilespmem:s21+$0xFFFFFD00] =	vst v14;
	v14 =	vmul.f32 $8.000000000e+00, v18;
	v7 =	vld.idx.msk [tilespmem:v19+s0+$0x0], $0xffff  }
0x2d6: {  	_ =	sdelay $0x2  }
0x2d7: {  	[tilespmem:s21+$0xFFFFFD80] =	vst v13;
	v5 =	vmul.f32 $8.000000000e+00, v5  }
0x2d8: {  	s22 =	sadd.s32 $0x1, s16;
	v40 =	vor.u32 s19, v1;
	v10 =	vld.idx.msk [tilespmem:v10+s0+$0x0], $0xffff;
	v2 =	vmul.f32 $8.000000000e+00, v2;
	[tilespmem:s21+$0xFFFFFE00] =	vst v14  }
0x2d9: {  	s24 =	sadd.s32 $0x2, s16;
	v8 =	vld.idx.msk [tilespmem:v8+s0+$0x0], $0xffff;
	v41 =	vor.u32 s22, v1;
	v3 =	vmul.f32 $8.000000000e+00, v3;
	[tilespmem:s21+$0xFFFFFE80] =	vst v5  }
0x2da: {  	v12 =	vld.idx.msk [tilespmem:v12+s0+$0x0], $0xffff;
	v42 =	vor.u32 s24, v1;
	s22 =	sadd.s32 $0x3, s16;
	[tilespmem:s21+$0xFFFFFF00] =	vst v2;
	v2 =	vmul.f32 $8.000000000e+00, v4  }
0x2db: {  	v9 =	vld.idx.msk [tilespmem:v9+s0+$0x0], $0xffff;
	s24 =	sadd.s32 $0x4, s16;
	v43 =	vor.u32 s22, v1;
	s22 =	sadd.s32 $0x5, s16;
	[tilespmem:s21+$0xFFFFFF80] =	vst v3;
	v3 =	vmul.f32 $8.000000000e+00, v6  }
0x2dc: {  	v11 =	vld.idx.msk [tilespmem:v11+s0+$0x0], $0xffff;
	v44 =	vor.u32 s24, v1;
	s24 =	sadd.s32 $0x6, s16;
	v45 =	vor.u32 s22, v1;
	s22 =	sadd.s32 $0x7, s16;
	[tilespmem:s21+$0x0] =	vst v2;
	v2 =	vmul.f32 $8.000000000e+00, v7  }
0x2dd: {  	v47 =	vor.u32 s24, v1;
	s24 =	sadd.s32 $0x8, s16;
	v48 =	vor.u32 s22, v1;
	s22 =	sadd.s32 $0x9, s16;
	v13 =	vld.idx.msk [tilespmem:v40+s0+$0x0], $0xffff;
	[tilespmem:s21+$0x80] =	vst v3;
	v3 =	vmul.f32 $8.000000000e+00, v10  }
0x2de: {  	v49 =	vor.u32 s24, v1;
	s24 =	sadd.s32 $0xA, s16;
	v50 =	vor.u32 s22, v1;
	v8 =	vmul.f32 $8.000000000e+00, v8;
	s22 =	sadd.s32 $0xB, s16;
	v46 =	vld.idx.msk [tilespmem:v41+s0+$0x0], $0xffff;
	[tilespmem:s21+$0x100] =	vst v2  }
0x2df: {  	v51 =	vor.u32 s24, v1;
	s24 =	sadd.s32 $0xC, s16;
	v2 =	vmul.f32 $8.000000000e+00, v12;
	v5 =	vld.idx.msk [tilespmem:v42+s0+$0x0], $0xffff;
	v52 =	vor.u32 s22, v1;
	s22 =	sadd.s32 $0xD, s16;
	[tilespmem:s21+$0x180] =	vst v3  }
0x2e0: {  	v54 =	vor.u32 s24, v1;
	s24 =	sadd.s32 $0xE, s16;
	v3 =	vmul.f32 $8.000000000e+00, v9;
	v4 =	vld.idx.msk [tilespmem:v43+s0+$0x0], $0xffff;
	[tilespmem:s21+$0xFFFFFC00] =	vst v8;
	v55 =	vor.u32 s22, v1  }
0x2e1: {  	v6 =	vld.idx.msk [tilespmem:v44+s0+$0x0], $0xffff;
	v57 =	vor.u32 s24, v1;
	v1 =	vor.u32 s16, v1;
	[tilespmem:s21+$0x200] =	vst v2;
	v2 =	vmul.f32 $8.000000000e+00, v11  }
0x2e2: {  	[tilespmem:s21+$0x280] =	vst v3;
	v3 =	vld.idx.msk [tilespmem:v45+s0+$0x0], $0xffff;
	v13 =	vmul.f32 $8.000000000e+00, v13  }
0x2e3: {  	[tilespmem:s21+$0x300] =	vst v2;
	v2 =	vld.idx.msk [tilespmem:v47+s0+$0x0], $0xffff;
	s21 =	sadd.s32 $0x800, s21;
	v10 =	vmul.f32 $8.000000000e+00, v46  }
0x2e4: {  	v53 =	vld.idx.msk [tilespmem:v48+s0+$0x0], $0xffff;
	v5 =	vmul.f32 $8.000000000e+00, v5;
	[tilespmem:s21+$0x380] =	vst v13  }
0x2e5: {  	v9 =	vld.idx.msk [tilespmem:v49+s0+$0x0], $0xffff;
	v4 =	vmul.f32 $8.000000000e+00, v4;
	[tilespmem:s21+$0xFFFFFC80] =	vst v10  }
0x2e6: {  	v58 =	vmul.f32 $8.000000000e+00, v6;
	v1 =	vld.idx.msk [tilespmem:v1+s0+$0x0], $0xffff;
	[tilespmem:s21+$0xFFFFFD00] =	vst v5  }
0x2e7: {  	v56 =	vld.idx.msk [tilespmem:v50+s0+$0x0], $0xffff;
	[tilespmem:s21+$0xFFFFFD80] =	vst v4;
	v3 =	vmul.f32 $8.000000000e+00, v3  }
0x2e8: {  	v59 =	vld.idx.msk [tilespmem:v51+s0+$0x0], $0xffff;
	[tilespmem:s21+$0xFFFFFE00] =	vst v58;
	v2 =	vmul.f32 $8.000000000e+00, v2  }
0x2e9: {  	v60 =	vld.idx.msk [tilespmem:v52+s0+$0x0], $0xffff;
	[tilespmem:s21+$0xFFFFFE80] =	vst v3;
	v3 =	vmul.f32 $8.000000000e+00, v53  }
0x2ea: {  	v61 =	vld.idx.msk [tilespmem:v54+s0+$0x0], $0xffff;
	[tilespmem:s21+$0xFFFFFF00] =	vst v2;
	v2 =	vmul.f32 $8.000000000e+00, v9  }
0x2eb: {  	v62 =	vld.idx.msk [tilespmem:v55+s0+$0x0], $0xffff;
	v1 =	vmul.f32 $8.000000000e+00, v1;
	[tilespmem:s21+$0xFFFFFF80] =	vst v3  }
0x2ec: {  	v63 =	vld.idx.msk [tilespmem:v57+s0+$0x0], $0xffff;
	v3 =	vmul.f32 $8.000000000e+00, v56;
	[tilespmem:s21+$0x0] =	vst v2  }
0x2ed: {  	s15 =	sadd.s32 $0x1, s15;
	v2 =	vmul.f32 $8.000000000e+00, v59;
	[tilespmem:s21+$0xFFFFFC00] =	vst v1  }
0x2ee: {  	p0 =	sne.s32 s15, $0x8;
	[tilespmem:s21+$0x80] =	vst v3;
	v3 =	vmul.f32 $8.000000000e+00, v60  }
.Ltmp13:
0x2ef: {  	[tilespmem:s21+$0x100] =	vst v2;
	v2 =	vmul.f32 $8.000000000e+00, v61;
	(pc) =	sbr.rel @p0 .LBB2_27-.Ltmp13, $4  }
0x2f0: {  	[tilespmem:s21+$0x180] =	vst v3;
	v3 =	vmul.f32 $8.000000000e+00, v62  }
0x2f1: {  	[tilespmem:s21+$0x200] =	vst v2;
	v2 =	vmul.f32 $8.000000000e+00, v63  }
0x2f2: {  	[tilespmem:s21+$0x280] =	vst v3  }
0x2f3: {  	s14 =	sadd.s32 $0x10, s14;
	[tilespmem:s21+$0x300] =	vst v2  }
0x2f4: {  	s9 =	sor.u32 s10, s31  }
0x2f5: {  	s9 =	sshrl.u32 s9, $0x3  }
0x2f6: {  	s24 =	simm.s32 $0x10400;
	s9 =	sadd.s32 s2, s9  }
0x2f7: {  	[hbm4b:s9+s0] =	stream.strided.scatter [tilespmem:s24], [sflag:$0x9], $0x2000, s18, s0, $0x38;
	[tilespmem:$0x14400] =	vst v63  }
0x2f8: {  	_ =	swait.ge [sflag:s3], $0x80  }
0x2f9: {  	[sflag:s3] =	ssyncset.done $0x0  }
0x2fa: {  	[sflag:s3] =	ssyncadd.s32 $0xFFFFFF80  }
0x2fb: {  	v1 =	vld [tilespmem:$0x80]  }
0x2fc: {  	v2 =	vld [tilespmem:$0x90]  }
0x2fd: {  	v3 =	vld [tilespmem:$0xA0]  }
0x2fe: {  	v4 =	vld [tilespmem:$0xB0]  }
0x2ff: {  	v5 =	vld [tilespmem:$0xC0]  }
0x300: {  	v6 =	vld [tilespmem:$0xD0];
	v1 =	vshra.s32 v1, $0x1  }
0x301: {  	[tilespmem:$0x280] =	vst v1;
	v1 =	vshra.s32 v2, $0x1;
	v2 =	vld [tilespmem:$0xE0]  }
0x302: {  	[tilespmem:$0x290] =	vst v1;
	v1 =	vshra.s32 v3, $0x1;
	v3 =	vld [tilespmem:$0xF0]  }
0x303: {  	[tilespmem:$0x2A0] =	vst v1;
	v1 =	vshra.s32 v4, $0x1  }
0x304: {  	[tilespmem:$0x2B0] =	vst v1;
	v1 =	vshra.s32 v5, $0x1  }
0x305: {  	[tilespmem:$0x2C0] =	vst v1;
	v1 =	vshra.s32 v6, $0x1  }
0x306: {  	[tilespmem:$0x2D0] =	vst v1;
	v1 =	vshra.s32 v2, $0x1  }
0x307: {  	s7 =	sor.u32 s10, s7;
	[tilespmem:$0x2E0] =	vst v1;
	v1 =	vshra.s32 v3, $0x1  }
0x308: {  	s19 =	simm.s32 $0x280;
	s14 =	simm.s32 $0x4400;
	s7 =	sshrl.u32 s7, $0x3;
	[tilespmem:$0x2F0] =	vst v1  }
0x309: {  	[tilespmem:s14], [sflag:$0x6] =	stream.indirect.gather [hbm4b:s5+s28], $0x80, s19, s28, $0xb8;
	[tilespmem:$0x14400] =	vst v63  }
0x30a: {  	s22 =	simm.s32 $0x100;
	s21 =	sadd.s32 s1, s7;
	s7 =	simm.s32 $0x0  }
0x30b: {  	[tilespmem:s22], [sflag:$0x3] =	stream.linear.gather [hbm4b:s21+s7], $0x80, $0x38;
	[tilespmem:$0x14400] =	vst v63  }
0x30c: {  	_ =	swait.ge [sflag:s13], $0x4000  }
0x30d: {  	[sflag:s13] =	ssyncset.done $0x0  }
0x30e: {  	[sflag:s13] =	ssyncadd.s32 $0xFFFFC000  }
0x30f: {  	_ =	swait.ge [sflag:s4], $0x2000  }
0x310: {  	[sflag:s4] =	ssyncset.done $0x0  }
0x311: {  	s9 =	simm.s32 $0x12B80;
	s14 =	simm.s32 $0x0;
	[sflag:s4] =	ssyncadd.s32 $0xFFFFE000  }
.LBB2_31:
0x312: {  	s15 =	sshll.u32 s14, $0x4  }
0x313: {  	v1 =	vld [tilespmem:s15+$0x180];
	_ =	sdelay $0x2  }
0x314: {  	s15 =	sor.u32 $0x180, s15  }
0x315: {  	v2 =	vmov s15  }
0x316: {  	v2 =	vshll.u32 v2, $0x7;
	v1 =	vshll.u32 v1, $0x6  }
0x317: {  	v2 =	vor.u32 v0, v2;
	v1 =	vand.u32 $0x40, v1  }
0x318: {  	s21 =	simm.s32 $0xF;
	v1 =	vor.u32 v2, v1  }
0x319: {  	s16 =	simm.s32 $0x1;
	v2 =	vor.u32 s21, v1  }
0x31a: {  	s22 =	simm.s32 $0x2;
	v3 =	vor.u32 s16, v1  }
0x31b: {  	s19 =	simm.s32 $0x4;
	v4 =	vor.u32 s22, v1  }
0x31c: {  	s16 =	simm.s32 $0x3;
	v6 =	vor.u32 s19, v1  }
0x31d: {  	s21 =	simm.s32 $0x5;
	v5 =	vor.u32 s16, v1  }
0x31e: {  	s22 =	simm.s32 $0x6;
	v7 =	vor.u32 s21, v1;
	v8 =	vld.idx.msk [tilespmem:v2+s0+$0x0], $0xffff  }
0x31f: {  	s19 =	simm.s32 $0x8;
	v3 =	vld.idx.msk [tilespmem:v3+s0+$0x0], $0xffff;
	v2 =	vor.u32 s22, v1  }
0x320: {  	s16 =	simm.s32 $0x7;
	v12 =	vor.u32 s19, v1;
	v4 =	vld.idx.msk [tilespmem:v4+s0+$0x0], $0xffff  }
0x321: {  	s21 =	simm.s32 $0x9;
	v9 =	vor.u32 s16, v1;
	v14 =	vld.idx.msk [tilespmem:v6+s0+$0x0], $0xffff  }
0x322: {  	v6 =	vor.u32 s21, v1;
	s22 =	simm.s32 $0xA;
	v11 =	vld.idx.msk [tilespmem:v5+s0+$0x0], $0xffff  }
0x323: {  	s16 =	simm.s32 $0xB;
	v5 =	vld.idx.msk [tilespmem:v7+s0+$0x0], $0xffff;
	v7 =	vor.u32 s22, v1  }
0x324: {  	s19 =	simm.s32 $0xC;
	v10 =	vor.u32 s16, v1;
	v2 =	vld.idx.msk [tilespmem:v2+s0+$0x0], $0xffff;
	v8 =	vmul.f32 $8.000000000e+00, v8  }
0x325: {  	s21 =	simm.s32 $0xD;
	v13 =	vmul.f32 $8.000000000e+00, v3;
	v15 =	vmul.f32 $8.000000000e+00, v4;
	v4 =	vld.idx.msk [tilespmem:v12+s0+$0x0], $0xffff;
	v12 =	vor.u32 s19, v1  }
0x326: {  	s22 =	simm.s32 $0xE;
	v3 =	vld.idx.msk [tilespmem:v9+s0+$0x0], $0xffff;
	v9 =	vor.u32 s21, v1;
	[tilespmem:s9+$0x0] =	vst v8  }
0x327: {  	s15 =	simm.s32 $0x10;
	v6 =	vld.idx.msk [tilespmem:v6+s0+$0x0], $0xffff;
	[tilespmem:s9+$0xFFFFF900] =	vst v13;
	v13 =	vmul.f32 $8.000000000e+00, v11;
	v11 =	vor.u32 s22, v1  }
0x328: {  	s16 =	smov.u32 s9;
	s19 =	simm.s32 $0x1F;
	s21 =	simm.s32 $0x20;
	v14 =	vmul.f32 $8.000000000e+00, v14;
	v7 =	vld.idx.msk [tilespmem:v7+s0+$0x0], $0xffff;
	v8 =	vor.u32 s7, v1;
	[tilespmem:s9+$0xFFFFF980] =	vst v15  }
.LBB2_32:
0x329: {  	p0 =	slt.u32 s21, $0x30;
	s22 =	sadd.s32 $0x1, s15;
	v15 =	vor.u32 s19, v1;
	[tilespmem:s16+$0xFFFFFA00] =	vst v13;
	v5 =	vmul.f32 $8.000000000e+00, v5;
	v10 =	vld.idx.msk [tilespmem:v10+s0+$0x0], $0xffff  }
0x32a: {  	s19 =	sadd.s32 $0x2, s15;
	v2 =	vmul.f32 $8.000000000e+00, v2;
	v13 =	vor.u32 s22, v1;
	[tilespmem:s16+$0xFFFFFA80] =	vst v14;
	v12 =	vld.idx.msk [tilespmem:v12+s0+$0x0], $0xffff  }
0x32b: {  	v14 =	vor.u32 s19, v1;
	s19 =	sadd.s32 $0x3, s15;
	v3 =	vmul.f32 $8.000000000e+00, v3;
	[tilespmem:s16+$0xFFFFFB00] =	vst v5;
	v5 =	vld.idx.msk [tilespmem:v9+s0+$0x0], $0xffff  }
0x32c: {  	v9 =	vor.u32 s19, v1;
	s19 =	sadd.s32 $0x4, s15;
	[tilespmem:s16+$0xFFFFFB80] =	vst v2;
	v2 =	vmul.f32 $8.000000000e+00, v4;
	v4 =	vld.idx.msk [tilespmem:v11+s0+$0x0], $0xffff  }
0x32d: {  	v11 =	vor.u32 s19, v1;
	s19 =	sadd.s32 $0x5, s15;
	v8 =	vld.idx.msk [tilespmem:v8+s0+$0x0], $0xffff;
	[tilespmem:s16+$0xFFFFFC00] =	vst v3;
	v3 =	vmul.f32 $8.000000000e+00, v6  }
0x32e: {  	v6 =	vor.u32 s19, v1;
	s19 =	sadd.s32 $0x6, s15;
	v15 =	vld.idx.msk [tilespmem:v15+s0+$0x0], $0xffff;
	[tilespmem:s16+$0xFFFFFC80] =	vst v2;
	v2 =	vmul.f32 $8.000000000e+00, v7  }
0x32f: {  	v7 =	vld.idx.msk [tilespmem:v13+s0+$0x0], $0xffff;
	v13 =	vor.u32 s19, v1;
	s19 =	sadd.s32 $0x7, s15;
	[tilespmem:s16+$0xFFFFFD00] =	vst v3;
	v3 =	vmul.f32 $8.000000000e+00, v10  }
0x330: {  	v14 =	vld.idx.msk [tilespmem:v14+s0+$0x0], $0xffff;
	v16 =	vor.u32 s19, v1;
	s19 =	sadd.s32 $0x8, s15;
	[tilespmem:s16+$0xFFFFFD80] =	vst v2;
	v2 =	vmul.f32 $8.000000000e+00, v12  }
0x331: {  	v17 =	vld.idx.msk [tilespmem:v9+s0+$0x0], $0xffff;
	v9 =	vor.u32 s19, v1;
	s19 =	sadd.s32 $0x9, s15;
	[tilespmem:s16+$0xFFFFFE00] =	vst v3;
	v3 =	vmul.f32 $8.000000000e+00, v5  }
0x332: {  	v4 =	vmul.f32 $8.000000000e+00, v4;
	v18 =	vld.idx.msk [tilespmem:v11+s0+$0x0], $0xffff;
	v11 =	vor.u32 s19, v1;
	s19 =	sadd.s32 $0xA, s15;
	[tilespmem:s16+$0xFFFFFE80] =	vst v2  }
0x333: {  	v5 =	vld.idx.msk [tilespmem:v6+s0+$0x0], $0xffff;
	v19 =	vor.u32 s19, v1;
	s19 =	sadd.s32 $0xB, s15;
	v6 =	vmul.f32 $8.000000000e+00, v8;
	[tilespmem:s16+$0xFFFFFF00] =	vst v3  }
.Ltmp14:
0x334: {  	v8 =	vmul.f32 $8.000000000e+00, v15;
	v2 =	vld.idx.msk [tilespmem:v13+s0+$0x0], $0xffff;
	v10 =	vor.u32 s19, v1;
	s19 =	sadd.s32 $0xC, s15;
	[tilespmem:s16+$0xFFFFFF80] =	vst v4;
	(pc) =	sbr.rel @p0 .LBB2_32-.Ltmp14, $4  }
0x335: {  	v7 =	vmul.f32 $8.000000000e+00, v7;
	v3 =	vld.idx.msk [tilespmem:v16+s0+$0x0], $0xffff;
	v12 =	vor.u32 s19, v1;
	s19 =	sadd.s32 $0xD, s15;
	[tilespmem:s16+$0xFFFFF880] =	vst v6;
	s16 =	sadd.s32 $0x800, s16  }
0x336: {  	v14 =	vmul.f32 $8.000000000e+00, v14;
	v4 =	vld.idx.msk [tilespmem:v9+s0+$0x0], $0xffff;
	v9 =	vor.u32 s19, v1;
	s19 =	sadd.s32 $0xE, s15;
	[tilespmem:s16+$0x0] =	vst v8  }
0x337: {  	v13 =	vmul.f32 $8.000000000e+00, v17;
	[tilespmem:s16+$0xFFFFF900] =	vst v7;
	v6 =	vld.idx.msk [tilespmem:v11+s0+$0x0], $0xffff;
	v11 =	vor.u32 s19, v1  }
0x338: {  	v8 =	vor.u32 s15, v1;
	s15 =	smov.u32 s21;
	s19 =	sadd.s32 $0xF, s21;
	s21 =	sadd.s32 $0x10, s21;
	[tilespmem:s16+$0xFFFFF980] =	vst v14;
	v14 =	vmul.f32 $8.000000000e+00, v18;
	v7 =	vld.idx.msk [tilespmem:v19+s0+$0x0], $0xffff  }
0x339: {  	_ =	sdelay $0x2  }
0x33a: {  	[tilespmem:s16+$0xFFFFFA00] =	vst v13;
	v5 =	vmul.f32 $8.000000000e+00, v5  }
0x33b: {  	s21 =	sadd.s32 $0x1, s15;
	v40 =	vor.u32 s19, v1;
	v10 =	vld.idx.msk [tilespmem:v10+s0+$0x0], $0xffff;
	v2 =	vmul.f32 $8.000000000e+00, v2;
	[tilespmem:s16+$0xFFFFFA80] =	vst v14  }
0x33c: {  	s22 =	sadd.s32 $0x2, s15;
	v8 =	vld.idx.msk [tilespmem:v8+s0+$0x0], $0xffff;
	v41 =	vor.u32 s21, v1;
	v3 =	vmul.f32 $8.000000000e+00, v3;
	[tilespmem:s16+$0xFFFFFB00] =	vst v5  }
0x33d: {  	v12 =	vld.idx.msk [tilespmem:v12+s0+$0x0], $0xffff;
	v42 =	vor.u32 s22, v1;
	s21 =	sadd.s32 $0x3, s15;
	[tilespmem:s16+$0xFFFFFB80] =	vst v2;
	v2 =	vmul.f32 $8.000000000e+00, v4  }
0x33e: {  	v9 =	vld.idx.msk [tilespmem:v9+s0+$0x0], $0xffff;
	s22 =	sadd.s32 $0x4, s15;
	v43 =	vor.u32 s21, v1;
	s21 =	sadd.s32 $0x5, s15;
	[tilespmem:s16+$0xFFFFFC00] =	vst v3;
	v3 =	vmul.f32 $8.000000000e+00, v6  }
0x33f: {  	v11 =	vld.idx.msk [tilespmem:v11+s0+$0x0], $0xffff;
	v44 =	vor.u32 s22, v1;
	s22 =	sadd.s32 $0x6, s15;
	v45 =	vor.u32 s21, v1;
	s21 =	sadd.s32 $0x7, s15;
	[tilespmem:s16+$0xFFFFFC80] =	vst v2;
	v2 =	vmul.f32 $8.000000000e+00, v7  }
0x340: {  	v47 =	vor.u32 s22, v1;
	s22 =	sadd.s32 $0x8, s15;
	v48 =	vor.u32 s21, v1;
	s21 =	sadd.s32 $0x9, s15;
	v13 =	vld.idx.msk [tilespmem:v40+s0+$0x0], $0xffff;
	[tilespmem:s16+$0xFFFFFD00] =	vst v3;
	v3 =	vmul.f32 $8.000000000e+00, v10  }
0x341: {  	v49 =	vor.u32 s22, v1;
	s22 =	sadd.s32 $0xA, s15;
	v50 =	vor.u32 s21, v1;
	v8 =	vmul.f32 $8.000000000e+00, v8;
	s21 =	sadd.s32 $0xB, s15;
	v46 =	vld.idx.msk [tilespmem:v41+s0+$0x0], $0xffff;
	[tilespmem:s16+$0xFFFFFD80] =	vst v2  }
0x342: {  	v51 =	vor.u32 s22, v1;
	s22 =	sadd.s32 $0xC, s15;
	v2 =	vmul.f32 $8.000000000e+00, v12;
	v5 =	vld.idx.msk [tilespmem:v42+s0+$0x0], $0xffff;
	v52 =	vor.u32 s21, v1;
	s21 =	sadd.s32 $0xD, s15;
	[tilespmem:s16+$0xFFFFFE00] =	vst v3  }
0x343: {  	v54 =	vor.u32 s22, v1;
	s22 =	sadd.s32 $0xE, s15;
	v3 =	vmul.f32 $8.000000000e+00, v9;
	v4 =	vld.idx.msk [tilespmem:v43+s0+$0x0], $0xffff;
	[tilespmem:s16+$0xFFFFF880] =	vst v8;
	v55 =	vor.u32 s21, v1  }
0x344: {  	v6 =	vld.idx.msk [tilespmem:v44+s0+$0x0], $0xffff;
	v57 =	vor.u32 s22, v1;
	v1 =	vor.u32 s15, v1;
	[tilespmem:s16+$0xFFFFFE80] =	vst v2;
	v2 =	vmul.f32 $8.000000000e+00, v11  }
0x345: {  	[tilespmem:s16+$0xFFFFFF00] =	vst v3;
	v3 =	vld.idx.msk [tilespmem:v45+s0+$0x0], $0xffff;
	v13 =	vmul.f32 $8.000000000e+00, v13  }
0x346: {  	[tilespmem:s16+$0xFFFFFF80] =	vst v2;
	v2 =	vld.idx.msk [tilespmem:v47+s0+$0x0], $0xffff;
	s16 =	sadd.s32 $0x800, s16;
	v10 =	vmul.f32 $8.000000000e+00, v46  }
0x347: {  	v53 =	vld.idx.msk [tilespmem:v48+s0+$0x0], $0xffff;
	v5 =	vmul.f32 $8.000000000e+00, v5;
	[tilespmem:s16+$0x0] =	vst v13  }
0x348: {  	v9 =	vld.idx.msk [tilespmem:v49+s0+$0x0], $0xffff;
	v4 =	vmul.f32 $8.000000000e+00, v4;
	[tilespmem:s16+$0xFFFFF900] =	vst v10  }
0x349: {  	v58 =	vmul.f32 $8.000000000e+00, v6;
	v1 =	vld.idx.msk [tilespmem:v1+s0+$0x0], $0xffff;
	[tilespmem:s16+$0xFFFFF980] =	vst v5  }
0x34a: {  	v56 =	vld.idx.msk [tilespmem:v50+s0+$0x0], $0xffff;
	[tilespmem:s16+$0xFFFFFA00] =	vst v4;
	v3 =	vmul.f32 $8.000000000e+00, v3  }
0x34b: {  	v59 =	vld.idx.msk [tilespmem:v51+s0+$0x0], $0xffff;
	[tilespmem:s16+$0xFFFFFA80] =	vst v58;
	v2 =	vmul.f32 $8.000000000e+00, v2  }
0x34c: {  	v60 =	vld.idx.msk [tilespmem:v52+s0+$0x0], $0xffff;
	[tilespmem:s16+$0xFFFFFB00] =	vst v3;
	v3 =	vmul.f32 $8.000000000e+00, v53  }
0x34d: {  	v61 =	vld.idx.msk [tilespmem:v54+s0+$0x0], $0xffff;
	[tilespmem:s16+$0xFFFFFB80] =	vst v2;
	v2 =	vmul.f32 $8.000000000e+00, v9  }
0x34e: {  	v62 =	vld.idx.msk [tilespmem:v55+s0+$0x0], $0xffff;
	v1 =	vmul.f32 $8.000000000e+00, v1;
	[tilespmem:s16+$0xFFFFFC00] =	vst v3  }
0x34f: {  	v63 =	vld.idx.msk [tilespmem:v57+s0+$0x0], $0xffff;
	v3 =	vmul.f32 $8.000000000e+00, v56;
	[tilespmem:s16+$0xFFFFFC80] =	vst v2  }
0x350: {  	s14 =	sadd.s32 $0x1, s14;
	v2 =	vmul.f32 $8.000000000e+00, v59;
	[tilespmem:s16+$0xFFFFF880] =	vst v1  }
0x351: {  	p0 =	sne.s32 s14, $0x8;
	[tilespmem:s16+$0xFFFFFD00] =	vst v3;
	v3 =	vmul.f32 $8.000000000e+00, v60  }
.Ltmp15:
0x352: {  	[tilespmem:s16+$0xFFFFFD80] =	vst v2;
	v2 =	vmul.f32 $8.000000000e+00, v61;
	(pc) =	sbr.rel @p0 .LBB2_31-.Ltmp15, $4  }
0x353: {  	[tilespmem:s16+$0xFFFFFE00] =	vst v3;
	v3 =	vmul.f32 $8.000000000e+00, v62  }
0x354: {  	[tilespmem:s16+$0xFFFFFE80] =	vst v2;
	v2 =	vmul.f32 $8.000000000e+00, v63  }
0x355: {  	[tilespmem:s16+$0xFFFFFF00] =	vst v3  }
0x356: {  	s9 =	sadd.s32 $0x10, s9;
	[tilespmem:s16+$0xFFFFFF80] =	vst v2  }
0x357: {  	s7 =	sor.u32 s12, s31  }
0x358: {  	s7 =	sshrl.u32 s7, $0x3  }
0x359: {  	s9 =	simm.s32 $0x12400;
	s7 =	sadd.s32 s2, s7  }
0x35a: {  	[hbm4b:s7+s0] =	stream.strided.scatter [tilespmem:s9], [sflag:$0xA], $0x2000, s18, s0, $0x38;
	[tilespmem:$0x14400] =	vst v63  }
0x35b: {  	_ =	swait.ge [sflag:s11], $0x80  }
0x35c: {  	[sflag:s11] =	ssyncset.done $0x0  }
0x35d: {  	[sflag:s11] =	ssyncadd.s32 $0xFFFFFF80  }
0x35e: {  	v1 =	vld [tilespmem:$0x100]  }
0x35f: {  	v2 =	vld [tilespmem:$0x110]  }
0x360: {  	v3 =	vld [tilespmem:$0x120]  }
0x361: {  	v4 =	vld [tilespmem:$0x130]  }
0x362: {  	v5 =	vld [tilespmem:$0x140]  }
0x363: {  	v6 =	vld [tilespmem:$0x150];
	v1 =	vshra.s32 v1, $0x1  }
0x364: {  	[tilespmem:$0x300] =	vst v1;
	v1 =	vshra.s32 v2, $0x1;
	v2 =	vld [tilespmem:$0x160]  }
0x365: {  	[tilespmem:$0x310] =	vst v1;
	v1 =	vshra.s32 v3, $0x1;
	v3 =	vld [tilespmem:$0x170]  }
0x366: {  	[tilespmem:$0x320] =	vst v1;
	v1 =	vshra.s32 v4, $0x1  }
0x367: {  	p0 =	sne.s32 s29, $0x31;
	[tilespmem:$0x330] =	vst v1;
	v1 =	vshra.s32 v5, $0x1  }
.Ltmp16:
0x368: {  	[tilespmem:$0x340] =	vst v1;
	v1 =	vshra.s32 v6, $0x1;
	(pc) =	sbr.rel @p0 .LBB2_18-.Ltmp16, $4  }
0x369: {  	[tilespmem:$0x350] =	vst v1;
	v1 =	vshra.s32 v2, $0x1  }
0x36a: {  	[tilespmem:$0x360] =	vst v1;
	v1 =	vshra.s32 v3, $0x1  }
0x36b: {  	s22 =	simm.s32 $0x300;
	s31 =	simm.s32 $0x8400;
	[tilespmem:$0x370] =	vst v1  }
0x36c: {  	[tilespmem:s31], [sflag:$0x7] =	stream.indirect.gather [hbm4b:s5+s28], $0x80, s22, s28, $0xb8;
	[tilespmem:$0x14400] =	vst v63  }
0x36d: {  	s7 =	simm.s32 $0x0;
	s9 =	rddreg [dreg:$0x14];
	s14 =	simm.s32 $0x180  }
0x36e: {  	[tilespmem:s14], [sflag:$0x4] =	stream.linear.gather [hbm4b:s9+s7], $0x80, $0x38;
	[tilespmem:$0x14400] =	vst v63  }
0x36f: {  	_ =	swait.ge [sflag:s17], $0x4000  }
0x370: {  	[sflag:s17] =	ssyncset.done $0x0  }
0x371: {  	[sflag:s17] =	ssyncadd.s32 $0xFFFFC000  }
0x372: {  	_ =	swait.ge [sflag:s26], $0x2000  }
0x373: {  	[sflag:s26] =	ssyncset.done $0x0  }
0x374: {  	s9 =	simm.s32 $0x10800;
	s14 =	simm.s32 $0x0;
	[sflag:s26] =	ssyncadd.s32 $0xFFFFE000  }
.LBB2_36:
0x375: {  	s15 =	sshll.u32 s14, $0x4  }
0x376: {  	v1 =	vld [tilespmem:s15+$0x0];
	_ =	sdelay $0x3  }
0x377: {  	v2 =	vmov s15  }
0x378: {  	v2 =	vshll.u32 v2, $0x7;
	v1 =	vshll.u32 v1, $0x6  }
0x379: {  	v2 =	vor.u32 v0, v2;
	v1 =	vand.u32 $0x40, v1  }
0x37a: {  	s29 =	simm.s32 $0xF;
	v1 =	vor.u32 v2, v1  }
0x37b: {  	s16 =	simm.s32 $0x1;
	v2 =	vor.u32 s29, v1  }
0x37c: {  	s31 =	simm.s32 $0x2;
	v3 =	vor.u32 s16, v1  }
0x37d: {  	s19 =	simm.s32 $0x4;
	v4 =	vor.u32 s31, v1  }
0x37e: {  	s16 =	simm.s32 $0x3;
	v6 =	vor.u32 s19, v1  }
0x37f: {  	s21 =	simm.s32 $0x5;
	v5 =	vor.u32 s16, v1  }
0x380: {  	s22 =	simm.s32 $0x6;
	v7 =	vor.u32 s21, v1;
	v8 =	vld.idx.msk [tilespmem:v2+s0+$0x0], $0xffff  }
0x381: {  	s31 =	simm.s32 $0x8;
	v3 =	vld.idx.msk [tilespmem:v3+s0+$0x0], $0xffff;
	v2 =	vor.u32 s22, v1  }
0x382: {  	s29 =	simm.s32 $0x7;
	v12 =	vor.u32 s31, v1;
	v4 =	vld.idx.msk [tilespmem:v4+s0+$0x0], $0xffff  }
0x383: {  	v9 =	vor.u32 s29, v1;
	s16 =	simm.s32 $0x9;
	v14 =	vld.idx.msk [tilespmem:v6+s0+$0x0], $0xffff  }
0x384: {  	s19 =	simm.s32 $0xA;
	v6 =	vor.u32 s16, v1;
	v11 =	vld.idx.msk [tilespmem:v5+s0+$0x0], $0xffff  }
0x385: {  	s21 =	simm.s32 $0xB;
	v5 =	vld.idx.msk [tilespmem:v7+s0+$0x0], $0xffff;
	v7 =	vor.u32 s19, v1  }
0x386: {  	v10 =	vor.u32 s21, v1;
	s22 =	simm.s32 $0xC;
	v2 =	vld.idx.msk [tilespmem:v2+s0+$0x0], $0xffff;
	v8 =	vmul.f32 $8.000000000e+00, v8  }
0x387: {  	s29 =	simm.s32 $0xD;
	v13 =	vmul.f32 $8.000000000e+00, v3;
	v15 =	vmul.f32 $8.000000000e+00, v4;
	v4 =	vld.idx.msk [tilespmem:v12+s0+$0x0], $0xffff;
	v12 =	vor.u32 s22, v1  }
0x388: {  	s31 =	simm.s32 $0xE;
	v3 =	vld.idx.msk [tilespmem:v9+s0+$0x0], $0xffff;
	v9 =	vor.u32 s29, v1;
	[tilespmem:s9+$0x380] =	vst v8  }
0x389: {  	s15 =	simm.s32 $0x10;
	v6 =	vld.idx.msk [tilespmem:v6+s0+$0x0], $0xffff;
	[tilespmem:s9+$0xFFFFFC80] =	vst v13;
	v13 =	vmul.f32 $8.000000000e+00, v11;
	v11 =	vor.u32 s31, v1  }
0x38a: {  	s21 =	simm.s32 $0x20;
	s16 =	smov.u32 s9;
	s19 =	simm.s32 $0x1F;
	v14 =	vmul.f32 $8.000000000e+00, v14;
	v7 =	vld.idx.msk [tilespmem:v7+s0+$0x0], $0xffff;
	v8 =	vor.u32 s7, v1;
	[tilespmem:s9+$0xFFFFFD00] =	vst v15  }
.LBB2_37:
0x38b: {  	p0 =	slt.u32 s21, $0x30;
	s22 =	sadd.s32 $0x1, s15;
	v15 =	vor.u32 s19, v1;
	[tilespmem:s16+$0xFFFFFD80] =	vst v13;
	v5 =	vmul.f32 $8.000000000e+00, v5;
	v10 =	vld.idx.msk [tilespmem:v10+s0+$0x0], $0xffff  }
0x38c: {  	s19 =	sadd.s32 $0x2, s15;
	v2 =	vmul.f32 $8.000000000e+00, v2;
	v13 =	vor.u32 s22, v1;
	[tilespmem:s16+$0xFFFFFE00] =	vst v14;
	v12 =	vld.idx.msk [tilespmem:v12+s0+$0x0], $0xffff  }
0x38d: {  	v14 =	vor.u32 s19, v1;
	s19 =	sadd.s32 $0x3, s15;
	v3 =	vmul.f32 $8.000000000e+00, v3;
	[tilespmem:s16+$0xFFFFFE80] =	vst v5;
	v5 =	vld.idx.msk [tilespmem:v9+s0+$0x0], $0xffff  }
0x38e: {  	v9 =	vor.u32 s19, v1;
	s19 =	sadd.s32 $0x4, s15;
	[tilespmem:s16+$0xFFFFFF00] =	vst v2;
	v2 =	vmul.f32 $8.000000000e+00, v4;
	v4 =	vld.idx.msk [tilespmem:v11+s0+$0x0], $0xffff  }
0x38f: {  	v11 =	vor.u32 s19, v1;
	s19 =	sadd.s32 $0x5, s15;
	v8 =	vld.idx.msk [tilespmem:v8+s0+$0x0], $0xffff;
	[tilespmem:s16+$0xFFFFFF80] =	vst v3;
	v3 =	vmul.f32 $8.000000000e+00, v6  }
0x390: {  	v6 =	vor.u32 s19, v1;
	s19 =	sadd.s32 $0x6, s15;
	v15 =	vld.idx.msk [tilespmem:v15+s0+$0x0], $0xffff;
	[tilespmem:s16+$0x0] =	vst v2;
	v2 =	vmul.f32 $8.000000000e+00, v7  }
0x391: {  	v7 =	vld.idx.msk [tilespmem:v13+s0+$0x0], $0xffff;
	v13 =	vor.u32 s19, v1;
	s19 =	sadd.s32 $0x7, s15;
	[tilespmem:s16+$0x80] =	vst v3;
	v3 =	vmul.f32 $8.000000000e+00, v10  }
0x392: {  	v14 =	vld.idx.msk [tilespmem:v14+s0+$0x0], $0xffff;
	v16 =	vor.u32 s19, v1;
	s19 =	sadd.s32 $0x8, s15;
	[tilespmem:s16+$0x100] =	vst v2;
	v2 =	vmul.f32 $8.000000000e+00, v12  }
0x393: {  	v17 =	vld.idx.msk [tilespmem:v9+s0+$0x0], $0xffff;
	v9 =	vor.u32 s19, v1;
	s19 =	sadd.s32 $0x9, s15;
	[tilespmem:s16+$0x180] =	vst v3;
	v3 =	vmul.f32 $8.000000000e+00, v5  }
0x394: {  	v4 =	vmul.f32 $8.000000000e+00, v4;
	v18 =	vld.idx.msk [tilespmem:v11+s0+$0x0], $0xffff;
	v11 =	vor.u32 s19, v1;
	s19 =	sadd.s32 $0xA, s15;
	[tilespmem:s16+$0x200] =	vst v2  }
0x395: {  	v5 =	vld.idx.msk [tilespmem:v6+s0+$0x0], $0xffff;
	v19 =	vor.u32 s19, v1;
	s19 =	sadd.s32 $0xB, s15;
	v6 =	vmul.f32 $8.000000000e+00, v8;
	[tilespmem:s16+$0x280] =	vst v3  }
.Ltmp17:
0x396: {  	v8 =	vmul.f32 $8.000000000e+00, v15;
	v2 =	vld.idx.msk [tilespmem:v13+s0+$0x0], $0xffff;
	v10 =	vor.u32 s19, v1;
	s19 =	sadd.s32 $0xC, s15;
	[tilespmem:s16+$0x300] =	vst v4;
	(pc) =	sbr.rel @p0 .LBB2_37-.Ltmp17, $4  }
0x397: {  	v7 =	vmul.f32 $8.000000000e+00, v7;
	v3 =	vld.idx.msk [tilespmem:v16+s0+$0x0], $0xffff;
	v12 =	vor.u32 s19, v1;
	s19 =	sadd.s32 $0xD, s15;
	[tilespmem:s16+$0xFFFFFC00] =	vst v6;
	s16 =	sadd.s32 $0x800, s16  }
0x398: {  	v14 =	vmul.f32 $8.000000000e+00, v14;
	v4 =	vld.idx.msk [tilespmem:v9+s0+$0x0], $0xffff;
	v9 =	vor.u32 s19, v1;
	s19 =	sadd.s32 $0xE, s15;
	[tilespmem:s16+$0x380] =	vst v8  }
0x399: {  	v13 =	vmul.f32 $8.000000000e+00, v17;
	[tilespmem:s16+$0xFFFFFC80] =	vst v7;
	v6 =	vld.idx.msk [tilespmem:v11+s0+$0x0], $0xffff;
	v11 =	vor.u32 s19, v1  }
0x39a: {  	v8 =	vor.u32 s15, v1;
	s15 =	smov.u32 s21;
	s19 =	sadd.s32 $0xF, s21;
	s21 =	sadd.s32 $0x10, s21;
	[tilespmem:s16+$0xFFFFFD00] =	vst v14;
	v14 =	vmul.f32 $8.000000000e+00, v18;
	v7 =	vld.idx.msk [tilespmem:v19+s0+$0x0], $0xffff  }
0x39b: {  	_ =	sdelay $0x3  }
0x39c: {  	[tilespmem:s16+$0xFFFFFD80] =	vst v13;
	v5 =	vmul.f32 $8.000000000e+00, v5;
	s21 =	sadd.s32 $0x1, s15;
	v40 =	vor.u32 s19, v1;
	v10 =	vld.idx.msk [tilespmem:v10+s0+$0x0], $0xffff;
	v2 =	vmul.f32 $8.000000000e+00, v2;
	s29 =	sadd.s32 $0x2, s15  }
0x39d: {  	v12 =	vld.idx.msk [tilespmem:v12+s0+$0x0], $0xffff;
	s31 =	sadd.s32 $0x3, s15;
	s22 =	sadd.s32 $0x5, s15;
	[tilespmem:s16+$0xFFFFFE00] =	vst v14;
	v41 =	vor.u32 s21, v1;
	v3 =	vmul.f32 $8.000000000e+00, v3;
	v42 =	vor.u32 s29, v1  }
0x39e: {  	v8 =	vld.idx.msk [tilespmem:v8+s0+$0x0], $0xffff;
	v43 =	vor.u32 s31, v1;
	s21 =	sadd.s32 $0x4, s15;
	v45 =	vor.u32 s22, v1;
	s29 =	sadd.s32 $0x6, s15;
	s31 =	sadd.s32 $0x7, s15;
	[tilespmem:s16+$0xFFFFFF00] =	vst v2;
	v2 =	vmul.f32 $8.000000000e+00, v4  }
0x39f: {  	s22 =	sadd.s32 $0x9, s15;
	[tilespmem:s16+$0xFFFFFE80] =	vst v5;
	v44 =	vor.u32 s21, v1;
	v47 =	vor.u32 s29, v1;
	v48 =	vor.u32 s31, v1;
	s21 =	sadd.s32 $0x8, s15  }
0x3a0: {  	v9 =	vld.idx.msk [tilespmem:v9+s0+$0x0], $0xffff;
	v50 =	vor.u32 s22, v1;
	s29 =	sadd.s32 $0xA, s15;
	s31 =	sadd.s32 $0xB, s15;
	[tilespmem:s16+$0xFFFFFF80] =	vst v3;
	v3 =	vmul.f32 $8.000000000e+00, v6;
	v49 =	vor.u32 s21, v1  }
0x3a1: {  	v11 =	vld.idx.msk [tilespmem:v11+s0+$0x0], $0xffff;
	v51 =	vor.u32 s29, v1;
	v52 =	vor.u32 s31, v1;
	s21 =	sadd.s32 $0xC, s15;
	s29 =	sadd.s32 $0xD, s15;
	[tilespmem:s16+$0x0] =	vst v2;
	v2 =	vmul.f32 $8.000000000e+00, v7  }
0x3a2: {  	s31 =	sadd.s32 $0xE, s15;
	v54 =	vor.u32 s21, v1;
	v55 =	vor.u32 s29, v1;
	v13 =	vld.idx.msk [tilespmem:v40+s0+$0x0], $0xffff;
	[tilespmem:s16+$0x80] =	vst v3;
	v3 =	vmul.f32 $8.000000000e+00, v10  }
0x3a3: {  	v57 =	vor.u32 s31, v1;
	v1 =	vor.u32 s15, v1;
	v8 =	vmul.f32 $8.000000000e+00, v8;
	v46 =	vld.idx.msk [tilespmem:v41+s0+$0x0], $0xffff;
	[tilespmem:s16+$0x100] =	vst v2  }
0x3a4: {  	v2 =	vmul.f32 $8.000000000e+00, v12;
	v5 =	vld.idx.msk [tilespmem:v42+s0+$0x0], $0xffff;
	[tilespmem:s16+$0x180] =	vst v3  }
0x3a5: {  	v4 =	vld.idx.msk [tilespmem:v43+s0+$0x0], $0xffff;
	v3 =	vmul.f32 $8.000000000e+00, v9;
	[tilespmem:s16+$0xFFFFFC00] =	vst v8  }
0x3a6: {  	v6 =	vld.idx.msk [tilespmem:v44+s0+$0x0], $0xffff;
	[tilespmem:s16+$0x200] =	vst v2;
	v2 =	vmul.f32 $8.000000000e+00, v11  }
0x3a7: {  	[tilespmem:s16+$0x280] =	vst v3;
	v3 =	vld.idx.msk [tilespmem:v45+s0+$0x0], $0xffff;
	v13 =	vmul.f32 $8.000000000e+00, v13  }
0x3a8: {  	s22 =	sadd.s32 $0x800, s16;
	v1 =	vld.idx.msk [tilespmem:v1+s0+$0x0], $0xffff;
	[tilespmem:s16+$0x300] =	vst v2;
	v10 =	vmul.f32 $8.000000000e+00, v46  }
0x3a9: {  	v2 =	vld.idx.msk [tilespmem:v47+s0+$0x0], $0xffff;
	v5 =	vmul.f32 $8.000000000e+00, v5;
	[tilespmem:s22+$0x380] =	vst v13  }
0x3aa: {  	v53 =	vld.idx.msk [tilespmem:v48+s0+$0x0], $0xffff;
	v4 =	vmul.f32 $8.000000000e+00, v4;
	[tilespmem:s22+$0xFFFFFC80] =	vst v10  }
0x3ab: {  	v9 =	vld.idx.msk [tilespmem:v49+s0+$0x0], $0xffff;
	v58 =	vmul.f32 $8.000000000e+00, v6;
	[tilespmem:s22+$0xFFFFFD00] =	vst v5  }
0x3ac: {  	v56 =	vld.idx.msk [tilespmem:v50+s0+$0x0], $0xffff;
	[tilespmem:s22+$0xFFFFFD80] =	vst v4;
	v3 =	vmul.f32 $8.000000000e+00, v3  }
0x3ad: {  	v59 =	vld.idx.msk [tilespmem:v51+s0+$0x0], $0xffff;
	[tilespmem:s22+$0xFFFFFE00] =	vst v58;
	v1 =	vmul.f32 $8.000000000e+00, v1  }
0x3ae: {  	v60 =	vld.idx.msk [tilespmem:v52+s0+$0x0], $0xffff;
	v2 =	vmul.f32 $8.000000000e+00, v2;
	[tilespmem:s22+$0xFFFFFE80] =	vst v3  }
0x3af: {  	v61 =	vld.idx.msk [tilespmem:v54+s0+$0x0], $0xffff;
	v3 =	vmul.f32 $8.000000000e+00, v53;
	[tilespmem:s22+$0xFFFFFC00] =	vst v1  }
0x3b0: {  	v62 =	vld.idx.msk [tilespmem:v55+s0+$0x0], $0xffff;
	[tilespmem:s22+$0xFFFFFF00] =	vst v2;
	v2 =	vmul.f32 $8.000000000e+00, v9  }
0x3b1: {  	v63 =	vld.idx.msk [tilespmem:v57+s0+$0x0], $0xffff;
	[tilespmem:s22+$0xFFFFFF80] =	vst v3;
	v3 =	vmul.f32 $8.000000000e+00, v56  }
0x3b2: {  	s14 =	sadd.s32 $0x1, s14;
	[tilespmem:s22+$0x0] =	vst v2;
	v2 =	vmul.f32 $8.000000000e+00, v59  }
0x3b3: {  	p0 =	sne.s32 s14, $0x8;
	[tilespmem:s22+$0x80] =	vst v3;
	v3 =	vmul.f32 $8.000000000e+00, v60  }
.Ltmp18:
0x3b4: {  	[tilespmem:s22+$0x100] =	vst v2;
	v2 =	vmul.f32 $8.000000000e+00, v61;
	(pc) =	sbr.rel @p0 .LBB2_36-.Ltmp18, $4  }
0x3b5: {  	[tilespmem:s22+$0x180] =	vst v3;
	v3 =	vmul.f32 $8.000000000e+00, v62  }
0x3b6: {  	[tilespmem:s22+$0x200] =	vst v2;
	v2 =	vmul.f32 $8.000000000e+00, v63  }
0x3b7: {  	[tilespmem:s22+$0x280] =	vst v3  }
0x3b8: {  	s9 =	sadd.s32 $0x10, s9;
	[tilespmem:s22+$0x300] =	vst v2  }
0x3b9: {  	s7 =	rddreg [dreg:$0xe]  }
0x3ba: {  	[hbm4b:s7+s0] =	stream.strided.scatter [tilespmem:s24], [sflag:$0x9], $0x2000, s18, s0, $0x38;
	[tilespmem:$0x14400] =	vst v63  }
0x3bb: {  	_ =	swait.ge [sflag:s20], $0x80  }
0x3bc: {  	[sflag:s20] =	ssyncset.done $0x0  }
0x3bd: {  	[sflag:s20] =	ssyncadd.s32 $0xFFFFFF80  }
0x3be: {  	v1 =	vld [tilespmem:$0x180]  }
0x3bf: {  	v2 =	vld [tilespmem:$0x190]  }
0x3c0: {  	v3 =	vld [tilespmem:$0x1A0]  }
0x3c1: {  	v4 =	vld [tilespmem:$0x1B0]  }
0x3c2: {  	v5 =	vld [tilespmem:$0x1C0]  }
0x3c3: {  	v6 =	vld [tilespmem:$0x1D0];
	v1 =	vshra.s32 v1, $0x1  }
0x3c4: {  	[tilespmem:$0x380] =	vst v1;
	v1 =	vshra.s32 v2, $0x1;
	v2 =	vld [tilespmem:$0x1E0]  }
0x3c5: {  	[tilespmem:$0x390] =	vst v1;
	v1 =	vshra.s32 v3, $0x1;
	v3 =	vld [tilespmem:$0x1F0]  }
0x3c6: {  	[tilespmem:$0x3A0] =	vst v1;
	v1 =	vshra.s32 v4, $0x1  }
0x3c7: {  	[tilespmem:$0x3B0] =	vst v1;
	v1 =	vshra.s32 v5, $0x1  }
0x3c8: {  	[tilespmem:$0x3C0] =	vst v1;
	v1 =	vshra.s32 v6, $0x1  }
0x3c9: {  	[tilespmem:$0x3D0] =	vst v1;
	v1 =	vshra.s32 v2, $0x1  }
0x3ca: {  	[tilespmem:$0x3E0] =	vst v1;
	v1 =	vshra.s32 v3, $0x1  }
0x3cb: {  	s31 =	simm.s32 $0x380;
	s9 =	simm.s32 $0xC400;
	[tilespmem:$0x3F0] =	vst v1  }
0x3cc: {  	[tilespmem:s9], [sflag:$0x8] =	stream.indirect.gather [hbm4b:s5+s28], $0x80, s31, s28, $0xb8;
	[tilespmem:$0x14400] =	vst v63  }
0x3cd: {  	_ =	swait.ge [sflag:s23], $0x4000  }
0x3ce: {  	[sflag:s23] =	ssyncset.done $0x0  }
0x3cf: {  	[sflag:s23] =	ssyncadd.s32 $0xFFFFC000  }
0x3d0: {  	_ =	swait.ge [sflag:s4], $0x2000  }
0x3d1: {  	s14 =	simm.s32 $0x0;
	[sflag:s4] =	ssyncset.done $0x0  }
0x3d2: {  	s7 =	simm.s32 $0x0;
	s9 =	simm.s32 $0x12B80;
	[sflag:s4] =	ssyncadd.s32 $0xFFFFE000  }
.LBB2_40:
0x3d3: {  	s15 =	sshll.u32 s14, $0x4  }
0x3d4: {  	v1 =	vld [tilespmem:s15+$0x80];
	_ =	sdelay $0x2  }
0x3d5: {  	s15 =	sor.u32 $0x80, s15  }
0x3d6: {  	v2 =	vmov s15  }
0x3d7: {  	v2 =	vshll.u32 v2, $0x7;
	v1 =	vshll.u32 v1, $0x6  }
0x3d8: {  	v2 =	vor.u32 v0, v2;
	v1 =	vand.u32 $0x40, v1  }
0x3d9: {  	s29 =	simm.s32 $0xF;
	v1 =	vor.u32 v2, v1  }
0x3da: {  	s16 =	simm.s32 $0x1;
	v2 =	vor.u32 s29, v1  }
0x3db: {  	s31 =	simm.s32 $0x2;
	v3 =	vor.u32 s16, v1  }
0x3dc: {  	s19 =	simm.s32 $0x4;
	v4 =	vor.u32 s31, v1  }
0x3dd: {  	s16 =	simm.s32 $0x3;
	v6 =	vor.u32 s19, v1  }
0x3de: {  	s21 =	simm.s32 $0x5;
	v5 =	vor.u32 s16, v1  }
0x3df: {  	s22 =	simm.s32 $0x6;
	v7 =	vor.u32 s21, v1;
	v8 =	vld.idx.msk [tilespmem:v2+s0+$0x0], $0xffff  }
0x3e0: {  	s31 =	simm.s32 $0x8;
	v3 =	vld.idx.msk [tilespmem:v3+s0+$0x0], $0xffff;
	v2 =	vor.u32 s22, v1  }
0x3e1: {  	s29 =	simm.s32 $0x7;
	v12 =	vor.u32 s31, v1;
	v4 =	vld.idx.msk [tilespmem:v4+s0+$0x0], $0xffff  }
0x3e2: {  	v9 =	vor.u32 s29, v1;
	s16 =	simm.s32 $0x9;
	v14 =	vld.idx.msk [tilespmem:v6+s0+$0x0], $0xffff  }
0x3e3: {  	s19 =	simm.s32 $0xA;
	v6 =	vor.u32 s16, v1;
	v11 =	vld.idx.msk [tilespmem:v5+s0+$0x0], $0xffff  }
0x3e4: {  	s21 =	simm.s32 $0xB;
	v5 =	vld.idx.msk [tilespmem:v7+s0+$0x0], $0xffff;
	v7 =	vor.u32 s19, v1  }
0x3e5: {  	v10 =	vor.u32 s21, v1;
	s22 =	simm.s32 $0xC;
	v2 =	vld.idx.msk [tilespmem:v2+s0+$0x0], $0xffff;
	v8 =	vmul.f32 $8.000000000e+00, v8  }
0x3e6: {  	s29 =	simm.s32 $0xD;
	v13 =	vmul.f32 $8.000000000e+00, v3;
	v15 =	vmul.f32 $8.000000000e+00, v4;
	v4 =	vld.idx.msk [tilespmem:v12+s0+$0x0], $0xffff;
	v12 =	vor.u32 s22, v1  }
0x3e7: {  	s31 =	simm.s32 $0xE;
	v3 =	vld.idx.msk [tilespmem:v9+s0+$0x0], $0xffff;
	v9 =	vor.u32 s29, v1;
	[tilespmem:s9+$0x0] =	vst v8  }
0x3e8: {  	s15 =	simm.s32 $0x10;
	v6 =	vld.idx.msk [tilespmem:v6+s0+$0x0], $0xffff;
	[tilespmem:s9+$0xFFFFF900] =	vst v13;
	v13 =	vmul.f32 $8.000000000e+00, v11;
	v11 =	vor.u32 s31, v1  }
0x3e9: {  	s21 =	simm.s32 $0x20;
	s16 =	smov.u32 s9;
	s19 =	simm.s32 $0x1F;
	v14 =	vmul.f32 $8.000000000e+00, v14;
	v7 =	vld.idx.msk [tilespmem:v7+s0+$0x0], $0xffff;
	v8 =	vor.u32 s7, v1;
	[tilespmem:s9+$0xFFFFF980] =	vst v15  }
.LBB2_41:
0x3ea: {  	p0 =	slt.u32 s21, $0x30;
	s22 =	sadd.s32 $0x1, s15;
	v15 =	vor.u32 s19, v1;
	[tilespmem:s16+$0xFFFFFA00] =	vst v13;
	v5 =	vmul.f32 $8.000000000e+00, v5;
	v10 =	vld.idx.msk [tilespmem:v10+s0+$0x0], $0xffff  }
0x3eb: {  	s19 =	sadd.s32 $0x2, s15;
	v2 =	vmul.f32 $8.000000000e+00, v2;
	v13 =	vor.u32 s22, v1;
	[tilespmem:s16+$0xFFFFFA80] =	vst v14;
	v12 =	vld.idx.msk [tilespmem:v12+s0+$0x0], $0xffff  }
0x3ec: {  	v14 =	vor.u32 s19, v1;
	s19 =	sadd.s32 $0x3, s15;
	v3 =	vmul.f32 $8.000000000e+00, v3;
	[tilespmem:s16+$0xFFFFFB00] =	vst v5;
	v5 =	vld.idx.msk [tilespmem:v9+s0+$0x0], $0xffff  }
0x3ed: {  	v9 =	vor.u32 s19, v1;
	s19 =	sadd.s32 $0x4, s15;
	[tilespmem:s16+$0xFFFFFB80] =	vst v2;
	v2 =	vmul.f32 $8.000000000e+00, v4;
	v4 =	vld.idx.msk [tilespmem:v11+s0+$0x0], $0xffff  }
0x3ee: {  	v11 =	vor.u32 s19, v1;
	s19 =	sadd.s32 $0x5, s15;
	v8 =	vld.idx.msk [tilespmem:v8+s0+$0x0], $0xffff;
	[tilespmem:s16+$0xFFFFFC00] =	vst v3;
	v3 =	vmul.f32 $8.000000000e+00, v6  }
0x3ef: {  	v6 =	vor.u32 s19, v1;
	s19 =	sadd.s32 $0x6, s15;
	v15 =	vld.idx.msk [tilespmem:v15+s0+$0x0], $0xffff;
	[tilespmem:s16+$0xFFFFFC80] =	vst v2;
	v2 =	vmul.f32 $8.000000000e+00, v7  }
0x3f0: {  	v7 =	vld.idx.msk [tilespmem:v13+s0+$0x0], $0xffff;
	v13 =	vor.u32 s19, v1;
	s19 =	sadd.s32 $0x7, s15;
	[tilespmem:s16+$0xFFFFFD00] =	vst v3;
	v3 =	vmul.f32 $8.000000000e+00, v10  }
0x3f1: {  	v14 =	vld.idx.msk [tilespmem:v14+s0+$0x0], $0xffff;
	v16 =	vor.u32 s19, v1;
	s19 =	sadd.s32 $0x8, s15;
	[tilespmem:s16+$0xFFFFFD80] =	vst v2;
	v2 =	vmul.f32 $8.000000000e+00, v12  }
0x3f2: {  	v17 =	vld.idx.msk [tilespmem:v9+s0+$0x0], $0xffff;
	v9 =	vor.u32 s19, v1;
	s19 =	sadd.s32 $0x9, s15;
	[tilespmem:s16+$0xFFFFFE00] =	vst v3;
	v3 =	vmul.f32 $8.000000000e+00, v5  }
0x3f3: {  	v4 =	vmul.f32 $8.000000000e+00, v4;
	v18 =	vld.idx.msk [tilespmem:v11+s0+$0x0], $0xffff;
	v11 =	vor.u32 s19, v1;
	s19 =	sadd.s32 $0xA, s15;
	[tilespmem:s16+$0xFFFFFE80] =	vst v2  }
0x3f4: {  	v5 =	vld.idx.msk [tilespmem:v6+s0+$0x0], $0xffff;
	v19 =	vor.u32 s19, v1;
	s19 =	sadd.s32 $0xB, s15;
	v6 =	vmul.f32 $8.000000000e+00, v8;
	[tilespmem:s16+$0xFFFFFF00] =	vst v3  }
.Ltmp19:
0x3f5: {  	v8 =	vmul.f32 $8.000000000e+00, v15;
	v2 =	vld.idx.msk [tilespmem:v13+s0+$0x0], $0xffff;
	v10 =	vor.u32 s19, v1;
	s19 =	sadd.s32 $0xC, s15;
	[tilespmem:s16+$0xFFFFFF80] =	vst v4;
	(pc) =	sbr.rel @p0 .LBB2_41-.Ltmp19, $4  }
0x3f6: {  	v7 =	vmul.f32 $8.000000000e+00, v7;
	v3 =	vld.idx.msk [tilespmem:v16+s0+$0x0], $0xffff;
	v12 =	vor.u32 s19, v1;
	s19 =	sadd.s32 $0xD, s15;
	[tilespmem:s16+$0xFFFFF880] =	vst v6;
	s16 =	sadd.s32 $0x800, s16  }
0x3f7: {  	v14 =	vmul.f32 $8.000000000e+00, v14;
	v4 =	vld.idx.msk [tilespmem:v9+s0+$0x0], $0xffff;
	v9 =	vor.u32 s19, v1;
	s19 =	sadd.s32 $0xE, s15;
	[tilespmem:s16+$0x0] =	vst v8  }
0x3f8: {  	v13 =	vmul.f32 $8.000000000e+00, v17;
	[tilespmem:s16+$0xFFFFF900] =	vst v7;
	v6 =	vld.idx.msk [tilespmem:v11+s0+$0x0], $0xffff;
	v11 =	vor.u32 s19, v1  }
0x3f9: {  	v8 =	vor.u32 s15, v1;
	s15 =	smov.u32 s21;
	s19 =	sadd.s32 $0xF, s21;
	s21 =	sadd.s32 $0x10, s21;
	[tilespmem:s16+$0xFFFFF980] =	vst v14;
	v14 =	vmul.f32 $8.000000000e+00, v18;
	v7 =	vld.idx.msk [tilespmem:v19+s0+$0x0], $0xffff  }
0x3fa: {  	_ =	sdelay $0x3  }
0x3fb: {  	[tilespmem:s16+$0xFFFFFA00] =	vst v13;
	v5 =	vmul.f32 $8.000000000e+00, v5;
	s21 =	sadd.s32 $0x1, s15;
	v40 =	vor.u32 s19, v1;
	v10 =	vld.idx.msk [tilespmem:v10+s0+$0x0], $0xffff;
	v2 =	vmul.f32 $8.000000000e+00, v2;
	s29 =	sadd.s32 $0x2, s15  }
0x3fc: {  	v12 =	vld.idx.msk [tilespmem:v12+s0+$0x0], $0xffff;
	s31 =	sadd.s32 $0x3, s15;
	s22 =	sadd.s32 $0x5, s15;
	[tilespmem:s16+$0xFFFFFA80] =	vst v14;
	v41 =	vor.u32 s21, v1;
	v3 =	vmul.f32 $8.000000000e+00, v3;
	v42 =	vor.u32 s29, v1  }
0x3fd: {  	v8 =	vld.idx.msk [tilespmem:v8+s0+$0x0], $0xffff;
	v43 =	vor.u32 s31, v1;
	s21 =	sadd.s32 $0x4, s15;
	v45 =	vor.u32 s22, v1;
	s29 =	sadd.s32 $0x6, s15;
	s31 =	sadd.s32 $0x7, s15;
	[tilespmem:s16+$0xFFFFFB80] =	vst v2;
	v2 =	vmul.f32 $8.000000000e+00, v4  }
0x3fe: {  	s22 =	sadd.s32 $0x9, s15;
	[tilespmem:s16+$0xFFFFFB00] =	vst v5;
	v44 =	vor.u32 s21, v1;
	v47 =	vor.u32 s29, v1;
	v48 =	vor.u32 s31, v1;
	s21 =	sadd.s32 $0x8, s15  }
0x3ff: {  	v9 =	vld.idx.msk [tilespmem:v9+s0+$0x0], $0xffff;
	v50 =	vor.u32 s22, v1;
	s29 =	sadd.s32 $0xA, s15;
	s31 =	sadd.s32 $0xB, s15;
	[tilespmem:s16+$0xFFFFFC00] =	vst v3;
	v3 =	vmul.f32 $8.000000000e+00, v6;
	v49 =	vor.u32 s21, v1  }
0x400: {  	v11 =	vld.idx.msk [tilespmem:v11+s0+$0x0], $0xffff;
	v51 =	vor.u32 s29, v1;
	v52 =	vor.u32 s31, v1;
	s21 =	sadd.s32 $0xC, s15;
	s29 =	sadd.s32 $0xD, s15;
	[tilespmem:s16+$0xFFFFFC80] =	vst v2;
	v2 =	vmul.f32 $8.000000000e+00, v7  }
0x401: {  	s31 =	sadd.s32 $0xE, s15;
	v54 =	vor.u32 s21, v1;
	v55 =	vor.u32 s29, v1;
	v13 =	vld.idx.msk [tilespmem:v40+s0+$0x0], $0xffff;
	[tilespmem:s16+$0xFFFFFD00] =	vst v3;
	v3 =	vmul.f32 $8.000000000e+00, v10  }
0x402: {  	v57 =	vor.u32 s31, v1;
	v1 =	vor.u32 s15, v1;
	v8 =	vmul.f32 $8.000000000e+00, v8;
	v46 =	vld.idx.msk [tilespmem:v41+s0+$0x0], $0xffff;
	[tilespmem:s16+$0xFFFFFD80] =	vst v2  }
0x403: {  	v2 =	vmul.f32 $8.000000000e+00, v12;
	v5 =	vld.idx.msk [tilespmem:v42+s0+$0x0], $0xffff;
	[tilespmem:s16+$0xFFFFFE00] =	vst v3  }
0x404: {  	v4 =	vld.idx.msk [tilespmem:v43+s0+$0x0], $0xffff;
	v3 =	vmul.f32 $8.000000000e+00, v9;
	[tilespmem:s16+$0xFFFFF880] =	vst v8  }
0x405: {  	v6 =	vld.idx.msk [tilespmem:v44+s0+$0x0], $0xffff;
	[tilespmem:s16+$0xFFFFFE80] =	vst v2;
	v2 =	vmul.f32 $8.000000000e+00, v11  }
0x406: {  	[tilespmem:s16+$0xFFFFFF00] =	vst v3;
	v3 =	vld.idx.msk [tilespmem:v45+s0+$0x0], $0xffff;
	v13 =	vmul.f32 $8.000000000e+00, v13  }
0x407: {  	s22 =	sadd.s32 $0x800, s16;
	v1 =	vld.idx.msk [tilespmem:v1+s0+$0x0], $0xffff;
	[tilespmem:s16+$0xFFFFFF80] =	vst v2;
	v10 =	vmul.f32 $8.000000000e+00, v46  }
0x408: {  	v2 =	vld.idx.msk [tilespmem:v47+s0+$0x0], $0xffff;
	v5 =	vmul.f32 $8.000000000e+00, v5;
	[tilespmem:s22+$0x0] =	vst v13  }
0x409: {  	v53 =	vld.idx.msk [tilespmem:v48+s0+$0x0], $0xffff;
	v4 =	vmul.f32 $8.000000000e+00, v4;
	[tilespmem:s22+$0xFFFFF900] =	vst v10  }
0x40a: {  	v9 =	vld.idx.msk [tilespmem:v49+s0+$0x0], $0xffff;
	v58 =	vmul.f32 $8.000000000e+00, v6;
	[tilespmem:s22+$0xFFFFF980] =	vst v5  }
0x40b: {  	v56 =	vld.idx.msk [tilespmem:v50+s0+$0x0], $0xffff;
	[tilespmem:s22+$0xFFFFFA00] =	vst v4;
	v3 =	vmul.f32 $8.000000000e+00, v3  }
0x40c: {  	v59 =	vld.idx.msk [tilespmem:v51+s0+$0x0], $0xffff;
	[tilespmem:s22+$0xFFFFFA80] =	vst v58;
	v1 =	vmul.f32 $8.000000000e+00, v1  }
0x40d: {  	v60 =	vld.idx.msk [tilespmem:v52+s0+$0x0], $0xffff;
	v2 =	vmul.f32 $8.000000000e+00, v2;
	[tilespmem:s22+$0xFFFFFB00] =	vst v3  }
0x40e: {  	v61 =	vld.idx.msk [tilespmem:v54+s0+$0x0], $0xffff;
	v3 =	vmul.f32 $8.000000000e+00, v53;
	[tilespmem:s22+$0xFFFFF880] =	vst v1  }
0x40f: {  	v62 =	vld.idx.msk [tilespmem:v55+s0+$0x0], $0xffff;
	[tilespmem:s22+$0xFFFFFB80] =	vst v2;
	v2 =	vmul.f32 $8.000000000e+00, v9  }
0x410: {  	v63 =	vld.idx.msk [tilespmem:v57+s0+$0x0], $0xffff;
	[tilespmem:s22+$0xFFFFFC00] =	vst v3;
	v3 =	vmul.f32 $8.000000000e+00, v56  }
0x411: {  	s14 =	sadd.s32 $0x1, s14;
	[tilespmem:s22+$0xFFFFFC80] =	vst v2;
	v2 =	vmul.f32 $8.000000000e+00, v59  }
0x412: {  	p0 =	sne.s32 s14, $0x8;
	[tilespmem:s22+$0xFFFFFD00] =	vst v3;
	v3 =	vmul.f32 $8.000000000e+00, v60  }
.Ltmp20:
0x413: {  	[tilespmem:s22+$0xFFFFFD80] =	vst v2;
	v2 =	vmul.f32 $8.000000000e+00, v61;
	(pc) =	sbr.rel @p0 .LBB2_40-.Ltmp20, $4  }
0x414: {  	[tilespmem:s22+$0xFFFFFE00] =	vst v3;
	v3 =	vmul.f32 $8.000000000e+00, v62  }
0x415: {  	[tilespmem:s22+$0xFFFFFE80] =	vst v2;
	v2 =	vmul.f32 $8.000000000e+00, v63  }
0x416: {  	[tilespmem:s22+$0xFFFFFF00] =	vst v3  }
0x417: {  	s9 =	sadd.s32 $0x10, s9;
	[tilespmem:s22+$0xFFFFFF80] =	vst v2  }
0x418: {  	s7 =	rddreg [dreg:$0xf];
	s9 =	simm.s32 $0x12400  }
0x419: {  	[hbm4b:s7+s0] =	stream.strided.scatter [tilespmem:s9], [sflag:$0xA], $0x2000, s18, s0, $0x38;
	[tilespmem:$0x14400] =	vst v63  }
0x41a: {  	_ =	swait.ge [sflag:s25], $0x4000  }
0x41b: {  	[sflag:s25] =	ssyncset.done $0x0  }
0x41c: {  	[sflag:s25] =	ssyncadd.s32 $0xFFFFC000  }
0x41d: {  	_ =	swait.ge [sflag:s26], $0x2000  }
0x41e: {  	s14 =	simm.s32 $0x0;
	[sflag:s26] =	ssyncset.done $0x0  }
0x41f: {  	s7 =	simm.s32 $0x0;
	s9 =	simm.s32 $0x10800;
	[sflag:s26] =	ssyncadd.s32 $0xFFFFE000  }
.LBB2_44:
0x420: {  	s15 =	sshll.u32 s14, $0x4  }
0x421: {  	v1 =	vld [tilespmem:s15+$0x100];
	_ =	sdelay $0x2  }
0x422: {  	s15 =	sor.u32 $0x100, s15  }
0x423: {  	v2 =	vmov s15  }
0x424: {  	v2 =	vshll.u32 v2, $0x7;
	v1 =	vshll.u32 v1, $0x6  }
0x425: {  	v2 =	vor.u32 v0, v2;
	v1 =	vand.u32 $0x40, v1  }
0x426: {  	s29 =	simm.s32 $0xF;
	v1 =	vor.u32 v2, v1  }
0x427: {  	s16 =	simm.s32 $0x1;
	v2 =	vor.u32 s29, v1  }
0x428: {  	s31 =	simm.s32 $0x2;
	v3 =	vor.u32 s16, v1  }
0x429: {  	s19 =	simm.s32 $0x4;
	v4 =	vor.u32 s31, v1  }
0x42a: {  	s16 =	simm.s32 $0x3;
	v6 =	vor.u32 s19, v1  }
0x42b: {  	s21 =	simm.s32 $0x5;
	v5 =	vor.u32 s16, v1  }
0x42c: {  	s22 =	simm.s32 $0x6;
	v7 =	vor.u32 s21, v1;
	v8 =	vld.idx.msk [tilespmem:v2+s0+$0x0], $0xffff  }
0x42d: {  	s31 =	simm.s32 $0x8;
	v3 =	vld.idx.msk [tilespmem:v3+s0+$0x0], $0xffff;
	v2 =	vor.u32 s22, v1  }
0x42e: {  	s29 =	simm.s32 $0x7;
	v12 =	vor.u32 s31, v1;
	v4 =	vld.idx.msk [tilespmem:v4+s0+$0x0], $0xffff  }
0x42f: {  	v9 =	vor.u32 s29, v1;
	s16 =	simm.s32 $0x9;
	v14 =	vld.idx.msk [tilespmem:v6+s0+$0x0], $0xffff  }
0x430: {  	s19 =	simm.s32 $0xA;
	v6 =	vor.u32 s16, v1;
	v11 =	vld.idx.msk [tilespmem:v5+s0+$0x0], $0xffff  }
0x431: {  	s21 =	simm.s32 $0xB;
	v5 =	vld.idx.msk [tilespmem:v7+s0+$0x0], $0xffff;
	v7 =	vor.u32 s19, v1  }
0x432: {  	v10 =	vor.u32 s21, v1;
	s22 =	simm.s32 $0xC;
	v2 =	vld.idx.msk [tilespmem:v2+s0+$0x0], $0xffff;
	v8 =	vmul.f32 $8.000000000e+00, v8  }
0x433: {  	s29 =	simm.s32 $0xD;
	v13 =	vmul.f32 $8.000000000e+00, v3;
	v15 =	vmul.f32 $8.000000000e+00, v4;
	v4 =	vld.idx.msk [tilespmem:v12+s0+$0x0], $0xffff;
	v12 =	vor.u32 s22, v1  }
0x434: {  	s31 =	simm.s32 $0xE;
	v3 =	vld.idx.msk [tilespmem:v9+s0+$0x0], $0xffff;
	v9 =	vor.u32 s29, v1;
	[tilespmem:s9+$0x380] =	vst v8  }
0x435: {  	s15 =	simm.s32 $0x10;
	v6 =	vld.idx.msk [tilespmem:v6+s0+$0x0], $0xffff;
	[tilespmem:s9+$0xFFFFFC80] =	vst v13;
	v13 =	vmul.f32 $8.000000000e+00, v11;
	v11 =	vor.u32 s31, v1  }
0x436: {  	s21 =	simm.s32 $0x20;
	s16 =	smov.u32 s9;
	s19 =	simm.s32 $0x1F;
	v14 =	vmul.f32 $8.000000000e+00, v14;
	v7 =	vld.idx.msk [tilespmem:v7+s0+$0x0], $0xffff;
	v8 =	vor.u32 s7, v1;
	[tilespmem:s9+$0xFFFFFD00] =	vst v15  }
.LBB2_45:
0x437: {  	p0 =	slt.u32 s21, $0x30;
	s22 =	sadd.s32 $0x1, s15;
	v15 =	vor.u32 s19, v1;
	[tilespmem:s16+$0xFFFFFD80] =	vst v13;
	v5 =	vmul.f32 $8.000000000e+00, v5;
	v10 =	vld.idx.msk [tilespmem:v10+s0+$0x0], $0xffff  }
0x438: {  	s19 =	sadd.s32 $0x2, s15;
	v2 =	vmul.f32 $8.000000000e+00, v2;
	v13 =	vor.u32 s22, v1;
	[tilespmem:s16+$0xFFFFFE00] =	vst v14;
	v12 =	vld.idx.msk [tilespmem:v12+s0+$0x0], $0xffff  }
0x439: {  	v14 =	vor.u32 s19, v1;
	s19 =	sadd.s32 $0x3, s15;
	v3 =	vmul.f32 $8.000000000e+00, v3;
	[tilespmem:s16+$0xFFFFFE80] =	vst v5;
	v5 =	vld.idx.msk [tilespmem:v9+s0+$0x0], $0xffff  }
0x43a: {  	v9 =	vor.u32 s19, v1;
	s19 =	sadd.s32 $0x4, s15;
	[tilespmem:s16+$0xFFFFFF00] =	vst v2;
	v2 =	vmul.f32 $8.000000000e+00, v4;
	v4 =	vld.idx.msk [tilespmem:v11+s0+$0x0], $0xffff  }
0x43b: {  	v11 =	vor.u32 s19, v1;
	s19 =	sadd.s32 $0x5, s15;
	v8 =	vld.idx.msk [tilespmem:v8+s0+$0x0], $0xffff;
	[tilespmem:s16+$0xFFFFFF80] =	vst v3;
	v3 =	vmul.f32 $8.000000000e+00, v6  }
0x43c: {  	v6 =	vor.u32 s19, v1;
	s19 =	sadd.s32 $0x6, s15;
	v15 =	vld.idx.msk [tilespmem:v15+s0+$0x0], $0xffff;
	[tilespmem:s16+$0x0] =	vst v2;
	v2 =	vmul.f32 $8.000000000e+00, v7  }
0x43d: {  	v7 =	vld.idx.msk [tilespmem:v13+s0+$0x0], $0xffff;
	v13 =	vor.u32 s19, v1;
	s19 =	sadd.s32 $0x7, s15;
	[tilespmem:s16+$0x80] =	vst v3;
	v3 =	vmul.f32 $8.000000000e+00, v10  }
0x43e: {  	v14 =	vld.idx.msk [tilespmem:v14+s0+$0x0], $0xffff;
	v16 =	vor.u32 s19, v1;
	s19 =	sadd.s32 $0x8, s15;
	[tilespmem:s16+$0x100] =	vst v2;
	v2 =	vmul.f32 $8.000000000e+00, v12  }
0x43f: {  	v17 =	vld.idx.msk [tilespmem:v9+s0+$0x0], $0xffff;
	v9 =	vor.u32 s19, v1;
	s19 =	sadd.s32 $0x9, s15;
	[tilespmem:s16+$0x180] =	vst v3;
	v3 =	vmul.f32 $8.000000000e+00, v5  }
0x440: {  	v4 =	vmul.f32 $8.000000000e+00, v4;
	v18 =	vld.idx.msk [tilespmem:v11+s0+$0x0], $0xffff;
	v11 =	vor.u32 s19, v1;
	s19 =	sadd.s32 $0xA, s15;
	[tilespmem:s16+$0x200] =	vst v2  }
0x441: {  	v5 =	vld.idx.msk [tilespmem:v6+s0+$0x0], $0xffff;
	v19 =	vor.u32 s19, v1;
	s19 =	sadd.s32 $0xB, s15;
	v6 =	vmul.f32 $8.000000000e+00, v8;
	[tilespmem:s16+$0x280] =	vst v3  }
.Ltmp21:
0x442: {  	v8 =	vmul.f32 $8.000000000e+00, v15;
	v2 =	vld.idx.msk [tilespmem:v13+s0+$0x0], $0xffff;
	v10 =	vor.u32 s19, v1;
	s19 =	sadd.s32 $0xC, s15;
	[tilespmem:s16+$0x300] =	vst v4;
	(pc) =	sbr.rel @p0 .LBB2_45-.Ltmp21, $4  }
0x443: {  	v7 =	vmul.f32 $8.000000000e+00, v7;
	v3 =	vld.idx.msk [tilespmem:v16+s0+$0x0], $0xffff;
	v12 =	vor.u32 s19, v1;
	s19 =	sadd.s32 $0xD, s15;
	[tilespmem:s16+$0xFFFFFC00] =	vst v6;
	s16 =	sadd.s32 $0x800, s16  }
0x444: {  	v14 =	vmul.f32 $8.000000000e+00, v14;
	v4 =	vld.idx.msk [tilespmem:v9+s0+$0x0], $0xffff;
	v9 =	vor.u32 s19, v1;
	s19 =	sadd.s32 $0xE, s15;
	[tilespmem:s16+$0x380] =	vst v8  }
0x445: {  	v13 =	vmul.f32 $8.000000000e+00, v17;
	[tilespmem:s16+$0xFFFFFC80] =	vst v7;
	v6 =	vld.idx.msk [tilespmem:v11+s0+$0x0], $0xffff;
	v11 =	vor.u32 s19, v1  }
0x446: {  	v8 =	vor.u32 s15, v1;
	s15 =	smov.u32 s21;
	s19 =	sadd.s32 $0xF, s21;
	s21 =	sadd.s32 $0x10, s21;
	[tilespmem:s16+$0xFFFFFD00] =	vst v14;
	v14 =	vmul.f32 $8.000000000e+00, v18;
	v7 =	vld.idx.msk [tilespmem:v19+s0+$0x0], $0xffff  }
0x447: {  	_ =	sdelay $0x3  }
0x448: {  	[tilespmem:s16+$0xFFFFFD80] =	vst v13;
	v5 =	vmul.f32 $8.000000000e+00, v5;
	s21 =	sadd.s32 $0x1, s15;
	v40 =	vor.u32 s19, v1;
	v10 =	vld.idx.msk [tilespmem:v10+s0+$0x0], $0xffff;
	v2 =	vmul.f32 $8.000000000e+00, v2;
	s29 =	sadd.s32 $0x2, s15  }
0x449: {  	v12 =	vld.idx.msk [tilespmem:v12+s0+$0x0], $0xffff;
	s31 =	sadd.s32 $0x3, s15;
	s22 =	sadd.s32 $0x5, s15;
	[tilespmem:s16+$0xFFFFFE00] =	vst v14;
	v41 =	vor.u32 s21, v1;
	v3 =	vmul.f32 $8.000000000e+00, v3;
	v42 =	vor.u32 s29, v1  }
0x44a: {  	v8 =	vld.idx.msk [tilespmem:v8+s0+$0x0], $0xffff;
	v43 =	vor.u32 s31, v1;
	s21 =	sadd.s32 $0x4, s15;
	v45 =	vor.u32 s22, v1;
	s29 =	sadd.s32 $0x6, s15;
	s31 =	sadd.s32 $0x7, s15;
	[tilespmem:s16+$0xFFFFFF00] =	vst v2;
	v2 =	vmul.f32 $8.000000000e+00, v4  }
0x44b: {  	s22 =	sadd.s32 $0x9, s15;
	[tilespmem:s16+$0xFFFFFE80] =	vst v5;
	v44 =	vor.u32 s21, v1;
	v47 =	vor.u32 s29, v1;
	v48 =	vor.u32 s31, v1;
	s21 =	sadd.s32 $0x8, s15  }
0x44c: {  	v9 =	vld.idx.msk [tilespmem:v9+s0+$0x0], $0xffff;
	v50 =	vor.u32 s22, v1;
	s29 =	sadd.s32 $0xA, s15;
	s31 =	sadd.s32 $0xB, s15;
	[tilespmem:s16+$0xFFFFFF80] =	vst v3;
	v3 =	vmul.f32 $8.000000000e+00, v6;
	v49 =	vor.u32 s21, v1  }
0x44d: {  	v11 =	vld.idx.msk [tilespmem:v11+s0+$0x0], $0xffff;
	v51 =	vor.u32 s29, v1;
	v52 =	vor.u32 s31, v1;
	s21 =	sadd.s32 $0xC, s15;
	s29 =	sadd.s32 $0xD, s15;
	[tilespmem:s16+$0x0] =	vst v2;
	v2 =	vmul.f32 $8.000000000e+00, v7  }
0x44e: {  	s31 =	sadd.s32 $0xE, s15;
	v54 =	vor.u32 s21, v1;
	v55 =	vor.u32 s29, v1;
	v13 =	vld.idx.msk [tilespmem:v40+s0+$0x0], $0xffff;
	[tilespmem:s16+$0x80] =	vst v3;
	v3 =	vmul.f32 $8.000000000e+00, v10  }
0x44f: {  	v57 =	vor.u32 s31, v1;
	v1 =	vor.u32 s15, v1;
	v8 =	vmul.f32 $8.000000000e+00, v8;
	v46 =	vld.idx.msk [tilespmem:v41+s0+$0x0], $0xffff;
	[tilespmem:s16+$0x100] =	vst v2  }
0x450: {  	v2 =	vmul.f32 $8.000000000e+00, v12;
	v5 =	vld.idx.msk [tilespmem:v42+s0+$0x0], $0xffff;
	[tilespmem:s16+$0x180] =	vst v3  }
0x451: {  	v4 =	vld.idx.msk [tilespmem:v43+s0+$0x0], $0xffff;
	v3 =	vmul.f32 $8.000000000e+00, v9;
	[tilespmem:s16+$0xFFFFFC00] =	vst v8  }
0x452: {  	v6 =	vld.idx.msk [tilespmem:v44+s0+$0x0], $0xffff;
	[tilespmem:s16+$0x200] =	vst v2;
	v2 =	vmul.f32 $8.000000000e+00, v11  }
0x453: {  	[tilespmem:s16+$0x280] =	vst v3;
	v3 =	vld.idx.msk [tilespmem:v45+s0+$0x0], $0xffff;
	v13 =	vmul.f32 $8.000000000e+00, v13  }
0x454: {  	s22 =	sadd.s32 $0x800, s16;
	v1 =	vld.idx.msk [tilespmem:v1+s0+$0x0], $0xffff;
	[tilespmem:s16+$0x300] =	vst v2;
	v10 =	vmul.f32 $8.000000000e+00, v46  }
0x455: {  	v2 =	vld.idx.msk [tilespmem:v47+s0+$0x0], $0xffff;
	v5 =	vmul.f32 $8.000000000e+00, v5;
	[tilespmem:s22+$0x380] =	vst v13  }
0x456: {  	v53 =	vld.idx.msk [tilespmem:v48+s0+$0x0], $0xffff;
	v4 =	vmul.f32 $8.000000000e+00, v4;
	[tilespmem:s22+$0xFFFFFC80] =	vst v10  }
0x457: {  	v9 =	vld.idx.msk [tilespmem:v49+s0+$0x0], $0xffff;
	v58 =	vmul.f32 $8.000000000e+00, v6;
	[tilespmem:s22+$0xFFFFFD00] =	vst v5  }
0x458: {  	v56 =	vld.idx.msk [tilespmem:v50+s0+$0x0], $0xffff;
	[tilespmem:s22+$0xFFFFFD80] =	vst v4;
	v3 =	vmul.f32 $8.000000000e+00, v3  }
0x459: {  	v59 =	vld.idx.msk [tilespmem:v51+s0+$0x0], $0xffff;
	[tilespmem:s22+$0xFFFFFE00] =	vst v58;
	v1 =	vmul.f32 $8.000000000e+00, v1  }
0x45a: {  	v60 =	vld.idx.msk [tilespmem:v52+s0+$0x0], $0xffff;
	v2 =	vmul.f32 $8.000000000e+00, v2;
	[tilespmem:s22+$0xFFFFFE80] =	vst v3  }
0x45b: {  	v61 =	vld.idx.msk [tilespmem:v54+s0+$0x0], $0xffff;
	v3 =	vmul.f32 $8.000000000e+00, v53;
	[tilespmem:s22+$0xFFFFFC00] =	vst v1  }
0x45c: {  	v62 =	vld.idx.msk [tilespmem:v55+s0+$0x0], $0xffff;
	[tilespmem:s22+$0xFFFFFF00] =	vst v2;
	v2 =	vmul.f32 $8.000000000e+00, v9  }
0x45d: {  	v63 =	vld.idx.msk [tilespmem:v57+s0+$0x0], $0xffff;
	[tilespmem:s22+$0xFFFFFF80] =	vst v3;
	v3 =	vmul.f32 $8.000000000e+00, v56  }
0x45e: {  	s14 =	sadd.s32 $0x1, s14;
	[tilespmem:s22+$0x0] =	vst v2;
	v2 =	vmul.f32 $8.000000000e+00, v59  }
0x45f: {  	p0 =	sne.s32 s14, $0x8;
	[tilespmem:s22+$0x80] =	vst v3;
	v3 =	vmul.f32 $8.000000000e+00, v60  }
.Ltmp22:
0x460: {  	[tilespmem:s22+$0x100] =	vst v2;
	v2 =	vmul.f32 $8.000000000e+00, v61;
	(pc) =	sbr.rel @p0 .LBB2_44-.Ltmp22, $4  }
0x461: {  	[tilespmem:s22+$0x180] =	vst v3;
	v3 =	vmul.f32 $8.000000000e+00, v62  }
0x462: {  	[tilespmem:s22+$0x200] =	vst v2;
	v2 =	vmul.f32 $8.000000000e+00, v63  }
0x463: {  	[tilespmem:s22+$0x280] =	vst v3  }
0x464: {  	s9 =	sadd.s32 $0x10, s9;
	[tilespmem:s22+$0x300] =	vst v2  }
0x465: {  	s7 =	rddreg [dreg:$0x10]  }
0x466: {  	[hbm4b:s7+s0] =	stream.strided.scatter [tilespmem:s24], [sflag:$0x9], $0x2000, s18, s0, $0x38;
	[tilespmem:$0x14400] =	vst v63  }
0x467: {  	_ =	swait.ge [sflag:s13], $0x4000  }
0x468: {  	[sflag:s13] =	ssyncset.done $0x0  }
0x469: {  	[sflag:s13] =	ssyncadd.s32 $0xFFFFC000  }
0x46a: {  	_ =	swait.ge [sflag:s4], $0x2000  }
0x46b: {  	s9 =	simm.s32 $0x12B80;
	[sflag:s4] =	ssyncset.done $0x0  }
0x46c: {  	s14 =	simm.s32 $0x0;
	s7 =	simm.s32 $0x0;
	[sflag:s4] =	ssyncadd.s32 $0xFFFFE000  }
.LBB2_48:
0x46d: {  	s15 =	sshll.u32 s14, $0x4  }
0x46e: {  	v1 =	vld [tilespmem:s15+$0x180];
	_ =	sdelay $0x2  }
0x46f: {  	s15 =	sor.u32 $0x180, s15  }
0x470: {  	v2 =	vmov s15  }
0x471: {  	v2 =	vshll.u32 v2, $0x7;
	v1 =	vshll.u32 v1, $0x6  }
0x472: {  	v2 =	vor.u32 v0, v2;
	v1 =	vand.u32 $0x40, v1  }
0x473: {  	s29 =	simm.s32 $0xF;
	v1 =	vor.u32 v2, v1  }
0x474: {  	s16 =	simm.s32 $0x1;
	v2 =	vor.u32 s29, v1  }
0x475: {  	s31 =	simm.s32 $0x2;
	v3 =	vor.u32 s16, v1  }
0x476: {  	s19 =	simm.s32 $0x4;
	v4 =	vor.u32 s31, v1  }
0x477: {  	s16 =	simm.s32 $0x3;
	v6 =	vor.u32 s19, v1  }
0x478: {  	s21 =	simm.s32 $0x5;
	v5 =	vor.u32 s16, v1  }
0x479: {  	s22 =	simm.s32 $0x6;
	v7 =	vor.u32 s21, v1;
	v8 =	vld.idx.msk [tilespmem:v2+s0+$0x0], $0xffff  }
0x47a: {  	s31 =	simm.s32 $0x8;
	v3 =	vld.idx.msk [tilespmem:v3+s0+$0x0], $0xffff;
	v2 =	vor.u32 s22, v1  }
0x47b: {  	s29 =	simm.s32 $0x7;
	v12 =	vor.u32 s31, v1;
	v4 =	vld.idx.msk [tilespmem:v4+s0+$0x0], $0xffff  }
0x47c: {  	v9 =	vor.u32 s29, v1;
	s16 =	simm.s32 $0x9;
	v14 =	vld.idx.msk [tilespmem:v6+s0+$0x0], $0xffff  }
0x47d: {  	s19 =	simm.s32 $0xA;
	v6 =	vor.u32 s16, v1;
	v11 =	vld.idx.msk [tilespmem:v5+s0+$0x0], $0xffff  }
0x47e: {  	s21 =	simm.s32 $0xB;
	v5 =	vld.idx.msk [tilespmem:v7+s0+$0x0], $0xffff;
	v7 =	vor.u32 s19, v1  }
0x47f: {  	v10 =	vor.u32 s21, v1;
	s22 =	simm.s32 $0xC;
	v2 =	vld.idx.msk [tilespmem:v2+s0+$0x0], $0xffff;
	v8 =	vmul.f32 $8.000000000e+00, v8  }
0x480: {  	s29 =	simm.s32 $0xD;
	v13 =	vmul.f32 $8.000000000e+00, v3;
	v15 =	vmul.f32 $8.000000000e+00, v4;
	v4 =	vld.idx.msk [tilespmem:v12+s0+$0x0], $0xffff;
	v12 =	vor.u32 s22, v1  }
0x481: {  	s31 =	simm.s32 $0xE;
	v3 =	vld.idx.msk [tilespmem:v9+s0+$0x0], $0xffff;
	v9 =	vor.u32 s29, v1;
	[tilespmem:s9+$0x0] =	vst v8  }
0x482: {  	s15 =	simm.s32 $0x10;
	v6 =	vld.idx.msk [tilespmem:v6+s0+$0x0], $0xffff;
	[tilespmem:s9+$0xFFFFF900] =	vst v13;
	v13 =	vmul.f32 $8.000000000e+00, v11;
	v11 =	vor.u32 s31, v1  }
0x483: {  	s21 =	simm.s32 $0x20;
	s16 =	smov.u32 s9;
	s19 =	simm.s32 $0x1F;
	v14 =	vmul.f32 $8.000000000e+00, v14;
	v7 =	vld.idx.msk [tilespmem:v7+s0+$0x0], $0xffff;
	v8 =	vor.u32 s7, v1;
	[tilespmem:s9+$0xFFFFF980] =	vst v15  }
.LBB2_49:
0x484: {  	p0 =	slt.u32 s21, $0x30;
	s22 =	sadd.s32 $0x1, s15;
	v15 =	vor.u32 s19, v1;
	[tilespmem:s16+$0xFFFFFA00] =	vst v13;
	v5 =	vmul.f32 $8.000000000e+00, v5;
	v10 =	vld.idx.msk [tilespmem:v10+s0+$0x0], $0xffff  }
0x485: {  	s19 =	sadd.s32 $0x2, s15;
	v2 =	vmul.f32 $8.000000000e+00, v2;
	v13 =	vor.u32 s22, v1;
	[tilespmem:s16+$0xFFFFFA80] =	vst v14;
	v12 =	vld.idx.msk [tilespmem:v12+s0+$0x0], $0xffff  }
0x486: {  	v14 =	vor.u32 s19, v1;
	s19 =	sadd.s32 $0x3, s15;
	v3 =	vmul.f32 $8.000000000e+00, v3;
	[tilespmem:s16+$0xFFFFFB00] =	vst v5;
	v5 =	vld.idx.msk [tilespmem:v9+s0+$0x0], $0xffff  }
0x487: {  	v9 =	vor.u32 s19, v1;
	s19 =	sadd.s32 $0x4, s15;
	[tilespmem:s16+$0xFFFFFB80] =	vst v2;
	v2 =	vmul.f32 $8.000000000e+00, v4;
	v4 =	vld.idx.msk [tilespmem:v11+s0+$0x0], $0xffff  }
0x488: {  	v11 =	vor.u32 s19, v1;
	s19 =	sadd.s32 $0x5, s15;
	v8 =	vld.idx.msk [tilespmem:v8+s0+$0x0], $0xffff;
	[tilespmem:s16+$0xFFFFFC00] =	vst v3;
	v3 =	vmul.f32 $8.000000000e+00, v6  }
0x489: {  	v6 =	vor.u32 s19, v1;
	s19 =	sadd.s32 $0x6, s15;
	v15 =	vld.idx.msk [tilespmem:v15+s0+$0x0], $0xffff;
	[tilespmem:s16+$0xFFFFFC80] =	vst v2;
	v2 =	vmul.f32 $8.000000000e+00, v7  }
0x48a: {  	v7 =	vld.idx.msk [tilespmem:v13+s0+$0x0], $0xffff;
	v13 =	vor.u32 s19, v1;
	s19 =	sadd.s32 $0x7, s15;
	[tilespmem:s16+$0xFFFFFD00] =	vst v3;
	v3 =	vmul.f32 $8.000000000e+00, v10  }
0x48b: {  	v14 =	vld.idx.msk [tilespmem:v14+s0+$0x0], $0xffff;
	v16 =	vor.u32 s19, v1;
	s19 =	sadd.s32 $0x8, s15;
	[tilespmem:s16+$0xFFFFFD80] =	vst v2;
	v2 =	vmul.f32 $8.000000000e+00, v12  }
0x48c: {  	v17 =	vld.idx.msk [tilespmem:v9+s0+$0x0], $0xffff;
	v9 =	vor.u32 s19, v1;
	s19 =	sadd.s32 $0x9, s15;
	[tilespmem:s16+$0xFFFFFE00] =	vst v3;
	v3 =	vmul.f32 $8.000000000e+00, v5  }
0x48d: {  	v4 =	vmul.f32 $8.000000000e+00, v4;
	v18 =	vld.idx.msk [tilespmem:v11+s0+$0x0], $0xffff;
	v11 =	vor.u32 s19, v1;
	s19 =	sadd.s32 $0xA, s15;
	[tilespmem:s16+$0xFFFFFE80] =	vst v2  }
0x48e: {  	v5 =	vld.idx.msk [tilespmem:v6+s0+$0x0], $0xffff;
	v19 =	vor.u32 s19, v1;
	s19 =	sadd.s32 $0xB, s15;
	v6 =	vmul.f32 $8.000000000e+00, v8;
	[tilespmem:s16+$0xFFFFFF00] =	vst v3  }
.Ltmp23:
0x48f: {  	v8 =	vmul.f32 $8.000000000e+00, v15;
	v2 =	vld.idx.msk [tilespmem:v13+s0+$0x0], $0xffff;
	v10 =	vor.u32 s19, v1;
	s19 =	sadd.s32 $0xC, s15;
	[tilespmem:s16+$0xFFFFFF80] =	vst v4;
	(pc) =	sbr.rel @p0 .LBB2_49-.Ltmp23, $4  }
0x490: {  	v7 =	vmul.f32 $8.000000000e+00, v7;
	v3 =	vld.idx.msk [tilespmem:v16+s0+$0x0], $0xffff;
	v12 =	vor.u32 s19, v1;
	s19 =	sadd.s32 $0xD, s15;
	[tilespmem:s16+$0xFFFFF880] =	vst v6;
	s16 =	sadd.s32 $0x800, s16  }
0x491: {  	v14 =	vmul.f32 $8.000000000e+00, v14;
	v4 =	vld.idx.msk [tilespmem:v9+s0+$0x0], $0xffff;
	v9 =	vor.u32 s19, v1;
	s19 =	sadd.s32 $0xE, s15;
	[tilespmem:s16+$0x0] =	vst v8  }
0x492: {  	v13 =	vmul.f32 $8.000000000e+00, v17;
	[tilespmem:s16+$0xFFFFF900] =	vst v7;
	v6 =	vld.idx.msk [tilespmem:v11+s0+$0x0], $0xffff;
	v11 =	vor.u32 s19, v1  }
0x493: {  	v8 =	vor.u32 s15, v1;
	s15 =	smov.u32 s21;
	s19 =	sadd.s32 $0xF, s21;
	s21 =	sadd.s32 $0x10, s21;
	[tilespmem:s16+$0xFFFFF980] =	vst v14;
	v14 =	vmul.f32 $8.000000000e+00, v18;
	v7 =	vld.idx.msk [tilespmem:v19+s0+$0x0], $0xffff  }
0x494: {  	_ =	sdelay $0x3  }
0x495: {  	[tilespmem:s16+$0xFFFFFA00] =	vst v13;
	v5 =	vmul.f32 $8.000000000e+00, v5;
	s21 =	sadd.s32 $0x1, s15;
	v40 =	vor.u32 s19, v1;
	v10 =	vld.idx.msk [tilespmem:v10+s0+$0x0], $0xffff;
	v2 =	vmul.f32 $8.000000000e+00, v2;
	s29 =	sadd.s32 $0x2, s15  }
0x496: {  	v12 =	vld.idx.msk [tilespmem:v12+s0+$0x0], $0xffff;
	s31 =	sadd.s32 $0x3, s15;
	s22 =	sadd.s32 $0x5, s15;
	[tilespmem:s16+$0xFFFFFA80] =	vst v14;
	v41 =	vor.u32 s21, v1;
	v3 =	vmul.f32 $8.000000000e+00, v3;
	v42 =	vor.u32 s29, v1  }
0x497: {  	v8 =	vld.idx.msk [tilespmem:v8+s0+$0x0], $0xffff;
	v43 =	vor.u32 s31, v1;
	s21 =	sadd.s32 $0x4, s15;
	v45 =	vor.u32 s22, v1;
	s29 =	sadd.s32 $0x6, s15;
	s31 =	sadd.s32 $0x7, s15;
	[tilespmem:s16+$0xFFFFFB80] =	vst v2;
	v2 =	vmul.f32 $8.000000000e+00, v4  }
0x498: {  	s22 =	sadd.s32 $0x9, s15;
	[tilespmem:s16+$0xFFFFFB00] =	vst v5;
	v44 =	vor.u32 s21, v1;
	v47 =	vor.u32 s29, v1;
	v48 =	vor.u32 s31, v1;
	s21 =	sadd.s32 $0x8, s15  }
0x499: {  	v9 =	vld.idx.msk [tilespmem:v9+s0+$0x0], $0xffff;
	v50 =	vor.u32 s22, v1;
	s29 =	sadd.s32 $0xA, s15;
	s31 =	sadd.s32 $0xB, s15;
	[tilespmem:s16+$0xFFFFFC00] =	vst v3;
	v3 =	vmul.f32 $8.000000000e+00, v6;
	v49 =	vor.u32 s21, v1  }
0x49a: {  	v11 =	vld.idx.msk [tilespmem:v11+s0+$0x0], $0xffff;
	v51 =	vor.u32 s29, v1;
	v52 =	vor.u32 s31, v1;
	s21 =	sadd.s32 $0xC, s15;
	s29 =	sadd.s32 $0xD, s15;
	[tilespmem:s16+$0xFFFFFC80] =	vst v2;
	v2 =	vmul.f32 $8.000000000e+00, v7  }
0x49b: {  	s31 =	sadd.s32 $0xE, s15;
	v54 =	vor.u32 s21, v1;
	v55 =	vor.u32 s29, v1;
	v13 =	vld.idx.msk [tilespmem:v40+s0+$0x0], $0xffff;
	[tilespmem:s16+$0xFFFFFD00] =	vst v3;
	v3 =	vmul.f32 $8.000000000e+00, v10  }
0x49c: {  	v57 =	vor.u32 s31, v1;
	v1 =	vor.u32 s15, v1;
	v8 =	vmul.f32 $8.000000000e+00, v8;
	v46 =	vld.idx.msk [tilespmem:v41+s0+$0x0], $0xffff;
	[tilespmem:s16+$0xFFFFFD80] =	vst v2  }
0x49d: {  	v2 =	vmul.f32 $8.000000000e+00, v12;
	v5 =	vld.idx.msk [tilespmem:v42+s0+$0x0], $0xffff;
	[tilespmem:s16+$0xFFFFFE00] =	vst v3  }
0x49e: {  	v4 =	vld.idx.msk [tilespmem:v43+s0+$0x0], $0xffff;
	v3 =	vmul.f32 $8.000000000e+00, v9;
	[tilespmem:s16+$0xFFFFF880] =	vst v8  }
0x49f: {  	v6 =	vld.idx.msk [tilespmem:v44+s0+$0x0], $0xffff;
	[tilespmem:s16+$0xFFFFFE80] =	vst v2;
	v2 =	vmul.f32 $8.000000000e+00, v11  }
0x4a0: {  	[tilespmem:s16+$0xFFFFFF00] =	vst v3;
	v3 =	vld.idx.msk [tilespmem:v45+s0+$0x0], $0xffff;
	v13 =	vmul.f32 $8.000000000e+00, v13  }
0x4a1: {  	s22 =	sadd.s32 $0x800, s16;
	v1 =	vld.idx.msk [tilespmem:v1+s0+$0x0], $0xffff;
	[tilespmem:s16+$0xFFFFFF80] =	vst v2;
	v10 =	vmul.f32 $8.000000000e+00, v46  }
0x4a2: {  	v2 =	vld.idx.msk [tilespmem:v47+s0+$0x0], $0xffff;
	v5 =	vmul.f32 $8.000000000e+00, v5;
	[tilespmem:s22+$0x0] =	vst v13  }
0x4a3: {  	v53 =	vld.idx.msk [tilespmem:v48+s0+$0x0], $0xffff;
	v4 =	vmul.f32 $8.000000000e+00, v4;
	[tilespmem:s22+$0xFFFFF900] =	vst v10  }
0x4a4: {  	v9 =	vld.idx.msk [tilespmem:v49+s0+$0x0], $0xffff;
	v58 =	vmul.f32 $8.000000000e+00, v6;
	[tilespmem:s22+$0xFFFFF980] =	vst v5  }
0x4a5: {  	v56 =	vld.idx.msk [tilespmem:v50+s0+$0x0], $0xffff;
	[tilespmem:s22+$0xFFFFFA00] =	vst v4;
	v3 =	vmul.f32 $8.000000000e+00, v3  }
0x4a6: {  	v59 =	vld.idx.msk [tilespmem:v51+s0+$0x0], $0xffff;
	[tilespmem:s22+$0xFFFFFA80] =	vst v58;
	v1 =	vmul.f32 $8.000000000e+00, v1  }
0x4a7: {  	v60 =	vld.idx.msk [tilespmem:v52+s0+$0x0], $0xffff;
	v2 =	vmul.f32 $8.000000000e+00, v2;
	[tilespmem:s22+$0xFFFFFB00] =	vst v3  }
0x4a8: {  	v61 =	vld.idx.msk [tilespmem:v54+s0+$0x0], $0xffff;
	v3 =	vmul.f32 $8.000000000e+00, v53;
	[tilespmem:s22+$0xFFFFF880] =	vst v1  }
0x4a9: {  	v62 =	vld.idx.msk [tilespmem:v55+s0+$0x0], $0xffff;
	[tilespmem:s22+$0xFFFFFB80] =	vst v2;
	v2 =	vmul.f32 $8.000000000e+00, v9  }
0x4aa: {  	v63 =	vld.idx.msk [tilespmem:v57+s0+$0x0], $0xffff;
	[tilespmem:s22+$0xFFFFFC00] =	vst v3;
	v3 =	vmul.f32 $8.000000000e+00, v56  }
0x4ab: {  	s14 =	sadd.s32 $0x1, s14;
	[tilespmem:s22+$0xFFFFFC80] =	vst v2;
	v2 =	vmul.f32 $8.000000000e+00, v59  }
0x4ac: {  	p0 =	sne.s32 s14, $0x8;
	[tilespmem:s22+$0xFFFFFD00] =	vst v3;
	v3 =	vmul.f32 $8.000000000e+00, v60  }
.Ltmp24:
0x4ad: {  	[tilespmem:s22+$0xFFFFFD80] =	vst v2;
	v2 =	vmul.f32 $8.000000000e+00, v61;
	(pc) =	sbr.rel @p0 .LBB2_48-.Ltmp24, $4  }
0x4ae: {  	[tilespmem:s22+$0xFFFFFE00] =	vst v3;
	v3 =	vmul.f32 $8.000000000e+00, v62  }
0x4af: {  	[tilespmem:s22+$0xFFFFFE80] =	vst v2;
	v2 =	vmul.f32 $8.000000000e+00, v63  }
0x4b0: {  	[tilespmem:s22+$0xFFFFFF00] =	vst v3  }
0x4b1: {  	s9 =	sadd.s32 $0x10, s9;
	[tilespmem:s22+$0xFFFFFF80] =	vst v2  }
0x4b2: {  	s7 =	rddreg [dreg:$0x11];
	s9 =	simm.s32 $0x12400  }
0x4b3: {  	[hbm4b:s7+s0] =	stream.strided.scatter [tilespmem:s9], [sflag:$0xA], $0x2000, s18, s0, $0x38;
	[tilespmem:$0x14400] =	vst v63  }
0x4b4: {  	_ =	swait.ge [sflag:s26], $0x2000  }
0x4b5: {  	[sflag:s26] =	ssyncset.done $0x0  }
0x4b6: {  	[sflag:s26] =	ssyncadd.s32 $0xFFFFE000  }
0x4b7: {  	_ =	swait.ge [sflag:s4], $0x2000  }
0x4b8: {  	s29 =	rddreg [dreg:$0x15]  }
0x4b9: {  	s31 =	rddreg [dreg:$0x13];
	s9 =	sadd.s32 $0x1, s29  }
0x4ba: {  	p0 =	sne.s32 s9, s31  }
.Ltmp25:
0x4bb: {  	_ = 	snop;
	(pc) =	sbr.rel @p0 .LBB2_1-.Ltmp25, $3  }
0x4bc: {  	_ =	sdelay $0x1  }
0x4bd: {  	[sflag:s4] =	ssyncset.done $0x0  }
0x4be: {  	[sflag:s4] =	ssyncadd.s32 $0xFFFFE000  }
0x4bf: {  	_ =	sfence.sel $0x180000  }
0x4c0: {  	[bflag:$0x0] =	sbarrier.arrive $0xFFFF  }
0x4c1: {  	_ =	strace $0x90000047  }
0x4c2: {  	s0 =	stileid.u32;
	[bflag:$0x2] =	sbarrier.arrive $0xFFFF  }
0x4c3: {  	p0 =	sne.s32 s0, $0x0;
	s0 =	rddreg [dreg:$0x3]  }
0x4c4: {  	s0 =	sadd.s32 @!p0 $0x100000, s0  }
0x4c5: {  	[sflag:s0] =	ssyncadd.tile.s32 @!p0 $0x1;
	_ =	shalt  }
.Lfunc_end2:
_tile_overlayer_lowered:
.L_overlay_start_2:
0x4c6: {  	(tag) =	ssettag $0x2  }
0x4c7: {  	s0 =	rddreg [dreg:$0x0];
	s2 =	stileid.u32  }
0x4c8: {  	s1 =	rddreg [dreg:$0x1];
	p0 =	sne.s32 s2, $0x0  }
0x4c9: {  	s3 =	rddreg [dreg:$0x2];
	[bflag:$0x3] =	sbarrier.arrive $0xFFFF;
	s2 =	simm.s32 @!p0 $0x1C0B  }
0x4ca: {  	[timem:s3], [sflag:s2] =	dma.local @!p0 [hbm:s0], s1  }
0x4cb: {  	s0 =	simm.s32 @!p0 $0xB  }
0x4cc: {  	_ =	swait.ge @!p0 [sflag:s0], s1  }
0x4cd: {  	s1 =	ssub.s32 @!p0 $0x0, s1;
	[sflag:s0] =	ssyncset.done @!p0 $0x0  }
0x4ce: {  	[sflag:s0] =	ssyncadd.s32 @!p0 s1  }
0x4cf: {  	[bflag:$0x3] =	sbarrier.arrive $0xFFFF  }
0x4d0: {  	_ =	shalt  }

</sc_bundles>
